<compile_context>
chip_gen: v7x
topology: tpu7x:2x2x1
jax: 0.10.2.dev20260603
libtpu: 0.0.44.dev20260713+nightly
codegen_flags: <defaults>
</compile_context>

<pallas_src>
import functools

import jax
import jax.numpy as jnp
from jax import lax
from jax.experimental import pallas as pl
from jax.experimental.pallas import tpu as pltpu
from jax.experimental.pallas import tpu_sc as plsc

N = 10000
NP = 10240
E = 320000
NC, NS = 2, 16
NW = NC * NS
CHUNK = 128
NCHUNKS = 80
EPW = NCHUNKS * CHUNK
EPAD = EPW * NW
NB = 4
ROWS_PT = NP // NS
HR = NP // 128
HR_PT = HR // NS

_MESH = dict(core_axis_name="c", subcore_axis_name="s", num_cores=NC,
             num_subcores=NS)

SLOW_CORE = 1
FAST_CORE = 1 - SLOW_CORE
TOT_CHUNKS = EPAD // CHUNK


def _chunk_layout(c, s, cs, cf):
  if SLOW_CORE == 0:
    n = jnp.where(c == 0, cs, cf)
    base = jnp.where(c == 0, s * cs, NS * cs + s * cf)
  else:
    n = jnp.where(c == 0, cf, cs)
    base = jnp.where(c == 0, s * cf, NS * cf + s * cs)
  return n, base



def _deg_call(dst_pad, zeros_np, ones_chunk):
  mesh = plsc.VectorSubcoreMesh(**_MESH)
  SEG = NP // NS

  GRP = 8
  CS, CF = 56, 104

  @functools.partial(
      pl.kernel,
      out_type=jax.ShapeDtypeStruct((NC, NP), jnp.float32),
      mesh=mesh,
      scratch_types=[
          pltpu.VMEM((CF, CHUNK), jnp.int32),
          pltpu.VMEM((CHUNK,), jnp.float32),
          pltpu.VMEM_SHARED((NP,), jnp.float32),
          pltpu.SemaphoreType.DMA,
      ],
  )
  def deg_kernel(dst_hbm, z_hbm, ones_hbm, out_hbm, didx, ones_v, shist, sem):
    c = lax.axis_index("c")
    s = lax.axis_index("s")
    n, base = _chunk_layout(c, s, CS, CF)
    stage = jnp.minimum(base, TOT_CHUNKS - CF)
    off = base - stage
    pltpu.sync_copy(ones_hbm, ones_v)
    pltpu.sync_copy(dst_hbm.at[pl.ds(stage, CF)], didx)
    pltpu.sync_copy(z_hbm, shist.at[pl.ds(s * SEG, SEG)])
    plsc.subcore_barrier()

    def body(i, carry):
      for j in range(GRP):
        pltpu.async_copy(ones_v, shist.at[didx.at[off + i * GRP + j]], sem,
                         add=True)
      for j in range(GRP):
        pltpu.make_async_copy(ones_v, shist.at[didx.at[0]], sem).wait()
      return carry

    lax.fori_loop(0, n // GRP, body, 0)
    plsc.subcore_barrier()
    pltpu.sync_copy(shist.at[pl.ds(s * SEG, SEG)],
                    out_hbm.at[c, pl.ds(s * SEG, SEG)])

  return deg_kernel(dst_pad, zeros_np, ones_chunk)



def _aggregate_call(hp, src_pad, dst_pad, zeros_rows, d_model, R):
  NI = 2 * R
  NCH = TOT_CHUNKS // NS
  mesh = plsc.VectorSubcoreMesh(**_MESH)

  @functools.partial(
      pl.kernel,
      out_type=jax.ShapeDtypeStruct((NP, d_model), jnp.float32),
      mesh=mesh,
      scratch_types=[
          pltpu.VMEM((NI, CHUNK), jnp.int32),
          pltpu.VMEM((NI, CHUNK), jnp.int32),
          pltpu.VMEM((R, CHUNK, d_model), jnp.float32),
          pltpu.VMEM_SHARED((NP, d_model), jnp.float32),
          [pltpu.SemaphoreType.DMA] * NI,
          [pltpu.SemaphoreType.DMA] * R,
          [pltpu.SemaphoreType.DMA] * R,
      ],
      compiler_params=pltpu.CompilerParams(use_tc_tiling_on_sc=False),
  )
  def agg_kernel(hp_hbm, src_hbm, dst_hbm, z_hbm, out_hbm,
                 sidx, didx, rows, acc, isems, gsems, ssems):
    c = lax.axis_index("c")
    s = lax.axis_index("s")
    base = s * NCH

    @pl.when(c == FAST_CORE)
    def _zero():
      pltpu.sync_copy(z_hbm, acc.at[pl.ds(s * ROWS_PT, ROWS_PT)])

    plsc.subcore_barrier()

    @pl.when(c == FAST_CORE)
    def _work():
      def load_idx(q, g):
        pltpu.async_copy(src_hbm.at[base + g], sidx.at[q], isems[q])
        pltpu.async_copy(dst_hbm.at[base + g], didx.at[q], isems[q])

      def wait_idx(q):
        pltpu.make_async_copy(src_hbm.at[0], sidx.at[q], isems[q]).wait()
        pltpu.make_async_copy(src_hbm.at[0], didx.at[q], isems[q]).wait()

      def gather(q, rb):
        pltpu.async_copy(hp_hbm.at[sidx.at[q]], rows.at[rb], gsems[rb])

      for q in range(NI):
        load_idx(q, q)
      for b in range(R):
        wait_idx(b)
        gather(b, b)

      def body(i, carry):
        for b in range(NI):
          g = i * NI + b
          rb = b % R
          pltpu.make_async_copy(hp_hbm.at[sidx.at[0]], rows.at[rb],
                                gsems[rb]).wait()
          pltpu.async_copy(rows.at[rb], acc.at[didx.at[b]], ssems[rb],
                           add=True)
          pltpu.make_async_copy(rows.at[rb], acc.at[didx.at[0]],
                                ssems[rb]).wait()
          @pl.when(g + NI < NCH)
          def _():
            load_idx(b, g + NI)

          @pl.when(g + R < NCH)
          def _():
            wait_idx((b + R) % NI)
            gather((b + R) % NI, rb)
        return carry

      lax.fori_loop(0, NCH // NI, body, 0)

    plsc.subcore_barrier()

    @pl.when(c == FAST_CORE)
    def _readout():
      pltpu.sync_copy(acc.at[pl.ds(s * ROWS_PT, ROWS_PT)],
                      out_hbm.at[pl.ds(s * ROWS_PT, ROWS_PT)])

  return agg_kernel(hp, src_pad, dst_pad, zeros_rows)



_BR = 1280


def _row_spec(d):
  return pl.BlockSpec((_BR, d), lambda i: (i, 0))


def _full_spec(r, d):
  return pl.BlockSpec((r, d), lambda i: (0, 0))


def _tc1_call(deg_col, x_pad, W1):
  def body(deg_ref, x_ref, w_ref, hp_ref):
    dinv = lax.rsqrt(deg_ref[...] + 1.0)
    h = jnp.dot(x_ref[...], w_ref[...], preferred_element_type=jnp.float32)
    hp_ref[...] = dinv * h

  return pl.pallas_call(
      body,
      grid=(NP // _BR,),
      in_specs=[_row_spec(1), _row_spec(128), _full_spec(128, 128)],
      out_specs=_row_spec(128),
      out_shape=jax.ShapeDtypeStruct((NP, 128), jnp.float32),
  )(deg_col, x_pad, W1)


def _tc2_call(deg_col, p, hp1, W2, b1_row):
  def body(deg_ref, p_ref, hp1_ref, w_ref, b_ref, hp2_ref):
    dinv = lax.rsqrt(deg_ref[...] + 1.0)
    a = dinv * (p_ref[...] + hp1_ref[...]) + b_ref[...]
    a = jnp.maximum(a, 0.0)
    h2 = jnp.dot(a, w_ref[...], preferred_element_type=jnp.float32)
    hp2_ref[...] = dinv * h2

  return pl.pallas_call(
      body,
      grid=(NP // _BR,),
      in_specs=[_row_spec(1), _row_spec(128), _row_spec(128),
                _full_spec(128, 64), _full_spec(1, 128)],
      out_specs=_row_spec(64),
      out_shape=jax.ShapeDtypeStruct((NP, 64), jnp.float32),
  )(deg_col, p, hp1, W2, b1_row)


def _tc3_call(deg_col, p, hp2, b2_row):
  def body(deg_ref, p_ref, hp2_ref, b_ref, out_ref):
    dinv = lax.rsqrt(deg_ref[...] + 1.0)
    z = dinv * (p_ref[...] + hp2_ref[...]) + b_ref[...]
    m = jnp.max(z, axis=1, keepdims=True)
    e = jnp.exp(z - m)
    lse = jnp.log(jnp.sum(e, axis=1, keepdims=True)) + m
    out_ref[...] = z - lse

  return pl.pallas_call(
      body,
      grid=(NP // _BR,),
      in_specs=[_row_spec(1), _row_spec(64), _row_spec(64),
                _full_spec(1, 64)],
      out_specs=_row_spec(64),
      out_shape=jax.ShapeDtypeStruct((NP, 64), jnp.float32),
  )(deg_col, p, hp2, b2_row)



def kernel(x, edge_index, W1, b1, W2, b2):
  src = edge_index[0].astype(jnp.int32)
  dst = edge_index[1].astype(jnp.int32)
  pad = EPAD - E
  src_pad = jnp.concatenate([src, jnp.full((pad,), N, jnp.int32)])
  src_pad = src_pad.reshape(EPAD // CHUNK, CHUNK)
  dst_pad = jnp.concatenate([dst, jnp.full((pad,), N, jnp.int32)])
  dst_pad = dst_pad.reshape(EPAD // CHUNK, CHUNK)
  x_pad = jnp.pad(x, ((0, NP - N), (0, 0)))

  zeros_np = jnp.zeros((NP // NS,), jnp.float32)
  ones_chunk = jnp.ones((CHUNK,), jnp.float32)
  deg_parts = _deg_call(dst_pad, zeros_np, ones_chunk)
  deg_col = (deg_parts[0] + deg_parts[1]).reshape(NP, 1)

  hp1 = _tc1_call(deg_col, x_pad, W1)
  z128 = jnp.zeros((ROWS_PT, 128), jnp.float32)
  acc1 = _aggregate_call(hp1, src_pad, dst_pad, z128, 128, R=2)
  hp2 = _tc2_call(deg_col, acc1, hp1, W2, b1.reshape(1, 128))
  z64 = jnp.zeros((ROWS_PT, 64), jnp.float32)
  acc2 = _aggregate_call(hp2, src_pad, dst_pad, z64, 64, R=4)
  out = _tc3_call(deg_col, acc2, hp2, b2.reshape(1, 64))
  return out[:N]

# --- scband reference (transcript-rebuilt; emitter-appended) ---
"""Pipeline reference for scband-gcn-57535381897259 (READ-ONLY COPY).

The authoritative reference and input builder live on the scoring server;
editing this copy changes nothing except your own understanding.
"""

import jax, jax.numpy as jnp
import numpy as np

N_NODES = 10000
NFEAT = 128
NHID = 128
NCLASS = 64
N_EDGES = 320000


def setup_inputs(seed: int = 0) -> dict:
    key = jax.random.key(seed)
    k1, k2, k3, k4, k5, k6 = jax.random.split(key, 6)
    x = jax.random.normal(k1, (N_NODES, NFEAT), dtype=jnp.float32)
    edge_index = jax.random.randint(k2, (2, N_EDGES), 0, N_NODES, dtype=jnp.int64)
    # Glorot-style init for GCN layer weights, zeros for biases
    W1 = jax.random.normal(k3, (NFEAT, NHID), dtype=jnp.float32) * (1.0 / np.sqrt(NFEAT))
    b1 = jnp.zeros((NHID,), dtype=jnp.float32)
    W2 = jax.random.normal(k4, (NHID, NCLASS), dtype=jnp.float32) * (1.0 / np.sqrt(NHID))
    b2 = jnp.zeros((NCLASS,), dtype=jnp.float32)
    return {"x": x, "edge_index": edge_index, "W1": W1, "b1": b1, "W2": W2, "b2": b2}


def gcn_conv(x, edge_index, W, b):
    n = x.shape[0]
    src = edge_index[0]
    dst = edge_index[1]
    # add self-loops (PyG GCNConv default)
    loop = jnp.arange(n, dtype=src.dtype)
    src = jnp.concatenate([src, loop])
    dst = jnp.concatenate([dst, loop])
    # symmetric normalization deg^-1/2 * A_hat * deg^-1/2
    deg = jnp.zeros((n,), dtype=jnp.float32).at[dst].add(1.0)
    dinv = jnp.where(deg > 0, jax.lax.rsqrt(deg), 0.0)
    norm = dinv[src] * dinv[dst]
    h = x @ W
    msg = h[src] * norm[:, None]
    out = jnp.zeros((n, W.shape[1]), dtype=jnp.float32).at[dst].add(msg)
    return out + b


def reference(x, edge_index, W1, b1, W2, b2):
    h = gcn_conv(x, edge_index, W1, b1)
    h = jax.nn.relu(h)
    # dropout(p=0.5) is identity in eval mode
    h = gcn_conv(h, edge_index, W2, b2)
    return jax.nn.log_softmax(h, axis=1)

if __name__ == "__main__":
    import jax
    _d = setup_inputs()
    print(jax.jit(kernel)(*tuple(_d.values())))

</pallas_src>

<mosaic_0001>
#map = affine_map<(d0, d1) -> (0, 0)>
module attributes {stable_mosaic.version = 14 : i64} {
  func.func @agg_kernel(%arg0: i32, %arg1: i32, %arg2: memref<10240x128xf32, #tpu.memory_space<hbm>>, %arg3: memref<2560x128xi32, #tpu.memory_space<hbm>>, %arg4: memref<2560x128xi32, #tpu.memory_space<hbm>>, %arg5: memref<640x128xf32, #tpu.memory_space<hbm>>, %arg6: memref<10240x128xf32, #tpu.memory_space<hbm>>, %arg7: memref<4x128xi32, #tpu.memory_space<vmem>>, %arg8: memref<4x128xi32, #tpu.memory_space<vmem>>, %arg9: memref<2x128x128xf32, #tpu.memory_space<vmem>>, %arg10: memref<10240x128xf32, #tpu.memory_space<vmem_shared>>, %arg11: memref<!tpu.dma_semaphore, #tpu.memory_space<semaphore_mem>>, %arg12: memref<!tpu.dma_semaphore, #tpu.memory_space<semaphore_mem>>, %arg13: memref<!tpu.dma_semaphore, #tpu.memory_space<semaphore_mem>>, %arg14: memref<!tpu.dma_semaphore, #tpu.memory_space<semaphore_mem>>, %arg15: memref<!tpu.dma_semaphore, #tpu.memory_space<semaphore_mem>>, %arg16: memref<!tpu.dma_semaphore, #tpu.memory_space<semaphore_mem>>, %arg17: memref<!tpu.dma_semaphore, #tpu.memory_space<semaphore_mem>>, %arg18: memref<!tpu.dma_semaphore, #tpu.memory_space<semaphore_mem>>) attributes {dimension_semantics = [#tpu.dimension_semantics<core_parallel>, #tpu.dimension_semantics<subcore_parallel>], iteration_bounds = array<i64: 2, 16>, scalar_prefetch = 0 : i64, scratch_operands = 12 : i64, tpu.core_type = #tpu.core_type<sc_vector_subcore>, window_params = [{transform_indices = #map}, {transform_indices = #map}, {transform_indices = #map}, {transform_indices = #map}, {transform_indices = #map}]} {
    %mul3A = arith.constant 160 : i32
    %mul3A_0 = arith.muli %arg1, %mul3A : i32
    %eq3A = arith.constant 0 : i32
    %eq3A_1 = arith.cmpi eq, %arg0, %eq3A : i32
    %convert_element_type3A = arith.extui %eq3A_1 : i1 to i32
    %cond3A = arith.constant 0 : i32
    %cond3A_2 = arith.cmpi ne, %convert_element_type3A, %cond3A : i32
    scf.if %cond3A_2 {
      %mul3A_14 = arith.constant 640 : i32
      %mul3A_15 = arith.muli %arg1, %mul3A_14 : i32
      "tpu.region"() ({
        %run_scoped3A = tpu.sem_alloc : memref<!tpu.dma_semaphore, #tpu.memory_space<semaphore_mem>>
        %dma_start3A = arith.constant 0 : i32
        %dma_start3A_16 = tpu.memref_slice %arg10[%mul3A_15, %dma_start3A] : memref<10240x128xf32, #tpu.memory_space<vmem_shared>> -> memref<640x128xf32, #tpu.memory_space<vmem_shared>>
        tpu.enqueue_dma source(%arg5 : memref<640x128xf32, #tpu.memory_space<hbm>>) target(%dma_start3A_16 : memref<640x128xf32, #tpu.memory_space<vmem_shared>>) target_semaphore(%run_scoped3A : memref<!tpu.dma_semaphore, #tpu.memory_space<semaphore_mem>>)
        %dma_wait3A = arith.constant 0 : i32
        %dma_wait3A_17 = tpu.memref_slice %arg10[%mul3A_15, %dma_wait3A] : memref<10240x128xf32, #tpu.memory_space<vmem_shared>> -> memref<640x128xf32, #tpu.memory_space<vmem_shared>>
        tpu.wait_dma2 semaphore(%run_scoped3A : memref<!tpu.dma_semaphore, #tpu.memory_space<semaphore_mem>>) src(%arg5 : memref<640x128xf32, #tpu.memory_space<hbm>>) dst(%dma_wait3A_17 : memref<640x128xf32, #tpu.memory_space<vmem_shared>>)
        tpu.yield
      }) : () -> ()
    } else {
    }
    %barrier3A = arith.constant 0 : index
    tpu.barrier barrier_id(%barrier3A)
    %eq3A_3 = arith.constant 0 : i32
    %eq3A_4 = arith.cmpi eq, %arg0, %eq3A_3 : i32
    %convert_element_type3A_5 = arith.extui %eq3A_4 : i1 to i32
    %cond3A_6 = arith.constant 0 : i32
    %cond3A_7 = arith.cmpi ne, %convert_element_type3A_5, %cond3A_6 : i32
    scf.if %cond3A_7 {
      %add3A = arith.constant 0 : i32
      %add3A_14 = arith.addi %mul3A_0, %add3A : i32
      %dma_start3A = arith.constant 0 : i32
      %dma_start3A_15 = arith.constant 0 : i32
      %dma_start3A_16 = tpu.memref_slice %arg7[%dma_start3A, %dma_start3A_15] : memref<4x128xi32, #tpu.memory_space<vmem>> -> memref<1x128xi32, #tpu.memory_space<vmem>>
      %dma_start3A_17 = tpu.memref_squeeze %dma_start3A_16 : memref<1x128xi32, #tpu.memory_space<vmem>> -> memref<128xi32, #tpu.memory_space<vmem>>
      %dma_start3A_18 = arith.constant 0 : i32
      %dma_start3A_19 = tpu.memref_slice %arg3[%add3A_14, %dma_start3A_18] : memref<2560x128xi32, #tpu.memory_space<hbm>> -> memref<1x128xi32, #tpu.memory_space<hbm>>
      %dma_start3A_20 = tpu.memref_squeeze %dma_start3A_19 : memref<1x128xi32, #tpu.memory_space<hbm>> -> memref<128xi32, #tpu.memory_space<hbm>>
      %dma_start3A_21 = arith.constant 0 : i32
      %dma_start3A_22 = tpu.memref_slice %arg7[%dma_start3A, %dma_start3A_21] : memref<4x128xi32, #tpu.memory_space<vmem>> -> memref<1x128xi32, #tpu.memory_space<vmem>>
      %dma_start3A_23 = tpu.memref_squeeze %dma_start3A_22 : memref<1x128xi32, #tpu.memory_space<vmem>> -> memref<128xi32, #tpu.memory_space<vmem>>
      %dma_start3A_24 = arith.constant 0 : i32
      %dma_start3A_25 = tpu.memref_slice %arg3[%add3A_14, %dma_start3A_24] : memref<2560x128xi32, #tpu.memory_space<hbm>> -> memref<1x128xi32, #tpu.memory_space<hbm>>
      %dma_start3A_26 = tpu.memref_squeeze %dma_start3A_25 : memref<1x128xi32, #tpu.memory_space<hbm>> -> memref<128xi32, #tpu.memory_space<hbm>>
      tpu.enqueue_dma source(%dma_start3A_26 : memref<128xi32, #tpu.memory_space<hbm>>) target(%dma_start3A_23 : memref<128xi32, #tpu.memory_space<vmem>>) target_semaphore(%arg11 : memref<!tpu.dma_semaphore, #tpu.memory_space<semaphore_mem>>)
      %add3A_27 = arith.constant 0 : i32
      %add3A_28 = arith.addi %mul3A_0, %add3A_27 : i32
      %dma_start3A_29 = arith.constant 0 : i32
      %dma_start3A_30 = arith.constant 0 : i32
      %dma_start3A_31 = tpu.memref_slice %arg8[%dma_start3A_29, %dma_start3A_30] : memref<4x128xi32, #tpu.memory_space<vmem>> -> memref<1x128xi32, #tpu.memory_space<vmem>>
      %dma_start3A_32 = tpu.memref_squeeze %dma_start3A_31 : memref<1x128xi32, #tpu.memory_space<vmem>> -> memref<128xi32, #tpu.memory_space<vmem>>
      %dma_start3A_33 = arith.constant 0 : i32
      %dma_start3A_34 = tpu.memref_slice %arg4[%add3A_28, %dma_start3A_33] : memref<2560x128xi32, #tpu.memory_space<hbm>> -> memref<1x128xi32, #tpu.memory_space<hbm>>
      %dma_start3A_35 = tpu.memref_squeeze %dma_start3A_34 : memref<1x128xi32, #tpu.memory_space<hbm>> -> memref<128xi32, #tpu.memory_space<hbm>>
      %dma_start3A_36 = arith.constant 0 : i32
      %dma_start3A_37 = tpu.memref_slice %arg8[%dma_start3A_29, %dma_start3A_36] : memref<4x128xi32, #tpu.memory_space<vmem>> -> memref<1x128xi32, #tpu.memory_space<vmem>>
      %dma_start3A_38 = tpu.memref_squeeze %dma_start3A_37 : memref<1x128xi32, #tpu.memory_space<vmem>> -> memref<128xi32, #tpu.memory_space<vmem>>
      %dma_start3A_39 = arith.constant 0 : i32
      %dma_start3A_40 = tpu.memref_slice %arg4[%add3A_28, %dma_start3A_39] : memref<2560x128xi32, #tpu.memory_space<hbm>> -> memref<1x128xi32, #tpu.memory_space<hbm>>
      %dma_start3A_41 = tpu.memref_squeeze %dma_start3A_40 : memref<1x128xi32, #tpu.memory_space<hbm>> -> memref<128xi32, #tpu.memory_space<hbm>>
      tpu.enqueue_dma source(%dma_start3A_41 : memref<128xi32, #tpu.memory_space<hbm>>) target(%dma_start3A_38 : memref<128xi32, #tpu.memory_space<vmem>>) target_semaphore(%arg11 : memref<!tpu.dma_semaphore, #tpu.memory_space<semaphore_mem>>)
      %add3A_42 = arith.constant 1 : i32
      %add3A_43 = arith.addi %mul3A_0, %add3A_42 : i32
      %dma_start3A_44 = arith.constant 1 : i32
      %dma_start3A_45 = arith.constant 0 : i32
      %dma_start3A_46 = tpu.memref_slice %arg7[%dma_start3A_44, %dma_start3A_45] : memref<4x128xi32, #tpu.memory_space<vmem>> -> memref<1x128xi32, #tpu.memory_space<vmem>>
      %dma_start3A_47 = tpu.memref_squeeze %dma_start3A_46 : memref<1x128xi32, #tpu.memory_space<vmem>> -> memref<128xi32, #tpu.memory_space<vmem>>
      %dma_start3A_48 = arith.constant 0 : i32
      %dma_start3A_49 = tpu.memref_slice %arg3[%add3A_43, %dma_start3A_48] : memref<2560x128xi32, #tpu.memory_space<hbm>> -> memref<1x128xi32, #tpu.memory_space<hbm>>
      %dma_start3A_50 = tpu.memref_squeeze %dma_start3A_49 : memref<1x128xi32, #tpu.memory_space<hbm>> -> memref<128xi32, #tpu.memory_space<hbm>>
      %dma_start3A_51 = arith.constant 0 : i32
      %dma_start3A_52 = tpu.memref_slice %arg7[%dma_start3A_44, %dma_start3A_51] : memref<4x128xi32, #tpu.memory_space<vmem>> -> memref<1x128xi32, #tpu.memory_space<vmem>>
      %dma_start3A_53 = tpu.memref_squeeze %dma_start3A_52 : memref<1x128xi32, #tpu.memory_space<vmem>> -> memref<128xi32, #tpu.memory_space<vmem>>
      %dma_start3A_54 = arith.constant 0 : i32
      %dma_start3A_55 = tpu.memref_slice %arg3[%add3A_43, %dma_start3A_54] : memref<2560x128xi32, #tpu.memory_space<hbm>> -> memref<1x128xi32, #tpu.memory_space<hbm>>
      %dma_start3A_56 = tpu.memref_squeeze %dma_start3A_55 : memref<1x128xi32, #tpu.memory_space<hbm>> -> memref<128xi32, #tpu.memory_space<hbm>>
      tpu.enqueue_dma source(%dma_start3A_56 : memref<128xi32, #tpu.memory_space<hbm>>) target(%dma_start3A_53 : memref<128xi32, #tpu.memory_space<vmem>>) target_semaphore(%arg12 : memref<!tpu.dma_semaphore, #tpu.memory_space<semaphore_mem>>)
      %add3A_57 = arith.constant 1 : i32
      %add3A_58 = arith.addi %mul3A_0, %add3A_57 : i32
      %dma_start3A_59 = arith.constant 1 : i32
      %dma_start3A_60 = arith.constant 0 : i32
      %dma_start3A_61 = tpu.memref_slice %arg8[%dma_start3A_59, %dma_start3A_60] : memref<4x128xi32, #tpu.memory_space<vmem>> -> memref<1x128xi32, #tpu.memory_space<vmem>>
      %dma_start3A_62 = tpu.memref_squeeze %dma_start3A_61 : memref<1x128xi32, #tpu.memory_space<vmem>> -> memref<128xi32, #tpu.memory_space<vmem>>
      %dma_start3A_63 = arith.constant 0 : i32
      %dma_start3A_64 = tpu.memref_slice %arg4[%add3A_58, %dma_start3A_63] : memref<2560x128xi32, #tpu.memory_space<hbm>> -> memref<1x128xi32, #tpu.memory_space<hbm>>
      %dma_start3A_65 = tpu.memref_squeeze %dma_start3A_64 : memref<1x128xi32, #tpu.memory_space<hbm>> -> memref<128xi32, #tpu.memory_space<hbm>>
      %dma_start3A_66 = arith.constant 0 : i32
      %dma_start3A_67 = tpu.memref_slice %arg8[%dma_start3A_59, %dma_start3A_66] : memref<4x128xi32, #tpu.memory_space<vmem>> -> memref<1x128xi32, #tpu.memory_space<vmem>>
      %dma_start3A_68 = tpu.memref_squeeze %dma_start3A_67 : memref<1x128xi32, #tpu.memory_space<vmem>> -> memref<128xi32, #tpu.memory_space<vmem>>
      %dma_start3A_69 = arith.constant 0 : i32
      %dma_start3A_70 = tpu.memref_slice %arg4[%add3A_58, %dma_start3A_69] : memref<2560x128xi32, #tpu.memory_space<hbm>> -> memref<1x128xi32, #tpu.memory_space<hbm>>
      %dma_start3A_71 = tpu.memref_squeeze %dma_start3A_70 : memref<1x128xi32, #tpu.memory_space<hbm>> -> memref<128xi32, #tpu.memory_space<hbm>>
      tpu.enqueue_dma source(%dma_start3A_71 : memref<128xi32, #tpu.memory_space<hbm>>) target(%dma_start3A_68 : memref<128xi32, #tpu.memory_space<vmem>>) target_semaphore(%arg12 : memref<!tpu.dma_semaphore, #tpu.memory_space<semaphore_mem>>)
      %add3A_72 = arith.constant 2 : i32
      %add3A_73 = arith.addi %mul3A_0, %add3A_72 : i32
      %dma_start3A_74 = arith.constant 2 : i32
      %dma_start3A_75 = arith.constant 0 : i32
      %dma_start3A_76 = tpu.memref_slice %arg7[%dma_start3A_74, %dma_start3A_75] : memref<4x128xi32, #tpu.memory_space<vmem>> -> memref<1x128xi32, #tpu.memory_space<vmem>>
      %dma_start3A_77 = tpu.memref_squeeze %dma_start3A_76 : memref<1x128xi32, #tpu.memory_space<vmem>> -> memref<128xi32, #tpu.memory_space<vmem>>
      %dma_start3A_78 = arith.constant 0 : i32
      %dma_start3A_79 = tpu.memref_slice %arg3[%add3A_73, %dma_start3A_78] : memref<2560x128xi32, #tpu.memory_space<hbm>> -> memref<1x128xi32, #tpu.memory_space<hbm>>
      %dma_start3A_80 = tpu.memref_squeeze %dma_start3A_79 : memref<1x128xi32, #tpu.memory_space<hbm>> -> memref<128xi32, #tpu.memory_space<hbm>>
      %dma_start3A_81 = arith.constant 0 : i32
      %dma_start3A_82 = tpu.memref_slice %arg7[%dma_start3A_74, %dma_start3A_81] : memref<4x128xi32, #tpu.memory_space<vmem>> -> memref<1x128xi32, #tpu.memory_space<vmem>>
      %dma_start3A_83 = tpu.memref_squeeze %dma_start3A_82 : memref<1x128xi32, #tpu.memory_space<vmem>> -> memref<128xi32, #tpu.memory_space<vmem>>
      %dma_start3A_84 = arith.constant 0 : i32
      %dma_start3A_85 = tpu.memref_slice %arg3[%add3A_73, %dma_start3A_84] : memref<2560x128xi32, #tpu.memory_space<hbm>> -> memref<1x128xi32, #tpu.memory_space<hbm>>
      %dma_start3A_86 = tpu.memref_squeeze %dma_start3A_85 : memref<1x128xi32, #tpu.memory_space<hbm>> -> memref<128xi32, #tpu.memory_space<hbm>>
      tpu.enqueue_dma source(%dma_start3A_86 : memref<128xi32, #tpu.memory_space<hbm>>) target(%dma_start3A_83 : memref<128xi32, #tpu.memory_space<vmem>>) target_semaphore(%arg13 : memref<!tpu.dma_semaphore, #tpu.memory_space<semaphore_mem>>)
      %add3A_87 = arith.constant 2 : i32
      %add3A_88 = arith.addi %mul3A_0, %add3A_87 : i32
      %dma_start3A_89 = arith.constant 2 : i32
      %dma_start3A_90 = arith.constant 0 : i32
      %dma_start3A_91 = tpu.memref_slice %arg8[%dma_start3A_89, %dma_start3A_90] : memref<4x128xi32, #tpu.memory_space<vmem>> -> memref<1x128xi32, #tpu.memory_space<vmem>>
      %dma_start3A_92 = tpu.memref_squeeze %dma_start3A_91 : memref<1x128xi32, #tpu.memory_space<vmem>> -> memref<128xi32, #tpu.memory_space<vmem>>
      %dma_start3A_93 = arith.constant 0 : i32
      %dma_start3A_94 = tpu.memref_slice %arg4[%add3A_88, %dma_start3A_93] : memref<2560x128xi32, #tpu.memory_space<hbm>> -> memref<1x128xi32, #tpu.memory_space<hbm>>
      %dma_start3A_95 = tpu.memref_squeeze %dma_start3A_94 : memref<1x128xi32, #tpu.memory_space<hbm>> -> memref<128xi32, #tpu.memory_space<hbm>>
      %dma_start3A_96 = arith.constant 0 : i32
      %dma_start3A_97 = tpu.memref_slice %arg8[%dma_start3A_89, %dma_start3A_96] : memref<4x128xi32, #tpu.memory_space<vmem>> -> memref<1x128xi32, #tpu.memory_space<vmem>>
      %dma_start3A_98 = tpu.memref_squeeze %dma_start3A_97 : memref<1x128xi32, #tpu.memory_space<vmem>> -> memref<128xi32, #tpu.memory_space<vmem>>
      %dma_start3A_99 = arith.constant 0 : i32
      %dma_start3A_100 = tpu.memref_slice %arg4[%add3A_88, %dma_start3A_99] : memref<2560x128xi32, #tpu.memory_space<hbm>> -> memref<1x128xi32, #tpu.memory_space<hbm>>
      %dma_start3A_101 = tpu.memref_squeeze %dma_start3A_100 : memref<1x128xi32, #tpu.memory_space<hbm>> -> memref<128xi32, #tpu.memory_space<hbm>>
      tpu.enqueue_dma source(%dma_start3A_101 : memref<128xi32, #tpu.memory_space<hbm>>) target(%dma_start3A_98 : memref<128xi32, #tpu.memory_space<vmem>>) target_semaphore(%arg13 : memref<!tpu.dma_semaphore, #tpu.memory_space<semaphore_mem>>)
      %add3A_102 = arith.constant 3 : i32
      %add3A_103 = arith.addi %mul3A_0, %add3A_102 : i32
      %dma_start3A_104 = arith.constant 3 : i32
      %dma_start3A_105 = arith.constant 0 : i32
      %dma_start3A_106 = tpu.memref_slice %arg7[%dma_start3A_104, %dma_start3A_105] : memref<4x128xi32, #tpu.memory_space<vmem>> -> memref<1x128xi32, #tpu.memory_space<vmem>>
      %dma_start3A_107 = tpu.memref_squeeze %dma_start3A_106 : memref<1x128xi32, #tpu.memory_space<vmem>> -> memref<128xi32, #tpu.memory_space<vmem>>
      %dma_start3A_108 = arith.constant 0 : i32
      %dma_start3A_109 = tpu.memref_slice %arg3[%add3A_103, %dma_start3A_108] : memref<2560x128xi32, #tpu.memory_space<hbm>> -> memref<1x128xi32, #tpu.memory_space<hbm>>
      %dma_start3A_110 = tpu.memref_squeeze %dma_start3A_109 : memref<1x128xi32, #tpu.memory_space<hbm>> -> memref<128xi32, #tpu.memory_space<hbm>>
      %dma_start3A_111 = arith.constant 0 : i32
      %dma_start3A_112 = tpu.memref_slice %arg7[%dma_start3A_104, %dma_start3A_111] : memref<4x128xi32, #tpu.memory_space<vmem>> -> memref<1x128xi32, #tpu.memory_space<vmem>>
      %dma_start3A_113 = tpu.memref_squeeze %dma_start3A_112 : memref<1x128xi32, #tpu.memory_space<vmem>> -> memref<128xi32, #tpu.memory_space<vmem>>
      %dma_start3A_114 = arith.constant 0 : i32
      %dma_start3A_115 = tpu.memref_slice %arg3[%add3A_103, %dma_start3A_114] : memref<2560x128xi32, #tpu.memory_space<hbm>> -> memref<1x128xi32, #tpu.memory_space<hbm>>
      %dma_start3A_116 = tpu.memref_squeeze %dma_start3A_115 : memref<1x128xi32, #tpu.memory_space<hbm>> -> memref<128xi32, #tpu.memory_space<hbm>>
      tpu.enqueue_dma source(%dma_start3A_116 : memref<128xi32, #tpu.memory_space<hbm>>) target(%dma_start3A_113 : memref<128xi32, #tpu.memory_space<vmem>>) target_semaphore(%arg14 : memref<!tpu.dma_semaphore, #tpu.memory_space<semaphore_mem>>)
      %add3A_117 = arith.constant 3 : i32
      %add3A_118 = arith.addi %mul3A_0, %add3A_117 : i32
      %dma_start3A_119 = arith.constant 3 : i32
      %dma_start3A_120 = arith.constant 0 : i32
      %dma_start3A_121 = tpu.memref_slice %arg8[%dma_start3A_119, %dma_start3A_120] : memref<4x128xi32, #tpu.memory_space<vmem>> -> memref<1x128xi32, #tpu.memory_space<vmem>>
      %dma_start3A_122 = tpu.memref_squeeze %dma_start3A_121 : memref<1x128xi32, #tpu.memory_space<vmem>> -> memref<128xi32, #tpu.memory_space<vmem>>
      %dma_start3A_123 = arith.constant 0 : i32
      %dma_start3A_124 = tpu.memref_slice %arg4[%add3A_118, %dma_start3A_123] : memref<2560x128xi32, #tpu.memory_space<hbm>> -> memref<1x128xi32, #tpu.memory_space<hbm>>
      %dma_start3A_125 = tpu.memref_squeeze %dma_start3A_124 : memref<1x128xi32, #tpu.memory_space<hbm>> -> memref<128xi32, #tpu.memory_space<hbm>>
      %dma_start3A_126 = arith.constant 0 : i32
      %dma_start3A_127 = tpu.memref_slice %arg8[%dma_start3A_119, %dma_start3A_126] : memref<4x128xi32, #tpu.memory_space<vmem>> -> memref<1x128xi32, #tpu.memory_space<vmem>>
      %dma_start3A_128 = tpu.memref_squeeze %dma_start3A_127 : memref<1x128xi32, #tpu.memory_space<vmem>> -> memref<128xi32, #tpu.memory_space<vmem>>
      %dma_start3A_129 = arith.constant 0 : i32
      %dma_start3A_130 = tpu.memref_slice %arg4[%add3A_118, %dma_start3A_129] : memref<2560x128xi32, #tpu.memory_space<hbm>> -> memref<1x128xi32, #tpu.memory_space<hbm>>
      %dma_start3A_131 = tpu.memref_squeeze %dma_start3A_130 : memref<1x128xi32, #tpu.memory_space<hbm>> -> memref<128xi32, #tpu.memory_space<hbm>>
      tpu.enqueue_dma source(%dma_start3A_131 : memref<128xi32, #tpu.memory_space<hbm>>) target(%dma_start3A_128 : memref<128xi32, #tpu.memory_space<vmem>>) target_semaphore(%arg14 : memref<!tpu.dma_semaphore, #tpu.memory_space<semaphore_mem>>)
      %dma_wait3A = arith.constant 0 : i32
      %dma_wait3A_132 = arith.constant 0 : i32
      %dma_wait3A_133 = arith.constant 0 : i32
      %dma_wait3A_134 = tpu.memref_slice %arg7[%dma_wait3A_132, %dma_wait3A_133] : memref<4x128xi32, #tpu.memory_space<vmem>> -> memref<1x128xi32, #tpu.memory_space<vmem>>
      %dma_wait3A_135 = tpu.memref_squeeze %dma_wait3A_134 : memref<1x128xi32, #tpu.memory_space<vmem>> -> memref<128xi32, #tpu.memory_space<vmem>>
      %dma_wait3A_136 = arith.constant 0 : i32
      %dma_wait3A_137 = tpu.memref_slice %arg3[%dma_wait3A, %dma_wait3A_136] : memref<2560x128xi32, #tpu.memory_space<hbm>> -> memref<1x128xi32, #tpu.memory_space<hbm>>
      %dma_wait3A_138 = tpu.memref_squeeze %dma_wait3A_137 : memref<1x128xi32, #tpu.memory_space<hbm>> -> memref<128xi32, #tpu.memory_space<hbm>>
      %dma_wait3A_139 = arith.constant 0 : i32
      %dma_wait3A_140 = tpu.memref_slice %arg7[%dma_wait3A_132, %dma_wait3A_139] : memref<4x128xi32, #tpu.memory_space<vmem>> -> memref<1x128xi32, #tpu.memory_space<vmem>>
      %dma_wait3A_141 = tpu.memref_squeeze %dma_wait3A_140 : memref<1x128xi32, #tpu.memory_space<vmem>> -> memref<128xi32, #tpu.memory_space<vmem>>
      %dma_wait3A_142 = arith.constant 0 : i32
      %dma_wait3A_143 = tpu.memref_slice %arg3[%dma_wait3A, %dma_wait3A_142] : memref<2560x128xi32, #tpu.memory_space<hbm>> -> memref<1x128xi32, #tpu.memory_space<hbm>>
      %dma_wait3A_144 = tpu.memref_squeeze %dma_wait3A_143 : memref<1x128xi32, #tpu.memory_space<hbm>> -> memref<128xi32, #tpu.memory_space<hbm>>
      tpu.wait_dma2 semaphore(%arg11 : memref<!tpu.dma_semaphore, #tpu.memory_space<semaphore_mem>>) src(%dma_wait3A_144 : memref<128xi32, #tpu.memory_space<hbm>>) dst(%dma_wait3A_141 : memref<128xi32, #tpu.memory_space<vmem>>)
      %dma_wait3A_145 = arith.constant 0 : i32
      %dma_wait3A_146 = arith.constant 0 : i32
      %dma_wait3A_147 = arith.constant 0 : i32
      %dma_wait3A_148 = tpu.memref_slice %arg8[%dma_wait3A_146, %dma_wait3A_147] : memref<4x128xi32, #tpu.memory_space<vmem>> -> memref<1x128xi32, #tpu.memory_space<vmem>>
      %dma_wait3A_149 = tpu.memref_squeeze %dma_wait3A_148 : memref<1x128xi32, #tpu.memory_space<vmem>> -> memref<128xi32, #tpu.memory_space<vmem>>
      %dma_wait3A_150 = arith.constant 0 : i32
      %dma_wait3A_151 = tpu.memref_slice %arg3[%dma_wait3A_145, %dma_wait3A_150] : memref<2560x128xi32, #tpu.memory_space<hbm>> -> memref<1x128xi32, #tpu.memory_space<hbm>>
      %dma_wait3A_152 = tpu.memref_squeeze %dma_wait3A_151 : memref<1x128xi32, #tpu.memory_space<hbm>> -> memref<128xi32, #tpu.memory_space<hbm>>
      %dma_wait3A_153 = arith.constant 0 : i32
      %dma_wait3A_154 = tpu.memref_slice %arg8[%dma_wait3A_146, %dma_wait3A_153] : memref<4x128xi32, #tpu.memory_space<vmem>> -> memref<1x128xi32, #tpu.memory_space<vmem>>
      %dma_wait3A_155 = tpu.memref_squeeze %dma_wait3A_154 : memref<1x128xi32, #tpu.memory_space<vmem>> -> memref<128xi32, #tpu.memory_space<vmem>>
      %dma_wait3A_156 = arith.constant 0 : i32
      %dma_wait3A_157 = tpu.memref_slice %arg3[%dma_wait3A_145, %dma_wait3A_156] : memref<2560x128xi32, #tpu.memory_space<hbm>> -> memref<1x128xi32, #tpu.memory_space<hbm>>
      %dma_wait3A_158 = tpu.memref_squeeze %dma_wait3A_157 : memref<1x128xi32, #tpu.memory_space<hbm>> -> memref<128xi32, #tpu.memory_space<hbm>>
      tpu.wait_dma2 semaphore(%arg11 : memref<!tpu.dma_semaphore, #tpu.memory_space<semaphore_mem>>) src(%dma_wait3A_158 : memref<128xi32, #tpu.memory_space<hbm>>) dst(%dma_wait3A_155 : memref<128xi32, #tpu.memory_space<vmem>>)
      %dma_start3A_159 = arith.constant 0 : i32
      %dma_start3A_160 = arith.constant 0 : i32
      %dma_start3A_161 = arith.constant 0 : i32
      %dma_start3A_162 = arith.constant 0 : i32
      %dma_start3A_163 = tpu.memref_slice %arg9[%dma_start3A_160, %dma_start3A_161, %dma_start3A_162] : memref<2x128x128xf32, #tpu.memory_space<vmem>> -> memref<1x128x128xf32, #tpu.memory_space<vmem>>
      %dma_start3A_164 = tpu.memref_squeeze %dma_start3A_163 : memref<1x128x128xf32, #tpu.memory_space<vmem>> -> memref<128x128xf32, #tpu.memory_space<vmem>>
      %dma_start3A_165 = arith.constant 0 : i32
      %dma_start3A_166 = tpu.memref_slice %arg7[%dma_start3A_159, %dma_start3A_165] : memref<4x128xi32, #tpu.memory_space<vmem>> -> memref<1x128xi32, #tpu.memory_space<vmem>>
      %dma_start3A_167 = tpu.memref_squeeze %dma_start3A_166 : memref<1x128xi32, #tpu.memory_space<vmem>> -> memref<128xi32, #tpu.memory_space<vmem>>
      %dma_start3A_168 = arith.constant 0 : i32
      %dma_start3A_169 = arith.constant 0 : i32
      %dma_start3A_170 = tpu.memref_slice %arg2[%dma_start3A_168, %dma_start3A_169] : memref<10240x128xf32, #tpu.memory_space<hbm>> -> memref<10240x128xf32, #tpu.memory_space<hbm>>
      tpu.enqueue_indirect_dma source(%dma_start3A_170 : memref<10240x128xf32, #tpu.memory_space<hbm>>) target(%dma_start3A_164 : memref<128x128xf32, #tpu.memory_space<vmem>>) offsets(%dma_start3A_167 : memref<128xi32, #tpu.memory_space<vmem>>) semaphore(%arg15 : memref<!tpu.dma_semaphore, #tpu.memory_space<semaphore_mem>>)
      %dma_wait3A_171 = arith.constant 0 : i32
      %dma_wait3A_172 = arith.constant 1 : i32
      %dma_wait3A_173 = arith.constant 0 : i32
      %dma_wait3A_174 = tpu.memref_slice %arg7[%dma_wait3A_172, %dma_wait3A_173] : memref<4x128xi32, #tpu.memory_space<vmem>> -> memref<1x128xi32, #tpu.memory_space<vmem>>
      %dma_wait3A_175 = tpu.memref_squeeze %dma_wait3A_174 : memref<1x128xi32, #tpu.memory_space<vmem>> -> memref<128xi32, #tpu.memory_space<vmem>>
      %dma_wait3A_176 = arith.constant 0 : i32
      %dma_wait3A_177 = tpu.memref_slice %arg3[%dma_wait3A_171, %dma_wait3A_176] : memref<2560x128xi32, #tpu.memory_space<hbm>> -> memref<1x128xi32, #tpu.memory_space<hbm>>
      %dma_wait3A_178 = tpu.memref_squeeze %dma_wait3A_177 : memref<1x128xi32, #tpu.memory_space<hbm>> -> memref<128xi32, #tpu.memory_space<hbm>>
      %dma_wait3A_179 = arith.constant 0 : i32
      %dma_wait3A_180 = tpu.memref_slice %arg7[%dma_wait3A_172, %dma_wait3A_179] : memref<4x128xi32, #tpu.memory_space<vmem>> -> memref<1x128xi32, #tpu.memory_space<vmem>>
      %dma_wait3A_181 = tpu.memref_squeeze %dma_wait3A_180 : memref<1x128xi32, #tpu.memory_space<vmem>> -> memref<128xi32, #tpu.memory_space<vmem>>
      %dma_wait3A_182 = arith.constant 0 : i32
      %dma_wait3A_183 = tpu.memref_slice %arg3[%dma_wait3A_171, %dma_wait3A_182] : memref<2560x128xi32, #tpu.memory_space<hbm>> -> memref<1x128xi32, #tpu.memory_space<hbm>>
      %dma_wait3A_184 = tpu.memref_squeeze %dma_wait3A_183 : memref<1x128xi32, #tpu.memory_space<hbm>> -> memref<128xi32, #tpu.memory_space<hbm>>
      tpu.wait_dma2 semaphore(%arg12 : memref<!tpu.dma_semaphore, #tpu.memory_space<semaphore_mem>>) src(%dma_wait3A_184 : memref<128xi32, #tpu.memory_space<hbm>>) dst(%dma_wait3A_181 : memref<128xi32, #tpu.memory_space<vmem>>)
      %dma_wait3A_185 = arith.constant 0 : i32
      %dma_wait3A_186 = arith.constant 1 : i32
      %dma_wait3A_187 = arith.constant 0 : i32
      %dma_wait3A_188 = tpu.memref_slice %arg8[%dma_wait3A_186, %dma_wait3A_187] : memref<4x128xi32, #tpu.memory_space<vmem>> -> memref<1x128xi32, #tpu.memory_space<vmem>>
      %dma_wait3A_189 = tpu.memref_squeeze %dma_wait3A_188 : memref<1x128xi32, #tpu.memory_space<vmem>> -> memref<128xi32, #tpu.memory_space<vmem>>
      %dma_wait3A_190 = arith.constant 0 : i32
      %dma_wait3A_191 = tpu.memref_slice %arg3[%dma_wait3A_185, %dma_wait3A_190] : memref<2560x128xi32, #tpu.memory_space<hbm>> -> memref<1x128xi32, #tpu.memory_space<hbm>>
      %dma_wait3A_192 = tpu.memref_squeeze %dma_wait3A_191 : memref<1x128xi32, #tpu.memory_space<hbm>> -> memref<128xi32, #tpu.memory_space<hbm>>
      %dma_wait3A_193 = arith.constant 0 : i32
      %dma_wait3A_194 = tpu.memref_slice %arg8[%dma_wait3A_186, %dma_wait3A_193] : memref<4x128xi32, #tpu.memory_space<vmem>> -> memref<1x128xi32, #tpu.memory_space<vmem>>
      %dma_wait3A_195 = tpu.memref_squeeze %dma_wait3A_194 : memref<1x128xi32, #tpu.memory_space<vmem>> -> memref<128xi32, #tpu.memory_space<vmem>>
      %dma_wait3A_196 = arith.constant 0 : i32
      %dma_wait3A_197 = tpu.memref_slice %arg3[%dma_wait3A_185, %dma_wait3A_196] : memref<2560x128xi32, #tpu.memory_space<hbm>> -> memref<1x128xi32, #tpu.memory_space<hbm>>
      %dma_wait3A_198 = tpu.memref_squeeze %dma_wait3A_197 : memref<1x128xi32, #tpu.memory_space<hbm>> -> memref<128xi32, #tpu.memory_space<hbm>>
      tpu.wait_dma2 semaphore(%arg12 : memref<!tpu.dma_semaphore, #tpu.memory_space<semaphore_mem>>) src(%dma_wait3A_198 : memref<128xi32, #tpu.memory_space<hbm>>) dst(%dma_wait3A_195 : memref<128xi32, #tpu.memory_space<vmem>>)
      %dma_start3A_199 = arith.constant 1 : i32
      %dma_start3A_200 = arith.constant 1 : i32
      %dma_start3A_201 = arith.constant 0 : i32
      %dma_start3A_202 = arith.constant 0 : i32
      %dma_start3A_203 = tpu.memref_slice %arg9[%dma_start3A_200, %dma_start3A_201, %dma_start3A_202] : memref<2x128x128xf32, #tpu.memory_space<vmem>> -> memref<1x128x128xf32, #tpu.memory_space<vmem>>
      %dma_start3A_204 = tpu.memref_squeeze %dma_start3A_203 : memref<1x128x128xf32, #tpu.memory_space<vmem>> -> memref<128x128xf32, #tpu.memory_space<vmem>>
      %dma_start3A_205 = arith.constant 0 : i32
      %dma_start3A_206 = tpu.memref_slice %arg7[%dma_start3A_199, %dma_start3A_205] : memref<4x128xi32, #tpu.memory_space<vmem>> -> memref<1x128xi32, #tpu.memory_space<vmem>>
      %dma_start3A_207 = tpu.memref_squeeze %dma_start3A_206 : memref<1x128xi32, #tpu.memory_space<vmem>> -> memref<128xi32, #tpu.memory_space<vmem>>
      %dma_start3A_208 = arith.constant 0 : i32
      %dma_start3A_209 = arith.constant 0 : i32
      %dma_start3A_210 = tpu.memref_slice %arg2[%dma_start3A_208, %dma_start3A_209] : memref<10240x128xf32, #tpu.memory_space<hbm>> -> memref<10240x128xf32, #tpu.memory_space<hbm>>
      tpu.enqueue_indirect_dma source(%dma_start3A_210 : memref<10240x128xf32, #tpu.memory_space<hbm>>) target(%dma_start3A_204 : memref<128x128xf32, #tpu.memory_space<vmem>>) offsets(%dma_start3A_207 : memref<128xi32, #tpu.memory_space<vmem>>) semaphore(%arg16 : memref<!tpu.dma_semaphore, #tpu.memory_space<semaphore_mem>>)
      %scan3A = arith.constant 0 : i32
      %scan3A_211 = arith.constant 0 : i32
      %scan3A_212 = arith.constant 40 : i32
      %scan3A_213 = arith.addi %scan3A_211, %scan3A_212 : i32
      %scan3A_214 = arith.constant 1 : i32
      scf.for %scan3A_216 = %scan3A_211 to %scan3A_213 step %scan3A_214  : i32 {
        %mul3A_217 = arith.constant 4 : i32
        %mul3A_218 = arith.muli %scan3A_216, %mul3A_217 : i32
        %add3A_219 = arith.constant 0 : i32
        %add3A_220 = arith.addi %mul3A_218, %add3A_219 : i32
        %dma_wait3A_221 = arith.constant 0 : i32
        %dma_wait3A_222 = arith.constant 0 : i32
        %dma_wait3A_223 = arith.constant 0 : i32
        %dma_wait3A_224 = arith.constant 0 : i32
        %dma_wait3A_225 = tpu.memref_slice %arg9[%dma_wait3A_222, %dma_wait3A_223, %dma_wait3A_224] : memref<2x128x128xf32, #tpu.memory_space<vmem>> -> memref<1x128x128xf32, #tpu.memory_space<vmem>>
        %dma_wait3A_226 = tpu.memref_squeeze %dma_wait3A_225 : memref<1x128x128xf32, #tpu.memory_space<vmem>> -> memref<128x128xf32, #tpu.memory_space<vmem>>
        %dma_wait3A_227 = arith.constant 0 : i32
        %dma_wait3A_228 = tpu.memref_slice %arg7[%dma_wait3A_221, %dma_wait3A_227] : memref<4x128xi32, #tpu.memory_space<vmem>> -> memref<1x128xi32, #tpu.memory_space<vmem>>
        %dma_wait3A_229 = tpu.memref_squeeze %dma_wait3A_228 : memref<1x128xi32, #tpu.memory_space<vmem>> -> memref<128xi32, #tpu.memory_space<vmem>>
        %dma_wait3A_230 = arith.constant 0 : i32
        %dma_wait3A_231 = arith.constant 0 : i32
        %dma_wait3A_232 = tpu.memref_slice %arg2[%dma_wait3A_230, %dma_wait3A_231] : memref<10240x128xf32, #tpu.memory_space<hbm>> -> memref<10240x128xf32, #tpu.memory_space<hbm>>
        tpu.wait_indirect_dma semaphore(%arg15 : memref<!tpu.dma_semaphore, #tpu.memory_space<semaphore_mem>>) src(%dma_wait3A_232 : memref<10240x128xf32, #tpu.memory_space<hbm>>) dst(%dma_wait3A_226 : memref<128x128xf32, #tpu.memory_space<vmem>>)
        %dma_start3A_233 = arith.constant 0 : i32
        %dma_start3A_234 = arith.constant 0 : i32
        %dma_start3A_235 = arith.constant 0 : i32
        %dma_start3A_236 = arith.constant 0 : i32
        %dma_start3A_237 = tpu.memref_slice %arg9[%dma_start3A_233, %dma_start3A_235, %dma_start3A_236] : memref<2x128x128xf32, #tpu.memory_space<vmem>> -> memref<1x128x128xf32, #tpu.memory_space<vmem>>
        %dma_start3A_238 = tpu.memref_squeeze %dma_start3A_237 : memref<1x128x128xf32, #tpu.memory_space<vmem>> -> memref<128x128xf32, #tpu.memory_space<vmem>>
        %dma_start3A_239 = arith.constant 0 : i32
        %dma_start3A_240 = tpu.memref_slice %arg8[%dma_start3A_234, %dma_start3A_239] : memref<4x128xi32, #tpu.memory_space<vmem>> -> memref<1x128xi32, #tpu.memory_space<vmem>>
        %dma_start3A_241 = tpu.memref_squeeze %dma_start3A_240 : memref<1x128xi32, #tpu.memory_space<vmem>> -> memref<128xi32, #tpu.memory_space<vmem>>
        %dma_start3A_242 = arith.constant 0 : i32
        %dma_start3A_243 = arith.constant 0 : i32
        %dma_start3A_244 = tpu.memref_slice %arg10[%dma_start3A_242, %dma_start3A_243] : memref<10240x128xf32, #tpu.memory_space<vmem_shared>> -> memref<10240x128xf32, #tpu.memory_space<vmem_shared>>
        tpu.enqueue_indirect_dma source(%dma_start3A_238 : memref<128x128xf32, #tpu.memory_space<vmem>>) target(%dma_start3A_244 : memref<10240x128xf32, #tpu.memory_space<vmem_shared>>) offsets(%dma_start3A_241 : memref<128xi32, #tpu.memory_space<vmem>>) semaphore(%arg17 : memref<!tpu.dma_semaphore, #tpu.memory_space<semaphore_mem>>) {add = true}
        %dma_wait3A_245 = arith.constant 0 : i32
        %dma_wait3A_246 = arith.constant 0 : i32
        %dma_wait3A_247 = arith.constant 0 : i32
        %dma_wait3A_248 = arith.constant 0 : i32
        %dma_wait3A_249 = tpu.memref_slice %arg9[%dma_wait3A_245, %dma_wait3A_247, %dma_wait3A_248] : memref<2x128x128xf32, #tpu.memory_space<vmem>> -> memref<1x128x128xf32, #tpu.memory_space<vmem>>
        %dma_wait3A_250 = tpu.memref_squeeze %dma_wait3A_249 : memref<1x128x128xf32, #tpu.memory_space<vmem>> -> memref<128x128xf32, #tpu.memory_space<vmem>>
        %dma_wait3A_251 = arith.constant 0 : i32
        %dma_wait3A_252 = tpu.memref_slice %arg8[%dma_wait3A_246, %dma_wait3A_251] : memref<4x128xi32, #tpu.memory_space<vmem>> -> memref<1x128xi32, #tpu.memory_space<vmem>>
        %dma_wait3A_253 = tpu.memref_squeeze %dma_wait3A_252 : memref<1x128xi32, #tpu.memory_space<vmem>> -> memref<128xi32, #tpu.memory_space<vmem>>
        %dma_wait3A_254 = arith.constant 0 : i32
        %dma_wait3A_255 = arith.constant 0 : i32
        %dma_wait3A_256 = tpu.memref_slice %arg10[%dma_wait3A_254, %dma_wait3A_255] : memref<10240x128xf32, #tpu.memory_space<vmem_shared>> -> memref<10240x128xf32, #tpu.memory_space<vmem_shared>>
        tpu.wait_indirect_dma semaphore(%arg17 : memref<!tpu.dma_semaphore, #tpu.memory_space<semaphore_mem>>) src(%dma_wait3A_250 : memref<128x128xf32, #tpu.memory_space<vmem>>) dst(%dma_wait3A_256 : memref<10240x128xf32, #tpu.memory_space<vmem_shared>>)
        %add3A_257 = arith.constant 4 : i32
        %add3A_258 = arith.addi %add3A_220, %add3A_257 : i32
        %lt3A = arith.constant 160 : i32
        %lt3A_259 = arith.cmpi slt, %add3A_258, %lt3A : i32
        %convert_element_type3A_260 = arith.extui %lt3A_259 : i1 to i32
        %cond3A_261 = arith.constant 0 : i32
        %cond3A_262 = arith.cmpi ne, %convert_element_type3A_260, %cond3A_261 : i32
        scf.if %cond3A_262 {
          %add3A_432 = arith.constant 4 : i32
          %add3A_433 = arith.addi %add3A_220, %add3A_432 : i32
          %add3A_434 = arith.addi %mul3A_0, %add3A_433 : i32
          %dma_start3A_435 = arith.constant 0 : i32
          %dma_start3A_436 = arith.constant 0 : i32
          %dma_start3A_437 = tpu.memref_slice %arg7[%dma_start3A_435, %dma_start3A_436] : memref<4x128xi32, #tpu.memory_space<vmem>> -> memref<1x128xi32, #tpu.memory_space<vmem>>
          %dma_start3A_438 = tpu.memref_squeeze %dma_start3A_437 : memref<1x128xi32, #tpu.memory_space<vmem>> -> memref<128xi32, #tpu.memory_space<vmem>>
          %dma_start3A_439 = arith.constant 0 : i32
          %dma_start3A_440 = tpu.memref_slice %arg3[%add3A_434, %dma_start3A_439] : memref<2560x128xi32, #tpu.memory_space<hbm>> -> memref<1x128xi32, #tpu.memory_space<hbm>>
          %dma_start3A_441 = tpu.memref_squeeze %dma_start3A_440 : memref<1x128xi32, #tpu.memory_space<hbm>> -> memref<128xi32, #tpu.memory_space<hbm>>
          %dma_start3A_442 = arith.constant 0 : i32
          %dma_start3A_443 = tpu.memref_slice %arg7[%dma_start3A_435, %dma_start3A_442] : memref<4x128xi32, #tpu.memory_space<vmem>> -> memref<1x128xi32, #tpu.memory_space<vmem>>
          %dma_start3A_444 = tpu.memref_squeeze %dma_start3A_443 : memref<1x128xi32, #tpu.memory_space<vmem>> -> memref<128xi32, #tpu.memory_space<vmem>>
          %dma_start3A_445 = arith.constant 0 : i32
          %dma_start3A_446 = tpu.memref_slice %arg3[%add3A_434, %dma_start3A_445] : memref<2560x128xi32, #tpu.memory_space<hbm>> -> memref<1x128xi32, #tpu.memory_space<hbm>>
          %dma_start3A_447 = tpu.memref_squeeze %dma_start3A_446 : memref<1x128xi32, #tpu.memory_space<hbm>> -> memref<128xi32, #tpu.memory_space<hbm>>
          tpu.enqueue_dma source(%dma_start3A_447 : memref<128xi32, #tpu.memory_space<hbm>>) target(%dma_start3A_444 : memref<128xi32, #tpu.memory_space<vmem>>) target_semaphore(%arg11 : memref<!tpu.dma_semaphore, #tpu.memory_space<semaphore_mem>>)
          %add3A_448 = arith.addi %mul3A_0, %add3A_433 : i32
          %dma_start3A_449 = arith.constant 0 : i32
          %dma_start3A_450 = arith.constant 0 : i32
          %dma_start3A_451 = tpu.memref_slice %arg8[%dma_start3A_449, %dma_start3A_450] : memref<4x128xi32, #tpu.memory_space<vmem>> -> memref<1x128xi32, #tpu.memory_space<vmem>>
          %dma_start3A_452 = tpu.memref_squeeze %dma_start3A_451 : memref<1x128xi32, #tpu.memory_space<vmem>> -> memref<128xi32, #tpu.memory_space<vmem>>
          %dma_start3A_453 = arith.constant 0 : i32
          %dma_start3A_454 = tpu.memref_slice %arg4[%add3A_448, %dma_start3A_453] : memref<2560x128xi32, #tpu.memory_space<hbm>> -> memref<1x128xi32, #tpu.memory_space<hbm>>
          %dma_start3A_455 = tpu.memref_squeeze %dma_start3A_454 : memref<1x128xi32, #tpu.memory_space<hbm>> -> memref<128xi32, #tpu.memory_space<hbm>>
          %dma_start3A_456 = arith.constant 0 : i32
          %dma_start3A_457 = tpu.memref_slice %arg8[%dma_start3A_449, %dma_start3A_456] : memref<4x128xi32, #tpu.memory_space<vmem>> -> memref<1x128xi32, #tpu.memory_space<vmem>>
          %dma_start3A_458 = tpu.memref_squeeze %dma_start3A_457 : memref<1x128xi32, #tpu.memory_space<vmem>> -> memref<128xi32, #tpu.memory_space<vmem>>
          %dma_start3A_459 = arith.constant 0 : i32
          %dma_start3A_460 = tpu.memref_slice %arg4[%add3A_448, %dma_start3A_459] : memref<2560x128xi32, #tpu.memory_space<hbm>> -> memref<1x128xi32, #tpu.memory_space<hbm>>
          %dma_start3A_461 = tpu.memref_squeeze %dma_start3A_460 : memref<1x128xi32, #tpu.memory_space<hbm>> -> memref<128xi32, #tpu.memory_space<hbm>>
          tpu.enqueue_dma source(%dma_start3A_461 : memref<128xi32, #tpu.memory_space<hbm>>) target(%dma_start3A_458 : memref<128xi32, #tpu.memory_space<vmem>>) target_semaphore(%arg11 : memref<!tpu.dma_semaphore, #tpu.memory_space<semaphore_mem>>)
        } else {
        }
        %add3A_263 = arith.constant 2 : i32
        %add3A_264 = arith.addi %add3A_220, %add3A_263 : i32
        %lt3A_265 = arith.constant 160 : i32
        %lt3A_266 = arith.cmpi slt, %add3A_264, %lt3A_265 : i32
        %convert_element_type3A_267 = arith.extui %lt3A_266 : i1 to i32
        %cond3A_268 = arith.constant 0 : i32
        %cond3A_269 = arith.cmpi ne, %convert_element_type3A_267, %cond3A_268 : i32
        scf.if %cond3A_269 {
          %dma_wait3A_432 = arith.constant 0 : i32
          %dma_wait3A_433 = arith.constant 2 : i32
          %dma_wait3A_434 = arith.constant 0 : i32
          %dma_wait3A_435 = tpu.memref_slice %arg7[%dma_wait3A_433, %dma_wait3A_434] : memref<4x128xi32, #tpu.memory_space<vmem>> -> memref<1x128xi32, #tpu.memory_space<vmem>>
          %dma_wait3A_436 = tpu.memref_squeeze %dma_wait3A_435 : memref<1x128xi32, #tpu.memory_space<vmem>> -> memref<128xi32, #tpu.memory_space<vmem>>
          %dma_wait3A_437 = arith.constant 0 : i32
          %dma_wait3A_438 = tpu.memref_slice %arg3[%dma_wait3A_432, %dma_wait3A_437] : memref<2560x128xi32, #tpu.memory_space<hbm>> -> memref<1x128xi32, #tpu.memory_space<hbm>>
          %dma_wait3A_439 = tpu.memref_squeeze %dma_wait3A_438 : memref<1x128xi32, #tpu.memory_space<hbm>> -> memref<128xi32, #tpu.memory_space<hbm>>
          %dma_wait3A_440 = arith.constant 0 : i32
          %dma_wait3A_441 = tpu.memref_slice %arg7[%dma_wait3A_433, %dma_wait3A_440] : memref<4x128xi32, #tpu.memory_space<vmem>> -> memref<1x128xi32, #tpu.memory_space<vmem>>
          %dma_wait3A_442 = tpu.memref_squeeze %dma_wait3A_441 : memref<1x128xi32, #tpu.memory_space<vmem>> -> memref<128xi32, #tpu.memory_space<vmem>>
          %dma_wait3A_443 = arith.constant 0 : i32
          %dma_wait3A_444 = tpu.memref_slice %arg3[%dma_wait3A_432, %dma_wait3A_443] : memref<2560x128xi32, #tpu.memory_space<hbm>> -> memref<1x128xi32, #tpu.memory_space<hbm>>
          %dma_wait3A_445 = tpu.memref_squeeze %dma_wait3A_444 : memref<1x128xi32, #tpu.memory_space<hbm>> -> memref<128xi32, #tpu.memory_space<hbm>>
          tpu.wait_dma2 semaphore(%arg13 : memref<!tpu.dma_semaphore, #tpu.memory_space<semaphore_mem>>) src(%dma_wait3A_445 : memref<128xi32, #tpu.memory_space<hbm>>) dst(%dma_wait3A_442 : memref<128xi32, #tpu.memory_space<vmem>>)
          %dma_wait3A_446 = arith.constant 0 : i32
          %dma_wait3A_447 = arith.constant 2 : i32
          %dma_wait3A_448 = arith.constant 0 : i32
          %dma_wait3A_449 = tpu.memref_slice %arg8[%dma_wait3A_447, %dma_wait3A_448] : memref<4x128xi32, #tpu.memory_space<vmem>> -> memref<1x128xi32, #tpu.memory_space<vmem>>
          %dma_wait3A_450 = tpu.memref_squeeze %dma_wait3A_449 : memref<1x128xi32, #tpu.memory_space<vmem>> -> memref<128xi32, #tpu.memory_space<vmem>>
          %dma_wait3A_451 = arith.constant 0 : i32
          %dma_wait3A_452 = tpu.memref_slice %arg3[%dma_wait3A_446, %dma_wait3A_451] : memref<2560x128xi32, #tpu.memory_space<hbm>> -> memref<1x128xi32, #tpu.memory_space<hbm>>
          %dma_wait3A_453 = tpu.memref_squeeze %dma_wait3A_452 : memref<1x128xi32, #tpu.memory_space<hbm>> -> memref<128xi32, #tpu.memory_space<hbm>>
          %dma_wait3A_454 = arith.constant 0 : i32
          %dma_wait3A_455 = tpu.memref_slice %arg8[%dma_wait3A_447, %dma_wait3A_454] : memref<4x128xi32, #tpu.memory_space<vmem>> -> memref<1x128xi32, #tpu.memory_space<vmem>>
          %dma_wait3A_456 = tpu.memref_squeeze %dma_wait3A_455 : memref<1x128xi32, #tpu.memory_space<vmem>> -> memref<128xi32, #tpu.memory_space<vmem>>
          %dma_wait3A_457 = arith.constant 0 : i32
          %dma_wait3A_458 = tpu.memref_slice %arg3[%dma_wait3A_446, %dma_wait3A_457] : memref<2560x128xi32, #tpu.memory_space<hbm>> -> memref<1x128xi32, #tpu.memory_space<hbm>>
          %dma_wait3A_459 = tpu.memref_squeeze %dma_wait3A_458 : memref<1x128xi32, #tpu.memory_space<hbm>> -> memref<128xi32, #tpu.memory_space<hbm>>
          tpu.wait_dma2 semaphore(%arg13 : memref<!tpu.dma_semaphore, #tpu.memory_space<semaphore_mem>>) src(%dma_wait3A_459 : memref<128xi32, #tpu.memory_space<hbm>>) dst(%dma_wait3A_456 : memref<128xi32, #tpu.memory_space<vmem>>)
          %dma_start3A_460 = arith.constant 2 : i32
          %dma_start3A_461 = arith.constant 0 : i32
          %dma_start3A_462 = arith.constant 0 : i32
          %dma_start3A_463 = arith.constant 0 : i32
          %dma_start3A_464 = tpu.memref_slice %arg9[%dma_start3A_461, %dma_start3A_462, %dma_start3A_463] : memref<2x128x128xf32, #tpu.memory_space<vmem>> -> memref<1x128x128xf32, #tpu.memory_space<vmem>>
          %dma_start3A_465 = tpu.memref_squeeze %dma_start3A_464 : memref<1x128x128xf32, #tpu.memory_space<vmem>> -> memref<128x128xf32, #tpu.memory_space<vmem>>
          %dma_start3A_466 = arith.constant 0 : i32
          %dma_start3A_467 = tpu.memref_slice %arg7[%dma_start3A_460, %dma_start3A_466] : memref<4x128xi32, #tpu.memory_space<vmem>> -> memref<1x128xi32, #tpu.memory_space<vmem>>
          %dma_start3A_468 = tpu.memref_squeeze %dma_start3A_467 : memref<1x128xi32, #tpu.memory_space<vmem>> -> memref<128xi32, #tpu.memory_space<vmem>>
          %dma_start3A_469 = arith.constant 0 : i32
          %dma_start3A_470 = arith.constant 0 : i32
          %dma_start3A_471 = tpu.memref_slice %arg2[%dma_start3A_469, %dma_start3A_470] : memref<10240x128xf32, #tpu.memory_space<hbm>> -> memref<10240x128xf32, #tpu.memory_space<hbm>>
          tpu.enqueue_indirect_dma source(%dma_start3A_471 : memref<10240x128xf32, #tpu.memory_space<hbm>>) target(%dma_start3A_465 : memref<128x128xf32, #tpu.memory_space<vmem>>) offsets(%dma_start3A_468 : memref<128xi32, #tpu.memory_space<vmem>>) semaphore(%arg15 : memref<!tpu.dma_semaphore, #tpu.memory_space<semaphore_mem>>)
        } else {
        }
        %mul3A_270 = arith.constant 4 : i32
        %mul3A_271 = arith.muli %scan3A_216, %mul3A_270 : i32
        %add3A_272 = arith.constant 1 : i32
        %add3A_273 = arith.addi %mul3A_271, %add3A_272 : i32
        %dma_wait3A_274 = arith.constant 0 : i32
        %dma_wait3A_275 = arith.constant 1 : i32
        %dma_wait3A_276 = arith.constant 0 : i32
        %dma_wait3A_277 = arith.constant 0 : i32
        %dma_wait3A_278 = tpu.memref_slice %arg9[%dma_wait3A_275, %dma_wait3A_276, %dma_wait3A_277] : memref<2x128x128xf32, #tpu.memory_space<vmem>> -> memref<1x128x128xf32, #tpu.memory_space<vmem>>
        %dma_wait3A_279 = tpu.memref_squeeze %dma_wait3A_278 : memref<1x128x128xf32, #tpu.memory_space<vmem>> -> memref<128x128xf32, #tpu.memory_space<vmem>>
        %dma_wait3A_280 = arith.constant 0 : i32
        %dma_wait3A_281 = tpu.memref_slice %arg7[%dma_wait3A_274, %dma_wait3A_280] : memref<4x128xi32, #tpu.memory_space<vmem>> -> memref<1x128xi32, #tpu.memory_space<vmem>>
        %dma_wait3A_282 = tpu.memref_squeeze %dma_wait3A_281 : memref<1x128xi32, #tpu.memory_space<vmem>> -> memref<128xi32, #tpu.memory_space<vmem>>
        %dma_wait3A_283 = arith.constant 0 : i32
        %dma_wait3A_284 = arith.constant 0 : i32
        %dma_wait3A_285 = tpu.memref_slice %arg2[%dma_wait3A_283, %dma_wait3A_284] : memref<10240x128xf32, #tpu.memory_space<hbm>> -> memref<10240x128xf32, #tpu.memory_space<hbm>>
        tpu.wait_indirect_dma semaphore(%arg16 : memref<!tpu.dma_semaphore, #tpu.memory_space<semaphore_mem>>) src(%dma_wait3A_285 : memref<10240x128xf32, #tpu.memory_space<hbm>>) dst(%dma_wait3A_279 : memref<128x128xf32, #tpu.memory_space<vmem>>)
        %dma_start3A_286 = arith.constant 1 : i32
        %dma_start3A_287 = arith.constant 1 : i32
        %dma_start3A_288 = arith.constant 0 : i32
        %dma_start3A_289 = arith.constant 0 : i32
        %dma_start3A_290 = tpu.memref_slice %arg9[%dma_start3A_286, %dma_start3A_288, %dma_start3A_289] : memref<2x128x128xf32, #tpu.memory_space<vmem>> -> memref<1x128x128xf32, #tpu.memory_space<vmem>>
        %dma_start3A_291 = tpu.memref_squeeze %dma_start3A_290 : memref<1x128x128xf32, #tpu.memory_space<vmem>> -> memref<128x128xf32, #tpu.memory_space<vmem>>
        %dma_start3A_292 = arith.constant 0 : i32
        %dma_start3A_293 = tpu.memref_slice %arg8[%dma_start3A_287, %dma_start3A_292] : memref<4x128xi32, #tpu.memory_space<vmem>> -> memref<1x128xi32, #tpu.memory_space<vmem>>
        %dma_start3A_294 = tpu.memref_squeeze %dma_start3A_293 : memref<1x128xi32, #tpu.memory_space<vmem>> -> memref<128xi32, #tpu.memory_space<vmem>>
        %dma_start3A_295 = arith.constant 0 : i32
        %dma_start3A_296 = arith.constant 0 : i32
        %dma_start3A_297 = tpu.memref_slice %arg10[%dma_start3A_295, %dma_start3A_296] : memref<10240x128xf32, #tpu.memory_space<vmem_shared>> -> memref<10240x128xf32, #tpu.memory_space<vmem_shared>>
        tpu.enqueue_indirect_dma source(%dma_start3A_291 : memref<128x128xf32, #tpu.memory_space<vmem>>) target(%dma_start3A_297 : memref<10240x128xf32, #tpu.memory_space<vmem_shared>>) offsets(%dma_start3A_294 : memref<128xi32, #tpu.memory_space<vmem>>) semaphore(%arg18 : memref<!tpu.dma_semaphore, #tpu.memory_space<semaphore_mem>>) {add = true}
        %dma_wait3A_298 = arith.constant 1 : i32
        %dma_wait3A_299 = arith.constant 0 : i32
        %dma_wait3A_300 = arith.constant 0 : i32
        %dma_wait3A_301 = arith.constant 0 : i32
        %dma_wait3A_302 = tpu.memref_slice %arg9[%dma_wait3A_298, %dma_wait3A_300, %dma_wait3A_301] : memref<2x128x128xf32, #tpu.memory_space<vmem>> -> memref<1x128x128xf32, #tpu.memory_space<vmem>>
        %dma_wait3A_303 = tpu.memref_squeeze %dma_wait3A_302 : memref<1x128x128xf32, #tpu.memory_space<vmem>> -> memref<128x128xf32, #tpu.memory_space<vmem>>
        %dma_wait3A_304 = arith.constant 0 : i32
        %dma_wait3A_305 = tpu.memref_slice %arg8[%dma_wait3A_299, %dma_wait3A_304] : memref<4x128xi32, #tpu.memory_space<vmem>> -> memref<1x128xi32, #tpu.memory_space<vmem>>
        %dma_wait3A_306 = tpu.memref_squeeze %dma_wait3A_305 : memref<1x128xi32, #tpu.memory_space<vmem>> -> memref<128xi32, #tpu.memory_space<vmem>>
        %dma_wait3A_307 = arith.constant 0 : i32
        %dma_wait3A_308 = arith.constant 0 : i32
        %dma_wait3A_309 = tpu.memref_slice %arg10[%dma_wait3A_307, %dma_wait3A_308] : memref<10240x128xf32, #tpu.memory_space<vmem_shared>> -> memref<10240x128xf32, #tpu.memory_space<vmem_shared>>
        tpu.wait_indirect_dma semaphore(%arg18 : memref<!tpu.dma_semaphore, #tpu.memory_space<semaphore_mem>>) src(%dma_wait3A_303 : memref<128x128xf32, #tpu.memory_space<vmem>>) dst(%dma_wait3A_309 : memref<10240x128xf32, #tpu.memory_space<vmem_shared>>)
        %add3A_310 = arith.constant 4 : i32
        %add3A_311 = arith.addi %add3A_273, %add3A_310 : i32
        %lt3A_312 = arith.constant 160 : i32
        %lt3A_313 = arith.cmpi slt, %add3A_311, %lt3A_312 : i32
        %convert_element_type3A_314 = arith.extui %lt3A_313 : i1 to i32
        %cond3A_315 = arith.constant 0 : i32
        %cond3A_316 = arith.cmpi ne, %convert_element_type3A_314, %cond3A_315 : i32
        scf.if %cond3A_316 {
          %add3A_432 = arith.constant 4 : i32
          %add3A_433 = arith.addi %add3A_273, %add3A_432 : i32
          %add3A_434 = arith.addi %mul3A_0, %add3A_433 : i32
          %dma_start3A_435 = arith.constant 1 : i32
          %dma_start3A_436 = arith.constant 0 : i32
          %dma_start3A_437 = tpu.memref_slice %arg7[%dma_start3A_435, %dma_start3A_436] : memref<4x128xi32, #tpu.memory_space<vmem>> -> memref<1x128xi32, #tpu.memory_space<vmem>>
          %dma_start3A_438 = tpu.memref_squeeze %dma_start3A_437 : memref<1x128xi32, #tpu.memory_space<vmem>> -> memref<128xi32, #tpu.memory_space<vmem>>
          %dma_start3A_439 = arith.constant 0 : i32
          %dma_start3A_440 = tpu.memref_slice %arg3[%add3A_434, %dma_start3A_439] : memref<2560x128xi32, #tpu.memory_space<hbm>> -> memref<1x128xi32, #tpu.memory_space<hbm>>
          %dma_start3A_441 = tpu.memref_squeeze %dma_start3A_440 : memref<1x128xi32, #tpu.memory_space<hbm>> -> memref<128xi32, #tpu.memory_space<hbm>>
          %dma_start3A_442 = arith.constant 0 : i32
          %dma_start3A_443 = tpu.memref_slice %arg7[%dma_start3A_435, %dma_start3A_442] : memref<4x128xi32, #tpu.memory_space<vmem>> -> memref<1x128xi32, #tpu.memory_space<vmem>>
          %dma_start3A_444 = tpu.memref_squeeze %dma_start3A_443 : memref<1x128xi32, #tpu.memory_space<vmem>> -> memref<128xi32, #tpu.memory_space<vmem>>
          %dma_start3A_445 = arith.constant 0 : i32
          %dma_start3A_446 = tpu.memref_slice %arg3[%add3A_434, %dma_start3A_445] : memref<2560x128xi32, #tpu.memory_space<hbm>> -> memref<1x128xi32, #tpu.memory_space<hbm>>
          %dma_start3A_447 = tpu.memref_squeeze %dma_start3A_446 : memref<1x128xi32, #tpu.memory_space<hbm>> -> memref<128xi32, #tpu.memory_space<hbm>>
          tpu.enqueue_dma source(%dma_start3A_447 : memref<128xi32, #tpu.memory_space<hbm>>) target(%dma_start3A_444 : memref<128xi32, #tpu.memory_space<vmem>>) target_semaphore(%arg12 : memref<!tpu.dma_semaphore, #tpu.memory_space<semaphore_mem>>)
          %add3A_448 = arith.addi %mul3A_0, %add3A_433 : i32
          %dma_start3A_449 = arith.constant 1 : i32
          %dma_start3A_450 = arith.constant 0 : i32
          %dma_start3A_451 = tpu.memref_slice %arg8[%dma_start3A_449, %dma_start3A_450] : memref<4x128xi32, #tpu.memory_space<vmem>> -> memref<1x128xi32, #tpu.memory_space<vmem>>
          %dma_start3A_452 = tpu.memref_squeeze %dma_start3A_451 : memref<1x128xi32, #tpu.memory_space<vmem>> -> memref<128xi32, #tpu.memory_space<vmem>>
          %dma_start3A_453 = arith.constant 0 : i32
          %dma_start3A_454 = tpu.memref_slice %arg4[%add3A_448, %dma_start3A_453] : memref<2560x128xi32, #tpu.memory_space<hbm>> -> memref<1x128xi32, #tpu.memory_space<hbm>>
          %dma_start3A_455 = tpu.memref_squeeze %dma_start3A_454 : memref<1x128xi32, #tpu.memory_space<hbm>> -> memref<128xi32, #tpu.memory_space<hbm>>
          %dma_start3A_456 = arith.constant 0 : i32
          %dma_start3A_457 = tpu.memref_slice %arg8[%dma_start3A_449, %dma_start3A_456] : memref<4x128xi32, #tpu.memory_space<vmem>> -> memref<1x128xi32, #tpu.memory_space<vmem>>
          %dma_start3A_458 = tpu.memref_squeeze %dma_start3A_457 : memref<1x128xi32, #tpu.memory_space<vmem>> -> memref<128xi32, #tpu.memory_space<vmem>>
          %dma_start3A_459 = arith.constant 0 : i32
          %dma_start3A_460 = tpu.memref_slice %arg4[%add3A_448, %dma_start3A_459] : memref<2560x128xi32, #tpu.memory_space<hbm>> -> memref<1x128xi32, #tpu.memory_space<hbm>>
          %dma_start3A_461 = tpu.memref_squeeze %dma_start3A_460 : memref<1x128xi32, #tpu.memory_space<hbm>> -> memref<128xi32, #tpu.memory_space<hbm>>
          tpu.enqueue_dma source(%dma_start3A_461 : memref<128xi32, #tpu.memory_space<hbm>>) target(%dma_start3A_458 : memref<128xi32, #tpu.memory_space<vmem>>) target_semaphore(%arg12 : memref<!tpu.dma_semaphore, #tpu.memory_space<semaphore_mem>>)
        } else {
        }
        %add3A_317 = arith.constant 2 : i32
        %add3A_318 = arith.addi %add3A_273, %add3A_317 : i32
        %lt3A_319 = arith.constant 160 : i32
        %lt3A_320 = arith.cmpi slt, %add3A_318, %lt3A_319 : i32
        %convert_element_type3A_321 = arith.extui %lt3A_320 : i1 to i32
        %cond3A_322 = arith.constant 0 : i32
        %cond3A_323 = arith.cmpi ne, %convert_element_type3A_321, %cond3A_322 : i32
        scf.if %cond3A_323 {
          %dma_wait3A_432 = arith.constant 0 : i32
          %dma_wait3A_433 = arith.constant 3 : i32
          %dma_wait3A_434 = arith.constant 0 : i32
          %dma_wait3A_435 = tpu.memref_slice %arg7[%dma_wait3A_433, %dma_wait3A_434] : memref<4x128xi32, #tpu.memory_space<vmem>> -> memref<1x128xi32, #tpu.memory_space<vmem>>
          %dma_wait3A_436 = tpu.memref_squeeze %dma_wait3A_435 : memref<1x128xi32, #tpu.memory_space<vmem>> -> memref<128xi32, #tpu.memory_space<vmem>>
          %dma_wait3A_437 = arith.constant 0 : i32
          %dma_wait3A_438 = tpu.memref_slice %arg3[%dma_wait3A_432, %dma_wait3A_437] : memref<2560x128xi32, #tpu.memory_space<hbm>> -> memref<1x128xi32, #tpu.memory_space<hbm>>
          %dma_wait3A_439 = tpu.memref_squeeze %dma_wait3A_438 : memref<1x128xi32, #tpu.memory_space<hbm>> -> memref<128xi32, #tpu.memory_space<hbm>>
          %dma_wait3A_440 = arith.constant 0 : i32
          %dma_wait3A_441 = tpu.memref_slice %arg7[%dma_wait3A_433, %dma_wait3A_440] : memref<4x128xi32, #tpu.memory_space<vmem>> -> memref<1x128xi32, #tpu.memory_space<vmem>>
          %dma_wait3A_442 = tpu.memref_squeeze %dma_wait3A_441 : memref<1x128xi32, #tpu.memory_space<vmem>> -> memref<128xi32, #tpu.memory_space<vmem>>
          %dma_wait3A_443 = arith.constant 0 : i32
          %dma_wait3A_444 = tpu.memref_slice %arg3[%dma_wait3A_432, %dma_wait3A_443] : memref<2560x128xi32, #tpu.memory_space<hbm>> -> memref<1x128xi32, #tpu.memory_space<hbm>>
          %dma_wait3A_445 = tpu.memref_squeeze %dma_wait3A_444 : memref<1x128xi32, #tpu.memory_space<hbm>> -> memref<128xi32, #tpu.memory_space<hbm>>
          tpu.wait_dma2 semaphore(%arg14 : memref<!tpu.dma_semaphore, #tpu.memory_space<semaphore_mem>>) src(%dma_wait3A_445 : memref<128xi32, #tpu.memory_space<hbm>>) dst(%dma_wait3A_442 : memref<128xi32, #tpu.memory_space<vmem>>)
          %dma_wait3A_446 = arith.constant 0 : i32
          %dma_wait3A_447 = arith.constant 3 : i32
          %dma_wait3A_448 = arith.constant 0 : i32
          %dma_wait3A_449 = tpu.memref_slice %arg8[%dma_wait3A_447, %dma_wait3A_448] : memref<4x128xi32, #tpu.memory_space<vmem>> -> memref<1x128xi32, #tpu.memory_space<vmem>>
          %dma_wait3A_450 = tpu.memref_squeeze %dma_wait3A_449 : memref<1x128xi32, #tpu.memory_space<vmem>> -> memref<128xi32, #tpu.memory_space<vmem>>
          %dma_wait3A_451 = arith.constant 0 : i32
          %dma_wait3A_452 = tpu.memref_slice %arg3[%dma_wait3A_446, %dma_wait3A_451] : memref<2560x128xi32, #tpu.memory_space<hbm>> -> memref<1x128xi32, #tpu.memory_space<hbm>>
          %dma_wait3A_453 = tpu.memref_squeeze %dma_wait3A_452 : memref<1x128xi32, #tpu.memory_space<hbm>> -> memref<128xi32, #tpu.memory_space<hbm>>
          %dma_wait3A_454 = arith.constant 0 : i32
          %dma_wait3A_455 = tpu.memref_slice %arg8[%dma_wait3A_447, %dma_wait3A_454] : memref<4x128xi32, #tpu.memory_space<vmem>> -> memref<1x128xi32, #tpu.memory_space<vmem>>
          %dma_wait3A_456 = tpu.memref_squeeze %dma_wait3A_455 : memref<1x128xi32, #tpu.memory_space<vmem>> -> memref<128xi32, #tpu.memory_space<vmem>>
          %dma_wait3A_457 = arith.constant 0 : i32
          %dma_wait3A_458 = tpu.memref_slice %arg3[%dma_wait3A_446, %dma_wait3A_457] : memref<2560x128xi32, #tpu.memory_space<hbm>> -> memref<1x128xi32, #tpu.memory_space<hbm>>
          %dma_wait3A_459 = tpu.memref_squeeze %dma_wait3A_458 : memref<1x128xi32, #tpu.memory_space<hbm>> -> memref<128xi32, #tpu.memory_space<hbm>>
          tpu.wait_dma2 semaphore(%arg14 : memref<!tpu.dma_semaphore, #tpu.memory_space<semaphore_mem>>) src(%dma_wait3A_459 : memref<128xi32, #tpu.memory_space<hbm>>) dst(%dma_wait3A_456 : memref<128xi32, #tpu.memory_space<vmem>>)
          %dma_start3A_460 = arith.constant 3 : i32
          %dma_start3A_461 = arith.constant 1 : i32
          %dma_start3A_462 = arith.constant 0 : i32
          %dma_start3A_463 = arith.constant 0 : i32
          %dma_start3A_464 = tpu.memref_slice %arg9[%dma_start3A_461, %dma_start3A_462, %dma_start3A_463] : memref<2x128x128xf32, #tpu.memory_space<vmem>> -> memref<1x128x128xf32, #tpu.memory_space<vmem>>
          %dma_start3A_465 = tpu.memref_squeeze %dma_start3A_464 : memref<1x128x128xf32, #tpu.memory_space<vmem>> -> memref<128x128xf32, #tpu.memory_space<vmem>>
          %dma_start3A_466 = arith.constant 0 : i32
          %dma_start3A_467 = tpu.memref_slice %arg7[%dma_start3A_460, %dma_start3A_466] : memref<4x128xi32, #tpu.memory_space<vmem>> -> memref<1x128xi32, #tpu.memory_space<vmem>>
          %dma_start3A_468 = tpu.memref_squeeze %dma_start3A_467 : memref<1x128xi32, #tpu.memory_space<vmem>> -> memref<128xi32, #tpu.memory_space<vmem>>
          %dma_start3A_469 = arith.constant 0 : i32
          %dma_start3A_470 = arith.constant 0 : i32
          %dma_start3A_471 = tpu.memref_slice %arg2[%dma_start3A_469, %dma_start3A_470] : memref<10240x128xf32, #tpu.memory_space<hbm>> -> memref<10240x128xf32, #tpu.memory_space<hbm>>
          tpu.enqueue_indirect_dma source(%dma_start3A_471 : memref<10240x128xf32, #tpu.memory_space<hbm>>) target(%dma_start3A_465 : memref<128x128xf32, #tpu.memory_space<vmem>>) offsets(%dma_start3A_468 : memref<128xi32, #tpu.memory_space<vmem>>) semaphore(%arg16 : memref<!tpu.dma_semaphore, #tpu.memory_space<semaphore_mem>>)
        } else {
        }
        %mul3A_324 = arith.constant 4 : i32
        %mul3A_325 = arith.muli %scan3A_216, %mul3A_324 : i32
        %add3A_326 = arith.constant 2 : i32
        %add3A_327 = arith.addi %mul3A_325, %add3A_326 : i32
        %dma_wait3A_328 = arith.constant 0 : i32
        %dma_wait3A_329 = arith.constant 0 : i32
        %dma_wait3A_330 = arith.constant 0 : i32
        %dma_wait3A_331 = arith.constant 0 : i32
        %dma_wait3A_332 = tpu.memref_slice %arg9[%dma_wait3A_329, %dma_wait3A_330, %dma_wait3A_331] : memref<2x128x128xf32, #tpu.memory_space<vmem>> -> memref<1x128x128xf32, #tpu.memory_space<vmem>>
        %dma_wait3A_333 = tpu.memref_squeeze %dma_wait3A_332 : memref<1x128x128xf32, #tpu.memory_space<vmem>> -> memref<128x128xf32, #tpu.memory_space<vmem>>
        %dma_wait3A_334 = arith.constant 0 : i32
        %dma_wait3A_335 = tpu.memref_slice %arg7[%dma_wait3A_328, %dma_wait3A_334] : memref<4x128xi32, #tpu.memory_space<vmem>> -> memref<1x128xi32, #tpu.memory_space<vmem>>
        %dma_wait3A_336 = tpu.memref_squeeze %dma_wait3A_335 : memref<1x128xi32, #tpu.memory_space<vmem>> -> memref<128xi32, #tpu.memory_space<vmem>>
        %dma_wait3A_337 = arith.constant 0 : i32
        %dma_wait3A_338 = arith.constant 0 : i32
        %dma_wait3A_339 = tpu.memref_slice %arg2[%dma_wait3A_337, %dma_wait3A_338] : memref<10240x128xf32, #tpu.memory_space<hbm>> -> memref<10240x128xf32, #tpu.memory_space<hbm>>
        tpu.wait_indirect_dma semaphore(%arg15 : memref<!tpu.dma_semaphore, #tpu.memory_space<semaphore_mem>>) src(%dma_wait3A_339 : memref<10240x128xf32, #tpu.memory_space<hbm>>) dst(%dma_wait3A_333 : memref<128x128xf32, #tpu.memory_space<vmem>>)
        %dma_start3A_340 = arith.constant 0 : i32
        %dma_start3A_341 = arith.constant 2 : i32
        %dma_start3A_342 = arith.constant 0 : i32
        %dma_start3A_343 = arith.constant 0 : i32
        %dma_start3A_344 = tpu.memref_slice %arg9[%dma_start3A_340, %dma_start3A_342, %dma_start3A_343] : memref<2x128x128xf32, #tpu.memory_space<vmem>> -> memref<1x128x128xf32, #tpu.memory_space<vmem>>
        %dma_start3A_345 = tpu.memref_squeeze %dma_start3A_344 : memref<1x128x128xf32, #tpu.memory_space<vmem>> -> memref<128x128xf32, #tpu.memory_space<vmem>>
        %dma_start3A_346 = arith.constant 0 : i32
        %dma_start3A_347 = tpu.memref_slice %arg8[%dma_start3A_341, %dma_start3A_346] : memref<4x128xi32, #tpu.memory_space<vmem>> -> memref<1x128xi32, #tpu.memory_space<vmem>>
        %dma_start3A_348 = tpu.memref_squeeze %dma_start3A_347 : memref<1x128xi32, #tpu.memory_space<vmem>> -> memref<128xi32, #tpu.memory_space<vmem>>
        %dma_start3A_349 = arith.constant 0 : i32
        %dma_start3A_350 = arith.constant 0 : i32
        %dma_start3A_351 = tpu.memref_slice %arg10[%dma_start3A_349, %dma_start3A_350] : memref<10240x128xf32, #tpu.memory_space<vmem_shared>> -> memref<10240x128xf32, #tpu.memory_space<vmem_shared>>
        tpu.enqueue_indirect_dma source(%dma_start3A_345 : memref<128x128xf32, #tpu.memory_space<vmem>>) target(%dma_start3A_351 : memref<10240x128xf32, #tpu.memory_space<vmem_shared>>) offsets(%dma_start3A_348 : memref<128xi32, #tpu.memory_space<vmem>>) semaphore(%arg17 : memref<!tpu.dma_semaphore, #tpu.memory_space<semaphore_mem>>) {add = true}
        %dma_wait3A_352 = arith.constant 0 : i32
        %dma_wait3A_353 = arith.constant 0 : i32
        %dma_wait3A_354 = arith.constant 0 : i32
        %dma_wait3A_355 = arith.constant 0 : i32
        %dma_wait3A_356 = tpu.memref_slice %arg9[%dma_wait3A_352, %dma_wait3A_354, %dma_wait3A_355] : memref<2x128x128xf32, #tpu.memory_space<vmem>> -> memref<1x128x128xf32, #tpu.memory_space<vmem>>
        %dma_wait3A_357 = tpu.memref_squeeze %dma_wait3A_356 : memref<1x128x128xf32, #tpu.memory_space<vmem>> -> memref<128x128xf32, #tpu.memory_space<vmem>>
        %dma_wait3A_358 = arith.constant 0 : i32
        %dma_wait3A_359 = tpu.memref_slice %arg8[%dma_wait3A_353, %dma_wait3A_358] : memref<4x128xi32, #tpu.memory_space<vmem>> -> memref<1x128xi32, #tpu.memory_space<vmem>>
        %dma_wait3A_360 = tpu.memref_squeeze %dma_wait3A_359 : memref<1x128xi32, #tpu.memory_space<vmem>> -> memref<128xi32, #tpu.memory_space<vmem>>
        %dma_wait3A_361 = arith.constant 0 : i32
        %dma_wait3A_362 = arith.constant 0 : i32
        %dma_wait3A_363 = tpu.memref_slice %arg10[%dma_wait3A_361, %dma_wait3A_362] : memref<10240x128xf32, #tpu.memory_space<vmem_shared>> -> memref<10240x128xf32, #tpu.memory_space<vmem_shared>>
        tpu.wait_indirect_dma semaphore(%arg17 : memref<!tpu.dma_semaphore, #tpu.memory_space<semaphore_mem>>) src(%dma_wait3A_357 : memref<128x128xf32, #tpu.memory_space<vmem>>) dst(%dma_wait3A_363 : memref<10240x128xf32, #tpu.memory_space<vmem_shared>>)
        %add3A_364 = arith.constant 4 : i32
        %add3A_365 = arith.addi %add3A_327, %add3A_364 : i32
        %lt3A_366 = arith.constant 160 : i32
        %lt3A_367 = arith.cmpi slt, %add3A_365, %lt3A_366 : i32
        %convert_element_type3A_368 = arith.extui %lt3A_367 : i1 to i32
        %cond3A_369 = arith.constant 0 : i32
        %cond3A_370 = arith.cmpi ne, %convert_element_type3A_368, %cond3A_369 : i32
        scf.if %cond3A_370 {
          %add3A_432 = arith.constant 4 : i32
          %add3A_433 = arith.addi %add3A_327, %add3A_432 : i32
          %add3A_434 = arith.addi %mul3A_0, %add3A_433 : i32
          %dma_start3A_435 = arith.constant 2 : i32
          %dma_start3A_436 = arith.constant 0 : i32
          %dma_start3A_437 = tpu.memref_slice %arg7[%dma_start3A_435, %dma_start3A_436] : memref<4x128xi32, #tpu.memory_space<vmem>> -> memref<1x128xi32, #tpu.memory_space<vmem>>
          %dma_start3A_438 = tpu.memref_squeeze %dma_start3A_437 : memref<1x128xi32, #tpu.memory_space<vmem>> -> memref<128xi32, #tpu.memory_space<vmem>>
          %dma_start3A_439 = arith.constant 0 : i32
          %dma_start3A_440 = tpu.memref_slice %arg3[%add3A_434, %dma_start3A_439] : memref<2560x128xi32, #tpu.memory_space<hbm>> -> memref<1x128xi32, #tpu.memory_space<hbm>>
          %dma_start3A_441 = tpu.memref_squeeze %dma_start3A_440 : memref<1x128xi32, #tpu.memory_space<hbm>> -> memref<128xi32, #tpu.memory_space<hbm>>
          %dma_start3A_442 = arith.constant 0 : i32
          %dma_start3A_443 = tpu.memref_slice %arg7[%dma_start3A_435, %dma_start3A_442] : memref<4x128xi32, #tpu.memory_space<vmem>> -> memref<1x128xi32, #tpu.memory_space<vmem>>
          %dma_start3A_444 = tpu.memref_squeeze %dma_start3A_443 : memref<1x128xi32, #tpu.memory_space<vmem>> -> memref<128xi32, #tpu.memory_space<vmem>>
          %dma_start3A_445 = arith.constant 0 : i32
          %dma_start3A_446 = tpu.memref_slice %arg3[%add3A_434, %dma_start3A_445] : memref<2560x128xi32, #tpu.memory_space<hbm>> -> memref<1x128xi32, #tpu.memory_space<hbm>>
          %dma_start3A_447 = tpu.memref_squeeze %dma_start3A_446 : memref<1x128xi32, #tpu.memory_space<hbm>> -> memref<128xi32, #tpu.memory_space<hbm>>
          tpu.enqueue_dma source(%dma_start3A_447 : memref<128xi32, #tpu.memory_space<hbm>>) target(%dma_start3A_444 : memref<128xi32, #tpu.memory_space<vmem>>) target_semaphore(%arg13 : memref<!tpu.dma_semaphore, #tpu.memory_space<semaphore_mem>>)
          %add3A_448 = arith.addi %mul3A_0, %add3A_433 : i32
          %dma_start3A_449 = arith.constant 2 : i32
          %dma_start3A_450 = arith.constant 0 : i32
          %dma_start3A_451 = tpu.memref_slice %arg8[%dma_start3A_449, %dma_start3A_450] : memref<4x128xi32, #tpu.memory_space<vmem>> -> memref<1x128xi32, #tpu.memory_space<vmem>>
          %dma_start3A_452 = tpu.memref_squeeze %dma_start3A_451 : memref<1x128xi32, #tpu.memory_space<vmem>> -> memref<128xi32, #tpu.memory_space<vmem>>
          %dma_start3A_453 = arith.constant 0 : i32
          %dma_start3A_454 = tpu.memref_slice %arg4[%add3A_448, %dma_start3A_453] : memref<2560x128xi32, #tpu.memory_space<hbm>> -> memref<1x128xi32, #tpu.memory_space<hbm>>
          %dma_start3A_455 = tpu.memref_squeeze %dma_start3A_454 : memref<1x128xi32, #tpu.memory_space<hbm>> -> memref<128xi32, #tpu.memory_space<hbm>>
          %dma_start3A_456 = arith.constant 0 : i32
          %dma_start3A_457 = tpu.memref_slice %arg8[%dma_start3A_449, %dma_start3A_456] : memref<4x128xi32, #tpu.memory_space<vmem>> -> memref<1x128xi32, #tpu.memory_space<vmem>>
          %dma_start3A_458 = tpu.memref_squeeze %dma_start3A_457 : memref<1x128xi32, #tpu.memory_space<vmem>> -> memref<128xi32, #tpu.memory_space<vmem>>
          %dma_start3A_459 = arith.constant 0 : i32
          %dma_start3A_460 = tpu.memref_slice %arg4[%add3A_448, %dma_start3A_459] : memref<2560x128xi32, #tpu.memory_space<hbm>> -> memref<1x128xi32, #tpu.memory_space<hbm>>
          %dma_start3A_461 = tpu.memref_squeeze %dma_start3A_460 : memref<1x128xi32, #tpu.memory_space<hbm>> -> memref<128xi32, #tpu.memory_space<hbm>>
          tpu.enqueue_dma source(%dma_start3A_461 : memref<128xi32, #tpu.memory_space<hbm>>) target(%dma_start3A_458 : memref<128xi32, #tpu.memory_space<vmem>>) target_semaphore(%arg13 : memref<!tpu.dma_semaphore, #tpu.memory_space<semaphore_mem>>)
        } else {
        }
        %add3A_371 = arith.constant 2 : i32
        %add3A_372 = arith.addi %add3A_327, %add3A_371 : i32
        %lt3A_373 = arith.constant 160 : i32
        %lt3A_374 = arith.cmpi slt, %add3A_372, %lt3A_373 : i32
        %convert_element_type3A_375 = arith.extui %lt3A_374 : i1 to i32
        %cond3A_376 = arith.constant 0 : i32
        %cond3A_377 = arith.cmpi ne, %convert_element_type3A_375, %cond3A_376 : i32
        scf.if %cond3A_377 {
          %dma_wait3A_432 = arith.constant 0 : i32
          %dma_wait3A_433 = arith.constant 0 : i32
          %dma_wait3A_434 = arith.constant 0 : i32
          %dma_wait3A_435 = tpu.memref_slice %arg7[%dma_wait3A_433, %dma_wait3A_434] : memref<4x128xi32, #tpu.memory_space<vmem>> -> memref<1x128xi32, #tpu.memory_space<vmem>>
          %dma_wait3A_436 = tpu.memref_squeeze %dma_wait3A_435 : memref<1x128xi32, #tpu.memory_space<vmem>> -> memref<128xi32, #tpu.memory_space<vmem>>
          %dma_wait3A_437 = arith.constant 0 : i32
          %dma_wait3A_438 = tpu.memref_slice %arg3[%dma_wait3A_432, %dma_wait3A_437] : memref<2560x128xi32, #tpu.memory_space<hbm>> -> memref<1x128xi32, #tpu.memory_space<hbm>>
          %dma_wait3A_439 = tpu.memref_squeeze %dma_wait3A_438 : memref<1x128xi32, #tpu.memory_space<hbm>> -> memref<128xi32, #tpu.memory_space<hbm>>
          %dma_wait3A_440 = arith.constant 0 : i32
          %dma_wait3A_441 = tpu.memref_slice %arg7[%dma_wait3A_433, %dma_wait3A_440] : memref<4x128xi32, #tpu.memory_space<vmem>> -> memref<1x128xi32, #tpu.memory_space<vmem>>
          %dma_wait3A_442 = tpu.memref_squeeze %dma_wait3A_441 : memref<1x128xi32, #tpu.memory_space<vmem>> -> memref<128xi32, #tpu.memory_space<vmem>>
          %dma_wait3A_443 = arith.constant 0 : i32
          %dma_wait3A_444 = tpu.memref_slice %arg3[%dma_wait3A_432, %dma_wait3A_443] : memref<2560x128xi32, #tpu.memory_space<hbm>> -> memref<1x128xi32, #tpu.memory_space<hbm>>
          %dma_wait3A_445 = tpu.memref_squeeze %dma_wait3A_444 : memref<1x128xi32, #tpu.memory_space<hbm>> -> memref<128xi32, #tpu.memory_space<hbm>>
          tpu.wait_dma2 semaphore(%arg11 : memref<!tpu.dma_semaphore, #tpu.memory_space<semaphore_mem>>) src(%dma_wait3A_445 : memref<128xi32, #tpu.memory_space<hbm>>) dst(%dma_wait3A_442 : memref<128xi32, #tpu.memory_space<vmem>>)
          %dma_wait3A_446 = arith.constant 0 : i32
          %dma_wait3A_447 = arith.constant 0 : i32
          %dma_wait3A_448 = arith.constant 0 : i32
          %dma_wait3A_449 = tpu.memref_slice %arg8[%dma_wait3A_447, %dma_wait3A_448] : memref<4x128xi32, #tpu.memory_space<vmem>> -> memref<1x128xi32, #tpu.memory_space<vmem>>
          %dma_wait3A_450 = tpu.memref_squeeze %dma_wait3A_449 : memref<1x128xi32, #tpu.memory_space<vmem>> -> memref<128xi32, #tpu.memory_space<vmem>>
          %dma_wait3A_451 = arith.constant 0 : i32
          %dma_wait3A_452 = tpu.memref_slice %arg3[%dma_wait3A_446, %dma_wait3A_451] : memref<2560x128xi32, #tpu.memory_space<hbm>> -> memref<1x128xi32, #tpu.memory_space<hbm>>
          %dma_wait3A_453 = tpu.memref_squeeze %dma_wait3A_452 : memref<1x128xi32, #tpu.memory_space<hbm>> -> memref<128xi32, #tpu.memory_space<hbm>>
          %dma_wait3A_454 = arith.constant 0 : i32
          %dma_wait3A_455 = tpu.memref_slice %arg8[%dma_wait3A_447, %dma_wait3A_454] : memref<4x128xi32, #tpu.memory_space<vmem>> -> memref<1x128xi32, #tpu.memory_space<vmem>>
          %dma_wait3A_456 = tpu.memref_squeeze %dma_wait3A_455 : memref<1x128xi32, #tpu.memory_space<vmem>> -> memref<128xi32, #tpu.memory_space<vmem>>
          %dma_wait3A_457 = arith.constant 0 : i32
          %dma_wait3A_458 = tpu.memref_slice %arg3[%dma_wait3A_446, %dma_wait3A_457] : memref<2560x128xi32, #tpu.memory_space<hbm>> -> memref<1x128xi32, #tpu.memory_space<hbm>>
          %dma_wait3A_459 = tpu.memref_squeeze %dma_wait3A_458 : memref<1x128xi32, #tpu.memory_space<hbm>> -> memref<128xi32, #tpu.memory_space<hbm>>
          tpu.wait_dma2 semaphore(%arg11 : memref<!tpu.dma_semaphore, #tpu.memory_space<semaphore_mem>>) src(%dma_wait3A_459 : memref<128xi32, #tpu.memory_space<hbm>>) dst(%dma_wait3A_456 : memref<128xi32, #tpu.memory_space<vmem>>)
          %dma_start3A_460 = arith.constant 0 : i32
          %dma_start3A_461 = arith.constant 0 : i32
          %dma_start3A_462 = arith.constant 0 : i32
          %dma_start3A_463 = arith.constant 0 : i32
          %dma_start3A_464 = tpu.memref_slice %arg9[%dma_start3A_461, %dma_start3A_462, %dma_start3A_463] : memref<2x128x128xf32, #tpu.memory_space<vmem>> -> memref<1x128x128xf32, #tpu.memory_space<vmem>>
          %dma_start3A_465 = tpu.memref_squeeze %dma_start3A_464 : memref<1x128x128xf32, #tpu.memory_space<vmem>> -> memref<128x128xf32, #tpu.memory_space<vmem>>
          %dma_start3A_466 = arith.constant 0 : i32
          %dma_start3A_467 = tpu.memref_slice %arg7[%dma_start3A_460, %dma_start3A_466] : memref<4x128xi32, #tpu.memory_space<vmem>> -> memref<1x128xi32, #tpu.memory_space<vmem>>
          %dma_start3A_468 = tpu.memref_squeeze %dma_start3A_467 : memref<1x128xi32, #tpu.memory_space<vmem>> -> memref<128xi32, #tpu.memory_space<vmem>>
          %dma_start3A_469 = arith.constant 0 : i32
          %dma_start3A_470 = arith.constant 0 : i32
          %dma_start3A_471 = tpu.memref_slice %arg2[%dma_start3A_469, %dma_start3A_470] : memref<10240x128xf32, #tpu.memory_space<hbm>> -> memref<10240x128xf32, #tpu.memory_space<hbm>>
          tpu.enqueue_indirect_dma source(%dma_start3A_471 : memref<10240x128xf32, #tpu.memory_space<hbm>>) target(%dma_start3A_465 : memref<128x128xf32, #tpu.memory_space<vmem>>) offsets(%dma_start3A_468 : memref<128xi32, #tpu.memory_space<vmem>>) semaphore(%arg15 : memref<!tpu.dma_semaphore, #tpu.memory_space<semaphore_mem>>)
        } else {
        }
        %mul3A_378 = arith.constant 4 : i32
        %mul3A_379 = arith.muli %scan3A_216, %mul3A_378 : i32
        %add3A_380 = arith.constant 3 : i32
        %add3A_381 = arith.addi %mul3A_379, %add3A_380 : i32
        %dma_wait3A_382 = arith.constant 0 : i32
        %dma_wait3A_383 = arith.constant 1 : i32
        %dma_wait3A_384 = arith.constant 0 : i32
        %dma_wait3A_385 = arith.constant 0 : i32
        %dma_wait3A_386 = tpu.memref_slice %arg9[%dma_wait3A_383, %dma_wait3A_384, %dma_wait3A_385] : memref<2x128x128xf32, #tpu.memory_space<vmem>> -> memref<1x128x128xf32, #tpu.memory_space<vmem>>
        %dma_wait3A_387 = tpu.memref_squeeze %dma_wait3A_386 : memref<1x128x128xf32, #tpu.memory_space<vmem>> -> memref<128x128xf32, #tpu.memory_space<vmem>>
        %dma_wait3A_388 = arith.constant 0 : i32
        %dma_wait3A_389 = tpu.memref_slice %arg7[%dma_wait3A_382, %dma_wait3A_388] : memref<4x128xi32, #tpu.memory_space<vmem>> -> memref<1x128xi32, #tpu.memory_space<vmem>>
        %dma_wait3A_390 = tpu.memref_squeeze %dma_wait3A_389 : memref<1x128xi32, #tpu.memory_space<vmem>> -> memref<128xi32, #tpu.memory_space<vmem>>
        %dma_wait3A_391 = arith.constant 0 : i32
        %dma_wait3A_392 = arith.constant 0 : i32
        %dma_wait3A_393 = tpu.memref_slice %arg2[%dma_wait3A_391, %dma_wait3A_392] : memref<10240x128xf32, #tpu.memory_space<hbm>> -> memref<10240x128xf32, #tpu.memory_space<hbm>>
        tpu.wait_indirect_dma semaphore(%arg16 : memref<!tpu.dma_semaphore, #tpu.memory_space<semaphore_mem>>) src(%dma_wait3A_393 : memref<10240x128xf32, #tpu.memory_space<hbm>>) dst(%dma_wait3A_387 : memref<128x128xf32, #tpu.memory_space<vmem>>)
        %dma_start3A_394 = arith.constant 1 : i32
        %dma_start3A_395 = arith.constant 3 : i32
        %dma_start3A_396 = arith.constant 0 : i32
        %dma_start3A_397 = arith.constant 0 : i32
        %dma_start3A_398 = tpu.memref_slice %arg9[%dma_start3A_394, %dma_start3A_396, %dma_start3A_397] : memref<2x128x128xf32, #tpu.memory_space<vmem>> -> memref<1x128x128xf32, #tpu.memory_space<vmem>>
        %dma_start3A_399 = tpu.memref_squeeze %dma_start3A_398 : memref<1x128x128xf32, #tpu.memory_space<vmem>> -> memref<128x128xf32, #tpu.memory_space<vmem>>
        %dma_start3A_400 = arith.constant 0 : i32
        %dma_start3A_401 = tpu.memref_slice %arg8[%dma_start3A_395, %dma_start3A_400] : memref<4x128xi32, #tpu.memory_space<vmem>> -> memref<1x128xi32, #tpu.memory_space<vmem>>
        %dma_start3A_402 = tpu.memref_squeeze %dma_start3A_401 : memref<1x128xi32, #tpu.memory_space<vmem>> -> memref<128xi32, #tpu.memory_space<vmem>>
        %dma_start3A_403 = arith.constant 0 : i32
        %dma_start3A_404 = arith.constant 0 : i32
        %dma_start3A_405 = tpu.memref_slice %arg10[%dma_start3A_403, %dma_start3A_404] : memref<10240x128xf32, #tpu.memory_space<vmem_shared>> -> memref<10240x128xf32, #tpu.memory_space<vmem_shared>>
        tpu.enqueue_indirect_dma source(%dma_start3A_399 : memref<128x128xf32, #tpu.memory_space<vmem>>) target(%dma_start3A_405 : memref<10240x128xf32, #tpu.memory_space<vmem_shared>>) offsets(%dma_start3A_402 : memref<128xi32, #tpu.memory_space<vmem>>) semaphore(%arg18 : memref<!tpu.dma_semaphore, #tpu.memory_space<semaphore_mem>>) {add = true}
        %dma_wait3A_406 = arith.constant 1 : i32
        %dma_wait3A_407 = arith.constant 0 : i32
        %dma_wait3A_408 = arith.constant 0 : i32
        %dma_wait3A_409 = arith.constant 0 : i32
        %dma_wait3A_410 = tpu.memref_slice %arg9[%dma_wait3A_406, %dma_wait3A_408, %dma_wait3A_409] : memref<2x128x128xf32, #tpu.memory_space<vmem>> -> memref<1x128x128xf32, #tpu.memory_space<vmem>>
        %dma_wait3A_411 = tpu.memref_squeeze %dma_wait3A_410 : memref<1x128x128xf32, #tpu.memory_space<vmem>> -> memref<128x128xf32, #tpu.memory_space<vmem>>
        %dma_wait3A_412 = arith.constant 0 : i32
        %dma_wait3A_413 = tpu.memref_slice %arg8[%dma_wait3A_407, %dma_wait3A_412] : memref<4x128xi32, #tpu.memory_space<vmem>> -> memref<1x128xi32, #tpu.memory_space<vmem>>
        %dma_wait3A_414 = tpu.memref_squeeze %dma_wait3A_413 : memref<1x128xi32, #tpu.memory_space<vmem>> -> memref<128xi32, #tpu.memory_space<vmem>>
        %dma_wait3A_415 = arith.constant 0 : i32
        %dma_wait3A_416 = arith.constant 0 : i32
        %dma_wait3A_417 = tpu.memref_slice %arg10[%dma_wait3A_415, %dma_wait3A_416] : memref<10240x128xf32, #tpu.memory_space<vmem_shared>> -> memref<10240x128xf32, #tpu.memory_space<vmem_shared>>
        tpu.wait_indirect_dma semaphore(%arg18 : memref<!tpu.dma_semaphore, #tpu.memory_space<semaphore_mem>>) src(%dma_wait3A_411 : memref<128x128xf32, #tpu.memory_space<vmem>>) dst(%dma_wait3A_417 : memref<10240x128xf32, #tpu.memory_space<vmem_shared>>)
        %add3A_418 = arith.constant 4 : i32
        %add3A_419 = arith.addi %add3A_381, %add3A_418 : i32
        %lt3A_420 = arith.constant 160 : i32
        %lt3A_421 = arith.cmpi slt, %add3A_419, %lt3A_420 : i32
        %convert_element_type3A_422 = arith.extui %lt3A_421 : i1 to i32
        %cond3A_423 = arith.constant 0 : i32
        %cond3A_424 = arith.cmpi ne, %convert_element_type3A_422, %cond3A_423 : i32
        scf.if %cond3A_424 {
          %add3A_432 = arith.constant 4 : i32
          %add3A_433 = arith.addi %add3A_381, %add3A_432 : i32
          %add3A_434 = arith.addi %mul3A_0, %add3A_433 : i32
          %dma_start3A_435 = arith.constant 3 : i32
          %dma_start3A_436 = arith.constant 0 : i32
          %dma_start3A_437 = tpu.memref_slice %arg7[%dma_start3A_435, %dma_start3A_436] : memref<4x128xi32, #tpu.memory_space<vmem>> -> memref<1x128xi32, #tpu.memory_space<vmem>>
          %dma_start3A_438 = tpu.memref_squeeze %dma_start3A_437 : memref<1x128xi32, #tpu.memory_space<vmem>> -> memref<128xi32, #tpu.memory_space<vmem>>
          %dma_start3A_439 = arith.constant 0 : i32
          %dma_start3A_440 = tpu.memref_slice %arg3[%add3A_434, %dma_start3A_439] : memref<2560x128xi32, #tpu.memory_space<hbm>> -> memref<1x128xi32, #tpu.memory_space<hbm>>
          %dma_start3A_441 = tpu.memref_squeeze %dma_start3A_440 : memref<1x128xi32, #tpu.memory_space<hbm>> -> memref<128xi32, #tpu.memory_space<hbm>>
          %dma_start3A_442 = arith.constant 0 : i32
          %dma_start3A_443 = tpu.memref_slice %arg7[%dma_start3A_435, %dma_start3A_442] : memref<4x128xi32, #tpu.memory_space<vmem>> -> memref<1x128xi32, #tpu.memory_space<vmem>>
          %dma_start3A_444 = tpu.memref_squeeze %dma_start3A_443 : memref<1x128xi32, #tpu.memory_space<vmem>> -> memref<128xi32, #tpu.memory_space<vmem>>
          %dma_start3A_445 = arith.constant 0 : i32
          %dma_start3A_446 = tpu.memref_slice %arg3[%add3A_434, %dma_start3A_445] : memref<2560x128xi32, #tpu.memory_space<hbm>> -> memref<1x128xi32, #tpu.memory_space<hbm>>
          %dma_start3A_447 = tpu.memref_squeeze %dma_start3A_446 : memref<1x128xi32, #tpu.memory_space<hbm>> -> memref<128xi32, #tpu.memory_space<hbm>>
          tpu.enqueue_dma source(%dma_start3A_447 : memref<128xi32, #tpu.memory_space<hbm>>) target(%dma_start3A_444 : memref<128xi32, #tpu.memory_space<vmem>>) target_semaphore(%arg14 : memref<!tpu.dma_semaphore, #tpu.memory_space<semaphore_mem>>)
          %add3A_448 = arith.addi %mul3A_0, %add3A_433 : i32
          %dma_start3A_449 = arith.constant 3 : i32
          %dma_start3A_450 = arith.constant 0 : i32
          %dma_start3A_451 = tpu.memref_slice %arg8[%dma_start3A_449, %dma_start3A_450] : memref<4x128xi32, #tpu.memory_space<vmem>> -> memref<1x128xi32, #tpu.memory_space<vmem>>
          %dma_start3A_452 = tpu.memref_squeeze %dma_start3A_451 : memref<1x128xi32, #tpu.memory_space<vmem>> -> memref<128xi32, #tpu.memory_space<vmem>>
          %dma_start3A_453 = arith.constant 0 : i32
          %dma_start3A_454 = tpu.memref_slice %arg4[%add3A_448, %dma_start3A_453] : memref<2560x128xi32, #tpu.memory_space<hbm>> -> memref<1x128xi32, #tpu.memory_space<hbm>>
          %dma_start3A_455 = tpu.memref_squeeze %dma_start3A_454 : memref<1x128xi32, #tpu.memory_space<hbm>> -> memref<128xi32, #tpu.memory_space<hbm>>
          %dma_start3A_456 = arith.constant 0 : i32
          %dma_start3A_457 = tpu.memref_slice %arg8[%dma_start3A_449, %dma_start3A_456] : memref<4x128xi32, #tpu.memory_space<vmem>> -> memref<1x128xi32, #tpu.memory_space<vmem>>
          %dma_start3A_458 = tpu.memref_squeeze %dma_start3A_457 : memref<1x128xi32, #tpu.memory_space<vmem>> -> memref<128xi32, #tpu.memory_space<vmem>>
          %dma_start3A_459 = arith.constant 0 : i32
          %dma_start3A_460 = tpu.memref_slice %arg4[%add3A_448, %dma_start3A_459] : memref<2560x128xi32, #tpu.memory_space<hbm>> -> memref<1x128xi32, #tpu.memory_space<hbm>>
          %dma_start3A_461 = tpu.memref_squeeze %dma_start3A_460 : memref<1x128xi32, #tpu.memory_space<hbm>> -> memref<128xi32, #tpu.memory_space<hbm>>
          tpu.enqueue_dma source(%dma_start3A_461 : memref<128xi32, #tpu.memory_space<hbm>>) target(%dma_start3A_458 : memref<128xi32, #tpu.memory_space<vmem>>) target_semaphore(%arg14 : memref<!tpu.dma_semaphore, #tpu.memory_space<semaphore_mem>>)
        } else {
        }
        %add3A_425 = arith.constant 2 : i32
        %add3A_426 = arith.addi %add3A_381, %add3A_425 : i32
        %lt3A_427 = arith.constant 160 : i32
        %lt3A_428 = arith.cmpi slt, %add3A_426, %lt3A_427 : i32
        %convert_element_type3A_429 = arith.extui %lt3A_428 : i1 to i32
        %cond3A_430 = arith.constant 0 : i32
        %cond3A_431 = arith.cmpi ne, %convert_element_type3A_429, %cond3A_430 : i32
        scf.if %cond3A_431 {
          %dma_wait3A_432 = arith.constant 0 : i32
          %dma_wait3A_433 = arith.constant 1 : i32
          %dma_wait3A_434 = arith.constant 0 : i32
          %dma_wait3A_435 = tpu.memref_slice %arg7[%dma_wait3A_433, %dma_wait3A_434] : memref<4x128xi32, #tpu.memory_space<vmem>> -> memref<1x128xi32, #tpu.memory_space<vmem>>
          %dma_wait3A_436 = tpu.memref_squeeze %dma_wait3A_435 : memref<1x128xi32, #tpu.memory_space<vmem>> -> memref<128xi32, #tpu.memory_space<vmem>>
          %dma_wait3A_437 = arith.constant 0 : i32
          %dma_wait3A_438 = tpu.memref_slice %arg3[%dma_wait3A_432, %dma_wait3A_437] : memref<2560x128xi32, #tpu.memory_space<hbm>> -> memref<1x128xi32, #tpu.memory_space<hbm>>
          %dma_wait3A_439 = tpu.memref_squeeze %dma_wait3A_438 : memref<1x128xi32, #tpu.memory_space<hbm>> -> memref<128xi32, #tpu.memory_space<hbm>>
          %dma_wait3A_440 = arith.constant 0 : i32
          %dma_wait3A_441 = tpu.memref_slice %arg7[%dma_wait3A_433, %dma_wait3A_440] : memref<4x128xi32, #tpu.memory_space<vmem>> -> memref<1x128xi32, #tpu.memory_space<vmem>>
          %dma_wait3A_442 = tpu.memref_squeeze %dma_wait3A_441 : memref<1x128xi32, #tpu.memory_space<vmem>> -> memref<128xi32, #tpu.memory_space<vmem>>
          %dma_wait3A_443 = arith.constant 0 : i32
          %dma_wait3A_444 = tpu.memref_slice %arg3[%dma_wait3A_432, %dma_wait3A_443] : memref<2560x128xi32, #tpu.memory_space<hbm>> -> memref<1x128xi32, #tpu.memory_space<hbm>>
          %dma_wait3A_445 = tpu.memref_squeeze %dma_wait3A_444 : memref<1x128xi32, #tpu.memory_space<hbm>> -> memref<128xi32, #tpu.memory_space<hbm>>
          tpu.wait_dma2 semaphore(%arg12 : memref<!tpu.dma_semaphore, #tpu.memory_space<semaphore_mem>>) src(%dma_wait3A_445 : memref<128xi32, #tpu.memory_space<hbm>>) dst(%dma_wait3A_442 : memref<128xi32, #tpu.memory_space<vmem>>)
          %dma_wait3A_446 = arith.constant 0 : i32
          %dma_wait3A_447 = arith.constant 1 : i32
          %dma_wait3A_448 = arith.constant 0 : i32
          %dma_wait3A_449 = tpu.memref_slice %arg8[%dma_wait3A_447, %dma_wait3A_448] : memref<4x128xi32, #tpu.memory_space<vmem>> -> memref<1x128xi32, #tpu.memory_space<vmem>>
          %dma_wait3A_450 = tpu.memref_squeeze %dma_wait3A_449 : memref<1x128xi32, #tpu.memory_space<vmem>> -> memref<128xi32, #tpu.memory_space<vmem>>
          %dma_wait3A_451 = arith.constant 0 : i32
          %dma_wait3A_452 = tpu.memref_slice %arg3[%dma_wait3A_446, %dma_wait3A_451] : memref<2560x128xi32, #tpu.memory_space<hbm>> -> memref<1x128xi32, #tpu.memory_space<hbm>>
          %dma_wait3A_453 = tpu.memref_squeeze %dma_wait3A_452 : memref<1x128xi32, #tpu.memory_space<hbm>> -> memref<128xi32, #tpu.memory_space<hbm>>
          %dma_wait3A_454 = arith.constant 0 : i32
          %dma_wait3A_455 = tpu.memref_slice %arg8[%dma_wait3A_447, %dma_wait3A_454] : memref<4x128xi32, #tpu.memory_space<vmem>> -> memref<1x128xi32, #tpu.memory_space<vmem>>
          %dma_wait3A_456 = tpu.memref_squeeze %dma_wait3A_455 : memref<1x128xi32, #tpu.memory_space<vmem>> -> memref<128xi32, #tpu.memory_space<vmem>>
          %dma_wait3A_457 = arith.constant 0 : i32
          %dma_wait3A_458 = tpu.memref_slice %arg3[%dma_wait3A_446, %dma_wait3A_457] : memref<2560x128xi32, #tpu.memory_space<hbm>> -> memref<1x128xi32, #tpu.memory_space<hbm>>
          %dma_wait3A_459 = tpu.memref_squeeze %dma_wait3A_458 : memref<1x128xi32, #tpu.memory_space<hbm>> -> memref<128xi32, #tpu.memory_space<hbm>>
          tpu.wait_dma2 semaphore(%arg12 : memref<!tpu.dma_semaphore, #tpu.memory_space<semaphore_mem>>) src(%dma_wait3A_459 : memref<128xi32, #tpu.memory_space<hbm>>) dst(%dma_wait3A_456 : memref<128xi32, #tpu.memory_space<vmem>>)
          %dma_start3A_460 = arith.constant 1 : i32
          %dma_start3A_461 = arith.constant 1 : i32
          %dma_start3A_462 = arith.constant 0 : i32
          %dma_start3A_463 = arith.constant 0 : i32
          %dma_start3A_464 = tpu.memref_slice %arg9[%dma_start3A_461, %dma_start3A_462, %dma_start3A_463] : memref<2x128x128xf32, #tpu.memory_space<vmem>> -> memref<1x128x128xf32, #tpu.memory_space<vmem>>
          %dma_start3A_465 = tpu.memref_squeeze %dma_start3A_464 : memref<1x128x128xf32, #tpu.memory_space<vmem>> -> memref<128x128xf32, #tpu.memory_space<vmem>>
          %dma_start3A_466 = arith.constant 0 : i32
          %dma_start3A_467 = tpu.memref_slice %arg7[%dma_start3A_460, %dma_start3A_466] : memref<4x128xi32, #tpu.memory_space<vmem>> -> memref<1x128xi32, #tpu.memory_space<vmem>>
          %dma_start3A_468 = tpu.memref_squeeze %dma_start3A_467 : memref<1x128xi32, #tpu.memory_space<vmem>> -> memref<128xi32, #tpu.memory_space<vmem>>
          %dma_start3A_469 = arith.constant 0 : i32
          %dma_start3A_470 = arith.constant 0 : i32
          %dma_start3A_471 = tpu.memref_slice %arg2[%dma_start3A_469, %dma_start3A_470] : memref<10240x128xf32, #tpu.memory_space<hbm>> -> memref<10240x128xf32, #tpu.memory_space<hbm>>
          tpu.enqueue_indirect_dma source(%dma_start3A_471 : memref<10240x128xf32, #tpu.memory_space<hbm>>) target(%dma_start3A_465 : memref<128x128xf32, #tpu.memory_space<vmem>>) offsets(%dma_start3A_468 : memref<128xi32, #tpu.memory_space<vmem>>) semaphore(%arg16 : memref<!tpu.dma_semaphore, #tpu.memory_space<semaphore_mem>>)
        } else {
        }
      }
      %scan3A_215 = arith.constant 40 : i32
    } else {
    }
    %barrier3A_8 = arith.constant 0 : index
    tpu.barrier barrier_id(%barrier3A_8)
    %eq3A_9 = arith.constant 0 : i32
    %eq3A_10 = arith.cmpi eq, %arg0, %eq3A_9 : i32
    %convert_element_type3A_11 = arith.extui %eq3A_10 : i1 to i32
    %cond3A_12 = arith.constant 0 : i32
    %cond3A_13 = arith.cmpi ne, %convert_element_type3A_11, %cond3A_12 : i32
    scf.if %cond3A_13 {
      %mul3A_14 = arith.constant 640 : i32
      %mul3A_15 = arith.muli %arg1, %mul3A_14 : i32
      %mul3A_16 = arith.constant 640 : i32
      %mul3A_17 = arith.muli %arg1, %mul3A_16 : i32
      "tpu.region"() ({
        %run_scoped3A = tpu.sem_alloc : memref<!tpu.dma_semaphore, #tpu.memory_space<semaphore_mem>>
        %dma_start3A = arith.constant 0 : i32
        %dma_start3A_18 = tpu.memref_slice %arg6[%mul3A_17, %dma_start3A] : memref<10240x128xf32, #tpu.memory_space<hbm>> -> memref<640x128xf32, #tpu.memory_space<hbm>>
        %dma_start3A_19 = arith.constant 0 : i32
        %dma_start3A_20 = tpu.memref_slice %arg10[%mul3A_15, %dma_start3A_19] : memref<10240x128xf32, #tpu.memory_space<vmem_shared>> -> memref<640x128xf32, #tpu.memory_space<vmem_shared>>
        tpu.enqueue_dma source(%dma_start3A_20 : memref<640x128xf32, #tpu.memory_space<vmem_shared>>) target(%dma_start3A_18 : memref<640x128xf32, #tpu.memory_space<hbm>>) target_semaphore(%run_scoped3A : memref<!tpu.dma_semaphore, #tpu.memory_space<semaphore_mem>>)
        %dma_wait3A = arith.constant 0 : i32
        %dma_wait3A_21 = tpu.memref_slice %arg6[%mul3A_17, %dma_wait3A] : memref<10240x128xf32, #tpu.memory_space<hbm>> -> memref<640x128xf32, #tpu.memory_space<hbm>>
        %dma_wait3A_22 = arith.constant 0 : i32
        %dma_wait3A_23 = tpu.memref_slice %arg10[%mul3A_15, %dma_wait3A_22] : memref<10240x128xf32, #tpu.memory_space<vmem_shared>> -> memref<640x128xf32, #tpu.memory_space<vmem_shared>>
        tpu.wait_dma2 semaphore(%run_scoped3A : memref<!tpu.dma_semaphore, #tpu.memory_space<semaphore_mem>>) src(%dma_wait3A_23 : memref<640x128xf32, #tpu.memory_space<vmem_shared>>) dst(%dma_wait3A_21 : memref<640x128xf32, #tpu.memory_space<hbm>>)
        tpu.yield
      }) : () -> ()
    } else {
    }
    return
  }
}

#map = affine_map<(d0, d1) -> (0, 0)>
module attributes {stable_mosaic.version = 14 : i64} {
  func.func @agg_kernel(%arg0: i32, %arg1: i32, %arg2: memref<10240x64xf32, #tpu.memory_space<hbm>>, %arg3: memref<2560x128xi32, #tpu.memory_space<hbm>>, %arg4: memref<2560x128xi32, #tpu.memory_space<hbm>>, %arg5: memref<640x64xf32, #tpu.memory_space<hbm>>, %arg6: memref<10240x64xf32, #tpu.memory_space<hbm>>, %arg7: memref<8x128xi32, #tpu.memory_space<vmem>>, %arg8: memref<8x128xi32, #tpu.memory_space<vmem>>, %arg9: memref<4x128x64xf32, #tpu.memory_space<vmem>>, %arg10: memref<10240x64xf32, #tpu.memory_space<vmem_shared>>, %arg11: memref<!tpu.dma_semaphore, #tpu.memory_space<semaphore_mem>>, %arg12: memref<!tpu.dma_semaphore, #tpu.memory_space<semaphore_mem>>, %arg13: memref<!tpu.dma_semaphore, #tpu.memory_space<semaphore_mem>>, %arg14: memref<!tpu.dma_semaphore, #tpu.memory_space<semaphore_mem>>, %arg15: memref<!tpu.dma_semaphore, #tpu.memory_space<semaphore_mem>>, %arg16: memref<!tpu.dma_semaphore, #tpu.memory_space<semaphore_mem>>, %arg17: memref<!tpu.dma_semaphore, #tpu.memory_space<semaphore_mem>>, %arg18: memref<!tpu.dma_semaphore, #tpu.memory_space<semaphore_mem>>, %arg19: memref<!tpu.dma_semaphore, #tpu.memory_space<semaphore_mem>>, %arg20: memref<!tpu.dma_semaphore, #tpu.memory_space<semaphore_mem>>, %arg21: memref<!tpu.dma_semaphore, #tpu.memory_space<semaphore_mem>>, %arg22: memref<!tpu.dma_semaphore, #tpu.memory_space<semaphore_mem>>, %arg23: memref<!tpu.dma_semaphore, #tpu.memory_space<semaphore_mem>>, %arg24: memref<!tpu.dma_semaphore, #tpu.memory_space<semaphore_mem>>, %arg25: memref<!tpu.dma_semaphore, #tpu.memory_space<semaphore_mem>>, %arg26: memref<!tpu.dma_semaphore, #tpu.memory_space<semaphore_mem>>) attributes {dimension_semantics = [#tpu.dimension_semantics<core_parallel>, #tpu.dimension_semantics<subcore_parallel>], iteration_bounds = array<i64: 2, 16>, scalar_prefetch = 0 : i64, scratch_operands = 20 : i64, tpu.core_type = #tpu.core_type<sc_vector_subcore>, window_params = [{transform_indices = #map}, {transform_indices = #map}, {transform_indices = #map}, {transform_indices = #map}, {transform_indices = #map}]} {
    %mul3A = arith.constant 160 : i32
    %mul3A_0 = arith.muli %arg1, %mul3A : i32
    %eq3A = arith.constant 0 : i32
    %eq3A_1 = arith.cmpi eq, %arg0, %eq3A : i32
    %convert_element_type3A = arith.extui %eq3A_1 : i1 to i32
    %cond3A = arith.constant 0 : i32
    %cond3A_2 = arith.cmpi ne, %convert_element_type3A, %cond3A : i32
    scf.if %cond3A_2 {
      %mul3A_14 = arith.constant 640 : i32
      %mul3A_15 = arith.muli %arg1, %mul3A_14 : i32
      "tpu.region"() ({
        %run_scoped3A = tpu.sem_alloc : memref<!tpu.dma_semaphore, #tpu.memory_space<semaphore_mem>>
        %dma_start3A = arith.constant 0 : i32
        %dma_start3A_16 = tpu.memref_slice %arg10[%mul3A_15, %dma_start3A] : memref<10240x64xf32, #tpu.memory_space<vmem_shared>> -> memref<640x64xf32, #tpu.memory_space<vmem_shared>>
        tpu.enqueue_dma source(%arg5 : memref<640x64xf32, #tpu.memory_space<hbm>>) target(%dma_start3A_16 : memref<640x64xf32, #tpu.memory_space<vmem_shared>>) target_semaphore(%run_scoped3A : memref<!tpu.dma_semaphore, #tpu.memory_space<semaphore_mem>>)
        %dma_wait3A = arith.constant 0 : i32
        %dma_wait3A_17 = tpu.memref_slice %arg10[%mul3A_15, %dma_wait3A] : memref<10240x64xf32, #tpu.memory_space<vmem_shared>> -> memref<640x64xf32, #tpu.memory_space<vmem_shared>>
        tpu.wait_dma2 semaphore(%run_scoped3A : memref<!tpu.dma_semaphore, #tpu.memory_space<semaphore_mem>>) src(%arg5 : memref<640x64xf32, #tpu.memory_space<hbm>>) dst(%dma_wait3A_17 : memref<640x64xf32, #tpu.memory_space<vmem_shared>>)
        tpu.yield
      }) : () -> ()
    } else {
    }
    %barrier3A = arith.constant 0 : index
    tpu.barrier barrier_id(%barrier3A)
    %eq3A_3 = arith.constant 0 : i32
    %eq3A_4 = arith.cmpi eq, %arg0, %eq3A_3 : i32
    %convert_element_type3A_5 = arith.extui %eq3A_4 : i1 to i32
    %cond3A_6 = arith.constant 0 : i32
    %cond3A_7 = arith.cmpi ne, %convert_element_type3A_5, %cond3A_6 : i32
    scf.if %cond3A_7 {
      %add3A = arith.constant 0 : i32
      %add3A_14 = arith.addi %mul3A_0, %add3A : i32
      %dma_start3A = arith.constant 0 : i32
      %dma_start3A_15 = arith.constant 0 : i32
      %dma_start3A_16 = tpu.memref_slice %arg7[%dma_start3A, %dma_start3A_15] : memref<8x128xi32, #tpu.memory_space<vmem>> -> memref<1x128xi32, #tpu.memory_space<vmem>>
      %dma_start3A_17 = tpu.memref_squeeze %dma_start3A_16 : memref<1x128xi32, #tpu.memory_space<vmem>> -> memref<128xi32, #tpu.memory_space<vmem>>
      %dma_start3A_18 = arith.constant 0 : i32
      %dma_start3A_19 = tpu.memref_slice %arg3[%add3A_14, %dma_start3A_18] : memref<2560x128xi32, #tpu.memory_space<hbm>> -> memref<1x128xi32, #tpu.memory_space<hbm>>
      %dma_start3A_20 = tpu.memref_squeeze %dma_start3A_19 : memref<1x128xi32, #tpu.memory_space<hbm>> -> memref<128xi32, #tpu.memory_space<hbm>>
      %dma_start3A_21 = arith.constant 0 : i32
      %dma_start3A_22 = tpu.memref_slice %arg7[%dma_start3A, %dma_start3A_21] : memref<8x128xi32, #tpu.memory_space<vmem>> -> memref<1x128xi32, #tpu.memory_space<vmem>>
      %dma_start3A_23 = tpu.memref_squeeze %dma_start3A_22 : memref<1x128xi32, #tpu.memory_space<vmem>> -> memref<128xi32, #tpu.memory_space<vmem>>
      %dma_start3A_24 = arith.constant 0 : i32
      %dma_start3A_25 = tpu.memref_slice %arg3[%add3A_14, %dma_start3A_24] : memref<2560x128xi32, #tpu.memory_space<hbm>> -> memref<1x128xi32, #tpu.memory_space<hbm>>
      %dma_start3A_26 = tpu.memref_squeeze %dma_start3A_25 : memref<1x128xi32, #tpu.memory_space<hbm>> -> memref<128xi32, #tpu.memory_space<hbm>>
      tpu.enqueue_dma source(%dma_start3A_26 : memref<128xi32, #tpu.memory_space<hbm>>) target(%dma_start3A_23 : memref<128xi32, #tpu.memory_space<vmem>>) target_semaphore(%arg11 : memref<!tpu.dma_semaphore, #tpu.memory_space<semaphore_mem>>)
      %add3A_27 = arith.constant 0 : i32
      %add3A_28 = arith.addi %mul3A_0, %add3A_27 : i32
      %dma_start3A_29 = arith.constant 0 : i32
      %dma_start3A_30 = arith.constant 0 : i32
      %dma_start3A_31 = tpu.memref_slice %arg8[%dma_start3A_29, %dma_start3A_30] : memref<8x128xi32, #tpu.memory_space<vmem>> -> memref<1x128xi32, #tpu.memory_space<vmem>>
      %dma_start3A_32 = tpu.memref_squeeze %dma_start3A_31 : memref<1x128xi32, #tpu.memory_space<vmem>> -> memref<128xi32, #tpu.memory_space<vmem>>
      %dma_start3A_33 = arith.constant 0 : i32
      %dma_start3A_34 = tpu.memref_slice %arg4[%add3A_28, %dma_start3A_33] : memref<2560x128xi32, #tpu.memory_space<hbm>> -> memref<1x128xi32, #tpu.memory_space<hbm>>
      %dma_start3A_35 = tpu.memref_squeeze %dma_start3A_34 : memref<1x128xi32, #tpu.memory_space<hbm>> -> memref<128xi32, #tpu.memory_space<hbm>>
      %dma_start3A_36 = arith.constant 0 : i32
      %dma_start3A_37 = tpu.memref_slice %arg8[%dma_start3A_29, %dma_start3A_36] : memref<8x128xi32, #tpu.memory_space<vmem>> -> memref<1x128xi32, #tpu.memory_space<vmem>>
      %dma_start3A_38 = tpu.memref_squeeze %dma_start3A_37 : memref<1x128xi32, #tpu.memory_space<vmem>> -> memref<128xi32, #tpu.memory_space<vmem>>
      %dma_start3A_39 = arith.constant 0 : i32
      %dma_start3A_40 = tpu.memref_slice %arg4[%add3A_28, %dma_start3A_39] : memref<2560x128xi32, #tpu.memory_space<hbm>> -> memref<1x128xi32, #tpu.memory_space<hbm>>
      %dma_start3A_41 = tpu.memref_squeeze %dma_start3A_40 : memref<1x128xi32, #tpu.memory_space<hbm>> -> memref<128xi32, #tpu.memory_space<hbm>>
      tpu.enqueue_dma source(%dma_start3A_41 : memref<128xi32, #tpu.memory_space<hbm>>) target(%dma_start3A_38 : memref<128xi32, #tpu.memory_space<vmem>>) target_semaphore(%arg11 : memref<!tpu.dma_semaphore, #tpu.memory_space<semaphore_mem>>)
      %add3A_42 = arith.constant 1 : i32
      %add3A_43 = arith.addi %mul3A_0, %add3A_42 : i32
      %dma_start3A_44 = arith.constant 1 : i32
      %dma_start3A_45 = arith.constant 0 : i32
      %dma_start3A_46 = tpu.memref_slice %arg7[%dma_start3A_44, %dma_start3A_45] : memref<8x128xi32, #tpu.memory_space<vmem>> -> memref<1x128xi32, #tpu.memory_space<vmem>>
      %dma_start3A_47 = tpu.memref_squeeze %dma_start3A_46 : memref<1x128xi32, #tpu.memory_space<vmem>> -> memref<128xi32, #tpu.memory_space<vmem>>
      %dma_start3A_48 = arith.constant 0 : i32
      %dma_start3A_49 = tpu.memref_slice %arg3[%add3A_43, %dma_start3A_48] : memref<2560x128xi32, #tpu.memory_space<hbm>> -> memref<1x128xi32, #tpu.memory_space<hbm>>
      %dma_start3A_50 = tpu.memref_squeeze %dma_start3A_49 : memref<1x128xi32, #tpu.memory_space<hbm>> -> memref<128xi32, #tpu.memory_space<hbm>>
      %dma_start3A_51 = arith.constant 0 : i32
      %dma_start3A_52 = tpu.memref_slice %arg7[%dma_start3A_44, %dma_start3A_51] : memref<8x128xi32, #tpu.memory_space<vmem>> -> memref<1x128xi32, #tpu.memory_space<vmem>>
      %dma_start3A_53 = tpu.memref_squeeze %dma_start3A_52 : memref<1x128xi32, #tpu.memory_space<vmem>> -> memref<128xi32, #tpu.memory_space<vmem>>
      %dma_start3A_54 = arith.constant 0 : i32
      %dma_start3A_55 = tpu.memref_slice %arg3[%add3A_43, %dma_start3A_54] : memref<2560x128xi32, #tpu.memory_space<hbm>> -> memref<1x128xi32, #tpu.memory_space<hbm>>
      %dma_start3A_56 = tpu.memref_squeeze %dma_start3A_55 : memref<1x128xi32, #tpu.memory_space<hbm>> -> memref<128xi32, #tpu.memory_space<hbm>>
      tpu.enqueue_dma source(%dma_start3A_56 : memref<128xi32, #tpu.memory_space<hbm>>) target(%dma_start3A_53 : memref<128xi32, #tpu.memory_space<vmem>>) target_semaphore(%arg12 : memref<!tpu.dma_semaphore, #tpu.memory_space<semaphore_mem>>)
      %add3A_57 = arith.constant 1 : i32
      %add3A_58 = arith.addi %mul3A_0, %add3A_57 : i32
      %dma_start3A_59 = arith.constant 1 : i32
      %dma_start3A_60 = arith.constant 0 : i32
      %dma_start3A_61 = tpu.memref_slice %arg8[%dma_start3A_59, %dma_start3A_60] : memref<8x128xi32, #tpu.memory_space<vmem>> -> memref<1x128xi32, #tpu.memory_space<vmem>>
      %dma_start3A_62 = tpu.memref_squeeze %dma_start3A_61 : memref<1x128xi32, #tpu.memory_space<vmem>> -> memref<128xi32, #tpu.memory_space<vmem>>
      %dma_start3A_63 = arith.constant 0 : i32
      %dma_start3A_64 = tpu.memref_slice %arg4[%add3A_58, %dma_start3A_63] : memref<2560x128xi32, #tpu.memory_space<hbm>> -> memref<1x128xi32, #tpu.memory_space<hbm>>
      %dma_start3A_65 = tpu.memref_squeeze %dma_start3A_64 : memref<1x128xi32, #tpu.memory_space<hbm>> -> memref<128xi32, #tpu.memory_space<hbm>>
      %dma_start3A_66 = arith.constant 0 : i32
      %dma_start3A_67 = tpu.memref_slice %arg8[%dma_start3A_59, %dma_start3A_66] : memref<8x128xi32, #tpu.memory_space<vmem>> -> memref<1x128xi32, #tpu.memory_space<vmem>>
      %dma_start3A_68 = tpu.memref_squeeze %dma_start3A_67 : memref<1x128xi32, #tpu.memory_space<vmem>> -> memref<128xi32, #tpu.memory_space<vmem>>
      %dma_start3A_69 = arith.constant 0 : i32
      %dma_start3A_70 = tpu.memref_slice %arg4[%add3A_58, %dma_start3A_69] : memref<2560x128xi32, #tpu.memory_space<hbm>> -> memref<1x128xi32, #tpu.memory_space<hbm>>
      %dma_start3A_71 = tpu.memref_squeeze %dma_start3A_70 : memref<1x128xi32, #tpu.memory_space<hbm>> -> memref<128xi32, #tpu.memory_space<hbm>>
      tpu.enqueue_dma source(%dma_start3A_71 : memref<128xi32, #tpu.memory_space<hbm>>) target(%dma_start3A_68 : memref<128xi32, #tpu.memory_space<vmem>>) target_semaphore(%arg12 : memref<!tpu.dma_semaphore, #tpu.memory_space<semaphore_mem>>)
      %add3A_72 = arith.constant 2 : i32
      %add3A_73 = arith.addi %mul3A_0, %add3A_72 : i32
      %dma_start3A_74 = arith.constant 2 : i32
      %dma_start3A_75 = arith.constant 0 : i32
      %dma_start3A_76 = tpu.memref_slice %arg7[%dma_start3A_74, %dma_start3A_75] : memref<8x128xi32, #tpu.memory_space<vmem>> -> memref<1x128xi32, #tpu.memory_space<vmem>>
      %dma_start3A_77 = tpu.memref_squeeze %dma_start3A_76 : memref<1x128xi32, #tpu.memory_space<vmem>> -> memref<128xi32, #tpu.memory_space<vmem>>
      %dma_start3A_78 = arith.constant 0 : i32
      %dma_start3A_79 = tpu.memref_slice %arg3[%add3A_73, %dma_start3A_78] : memref<2560x128xi32, #tpu.memory_space<hbm>> -> memref<1x128xi32, #tpu.memory_space<hbm>>
      %dma_start3A_80 = tpu.memref_squeeze %dma_start3A_79 : memref<1x128xi32, #tpu.memory_space<hbm>> -> memref<128xi32, #tpu.memory_space<hbm>>
      %dma_start3A_81 = arith.constant 0 : i32
      %dma_start3A_82 = tpu.memref_slice %arg7[%dma_start3A_74, %dma_start3A_81] : memref<8x128xi32, #tpu.memory_space<vmem>> -> memref<1x128xi32, #tpu.memory_space<vmem>>
      %dma_start3A_83 = tpu.memref_squeeze %dma_start3A_82 : memref<1x128xi32, #tpu.memory_space<vmem>> -> memref<128xi32, #tpu.memory_space<vmem>>
      %dma_start3A_84 = arith.constant 0 : i32
      %dma_start3A_85 = tpu.memref_slice %arg3[%add3A_73, %dma_start3A_84] : memref<2560x128xi32, #tpu.memory_space<hbm>> -> memref<1x128xi32, #tpu.memory_space<hbm>>
      %dma_start3A_86 = tpu.memref_squeeze %dma_start3A_85 : memref<1x128xi32, #tpu.memory_space<hbm>> -> memref<128xi32, #tpu.memory_space<hbm>>
      tpu.enqueue_dma source(%dma_start3A_86 : memref<128xi32, #tpu.memory_space<hbm>>) target(%dma_start3A_83 : memref<128xi32, #tpu.memory_space<vmem>>) target_semaphore(%arg13 : memref<!tpu.dma_semaphore, #tpu.memory_space<semaphore_mem>>)
      %add3A_87 = arith.constant 2 : i32
      %add3A_88 = arith.addi %mul3A_0, %add3A_87 : i32
      %dma_start3A_89 = arith.constant 2 : i32
      %dma_start3A_90 = arith.constant 0 : i32
      %dma_start3A_91 = tpu.memref_slice %arg8[%dma_start3A_89, %dma_start3A_90] : memref<8x128xi32, #tpu.memory_space<vmem>> -> memref<1x128xi32, #tpu.memory_space<vmem>>
      %dma_start3A_92 = tpu.memref_squeeze %dma_start3A_91 : memref<1x128xi32, #tpu.memory_space<vmem>> -> memref<128xi32, #tpu.memory_space<vmem>>
      %dma_start3A_93 = arith.constant 0 : i32
      %dma_start3A_94 = tpu.memref_slice %arg4[%add3A_88, %dma_start3A_93] : memref<2560x128xi32, #tpu.memory_space<hbm>> -> memref<1x128xi32, #tpu.memory_space<hbm>>
      %dma_start3A_95 = tpu.memref_squeeze %dma_start3A_94 : memref<1x128xi32, #tpu.memory_space<hbm>> -> memref<128xi32, #tpu.memory_space<hbm>>
      %dma_start3A_96 = arith.constant 0 : i32
      %dma_start3A_97 = tpu.memref_slice %arg8[%dma_start3A_89, %dma_start3A_96] : memref<8x128xi32, #tpu.memory_space<vmem>> -> memref<1x128xi32, #tpu.memory_space<vmem>>
      %dma_start3A_98 = tpu.memref_squeeze %dma_start3A_97 : memref<1x128xi32, #tpu.memory_space<vmem>> -> memref<128xi32, #tpu.memory_space<vmem>>
      %dma_start3A_99 = arith.constant 0 : i32
      %dma_start3A_100 = tpu.memref_slice %arg4[%add3A_88, %dma_start3A_99] : memref<2560x128xi32, #tpu.memory_space<hbm>> -> memref<1x128xi32, #tpu.memory_space<hbm>>
      %dma_start3A_101 = tpu.memref_squeeze %dma_start3A_100 : memref<1x128xi32, #tpu.memory_space<hbm>> -> memref<128xi32, #tpu.memory_space<hbm>>
      tpu.enqueue_dma source(%dma_start3A_101 : memref<128xi32, #tpu.memory_space<hbm>>) target(%dma_start3A_98 : memref<128xi32, #tpu.memory_space<vmem>>) target_semaphore(%arg13 : memref<!tpu.dma_semaphore, #tpu.memory_space<semaphore_mem>>)
      %add3A_102 = arith.constant 3 : i32
      %add3A_103 = arith.addi %mul3A_0, %add3A_102 : i32
      %dma_start3A_104 = arith.constant 3 : i32
      %dma_start3A_105 = arith.constant 0 : i32
      %dma_start3A_106 = tpu.memref_slice %arg7[%dma_start3A_104, %dma_start3A_105] : memref<8x128xi32, #tpu.memory_space<vmem>> -> memref<1x128xi32, #tpu.memory_space<vmem>>
      %dma_start3A_107 = tpu.memref_squeeze %dma_start3A_106 : memref<1x128xi32, #tpu.memory_space<vmem>> -> memref<128xi32, #tpu.memory_space<vmem>>
      %dma_start3A_108 = arith.constant 0 : i32
      %dma_start3A_109 = tpu.memref_slice %arg3[%add3A_103, %dma_start3A_108] : memref<2560x128xi32, #tpu.memory_space<hbm>> -> memref<1x128xi32, #tpu.memory_space<hbm>>
      %dma_start3A_110 = tpu.memref_squeeze %dma_start3A_109 : memref<1x128xi32, #tpu.memory_space<hbm>> -> memref<128xi32, #tpu.memory_space<hbm>>
      %dma_start3A_111 = arith.constant 0 : i32
      %dma_start3A_112 = tpu.memref_slice %arg7[%dma_start3A_104, %dma_start3A_111] : memref<8x128xi32, #tpu.memory_space<vmem>> -> memref<1x128xi32, #tpu.memory_space<vmem>>
      %dma_start3A_113 = tpu.memref_squeeze %dma_start3A_112 : memref<1x128xi32, #tpu.memory_space<vmem>> -> memref<128xi32, #tpu.memory_space<vmem>>
      %dma_start3A_114 = arith.constant 0 : i32
      %dma_start3A_115 = tpu.memref_slice %arg3[%add3A_103, %dma_start3A_114] : memref<2560x128xi32, #tpu.memory_space<hbm>> -> memref<1x128xi32, #tpu.memory_space<hbm>>
      %dma_start3A_116 = tpu.memref_squeeze %dma_start3A_115 : memref<1x128xi32, #tpu.memory_space<hbm>> -> memref<128xi32, #tpu.memory_space<hbm>>
      tpu.enqueue_dma source(%dma_start3A_116 : memref<128xi32, #tpu.memory_space<hbm>>) target(%dma_start3A_113 : memref<128xi32, #tpu.memory_space<vmem>>) target_semaphore(%arg14 : memref<!tpu.dma_semaphore, #tpu.memory_space<semaphore_mem>>)
      %add3A_117 = arith.constant 3 : i32
      %add3A_118 = arith.addi %mul3A_0, %add3A_117 : i32
      %dma_start3A_119 = arith.constant 3 : i32
      %dma_start3A_120 = arith.constant 0 : i32
      %dma_start3A_121 = tpu.memref_slice %arg8[%dma_start3A_119, %dma_start3A_120] : memref<8x128xi32, #tpu.memory_space<vmem>> -> memref<1x128xi32, #tpu.memory_space<vmem>>
      %dma_start3A_122 = tpu.memref_squeeze %dma_start3A_121 : memref<1x128xi32, #tpu.memory_space<vmem>> -> memref<128xi32, #tpu.memory_space<vmem>>
      %dma_start3A_123 = arith.constant 0 : i32
      %dma_start3A_124 = tpu.memref_slice %arg4[%add3A_118, %dma_start3A_123] : memref<2560x128xi32, #tpu.memory_space<hbm>> -> memref<1x128xi32, #tpu.memory_space<hbm>>
      %dma_start3A_125 = tpu.memref_squeeze %dma_start3A_124 : memref<1x128xi32, #tpu.memory_space<hbm>> -> memref<128xi32, #tpu.memory_space<hbm>>
      %dma_start3A_126 = arith.constant 0 : i32
      %dma_start3A_127 = tpu.memref_slice %arg8[%dma_start3A_119, %dma_start3A_126] : memref<8x128xi32, #tpu.memory_space<vmem>> -> memref<1x128xi32, #tpu.memory_space<vmem>>
      %dma_start3A_128 = tpu.memref_squeeze %dma_start3A_127 : memref<1x128xi32, #tpu.memory_space<vmem>> -> memref<128xi32, #tpu.memory_space<vmem>>
      %dma_start3A_129 = arith.constant 0 : i32
      %dma_start3A_130 = tpu.memref_slice %arg4[%add3A_118, %dma_start3A_129] : memref<2560x128xi32, #tpu.memory_space<hbm>> -> memref<1x128xi32, #tpu.memory_space<hbm>>
      %dma_start3A_131 = tpu.memref_squeeze %dma_start3A_130 : memref<1x128xi32, #tpu.memory_space<hbm>> -> memref<128xi32, #tpu.memory_space<hbm>>
      tpu.enqueue_dma source(%dma_start3A_131 : memref<128xi32, #tpu.memory_space<hbm>>) target(%dma_start3A_128 : memref<128xi32, #tpu.memory_space<vmem>>) target_semaphore(%arg14 : memref<!tpu.dma_semaphore, #tpu.memory_space<semaphore_mem>>)
      %add3A_132 = arith.constant 4 : i32
      %add3A_133 = arith.addi %mul3A_0, %add3A_132 : i32
      %dma_start3A_134 = arith.constant 4 : i32
      %dma_start3A_135 = arith.constant 0 : i32
      %dma_start3A_136 = tpu.memref_slice %arg7[%dma_start3A_134, %dma_start3A_135] : memref<8x128xi32, #tpu.memory_space<vmem>> -> memref<1x128xi32, #tpu.memory_space<vmem>>
      %dma_start3A_137 = tpu.memref_squeeze %dma_start3A_136 : memref<1x128xi32, #tpu.memory_space<vmem>> -> memref<128xi32, #tpu.memory_space<vmem>>
      %dma_start3A_138 = arith.constant 0 : i32
      %dma_start3A_139 = tpu.memref_slice %arg3[%add3A_133, %dma_start3A_138] : memref<2560x128xi32, #tpu.memory_space<hbm>> -> memref<1x128xi32, #tpu.memory_space<hbm>>
      %dma_start3A_140 = tpu.memref_squeeze %dma_start3A_139 : memref<1x128xi32, #tpu.memory_space<hbm>> -> memref<128xi32, #tpu.memory_space<hbm>>
      %dma_start3A_141 = arith.constant 0 : i32
      %dma_start3A_142 = tpu.memref_slice %arg7[%dma_start3A_134, %dma_start3A_141] : memref<8x128xi32, #tpu.memory_space<vmem>> -> memref<1x128xi32, #tpu.memory_space<vmem>>
      %dma_start3A_143 = tpu.memref_squeeze %dma_start3A_142 : memref<1x128xi32, #tpu.memory_space<vmem>> -> memref<128xi32, #tpu.memory_space<vmem>>
      %dma_start3A_144 = arith.constant 0 : i32
      %dma_start3A_145 = tpu.memref_slice %arg3[%add3A_133, %dma_start3A_144] : memref<2560x128xi32, #tpu.memory_space<hbm>> -> memref<1x128xi32, #tpu.memory_space<hbm>>
      %dma_start3A_146 = tpu.memref_squeeze %dma_start3A_145 : memref<1x128xi32, #tpu.memory_space<hbm>> -> memref<128xi32, #tpu.memory_space<hbm>>
      tpu.enqueue_dma source(%dma_start3A_146 : memref<128xi32, #tpu.memory_space<hbm>>) target(%dma_start3A_143 : memref<128xi32, #tpu.memory_space<vmem>>) target_semaphore(%arg15 : memref<!tpu.dma_semaphore, #tpu.memory_space<semaphore_mem>>)
      %add3A_147 = arith.constant 4 : i32
      %add3A_148 = arith.addi %mul3A_0, %add3A_147 : i32
      %dma_start3A_149 = arith.constant 4 : i32
      %dma_start3A_150 = arith.constant 0 : i32
      %dma_start3A_151 = tpu.memref_slice %arg8[%dma_start3A_149, %dma_start3A_150] : memref<8x128xi32, #tpu.memory_space<vmem>> -> memref<1x128xi32, #tpu.memory_space<vmem>>
      %dma_start3A_152 = tpu.memref_squeeze %dma_start3A_151 : memref<1x128xi32, #tpu.memory_space<vmem>> -> memref<128xi32, #tpu.memory_space<vmem>>
      %dma_start3A_153 = arith.constant 0 : i32
      %dma_start3A_154 = tpu.memref_slice %arg4[%add3A_148, %dma_start3A_153] : memref<2560x128xi32, #tpu.memory_space<hbm>> -> memref<1x128xi32, #tpu.memory_space<hbm>>
      %dma_start3A_155 = tpu.memref_squeeze %dma_start3A_154 : memref<1x128xi32, #tpu.memory_space<hbm>> -> memref<128xi32, #tpu.memory_space<hbm>>
      %dma_start3A_156 = arith.constant 0 : i32
      %dma_start3A_157 = tpu.memref_slice %arg8[%dma_start3A_149, %dma_start3A_156] : memref<8x128xi32, #tpu.memory_space<vmem>> -> memref<1x128xi32, #tpu.memory_space<vmem>>
      %dma_start3A_158 = tpu.memref_squeeze %dma_start3A_157 : memref<1x128xi32, #tpu.memory_space<vmem>> -> memref<128xi32, #tpu.memory_space<vmem>>
      %dma_start3A_159 = arith.constant 0 : i32
      %dma_start3A_160 = tpu.memref_slice %arg4[%add3A_148, %dma_start3A_159] : memref<2560x128xi32, #tpu.memory_space<hbm>> -> memref<1x128xi32, #tpu.memory_space<hbm>>
      %dma_start3A_161 = tpu.memref_squeeze %dma_start3A_160 : memref<1x128xi32, #tpu.memory_space<hbm>> -> memref<128xi32, #tpu.memory_space<hbm>>
      tpu.enqueue_dma source(%dma_start3A_161 : memref<128xi32, #tpu.memory_space<hbm>>) target(%dma_start3A_158 : memref<128xi32, #tpu.memory_space<vmem>>) target_semaphore(%arg15 : memref<!tpu.dma_semaphore, #tpu.memory_space<semaphore_mem>>)
      %add3A_162 = arith.constant 5 : i32
      %add3A_163 = arith.addi %mul3A_0, %add3A_162 : i32
      %dma_start3A_164 = arith.constant 5 : i32
      %dma_start3A_165 = arith.constant 0 : i32
      %dma_start3A_166 = tpu.memref_slice %arg7[%dma_start3A_164, %dma_start3A_165] : memref<8x128xi32, #tpu.memory_space<vmem>> -> memref<1x128xi32, #tpu.memory_space<vmem>>
      %dma_start3A_167 = tpu.memref_squeeze %dma_start3A_166 : memref<1x128xi32, #tpu.memory_space<vmem>> -> memref<128xi32, #tpu.memory_space<vmem>>
      %dma_start3A_168 = arith.constant 0 : i32
      %dma_start3A_169 = tpu.memref_slice %arg3[%add3A_163, %dma_start3A_168] : memref<2560x128xi32, #tpu.memory_space<hbm>> -> memref<1x128xi32, #tpu.memory_space<hbm>>
      %dma_start3A_170 = tpu.memref_squeeze %dma_start3A_169 : memref<1x128xi32, #tpu.memory_space<hbm>> -> memref<128xi32, #tpu.memory_space<hbm>>
      %dma_start3A_171 = arith.constant 0 : i32
      %dma_start3A_172 = tpu.memref_slice %arg7[%dma_start3A_164, %dma_start3A_171] : memref<8x128xi32, #tpu.memory_space<vmem>> -> memref<1x128xi32, #tpu.memory_space<vmem>>
      %dma_start3A_173 = tpu.memref_squeeze %dma_start3A_172 : memref<1x128xi32, #tpu.memory_space<vmem>> -> memref<128xi32, #tpu.memory_space<vmem>>
      %dma_start3A_174 = arith.constant 0 : i32
      %dma_start3A_175 = tpu.memref_slice %arg3[%add3A_163, %dma_start3A_174] : memref<2560x128xi32, #tpu.memory_space<hbm>> -> memref<1x128xi32, #tpu.memory_space<hbm>>
      %dma_start3A_176 = tpu.memref_squeeze %dma_start3A_175 : memref<1x128xi32, #tpu.memory_space<hbm>> -> memref<128xi32, #tpu.memory_space<hbm>>
      tpu.enqueue_dma source(%dma_start3A_176 : memref<128xi32, #tpu.memory_space<hbm>>) target(%dma_start3A_173 : memref<128xi32, #tpu.memory_space<vmem>>) target_semaphore(%arg16 : memref<!tpu.dma_semaphore, #tpu.memory_space<semaphore_mem>>)
      %add3A_177 = arith.constant 5 : i32
      %add3A_178 = arith.addi %mul3A_0, %add3A_177 : i32
      %dma_start3A_179 = arith.constant 5 : i32
      %dma_start3A_180 = arith.constant 0 : i32
      %dma_start3A_181 = tpu.memref_slice %arg8[%dma_start3A_179, %dma_start3A_180] : memref<8x128xi32, #tpu.memory_space<vmem>> -> memref<1x128xi32, #tpu.memory_space<vmem>>
      %dma_start3A_182 = tpu.memref_squeeze %dma_start3A_181 : memref<1x128xi32, #tpu.memory_space<vmem>> -> memref<128xi32, #tpu.memory_space<vmem>>
      %dma_start3A_183 = arith.constant 0 : i32
      %dma_start3A_184 = tpu.memref_slice %arg4[%add3A_178, %dma_start3A_183] : memref<2560x128xi32, #tpu.memory_space<hbm>> -> memref<1x128xi32, #tpu.memory_space<hbm>>
      %dma_start3A_185 = tpu.memref_squeeze %dma_start3A_184 : memref<1x128xi32, #tpu.memory_space<hbm>> -> memref<128xi32, #tpu.memory_space<hbm>>
      %dma_start3A_186 = arith.constant 0 : i32
      %dma_start3A_187 = tpu.memref_slice %arg8[%dma_start3A_179, %dma_start3A_186] : memref<8x128xi32, #tpu.memory_space<vmem>> -> memref<1x128xi32, #tpu.memory_space<vmem>>
      %dma_start3A_188 = tpu.memref_squeeze %dma_start3A_187 : memref<1x128xi32, #tpu.memory_space<vmem>> -> memref<128xi32, #tpu.memory_space<vmem>>
      %dma_start3A_189 = arith.constant 0 : i32
      %dma_start3A_190 = tpu.memref_slice %arg4[%add3A_178, %dma_start3A_189] : memref<2560x128xi32, #tpu.memory_space<hbm>> -> memref<1x128xi32, #tpu.memory_space<hbm>>
      %dma_start3A_191 = tpu.memref_squeeze %dma_start3A_190 : memref<1x128xi32, #tpu.memory_space<hbm>> -> memref<128xi32, #tpu.memory_space<hbm>>
      tpu.enqueue_dma source(%dma_start3A_191 : memref<128xi32, #tpu.memory_space<hbm>>) target(%dma_start3A_188 : memref<128xi32, #tpu.memory_space<vmem>>) target_semaphore(%arg16 : memref<!tpu.dma_semaphore, #tpu.memory_space<semaphore_mem>>)
      %add3A_192 = arith.constant 6 : i32
      %add3A_193 = arith.addi %mul3A_0, %add3A_192 : i32
      %dma_start3A_194 = arith.constant 6 : i32
      %dma_start3A_195 = arith.constant 0 : i32
      %dma_start3A_196 = tpu.memref_slice %arg7[%dma_start3A_194, %dma_start3A_195] : memref<8x128xi32, #tpu.memory_space<vmem>> -> memref<1x128xi32, #tpu.memory_space<vmem>>
      %dma_start3A_197 = tpu.memref_squeeze %dma_start3A_196 : memref<1x128xi32, #tpu.memory_space<vmem>> -> memref<128xi32, #tpu.memory_space<vmem>>
      %dma_start3A_198 = arith.constant 0 : i32
      %dma_start3A_199 = tpu.memref_slice %arg3[%add3A_193, %dma_start3A_198] : memref<2560x128xi32, #tpu.memory_space<hbm>> -> memref<1x128xi32, #tpu.memory_space<hbm>>
      %dma_start3A_200 = tpu.memref_squeeze %dma_start3A_199 : memref<1x128xi32, #tpu.memory_space<hbm>> -> memref<128xi32, #tpu.memory_space<hbm>>
      %dma_start3A_201 = arith.constant 0 : i32
      %dma_start3A_202 = tpu.memref_slice %arg7[%dma_start3A_194, %dma_start3A_201] : memref<8x128xi32, #tpu.memory_space<vmem>> -> memref<1x128xi32, #tpu.memory_space<vmem>>
      %dma_start3A_203 = tpu.memref_squeeze %dma_start3A_202 : memref<1x128xi32, #tpu.memory_space<vmem>> -> memref<128xi32, #tpu.memory_space<vmem>>
      %dma_start3A_204 = arith.constant 0 : i32
      %dma_start3A_205 = tpu.memref_slice %arg3[%add3A_193, %dma_start3A_204] : memref<2560x128xi32, #tpu.memory_space<hbm>> -> memref<1x128xi32, #tpu.memory_space<hbm>>
      %dma_start3A_206 = tpu.memref_squeeze %dma_start3A_205 : memref<1x128xi32, #tpu.memory_space<hbm>> -> memref<128xi32, #tpu.memory_space<hbm>>
      tpu.enqueue_dma source(%dma_start3A_206 : memref<128xi32, #tpu.memory_space<hbm>>) target(%dma_start3A_203 : memref<128xi32, #tpu.memory_space<vmem>>) target_semaphore(%arg17 : memref<!tpu.dma_semaphore, #tpu.memory_space<semaphore_mem>>)
      %add3A_207 = arith.constant 6 : i32
      %add3A_208 = arith.addi %mul3A_0, %add3A_207 : i32
      %dma_start3A_209 = arith.constant 6 : i32
      %dma_start3A_210 = arith.constant 0 : i32
      %dma_start3A_211 = tpu.memref_slice %arg8[%dma_start3A_209, %dma_start3A_210] : memref<8x128xi32, #tpu.memory_space<vmem>> -> memref<1x128xi32, #tpu.memory_space<vmem>>
      %dma_start3A_212 = tpu.memref_squeeze %dma_start3A_211 : memref<1x128xi32, #tpu.memory_space<vmem>> -> memref<128xi32, #tpu.memory_space<vmem>>
      %dma_start3A_213 = arith.constant 0 : i32
      %dma_start3A_214 = tpu.memref_slice %arg4[%add3A_208, %dma_start3A_213] : memref<2560x128xi32, #tpu.memory_space<hbm>> -> memref<1x128xi32, #tpu.memory_space<hbm>>
      %dma_start3A_215 = tpu.memref_squeeze %dma_start3A_214 : memref<1x128xi32, #tpu.memory_space<hbm>> -> memref<128xi32, #tpu.memory_space<hbm>>
      %dma_start3A_216 = arith.constant 0 : i32
      %dma_start3A_217 = tpu.memref_slice %arg8[%dma_start3A_209, %dma_start3A_216] : memref<8x128xi32, #tpu.memory_space<vmem>> -> memref<1x128xi32, #tpu.memory_space<vmem>>
      %dma_start3A_218 = tpu.memref_squeeze %dma_start3A_217 : memref<1x128xi32, #tpu.memory_space<vmem>> -> memref<128xi32, #tpu.memory_space<vmem>>
      %dma_start3A_219 = arith.constant 0 : i32
      %dma_start3A_220 = tpu.memref_slice %arg4[%add3A_208, %dma_start3A_219] : memref<2560x128xi32, #tpu.memory_space<hbm>> -> memref<1x128xi32, #tpu.memory_space<hbm>>
      %dma_start3A_221 = tpu.memref_squeeze %dma_start3A_220 : memref<1x128xi32, #tpu.memory_space<hbm>> -> memref<128xi32, #tpu.memory_space<hbm>>
      tpu.enqueue_dma source(%dma_start3A_221 : memref<128xi32, #tpu.memory_space<hbm>>) target(%dma_start3A_218 : memref<128xi32, #tpu.memory_space<vmem>>) target_semaphore(%arg17 : memref<!tpu.dma_semaphore, #tpu.memory_space<semaphore_mem>>)
      %add3A_222 = arith.constant 7 : i32
      %add3A_223 = arith.addi %mul3A_0, %add3A_222 : i32
      %dma_start3A_224 = arith.constant 7 : i32
      %dma_start3A_225 = arith.constant 0 : i32
      %dma_start3A_226 = tpu.memref_slice %arg7[%dma_start3A_224, %dma_start3A_225] : memref<8x128xi32, #tpu.memory_space<vmem>> -> memref<1x128xi32, #tpu.memory_space<vmem>>
      %dma_start3A_227 = tpu.memref_squeeze %dma_start3A_226 : memref<1x128xi32, #tpu.memory_space<vmem>> -> memref<128xi32, #tpu.memory_space<vmem>>
      %dma_start3A_228 = arith.constant 0 : i32
      %dma_start3A_229 = tpu.memref_slice %arg3[%add3A_223, %dma_start3A_228] : memref<2560x128xi32, #tpu.memory_space<hbm>> -> memref<1x128xi32, #tpu.memory_space<hbm>>
      %dma_start3A_230 = tpu.memref_squeeze %dma_start3A_229 : memref<1x128xi32, #tpu.memory_space<hbm>> -> memref<128xi32, #tpu.memory_space<hbm>>
      %dma_start3A_231 = arith.constant 0 : i32
      %dma_start3A_232 = tpu.memref_slice %arg7[%dma_start3A_224, %dma_start3A_231] : memref<8x128xi32, #tpu.memory_space<vmem>> -> memref<1x128xi32, #tpu.memory_space<vmem>>
      %dma_start3A_233 = tpu.memref_squeeze %dma_start3A_232 : memref<1x128xi32, #tpu.memory_space<vmem>> -> memref<128xi32, #tpu.memory_space<vmem>>
      %dma_start3A_234 = arith.constant 0 : i32
      %dma_start3A_235 = tpu.memref_slice %arg3[%add3A_223, %dma_start3A_234] : memref<2560x128xi32, #tpu.memory_space<hbm>> -> memref<1x128xi32, #tpu.memory_space<hbm>>
      %dma_start3A_236 = tpu.memref_squeeze %dma_start3A_235 : memref<1x128xi32, #tpu.memory_space<hbm>> -> memref<128xi32, #tpu.memory_space<hbm>>
      tpu.enqueue_dma source(%dma_start3A_236 : memref<128xi32, #tpu.memory_space<hbm>>) target(%dma_start3A_233 : memref<128xi32, #tpu.memory_space<vmem>>) target_semaphore(%arg18 : memref<!tpu.dma_semaphore, #tpu.memory_space<semaphore_mem>>)
      %add3A_237 = arith.constant 7 : i32
      %add3A_238 = arith.addi %mul3A_0, %add3A_237 : i32
      %dma_start3A_239 = arith.constant 7 : i32
      %dma_start3A_240 = arith.constant 0 : i32
      %dma_start3A_241 = tpu.memref_slice %arg8[%dma_start3A_239, %dma_start3A_240] : memref<8x128xi32, #tpu.memory_space<vmem>> -> memref<1x128xi32, #tpu.memory_space<vmem>>
      %dma_start3A_242 = tpu.memref_squeeze %dma_start3A_241 : memref<1x128xi32, #tpu.memory_space<vmem>> -> memref<128xi32, #tpu.memory_space<vmem>>
      %dma_start3A_243 = arith.constant 0 : i32
      %dma_start3A_244 = tpu.memref_slice %arg4[%add3A_238, %dma_start3A_243] : memref<2560x128xi32, #tpu.memory_space<hbm>> -> memref<1x128xi32, #tpu.memory_space<hbm>>
      %dma_start3A_245 = tpu.memref_squeeze %dma_start3A_244 : memref<1x128xi32, #tpu.memory_space<hbm>> -> memref<128xi32, #tpu.memory_space<hbm>>
      %dma_start3A_246 = arith.constant 0 : i32
      %dma_start3A_247 = tpu.memref_slice %arg8[%dma_start3A_239, %dma_start3A_246] : memref<8x128xi32, #tpu.memory_space<vmem>> -> memref<1x128xi32, #tpu.memory_space<vmem>>
      %dma_start3A_248 = tpu.memref_squeeze %dma_start3A_247 : memref<1x128xi32, #tpu.memory_space<vmem>> -> memref<128xi32, #tpu.memory_space<vmem>>
      %dma_start3A_249 = arith.constant 0 : i32
      %dma_start3A_250 = tpu.memref_slice %arg4[%add3A_238, %dma_start3A_249] : memref<2560x128xi32, #tpu.memory_space<hbm>> -> memref<1x128xi32, #tpu.memory_space<hbm>>
      %dma_start3A_251 = tpu.memref_squeeze %dma_start3A_250 : memref<1x128xi32, #tpu.memory_space<hbm>> -> memref<128xi32, #tpu.memory_space<hbm>>
      tpu.enqueue_dma source(%dma_start3A_251 : memref<128xi32, #tpu.memory_space<hbm>>) target(%dma_start3A_248 : memref<128xi32, #tpu.memory_space<vmem>>) target_semaphore(%arg18 : memref<!tpu.dma_semaphore, #tpu.memory_space<semaphore_mem>>)
      %dma_wait3A = arith.constant 0 : i32
      %dma_wait3A_252 = arith.constant 0 : i32
      %dma_wait3A_253 = arith.constant 0 : i32
      %dma_wait3A_254 = tpu.memref_slice %arg7[%dma_wait3A_252, %dma_wait3A_253] : memref<8x128xi32, #tpu.memory_space<vmem>> -> memref<1x128xi32, #tpu.memory_space<vmem>>
      %dma_wait3A_255 = tpu.memref_squeeze %dma_wait3A_254 : memref<1x128xi32, #tpu.memory_space<vmem>> -> memref<128xi32, #tpu.memory_space<vmem>>
      %dma_wait3A_256 = arith.constant 0 : i32
      %dma_wait3A_257 = tpu.memref_slice %arg3[%dma_wait3A, %dma_wait3A_256] : memref<2560x128xi32, #tpu.memory_space<hbm>> -> memref<1x128xi32, #tpu.memory_space<hbm>>
      %dma_wait3A_258 = tpu.memref_squeeze %dma_wait3A_257 : memref<1x128xi32, #tpu.memory_space<hbm>> -> memref<128xi32, #tpu.memory_space<hbm>>
      %dma_wait3A_259 = arith.constant 0 : i32
      %dma_wait3A_260 = tpu.memref_slice %arg7[%dma_wait3A_252, %dma_wait3A_259] : memref<8x128xi32, #tpu.memory_space<vmem>> -> memref<1x128xi32, #tpu.memory_space<vmem>>
      %dma_wait3A_261 = tpu.memref_squeeze %dma_wait3A_260 : memref<1x128xi32, #tpu.memory_space<vmem>> -> memref<128xi32, #tpu.memory_space<vmem>>
      %dma_wait3A_262 = arith.constant 0 : i32
      %dma_wait3A_263 = tpu.memref_slice %arg3[%dma_wait3A, %dma_wait3A_262] : memref<2560x128xi32, #tpu.memory_space<hbm>> -> memref<1x128xi32, #tpu.memory_space<hbm>>
      %dma_wait3A_264 = tpu.memref_squeeze %dma_wait3A_263 : memref<1x128xi32, #tpu.memory_space<hbm>> -> memref<128xi32, #tpu.memory_space<hbm>>
      tpu.wait_dma2 semaphore(%arg11 : memref<!tpu.dma_semaphore, #tpu.memory_space<semaphore_mem>>) src(%dma_wait3A_264 : memref<128xi32, #tpu.memory_space<hbm>>) dst(%dma_wait3A_261 : memref<128xi32, #tpu.memory_space<vmem>>)
      %dma_wait3A_265 = arith.constant 0 : i32
      %dma_wait3A_266 = arith.constant 0 : i32
      %dma_wait3A_267 = arith.constant 0 : i32
      %dma_wait3A_268 = tpu.memref_slice %arg8[%dma_wait3A_266, %dma_wait3A_267] : memref<8x128xi32, #tpu.memory_space<vmem>> -> memref<1x128xi32, #tpu.memory_space<vmem>>
      %dma_wait3A_269 = tpu.memref_squeeze %dma_wait3A_268 : memref<1x128xi32, #tpu.memory_space<vmem>> -> memref<128xi32, #tpu.memory_space<vmem>>
      %dma_wait3A_270 = arith.constant 0 : i32
      %dma_wait3A_271 = tpu.memref_slice %arg3[%dma_wait3A_265, %dma_wait3A_270] : memref<2560x128xi32, #tpu.memory_space<hbm>> -> memref<1x128xi32, #tpu.memory_space<hbm>>
      %dma_wait3A_272 = tpu.memref_squeeze %dma_wait3A_271 : memref<1x128xi32, #tpu.memory_space<hbm>> -> memref<128xi32, #tpu.memory_space<hbm>>
      %dma_wait3A_273 = arith.constant 0 : i32
      %dma_wait3A_274 = tpu.memref_slice %arg8[%dma_wait3A_266, %dma_wait3A_273] : memref<8x128xi32, #tpu.memory_space<vmem>> -> memref<1x128xi32, #tpu.memory_space<vmem>>
      %dma_wait3A_275 = tpu.memref_squeeze %dma_wait3A_274 : memref<1x128xi32, #tpu.memory_space<vmem>> -> memref<128xi32, #tpu.memory_space<vmem>>
      %dma_wait3A_276 = arith.constant 0 : i32
      %dma_wait3A_277 = tpu.memref_slice %arg3[%dma_wait3A_265, %dma_wait3A_276] : memref<2560x128xi32, #tpu.memory_space<hbm>> -> memref<1x128xi32, #tpu.memory_space<hbm>>
      %dma_wait3A_278 = tpu.memref_squeeze %dma_wait3A_277 : memref<1x128xi32, #tpu.memory_space<hbm>> -> memref<128xi32, #tpu.memory_space<hbm>>
      tpu.wait_dma2 semaphore(%arg11 : memref<!tpu.dma_semaphore, #tpu.memory_space<semaphore_mem>>) src(%dma_wait3A_278 : memref<128xi32, #tpu.memory_space<hbm>>) dst(%dma_wait3A_275 : memref<128xi32, #tpu.memory_space<vmem>>)
      %dma_start3A_279 = arith.constant 0 : i32
      %dma_start3A_280 = arith.constant 0 : i32
      %dma_start3A_281 = arith.constant 0 : i32
      %dma_start3A_282 = arith.constant 0 : i32
      %dma_start3A_283 = tpu.memref_slice %arg9[%dma_start3A_280, %dma_start3A_281, %dma_start3A_282] : memref<4x128x64xf32, #tpu.memory_space<vmem>> -> memref<1x128x64xf32, #tpu.memory_space<vmem>>
      %dma_start3A_284 = tpu.memref_squeeze %dma_start3A_283 : memref<1x128x64xf32, #tpu.memory_space<vmem>> -> memref<128x64xf32, #tpu.memory_space<vmem>>
      %dma_start3A_285 = arith.constant 0 : i32
      %dma_start3A_286 = tpu.memref_slice %arg7[%dma_start3A_279, %dma_start3A_285] : memref<8x128xi32, #tpu.memory_space<vmem>> -> memref<1x128xi32, #tpu.memory_space<vmem>>
      %dma_start3A_287 = tpu.memref_squeeze %dma_start3A_286 : memref<1x128xi32, #tpu.memory_space<vmem>> -> memref<128xi32, #tpu.memory_space<vmem>>
      %dma_start3A_288 = arith.constant 0 : i32
      %dma_start3A_289 = arith.constant 0 : i32
      %dma_start3A_290 = tpu.memref_slice %arg2[%dma_start3A_288, %dma_start3A_289] : memref<10240x64xf32, #tpu.memory_space<hbm>> -> memref<10240x64xf32, #tpu.memory_space<hbm>>
      tpu.enqueue_indirect_dma source(%dma_start3A_290 : memref<10240x64xf32, #tpu.memory_space<hbm>>) target(%dma_start3A_284 : memref<128x64xf32, #tpu.memory_space<vmem>>) offsets(%dma_start3A_287 : memref<128xi32, #tpu.memory_space<vmem>>) semaphore(%arg19 : memref<!tpu.dma_semaphore, #tpu.memory_space<semaphore_mem>>)
      %dma_wait3A_291 = arith.constant 0 : i32
      %dma_wait3A_292 = arith.constant 1 : i32
      %dma_wait3A_293 = arith.constant 0 : i32
      %dma_wait3A_294 = tpu.memref_slice %arg7[%dma_wait3A_292, %dma_wait3A_293] : memref<8x128xi32, #tpu.memory_space<vmem>> -> memref<1x128xi32, #tpu.memory_space<vmem>>
      %dma_wait3A_295 = tpu.memref_squeeze %dma_wait3A_294 : memref<1x128xi32, #tpu.memory_space<vmem>> -> memref<128xi32, #tpu.memory_space<vmem>>
      %dma_wait3A_296 = arith.constant 0 : i32
      %dma_wait3A_297 = tpu.memref_slice %arg3[%dma_wait3A_291, %dma_wait3A_296] : memref<2560x128xi32, #tpu.memory_space<hbm>> -> memref<1x128xi32, #tpu.memory_space<hbm>>
      %dma_wait3A_298 = tpu.memref_squeeze %dma_wait3A_297 : memref<1x128xi32, #tpu.memory_space<hbm>> -> memref<128xi32, #tpu.memory_space<hbm>>
      %dma_wait3A_299 = arith.constant 0 : i32
      %dma_wait3A_300 = tpu.memref_slice %arg7[%dma_wait3A_292, %dma_wait3A_299] : memref<8x128xi32, #tpu.memory_space<vmem>> -> memref<1x128xi32, #tpu.memory_space<vmem>>
      %dma_wait3A_301 = tpu.memref_squeeze %dma_wait3A_300 : memref<1x128xi32, #tpu.memory_space<vmem>> -> memref<128xi32, #tpu.memory_space<vmem>>
      %dma_wait3A_302 = arith.constant 0 : i32
      %dma_wait3A_303 = tpu.memref_slice %arg3[%dma_wait3A_291, %dma_wait3A_302] : memref<2560x128xi32, #tpu.memory_space<hbm>> -> memref<1x128xi32, #tpu.memory_space<hbm>>
      %dma_wait3A_304 = tpu.memref_squeeze %dma_wait3A_303 : memref<1x128xi32, #tpu.memory_space<hbm>> -> memref<128xi32, #tpu.memory_space<hbm>>
      tpu.wait_dma2 semaphore(%arg12 : memref<!tpu.dma_semaphore, #tpu.memory_space<semaphore_mem>>) src(%dma_wait3A_304 : memref<128xi32, #tpu.memory_space<hbm>>) dst(%dma_wait3A_301 : memref<128xi32, #tpu.memory_space<vmem>>)
      %dma_wait3A_305 = arith.constant 0 : i32
      %dma_wait3A_306 = arith.constant 1 : i32
      %dma_wait3A_307 = arith.constant 0 : i32
      %dma_wait3A_308 = tpu.memref_slice %arg8[%dma_wait3A_306, %dma_wait3A_307] : memref<8x128xi32, #tpu.memory_space<vmem>> -> memref<1x128xi32, #tpu.memory_space<vmem>>
      %dma_wait3A_309 = tpu.memref_squeeze %dma_wait3A_308 : memref<1x128xi32, #tpu.memory_space<vmem>> -> memref<128xi32, #tpu.memory_space<vmem>>
      %dma_wait3A_310 = arith.constant 0 : i32
      %dma_wait3A_311 = tpu.memref_slice %arg3[%dma_wait3A_305, %dma_wait3A_310] : memref<2560x128xi32, #tpu.memory_space<hbm>> -> memref<1x128xi32, #tpu.memory_space<hbm>>
      %dma_wait3A_312 = tpu.memref_squeeze %dma_wait3A_311 : memref<1x128xi32, #tpu.memory_space<hbm>> -> memref<128xi32, #tpu.memory_space<hbm>>
      %dma_wait3A_313 = arith.constant 0 : i32
      %dma_wait3A_314 = tpu.memref_slice %arg8[%dma_wait3A_306, %dma_wait3A_313] : memref<8x128xi32, #tpu.memory_space<vmem>> -> memref<1x128xi32, #tpu.memory_space<vmem>>
      %dma_wait3A_315 = tpu.memref_squeeze %dma_wait3A_314 : memref<1x128xi32, #tpu.memory_space<vmem>> -> memref<128xi32, #tpu.memory_space<vmem>>
      %dma_wait3A_316 = arith.constant 0 : i32
      %dma_wait3A_317 = tpu.memref_slice %arg3[%dma_wait3A_305, %dma_wait3A_316] : memref<2560x128xi32, #tpu.memory_space<hbm>> -> memref<1x128xi32, #tpu.memory_space<hbm>>
      %dma_wait3A_318 = tpu.memref_squeeze %dma_wait3A_317 : memref<1x128xi32, #tpu.memory_space<hbm>> -> memref<128xi32, #tpu.memory_space<hbm>>
      tpu.wait_dma2 semaphore(%arg12 : memref<!tpu.dma_semaphore, #tpu.memory_space<semaphore_mem>>) src(%dma_wait3A_318 : memref<128xi32, #tpu.memory_space<hbm>>) dst(%dma_wait3A_315 : memref<128xi32, #tpu.memory_space<vmem>>)
      %dma_start3A_319 = arith.constant 1 : i32
      %dma_start3A_320 = arith.constant 1 : i32
      %dma_start3A_321 = arith.constant 0 : i32
      %dma_start3A_322 = arith.constant 0 : i32
      %dma_start3A_323 = tpu.memref_slice %arg9[%dma_start3A_320, %dma_start3A_321, %dma_start3A_322] : memref<4x128x64xf32, #tpu.memory_space<vmem>> -> memref<1x128x64xf32, #tpu.memory_space<vmem>>
      %dma_start3A_324 = tpu.memref_squeeze %dma_start3A_323 : memref<1x128x64xf32, #tpu.memory_space<vmem>> -> memref<128x64xf32, #tpu.memory_space<vmem>>
      %dma_start3A_325 = arith.constant 0 : i32
      %dma_start3A_326 = tpu.memref_slice %arg7[%dma_start3A_319, %dma_start3A_325] : memref<8x128xi32, #tpu.memory_space<vmem>> -> memref<1x128xi32, #tpu.memory_space<vmem>>
      %dma_start3A_327 = tpu.memref_squeeze %dma_start3A_326 : memref<1x128xi32, #tpu.memory_space<vmem>> -> memref<128xi32, #tpu.memory_space<vmem>>
      %dma_start3A_328 = arith.constant 0 : i32
      %dma_start3A_329 = arith.constant 0 : i32
      %dma_start3A_330 = tpu.memref_slice %arg2[%dma_start3A_328, %dma_start3A_329] : memref<10240x64xf32, #tpu.memory_space<hbm>> -> memref<10240x64xf32, #tpu.memory_space<hbm>>
      tpu.enqueue_indirect_dma source(%dma_start3A_330 : memref<10240x64xf32, #tpu.memory_space<hbm>>) target(%dma_start3A_324 : memref<128x64xf32, #tpu.memory_space<vmem>>) offsets(%dma_start3A_327 : memref<128xi32, #tpu.memory_space<vmem>>) semaphore(%arg20 : memref<!tpu.dma_semaphore, #tpu.memory_space<semaphore_mem>>)
      %dma_wait3A_331 = arith.constant 0 : i32
      %dma_wait3A_332 = arith.constant 2 : i32
      %dma_wait3A_333 = arith.constant 0 : i32
      %dma_wait3A_334 = tpu.memref_slice %arg7[%dma_wait3A_332, %dma_wait3A_333] : memref<8x128xi32, #tpu.memory_space<vmem>> -> memref<1x128xi32, #tpu.memory_space<vmem>>
      %dma_wait3A_335 = tpu.memref_squeeze %dma_wait3A_334 : memref<1x128xi32, #tpu.memory_space<vmem>> -> memref<128xi32, #tpu.memory_space<vmem>>
      %dma_wait3A_336 = arith.constant 0 : i32
      %dma_wait3A_337 = tpu.memref_slice %arg3[%dma_wait3A_331, %dma_wait3A_336] : memref<2560x128xi32, #tpu.memory_space<hbm>> -> memref<1x128xi32, #tpu.memory_space<hbm>>
      %dma_wait3A_338 = tpu.memref_squeeze %dma_wait3A_337 : memref<1x128xi32, #tpu.memory_space<hbm>> -> memref<128xi32, #tpu.memory_space<hbm>>
      %dma_wait3A_339 = arith.constant 0 : i32
      %dma_wait3A_340 = tpu.memref_slice %arg7[%dma_wait3A_332, %dma_wait3A_339] : memref<8x128xi32, #tpu.memory_space<vmem>> -> memref<1x128xi32, #tpu.memory_space<vmem>>
      %dma_wait3A_341 = tpu.memref_squeeze %dma_wait3A_340 : memref<1x128xi32, #tpu.memory_space<vmem>> -> memref<128xi32, #tpu.memory_space<vmem>>
      %dma_wait3A_342 = arith.constant 0 : i32
      %dma_wait3A_343 = tpu.memref_slice %arg3[%dma_wait3A_331, %dma_wait3A_342] : memref<2560x128xi32, #tpu.memory_space<hbm>> -> memref<1x128xi32, #tpu.memory_space<hbm>>
      %dma_wait3A_344 = tpu.memref_squeeze %dma_wait3A_343 : memref<1x128xi32, #tpu.memory_space<hbm>> -> memref<128xi32, #tpu.memory_space<hbm>>
      tpu.wait_dma2 semaphore(%arg13 : memref<!tpu.dma_semaphore, #tpu.memory_space<semaphore_mem>>) src(%dma_wait3A_344 : memref<128xi32, #tpu.memory_space<hbm>>) dst(%dma_wait3A_341 : memref<128xi32, #tpu.memory_space<vmem>>)
      %dma_wait3A_345 = arith.constant 0 : i32
      %dma_wait3A_346 = arith.constant 2 : i32
      %dma_wait3A_347 = arith.constant 0 : i32
      %dma_wait3A_348 = tpu.memref_slice %arg8[%dma_wait3A_346, %dma_wait3A_347] : memref<8x128xi32, #tpu.memory_space<vmem>> -> memref<1x128xi32, #tpu.memory_space<vmem>>
      %dma_wait3A_349 = tpu.memref_squeeze %dma_wait3A_348 : memref<1x128xi32, #tpu.memory_space<vmem>> -> memref<128xi32, #tpu.memory_space<vmem>>
      %dma_wait3A_350 = arith.constant 0 : i32
      %dma_wait3A_351 = tpu.memref_slice %arg3[%dma_wait3A_345, %dma_wait3A_350] : memref<2560x128xi32, #tpu.memory_space<hbm>> -> memref<1x128xi32, #tpu.memory_space<hbm>>
      %dma_wait3A_352 = tpu.memref_squeeze %dma_wait3A_351 : memref<1x128xi32, #tpu.memory_space<hbm>> -> memref<128xi32, #tpu.memory_space<hbm>>
      %dma_wait3A_353 = arith.constant 0 : i32
      %dma_wait3A_354 = tpu.memref_slice %arg8[%dma_wait3A_346, %dma_wait3A_353] : memref<8x128xi32, #tpu.memory_space<vmem>> -> memref<1x128xi32, #tpu.memory_space<vmem>>
      %dma_wait3A_355 = tpu.memref_squeeze %dma_wait3A_354 : memref<1x128xi32, #tpu.memory_space<vmem>> -> memref<128xi32, #tpu.memory_space<vmem>>
      %dma_wait3A_356 = arith.constant 0 : i32
      %dma_wait3A_357 = tpu.memref_slice %arg3[%dma_wait3A_345, %dma_wait3A_356] : memref<2560x128xi32, #tpu.memory_space<hbm>> -> memref<1x128xi32, #tpu.memory_space<hbm>>
      %dma_wait3A_358 = tpu.memref_squeeze %dma_wait3A_357 : memref<1x128xi32, #tpu.memory_space<hbm>> -> memref<128xi32, #tpu.memory_space<hbm>>
      tpu.wait_dma2 semaphore(%arg13 : memref<!tpu.dma_semaphore, #tpu.memory_space<semaphore_mem>>) src(%dma_wait3A_358 : memref<128xi32, #tpu.memory_space<hbm>>) dst(%dma_wait3A_355 : memref<128xi32, #tpu.memory_space<vmem>>)
      %dma_start3A_359 = arith.constant 2 : i32
      %dma_start3A_360 = arith.constant 2 : i32
      %dma_start3A_361 = arith.constant 0 : i32
      %dma_start3A_362 = arith.constant 0 : i32
      %dma_start3A_363 = tpu.memref_slice %arg9[%dma_start3A_360, %dma_start3A_361, %dma_start3A_362] : memref<4x128x64xf32, #tpu.memory_space<vmem>> -> memref<1x128x64xf32, #tpu.memory_space<vmem>>
      %dma_start3A_364 = tpu.memref_squeeze %dma_start3A_363 : memref<1x128x64xf32, #tpu.memory_space<vmem>> -> memref<128x64xf32, #tpu.memory_space<vmem>>
      %dma_start3A_365 = arith.constant 0 : i32
      %dma_start3A_366 = tpu.memref_slice %arg7[%dma_start3A_359, %dma_start3A_365] : memref<8x128xi32, #tpu.memory_space<vmem>> -> memref<1x128xi32, #tpu.memory_space<vmem>>
      %dma_start3A_367 = tpu.memref_squeeze %dma_start3A_366 : memref<1x128xi32, #tpu.memory_space<vmem>> -> memref<128xi32, #tpu.memory_space<vmem>>
      %dma_start3A_368 = arith.constant 0 : i32
      %dma_start3A_369 = arith.constant 0 : i32
      %dma_start3A_370 = tpu.memref_slice %arg2[%dma_start3A_368, %dma_start3A_369] : memref<10240x64xf32, #tpu.memory_space<hbm>> -> memref<10240x64xf32, #tpu.memory_space<hbm>>
      tpu.enqueue_indirect_dma source(%dma_start3A_370 : memref<10240x64xf32, #tpu.memory_space<hbm>>) target(%dma_start3A_364 : memref<128x64xf32, #tpu.memory_space<vmem>>) offsets(%dma_start3A_367 : memref<128xi32, #tpu.memory_space<vmem>>) semaphore(%arg21 : memref<!tpu.dma_semaphore, #tpu.memory_space<semaphore_mem>>)
      %dma_wait3A_371 = arith.constant 0 : i32
      %dma_wait3A_372 = arith.constant 3 : i32
      %dma_wait3A_373 = arith.constant 0 : i32
      %dma_wait3A_374 = tpu.memref_slice %arg7[%dma_wait3A_372, %dma_wait3A_373] : memref<8x128xi32, #tpu.memory_space<vmem>> -> memref<1x128xi32, #tpu.memory_space<vmem>>
      %dma_wait3A_375 = tpu.memref_squeeze %dma_wait3A_374 : memref<1x128xi32, #tpu.memory_space<vmem>> -> memref<128xi32, #tpu.memory_space<vmem>>
      %dma_wait3A_376 = arith.constant 0 : i32
      %dma_wait3A_377 = tpu.memref_slice %arg3[%dma_wait3A_371, %dma_wait3A_376] : memref<2560x128xi32, #tpu.memory_space<hbm>> -> memref<1x128xi32, #tpu.memory_space<hbm>>
      %dma_wait3A_378 = tpu.memref_squeeze %dma_wait3A_377 : memref<1x128xi32, #tpu.memory_space<hbm>> -> memref<128xi32, #tpu.memory_space<hbm>>
      %dma_wait3A_379 = arith.constant 0 : i32
      %dma_wait3A_380 = tpu.memref_slice %arg7[%dma_wait3A_372, %dma_wait3A_379] : memref<8x128xi32, #tpu.memory_space<vmem>> -> memref<1x128xi32, #tpu.memory_space<vmem>>
      %dma_wait3A_381 = tpu.memref_squeeze %dma_wait3A_380 : memref<1x128xi32, #tpu.memory_space<vmem>> -> memref<128xi32, #tpu.memory_space<vmem>>
      %dma_wait3A_382 = arith.constant 0 : i32
      %dma_wait3A_383 = tpu.memref_slice %arg3[%dma_wait3A_371, %dma_wait3A_382] : memref<2560x128xi32, #tpu.memory_space<hbm>> -> memref<1x128xi32, #tpu.memory_space<hbm>>
      %dma_wait3A_384 = tpu.memref_squeeze %dma_wait3A_383 : memref<1x128xi32, #tpu.memory_space<hbm>> -> memref<128xi32, #tpu.memory_space<hbm>>
      tpu.wait_dma2 semaphore(%arg14 : memref<!tpu.dma_semaphore, #tpu.memory_space<semaphore_mem>>) src(%dma_wait3A_384 : memref<128xi32, #tpu.memory_space<hbm>>) dst(%dma_wait3A_381 : memref<128xi32, #tpu.memory_space<vmem>>)
      %dma_wait3A_385 = arith.constant 0 : i32
      %dma_wait3A_386 = arith.constant 3 : i32
      %dma_wait3A_387 = arith.constant 0 : i32
      %dma_wait3A_388 = tpu.memref_slice %arg8[%dma_wait3A_386, %dma_wait3A_387] : memref<8x128xi32, #tpu.memory_space<vmem>> -> memref<1x128xi32, #tpu.memory_space<vmem>>
      %dma_wait3A_389 = tpu.memref_squeeze %dma_wait3A_388 : memref<1x128xi32, #tpu.memory_space<vmem>> -> memref<128xi32, #tpu.memory_space<vmem>>
      %dma_wait3A_390 = arith.constant 0 : i32
      %dma_wait3A_391 = tpu.memref_slice %arg3[%dma_wait3A_385, %dma_wait3A_390] : memref<2560x128xi32, #tpu.memory_space<hbm>> -> memref<1x128xi32, #tpu.memory_space<hbm>>
      %dma_wait3A_392 = tpu.memref_squeeze %dma_wait3A_391 : memref<1x128xi32, #tpu.memory_space<hbm>> -> memref<128xi32, #tpu.memory_space<hbm>>
      %dma_wait3A_393 = arith.constant 0 : i32
      %dma_wait3A_394 = tpu.memref_slice %arg8[%dma_wait3A_386, %dma_wait3A_393] : memref<8x128xi32, #tpu.memory_space<vmem>> -> memref<1x128xi32, #tpu.memory_space<vmem>>
      %dma_wait3A_395 = tpu.memref_squeeze %dma_wait3A_394 : memref<1x128xi32, #tpu.memory_space<vmem>> -> memref<128xi32, #tpu.memory_space<vmem>>
      %dma_wait3A_396 = arith.constant 0 : i32
      %dma_wait3A_397 = tpu.memref_slice %arg3[%dma_wait3A_385, %dma_wait3A_396] : memref<2560x128xi32, #tpu.memory_space<hbm>> -> memref<1x128xi32, #tpu.memory_space<hbm>>
      %dma_wait3A_398 = tpu.memref_squeeze %dma_wait3A_397 : memref<1x128xi32, #tpu.memory_space<hbm>> -> memref<128xi32, #tpu.memory_space<hbm>>
      tpu.wait_dma2 semaphore(%arg14 : memref<!tpu.dma_semaphore, #tpu.memory_space<semaphore_mem>>) src(%dma_wait3A_398 : memref<128xi32, #tpu.memory_space<hbm>>) dst(%dma_wait3A_395 : memref<128xi32, #tpu.memory_space<vmem>>)
      %dma_start3A_399 = arith.constant 3 : i32
      %dma_start3A_400 = arith.constant 3 : i32
      %dma_start3A_401 = arith.constant 0 : i32
      %dma_start3A_402 = arith.constant 0 : i32
      %dma_start3A_403 = tpu.memref_slice %arg9[%dma_start3A_400, %dma_start3A_401, %dma_start3A_402] : memref<4x128x64xf32, #tpu.memory_space<vmem>> -> memref<1x128x64xf32, #tpu.memory_space<vmem>>
      %dma_start3A_404 = tpu.memref_squeeze %dma_start3A_403 : memref<1x128x64xf32, #tpu.memory_space<vmem>> -> memref<128x64xf32, #tpu.memory_space<vmem>>
      %dma_start3A_405 = arith.constant 0 : i32
      %dma_start3A_406 = tpu.memref_slice %arg7[%dma_start3A_399, %dma_start3A_405] : memref<8x128xi32, #tpu.memory_space<vmem>> -> memref<1x128xi32, #tpu.memory_space<vmem>>
      %dma_start3A_407 = tpu.memref_squeeze %dma_start3A_406 : memref<1x128xi32, #tpu.memory_space<vmem>> -> memref<128xi32, #tpu.memory_space<vmem>>
      %dma_start3A_408 = arith.constant 0 : i32
      %dma_start3A_409 = arith.constant 0 : i32
      %dma_start3A_410 = tpu.memref_slice %arg2[%dma_start3A_408, %dma_start3A_409] : memref<10240x64xf32, #tpu.memory_space<hbm>> -> memref<10240x64xf32, #tpu.memory_space<hbm>>
      tpu.enqueue_indirect_dma source(%dma_start3A_410 : memref<10240x64xf32, #tpu.memory_space<hbm>>) target(%dma_start3A_404 : memref<128x64xf32, #tpu.memory_space<vmem>>) offsets(%dma_start3A_407 : memref<128xi32, #tpu.memory_space<vmem>>) semaphore(%arg22 : memref<!tpu.dma_semaphore, #tpu.memory_space<semaphore_mem>>)
      %scan3A = arith.constant 0 : i32
      %scan3A_411 = arith.constant 0 : i32
      %scan3A_412 = arith.constant 20 : i32
      %scan3A_413 = arith.addi %scan3A_411, %scan3A_412 : i32
      %scan3A_414 = arith.constant 1 : i32
      scf.for %scan3A_416 = %scan3A_411 to %scan3A_413 step %scan3A_414  : i32 {
        %mul3A_417 = arith.constant 8 : i32
        %mul3A_418 = arith.muli %scan3A_416, %mul3A_417 : i32
        %add3A_419 = arith.constant 0 : i32
        %add3A_420 = arith.addi %mul3A_418, %add3A_419 : i32
        %dma_wait3A_421 = arith.constant 0 : i32
        %dma_wait3A_422 = arith.constant 0 : i32
        %dma_wait3A_423 = arith.constant 0 : i32
        %dma_wait3A_424 = arith.constant 0 : i32
        %dma_wait3A_425 = tpu.memref_slice %arg9[%dma_wait3A_422, %dma_wait3A_423, %dma_wait3A_424] : memref<4x128x64xf32, #tpu.memory_space<vmem>> -> memref<1x128x64xf32, #tpu.memory_space<vmem>>
        %dma_wait3A_426 = tpu.memref_squeeze %dma_wait3A_425 : memref<1x128x64xf32, #tpu.memory_space<vmem>> -> memref<128x64xf32, #tpu.memory_space<vmem>>
        %dma_wait3A_427 = arith.constant 0 : i32
        %dma_wait3A_428 = tpu.memref_slice %arg7[%dma_wait3A_421, %dma_wait3A_427] : memref<8x128xi32, #tpu.memory_space<vmem>> -> memref<1x128xi32, #tpu.memory_space<vmem>>
        %dma_wait3A_429 = tpu.memref_squeeze %dma_wait3A_428 : memref<1x128xi32, #tpu.memory_space<vmem>> -> memref<128xi32, #tpu.memory_space<vmem>>
        %dma_wait3A_430 = arith.constant 0 : i32
        %dma_wait3A_431 = arith.constant 0 : i32
        %dma_wait3A_432 = tpu.memref_slice %arg2[%dma_wait3A_430, %dma_wait3A_431] : memref<10240x64xf32, #tpu.memory_space<hbm>> -> memref<10240x64xf32, #tpu.memory_space<hbm>>
        tpu.wait_indirect_dma semaphore(%arg19 : memref<!tpu.dma_semaphore, #tpu.memory_space<semaphore_mem>>) src(%dma_wait3A_432 : memref<10240x64xf32, #tpu.memory_space<hbm>>) dst(%dma_wait3A_426 : memref<128x64xf32, #tpu.memory_space<vmem>>)
        %dma_start3A_433 = arith.constant 0 : i32
        %dma_start3A_434 = arith.constant 0 : i32
        %dma_start3A_435 = arith.constant 0 : i32
        %dma_start3A_436 = arith.constant 0 : i32
        %dma_start3A_437 = tpu.memref_slice %arg9[%dma_start3A_433, %dma_start3A_435, %dma_start3A_436] : memref<4x128x64xf32, #tpu.memory_space<vmem>> -> memref<1x128x64xf32, #tpu.memory_space<vmem>>
        %dma_start3A_438 = tpu.memref_squeeze %dma_start3A_437 : memref<1x128x64xf32, #tpu.memory_space<vmem>> -> memref<128x64xf32, #tpu.memory_space<vmem>>
        %dma_start3A_439 = arith.constant 0 : i32
        %dma_start3A_440 = tpu.memref_slice %arg8[%dma_start3A_434, %dma_start3A_439] : memref<8x128xi32, #tpu.memory_space<vmem>> -> memref<1x128xi32, #tpu.memory_space<vmem>>
        %dma_start3A_441 = tpu.memref_squeeze %dma_start3A_440 : memref<1x128xi32, #tpu.memory_space<vmem>> -> memref<128xi32, #tpu.memory_space<vmem>>
        %dma_start3A_442 = arith.constant 0 : i32
        %dma_start3A_443 = arith.constant 0 : i32
        %dma_start3A_444 = tpu.memref_slice %arg10[%dma_start3A_442, %dma_start3A_443] : memref<10240x64xf32, #tpu.memory_space<vmem_shared>> -> memref<10240x64xf32, #tpu.memory_space<vmem_shared>>
        tpu.enqueue_indirect_dma source(%dma_start3A_438 : memref<128x64xf32, #tpu.memory_space<vmem>>) target(%dma_start3A_444 : memref<10240x64xf32, #tpu.memory_space<vmem_shared>>) offsets(%dma_start3A_441 : memref<128xi32, #tpu.memory_space<vmem>>) semaphore(%arg23 : memref<!tpu.dma_semaphore, #tpu.memory_space<semaphore_mem>>) {add = true}
        %dma_wait3A_445 = arith.constant 0 : i32
        %dma_wait3A_446 = arith.constant 0 : i32
        %dma_wait3A_447 = arith.constant 0 : i32
        %dma_wait3A_448 = arith.constant 0 : i32
        %dma_wait3A_449 = tpu.memref_slice %arg9[%dma_wait3A_445, %dma_wait3A_447, %dma_wait3A_448] : memref<4x128x64xf32, #tpu.memory_space<vmem>> -> memref<1x128x64xf32, #tpu.memory_space<vmem>>
        %dma_wait3A_450 = tpu.memref_squeeze %dma_wait3A_449 : memref<1x128x64xf32, #tpu.memory_space<vmem>> -> memref<128x64xf32, #tpu.memory_space<vmem>>
        %dma_wait3A_451 = arith.constant 0 : i32
        %dma_wait3A_452 = tpu.memref_slice %arg8[%dma_wait3A_446, %dma_wait3A_451] : memref<8x128xi32, #tpu.memory_space<vmem>> -> memref<1x128xi32, #tpu.memory_space<vmem>>
        %dma_wait3A_453 = tpu.memref_squeeze %dma_wait3A_452 : memref<1x128xi32, #tpu.memory_space<vmem>> -> memref<128xi32, #tpu.memory_space<vmem>>
        %dma_wait3A_454 = arith.constant 0 : i32
        %dma_wait3A_455 = arith.constant 0 : i32
        %dma_wait3A_456 = tpu.memref_slice %arg10[%dma_wait3A_454, %dma_wait3A_455] : memref<10240x64xf32, #tpu.memory_space<vmem_shared>> -> memref<10240x64xf32, #tpu.memory_space<vmem_shared>>
        tpu.wait_indirect_dma semaphore(%arg23 : memref<!tpu.dma_semaphore, #tpu.memory_space<semaphore_mem>>) src(%dma_wait3A_450 : memref<128x64xf32, #tpu.memory_space<vmem>>) dst(%dma_wait3A_456 : memref<10240x64xf32, #tpu.memory_space<vmem_shared>>)
        %add3A_457 = arith.constant 8 : i32
        %add3A_458 = arith.addi %add3A_420, %add3A_457 : i32
        %lt3A = arith.constant 160 : i32
        %lt3A_459 = arith.cmpi slt, %add3A_458, %lt3A : i32
        %convert_element_type3A_460 = arith.extui %lt3A_459 : i1 to i32
        %cond3A_461 = arith.constant 0 : i32
        %cond3A_462 = arith.cmpi ne, %convert_element_type3A_460, %cond3A_461 : i32
        scf.if %cond3A_462 {
          %add3A_848 = arith.constant 8 : i32
          %add3A_849 = arith.addi %add3A_420, %add3A_848 : i32
          %add3A_850 = arith.addi %mul3A_0, %add3A_849 : i32
          %dma_start3A_851 = arith.constant 0 : i32
          %dma_start3A_852 = arith.constant 0 : i32
          %dma_start3A_853 = tpu.memref_slice %arg7[%dma_start3A_851, %dma_start3A_852] : memref<8x128xi32, #tpu.memory_space<vmem>> -> memref<1x128xi32, #tpu.memory_space<vmem>>
          %dma_start3A_854 = tpu.memref_squeeze %dma_start3A_853 : memref<1x128xi32, #tpu.memory_space<vmem>> -> memref<128xi32, #tpu.memory_space<vmem>>
          %dma_start3A_855 = arith.constant 0 : i32
          %dma_start3A_856 = tpu.memref_slice %arg3[%add3A_850, %dma_start3A_855] : memref<2560x128xi32, #tpu.memory_space<hbm>> -> memref<1x128xi32, #tpu.memory_space<hbm>>
          %dma_start3A_857 = tpu.memref_squeeze %dma_start3A_856 : memref<1x128xi32, #tpu.memory_space<hbm>> -> memref<128xi32, #tpu.memory_space<hbm>>
          %dma_start3A_858 = arith.constant 0 : i32
          %dma_start3A_859 = tpu.memref_slice %arg7[%dma_start3A_851, %dma_start3A_858] : memref<8x128xi32, #tpu.memory_space<vmem>> -> memref<1x128xi32, #tpu.memory_space<vmem>>
          %dma_start3A_860 = tpu.memref_squeeze %dma_start3A_859 : memref<1x128xi32, #tpu.memory_space<vmem>> -> memref<128xi32, #tpu.memory_space<vmem>>
          %dma_start3A_861 = arith.constant 0 : i32
          %dma_start3A_862 = tpu.memref_slice %arg3[%add3A_850, %dma_start3A_861] : memref<2560x128xi32, #tpu.memory_space<hbm>> -> memref<1x128xi32, #tpu.memory_space<hbm>>
          %dma_start3A_863 = tpu.memref_squeeze %dma_start3A_862 : memref<1x128xi32, #tpu.memory_space<hbm>> -> memref<128xi32, #tpu.memory_space<hbm>>
          tpu.enqueue_dma source(%dma_start3A_863 : memref<128xi32, #tpu.memory_space<hbm>>) target(%dma_start3A_860 : memref<128xi32, #tpu.memory_space<vmem>>) target_semaphore(%arg11 : memref<!tpu.dma_semaphore, #tpu.memory_space<semaphore_mem>>)
          %add3A_864 = arith.addi %mul3A_0, %add3A_849 : i32
          %dma_start3A_865 = arith.constant 0 : i32
          %dma_start3A_866 = arith.constant 0 : i32
          %dma_start3A_867 = tpu.memref_slice %arg8[%dma_start3A_865, %dma_start3A_866] : memref<8x128xi32, #tpu.memory_space<vmem>> -> memref<1x128xi32, #tpu.memory_space<vmem>>
          %dma_start3A_868 = tpu.memref_squeeze %dma_start3A_867 : memref<1x128xi32, #tpu.memory_space<vmem>> -> memref<128xi32, #tpu.memory_space<vmem>>
          %dma_start3A_869 = arith.constant 0 : i32
          %dma_start3A_870 = tpu.memref_slice %arg4[%add3A_864, %dma_start3A_869] : memref<2560x128xi32, #tpu.memory_space<hbm>> -> memref<1x128xi32, #tpu.memory_space<hbm>>
          %dma_start3A_871 = tpu.memref_squeeze %dma_start3A_870 : memref<1x128xi32, #tpu.memory_space<hbm>> -> memref<128xi32, #tpu.memory_space<hbm>>
          %dma_start3A_872 = arith.constant 0 : i32
          %dma_start3A_873 = tpu.memref_slice %arg8[%dma_start3A_865, %dma_start3A_872] : memref<8x128xi32, #tpu.memory_space<vmem>> -> memref<1x128xi32, #tpu.memory_space<vmem>>
          %dma_start3A_874 = tpu.memref_squeeze %dma_start3A_873 : memref<1x128xi32, #tpu.memory_space<vmem>> -> memref<128xi32, #tpu.memory_space<vmem>>
          %dma_start3A_875 = arith.constant 0 : i32
          %dma_start3A_876 = tpu.memref_slice %arg4[%add3A_864, %dma_start3A_875] : memref<2560x128xi32, #tpu.memory_space<hbm>> -> memref<1x128xi32, #tpu.memory_space<hbm>>
          %dma_start3A_877 = tpu.memref_squeeze %dma_start3A_876 : memref<1x128xi32, #tpu.memory_space<hbm>> -> memref<128xi32, #tpu.memory_space<hbm>>
          tpu.enqueue_dma source(%dma_start3A_877 : memref<128xi32, #tpu.memory_space<hbm>>) target(%dma_start3A_874 : memref<128xi32, #tpu.memory_space<vmem>>) target_semaphore(%arg11 : memref<!tpu.dma_semaphore, #tpu.memory_space<semaphore_mem>>)
        } else {
        }
        %add3A_463 = arith.constant 4 : i32
        %add3A_464 = arith.addi %add3A_420, %add3A_463 : i32
        %lt3A_465 = arith.constant 160 : i32
        %lt3A_466 = arith.cmpi slt, %add3A_464, %lt3A_465 : i32
        %convert_element_type3A_467 = arith.extui %lt3A_466 : i1 to i32
        %cond3A_468 = arith.constant 0 : i32
        %cond3A_469 = arith.cmpi ne, %convert_element_type3A_467, %cond3A_468 : i32
        scf.if %cond3A_469 {
          %dma_wait3A_848 = arith.constant 0 : i32
          %dma_wait3A_849 = arith.constant 4 : i32
          %dma_wait3A_850 = arith.constant 0 : i32
          %dma_wait3A_851 = tpu.memref_slice %arg7[%dma_wait3A_849, %dma_wait3A_850] : memref<8x128xi32, #tpu.memory_space<vmem>> -> memref<1x128xi32, #tpu.memory_space<vmem>>
          %dma_wait3A_852 = tpu.memref_squeeze %dma_wait3A_851 : memref<1x128xi32, #tpu.memory_space<vmem>> -> memref<128xi32, #tpu.memory_space<vmem>>
          %dma_wait3A_853 = arith.constant 0 : i32
          %dma_wait3A_854 = tpu.memref_slice %arg3[%dma_wait3A_848, %dma_wait3A_853] : memref<2560x128xi32, #tpu.memory_space<hbm>> -> memref<1x128xi32, #tpu.memory_space<hbm>>
          %dma_wait3A_855 = tpu.memref_squeeze %dma_wait3A_854 : memref<1x128xi32, #tpu.memory_space<hbm>> -> memref<128xi32, #tpu.memory_space<hbm>>
          %dma_wait3A_856 = arith.constant 0 : i32
          %dma_wait3A_857 = tpu.memref_slice %arg7[%dma_wait3A_849, %dma_wait3A_856] : memref<8x128xi32, #tpu.memory_space<vmem>> -> memref<1x128xi32, #tpu.memory_space<vmem>>
          %dma_wait3A_858 = tpu.memref_squeeze %dma_wait3A_857 : memref<1x128xi32, #tpu.memory_space<vmem>> -> memref<128xi32, #tpu.memory_space<vmem>>
          %dma_wait3A_859 = arith.constant 0 : i32
          %dma_wait3A_860 = tpu.memref_slice %arg3[%dma_wait3A_848, %dma_wait3A_859] : memref<2560x128xi32, #tpu.memory_space<hbm>> -> memref<1x128xi32, #tpu.memory_space<hbm>>
          %dma_wait3A_861 = tpu.memref_squeeze %dma_wait3A_860 : memref<1x128xi32, #tpu.memory_space<hbm>> -> memref<128xi32, #tpu.memory_space<hbm>>
          tpu.wait_dma2 semaphore(%arg15 : memref<!tpu.dma_semaphore, #tpu.memory_space<semaphore_mem>>) src(%dma_wait3A_861 : memref<128xi32, #tpu.memory_space<hbm>>) dst(%dma_wait3A_858 : memref<128xi32, #tpu.memory_space<vmem>>)
          %dma_wait3A_862 = arith.constant 0 : i32
          %dma_wait3A_863 = arith.constant 4 : i32
          %dma_wait3A_864 = arith.constant 0 : i32
          %dma_wait3A_865 = tpu.memref_slice %arg8[%dma_wait3A_863, %dma_wait3A_864] : memref<8x128xi32, #tpu.memory_space<vmem>> -> memref<1x128xi32, #tpu.memory_space<vmem>>
          %dma_wait3A_866 = tpu.memref_squeeze %dma_wait3A_865 : memref<1x128xi32, #tpu.memory_space<vmem>> -> memref<128xi32, #tpu.memory_space<vmem>>
          %dma_wait3A_867 = arith.constant 0 : i32
          %dma_wait3A_868 = tpu.memref_slice %arg3[%dma_wait3A_862, %dma_wait3A_867] : memref<2560x128xi32, #tpu.memory_space<hbm>> -> memref<1x128xi32, #tpu.memory_space<hbm>>
          %dma_wait3A_869 = tpu.memref_squeeze %dma_wait3A_868 : memref<1x128xi32, #tpu.memory_space<hbm>> -> memref<128xi32, #tpu.memory_space<hbm>>
          %dma_wait3A_870 = arith.constant 0 : i32
          %dma_wait3A_871 = tpu.memref_slice %arg8[%dma_wait3A_863, %dma_wait3A_870] : memref<8x128xi32, #tpu.memory_space<vmem>> -> memref<1x128xi32, #tpu.memory_space<vmem>>
          %dma_wait3A_872 = tpu.memref_squeeze %dma_wait3A_871 : memref<1x128xi32, #tpu.memory_space<vmem>> -> memref<128xi32, #tpu.memory_space<vmem>>
          %dma_wait3A_873 = arith.constant 0 : i32
          %dma_wait3A_874 = tpu.memref_slice %arg3[%dma_wait3A_862, %dma_wait3A_873] : memref<2560x128xi32, #tpu.memory_space<hbm>> -> memref<1x128xi32, #tpu.memory_space<hbm>>
          %dma_wait3A_875 = tpu.memref_squeeze %dma_wait3A_874 : memref<1x128xi32, #tpu.memory_space<hbm>> -> memref<128xi32, #tpu.memory_space<hbm>>
          tpu.wait_dma2 semaphore(%arg15 : memref<!tpu.dma_semaphore, #tpu.memory_space<semaphore_mem>>) src(%dma_wait3A_875 : memref<128xi32, #tpu.memory_space<hbm>>) dst(%dma_wait3A_872 : memref<128xi32, #tpu.memory_space<vmem>>)
          %dma_start3A_876 = arith.constant 4 : i32
          %dma_start3A_877 = arith.constant 0 : i32
          %dma_start3A_878 = arith.constant 0 : i32
          %dma_start3A_879 = arith.constant 0 : i32
          %dma_start3A_880 = tpu.memref_slice %arg9[%dma_start3A_877, %dma_start3A_878, %dma_start3A_879] : memref<4x128x64xf32, #tpu.memory_space<vmem>> -> memref<1x128x64xf32, #tpu.memory_space<vmem>>
          %dma_start3A_881 = tpu.memref_squeeze %dma_start3A_880 : memref<1x128x64xf32, #tpu.memory_space<vmem>> -> memref<128x64xf32, #tpu.memory_space<vmem>>
          %dma_start3A_882 = arith.constant 0 : i32
          %dma_start3A_883 = tpu.memref_slice %arg7[%dma_start3A_876, %dma_start3A_882] : memref<8x128xi32, #tpu.memory_space<vmem>> -> memref<1x128xi32, #tpu.memory_space<vmem>>
          %dma_start3A_884 = tpu.memref_squeeze %dma_start3A_883 : memref<1x128xi32, #tpu.memory_space<vmem>> -> memref<128xi32, #tpu.memory_space<vmem>>
          %dma_start3A_885 = arith.constant 0 : i32
          %dma_start3A_886 = arith.constant 0 : i32
          %dma_start3A_887 = tpu.memref_slice %arg2[%dma_start3A_885, %dma_start3A_886] : memref<10240x64xf32, #tpu.memory_space<hbm>> -> memref<10240x64xf32, #tpu.memory_space<hbm>>
          tpu.enqueue_indirect_dma source(%dma_start3A_887 : memref<10240x64xf32, #tpu.memory_space<hbm>>) target(%dma_start3A_881 : memref<128x64xf32, #tpu.memory_space<vmem>>) offsets(%dma_start3A_884 : memref<128xi32, #tpu.memory_space<vmem>>) semaphore(%arg19 : memref<!tpu.dma_semaphore, #tpu.memory_space<semaphore_mem>>)
        } else {
        }
        %mul3A_470 = arith.constant 8 : i32
        %mul3A_471 = arith.muli %scan3A_416, %mul3A_470 : i32
        %add3A_472 = arith.constant 1 : i32
        %add3A_473 = arith.addi %mul3A_471, %add3A_472 : i32
        %dma_wait3A_474 = arith.constant 0 : i32
        %dma_wait3A_475 = arith.constant 1 : i32
        %dma_wait3A_476 = arith.constant 0 : i32
        %dma_wait3A_477 = arith.constant 0 : i32
        %dma_wait3A_478 = tpu.memref_slice %arg9[%dma_wait3A_475, %dma_wait3A_476, %dma_wait3A_477] : memref<4x128x64xf32, #tpu.memory_space<vmem>> -> memref<1x128x64xf32, #tpu.memory_space<vmem>>
        %dma_wait3A_479 = tpu.memref_squeeze %dma_wait3A_478 : memref<1x128x64xf32, #tpu.memory_space<vmem>> -> memref<128x64xf32, #tpu.memory_space<vmem>>
        %dma_wait3A_480 = arith.constant 0 : i32
        %dma_wait3A_481 = tpu.memref_slice %arg7[%dma_wait3A_474, %dma_wait3A_480] : memref<8x128xi32, #tpu.memory_space<vmem>> -> memref<1x128xi32, #tpu.memory_space<vmem>>
        %dma_wait3A_482 = tpu.memref_squeeze %dma_wait3A_481 : memref<1x128xi32, #tpu.memory_space<vmem>> -> memref<128xi32, #tpu.memory_space<vmem>>
        %dma_wait3A_483 = arith.constant 0 : i32
        %dma_wait3A_484 = arith.constant 0 : i32
        %dma_wait3A_485 = tpu.memref_slice %arg2[%dma_wait3A_483, %dma_wait3A_484] : memref<10240x64xf32, #tpu.memory_space<hbm>> -> memref<10240x64xf32, #tpu.memory_space<hbm>>
        tpu.wait_indirect_dma semaphore(%arg20 : memref<!tpu.dma_semaphore, #tpu.memory_space<semaphore_mem>>) src(%dma_wait3A_485 : memref<10240x64xf32, #tpu.memory_space<hbm>>) dst(%dma_wait3A_479 : memref<128x64xf32, #tpu.memory_space<vmem>>)
        %dma_start3A_486 = arith.constant 1 : i32
        %dma_start3A_487 = arith.constant 1 : i32
        %dma_start3A_488 = arith.constant 0 : i32
        %dma_start3A_489 = arith.constant 0 : i32
        %dma_start3A_490 = tpu.memref_slice %arg9[%dma_start3A_486, %dma_start3A_488, %dma_start3A_489] : memref<4x128x64xf32, #tpu.memory_space<vmem>> -> memref<1x128x64xf32, #tpu.memory_space<vmem>>
        %dma_start3A_491 = tpu.memref_squeeze %dma_start3A_490 : memref<1x128x64xf32, #tpu.memory_space<vmem>> -> memref<128x64xf32, #tpu.memory_space<vmem>>
        %dma_start3A_492 = arith.constant 0 : i32
        %dma_start3A_493 = tpu.memref_slice %arg8[%dma_start3A_487, %dma_start3A_492] : memref<8x128xi32, #tpu.memory_space<vmem>> -> memref<1x128xi32, #tpu.memory_space<vmem>>
        %dma_start3A_494 = tpu.memref_squeeze %dma_start3A_493 : memref<1x128xi32, #tpu.memory_space<vmem>> -> memref<128xi32, #tpu.memory_space<vmem>>
        %dma_start3A_495 = arith.constant 0 : i32
        %dma_start3A_496 = arith.constant 0 : i32
        %dma_start3A_497 = tpu.memref_slice %arg10[%dma_start3A_495, %dma_start3A_496] : memref<10240x64xf32, #tpu.memory_space<vmem_shared>> -> memref<10240x64xf32, #tpu.memory_space<vmem_shared>>
        tpu.enqueue_indirect_dma source(%dma_start3A_491 : memref<128x64xf32, #tpu.memory_space<vmem>>) target(%dma_start3A_497 : memref<10240x64xf32, #tpu.memory_space<vmem_shared>>) offsets(%dma_start3A_494 : memref<128xi32, #tpu.memory_space<vmem>>) semaphore(%arg24 : memref<!tpu.dma_semaphore, #tpu.memory_space<semaphore_mem>>) {add = true}
        %dma_wait3A_498 = arith.constant 1 : i32
        %dma_wait3A_499 = arith.constant 0 : i32
        %dma_wait3A_500 = arith.constant 0 : i32
        %dma_wait3A_501 = arith.constant 0 : i32
        %dma_wait3A_502 = tpu.memref_slice %arg9[%dma_wait3A_498, %dma_wait3A_500, %dma_wait3A_501] : memref<4x128x64xf32, #tpu.memory_space<vmem>> -> memref<1x128x64xf32, #tpu.memory_space<vmem>>
        %dma_wait3A_503 = tpu.memref_squeeze %dma_wait3A_502 : memref<1x128x64xf32, #tpu.memory_space<vmem>> -> memref<128x64xf32, #tpu.memory_space<vmem>>
        %dma_wait3A_504 = arith.constant 0 : i32
        %dma_wait3A_505 = tpu.memref_slice %arg8[%dma_wait3A_499, %dma_wait3A_504] : memref<8x128xi32, #tpu.memory_space<vmem>> -> memref<1x128xi32, #tpu.memory_space<vmem>>
        %dma_wait3A_506 = tpu.memref_squeeze %dma_wait3A_505 : memref<1x128xi32, #tpu.memory_space<vmem>> -> memref<128xi32, #tpu.memory_space<vmem>>
        %dma_wait3A_507 = arith.constant 0 : i32
        %dma_wait3A_508 = arith.constant 0 : i32
        %dma_wait3A_509 = tpu.memref_slice %arg10[%dma_wait3A_507, %dma_wait3A_508] : memref<10240x64xf32, #tpu.memory_space<vmem_shared>> -> memref<10240x64xf32, #tpu.memory_space<vmem_shared>>
        tpu.wait_indirect_dma semaphore(%arg24 : memref<!tpu.dma_semaphore, #tpu.memory_space<semaphore_mem>>) src(%dma_wait3A_503 : memref<128x64xf32, #tpu.memory_space<vmem>>) dst(%dma_wait3A_509 : memref<10240x64xf32, #tpu.memory_space<vmem_shared>>)
        %add3A_510 = arith.constant 8 : i32
        %add3A_511 = arith.addi %add3A_473, %add3A_510 : i32
        %lt3A_512 = arith.constant 160 : i32
        %lt3A_513 = arith.cmpi slt, %add3A_511, %lt3A_512 : i32
        %convert_element_type3A_514 = arith.extui %lt3A_513 : i1 to i32
        %cond3A_515 = arith.constant 0 : i32
        %cond3A_516 = arith.cmpi ne, %convert_element_type3A_514, %cond3A_515 : i32
        scf.if %cond3A_516 {
          %add3A_848 = arith.constant 8 : i32
          %add3A_849 = arith.addi %add3A_473, %add3A_848 : i32
          %add3A_850 = arith.addi %mul3A_0, %add3A_849 : i32
          %dma_start3A_851 = arith.constant 1 : i32
          %dma_start3A_852 = arith.constant 0 : i32
          %dma_start3A_853 = tpu.memref_slice %arg7[%dma_start3A_851, %dma_start3A_852] : memref<8x128xi32, #tpu.memory_space<vmem>> -> memref<1x128xi32, #tpu.memory_space<vmem>>
          %dma_start3A_854 = tpu.memref_squeeze %dma_start3A_853 : memref<1x128xi32, #tpu.memory_space<vmem>> -> memref<128xi32, #tpu.memory_space<vmem>>
          %dma_start3A_855 = arith.constant 0 : i32
          %dma_start3A_856 = tpu.memref_slice %arg3[%add3A_850, %dma_start3A_855] : memref<2560x128xi32, #tpu.memory_space<hbm>> -> memref<1x128xi32, #tpu.memory_space<hbm>>
          %dma_start3A_857 = tpu.memref_squeeze %dma_start3A_856 : memref<1x128xi32, #tpu.memory_space<hbm>> -> memref<128xi32, #tpu.memory_space<hbm>>
          %dma_start3A_858 = arith.constant 0 : i32
          %dma_start3A_859 = tpu.memref_slice %arg7[%dma_start3A_851, %dma_start3A_858] : memref<8x128xi32, #tpu.memory_space<vmem>> -> memref<1x128xi32, #tpu.memory_space<vmem>>
          %dma_start3A_860 = tpu.memref_squeeze %dma_start3A_859 : memref<1x128xi32, #tpu.memory_space<vmem>> -> memref<128xi32, #tpu.memory_space<vmem>>
          %dma_start3A_861 = arith.constant 0 : i32
          %dma_start3A_862 = tpu.memref_slice %arg3[%add3A_850, %dma_start3A_861] : memref<2560x128xi32, #tpu.memory_space<hbm>> -> memref<1x128xi32, #tpu.memory_space<hbm>>
          %dma_start3A_863 = tpu.memref_squeeze %dma_start3A_862 : memref<1x128xi32, #tpu.memory_space<hbm>> -> memref<128xi32, #tpu.memory_space<hbm>>
          tpu.enqueue_dma source(%dma_start3A_863 : memref<128xi32, #tpu.memory_space<hbm>>) target(%dma_start3A_860 : memref<128xi32, #tpu.memory_space<vmem>>) target_semaphore(%arg12 : memref<!tpu.dma_semaphore, #tpu.memory_space<semaphore_mem>>)
          %add3A_864 = arith.addi %mul3A_0, %add3A_849 : i32
          %dma_start3A_865 = arith.constant 1 : i32
          %dma_start3A_866 = arith.constant 0 : i32
          %dma_start3A_867 = tpu.memref_slice %arg8[%dma_start3A_865, %dma_start3A_866] : memref<8x128xi32, #tpu.memory_space<vmem>> -> memref<1x128xi32, #tpu.memory_space<vmem>>
          %dma_start3A_868 = tpu.memref_squeeze %dma_start3A_867 : memref<1x128xi32, #tpu.memory_space<vmem>> -> memref<128xi32, #tpu.memory_space<vmem>>
          %dma_start3A_869 = arith.constant 0 : i32
          %dma_start3A_870 = tpu.memref_slice %arg4[%add3A_864, %dma_start3A_869] : memref<2560x128xi32, #tpu.memory_space<hbm>> -> memref<1x128xi32, #tpu.memory_space<hbm>>
          %dma_start3A_871 = tpu.memref_squeeze %dma_start3A_870 : memref<1x128xi32, #tpu.memory_space<hbm>> -> memref<128xi32, #tpu.memory_space<hbm>>
          %dma_start3A_872 = arith.constant 0 : i32
          %dma_start3A_873 = tpu.memref_slice %arg8[%dma_start3A_865, %dma_start3A_872] : memref<8x128xi32, #tpu.memory_space<vmem>> -> memref<1x128xi32, #tpu.memory_space<vmem>>
          %dma_start3A_874 = tpu.memref_squeeze %dma_start3A_873 : memref<1x128xi32, #tpu.memory_space<vmem>> -> memref<128xi32, #tpu.memory_space<vmem>>
          %dma_start3A_875 = arith.constant 0 : i32
          %dma_start3A_876 = tpu.memref_slice %arg4[%add3A_864, %dma_start3A_875] : memref<2560x128xi32, #tpu.memory_space<hbm>> -> memref<1x128xi32, #tpu.memory_space<hbm>>
          %dma_start3A_877 = tpu.memref_squeeze %dma_start3A_876 : memref<1x128xi32, #tpu.memory_space<hbm>> -> memref<128xi32, #tpu.memory_space<hbm>>
          tpu.enqueue_dma source(%dma_start3A_877 : memref<128xi32, #tpu.memory_space<hbm>>) target(%dma_start3A_874 : memref<128xi32, #tpu.memory_space<vmem>>) target_semaphore(%arg12 : memref<!tpu.dma_semaphore, #tpu.memory_space<semaphore_mem>>)
        } else {
        }
        %add3A_517 = arith.constant 4 : i32
        %add3A_518 = arith.addi %add3A_473, %add3A_517 : i32
        %lt3A_519 = arith.constant 160 : i32
        %lt3A_520 = arith.cmpi slt, %add3A_518, %lt3A_519 : i32
        %convert_element_type3A_521 = arith.extui %lt3A_520 : i1 to i32
        %cond3A_522 = arith.constant 0 : i32
        %cond3A_523 = arith.cmpi ne, %convert_element_type3A_521, %cond3A_522 : i32
        scf.if %cond3A_523 {
          %dma_wait3A_848 = arith.constant 0 : i32
          %dma_wait3A_849 = arith.constant 5 : i32
          %dma_wait3A_850 = arith.constant 0 : i32
          %dma_wait3A_851 = tpu.memref_slice %arg7[%dma_wait3A_849, %dma_wait3A_850] : memref<8x128xi32, #tpu.memory_space<vmem>> -> memref<1x128xi32, #tpu.memory_space<vmem>>
          %dma_wait3A_852 = tpu.memref_squeeze %dma_wait3A_851 : memref<1x128xi32, #tpu.memory_space<vmem>> -> memref<128xi32, #tpu.memory_space<vmem>>
          %dma_wait3A_853 = arith.constant 0 : i32
          %dma_wait3A_854 = tpu.memref_slice %arg3[%dma_wait3A_848, %dma_wait3A_853] : memref<2560x128xi32, #tpu.memory_space<hbm>> -> memref<1x128xi32, #tpu.memory_space<hbm>>
          %dma_wait3A_855 = tpu.memref_squeeze %dma_wait3A_854 : memref<1x128xi32, #tpu.memory_space<hbm>> -> memref<128xi32, #tpu.memory_space<hbm>>
          %dma_wait3A_856 = arith.constant 0 : i32
          %dma_wait3A_857 = tpu.memref_slice %arg7[%dma_wait3A_849, %dma_wait3A_856] : memref<8x128xi32, #tpu.memory_space<vmem>> -> memref<1x128xi32, #tpu.memory_space<vmem>>
          %dma_wait3A_858 = tpu.memref_squeeze %dma_wait3A_857 : memref<1x128xi32, #tpu.memory_space<vmem>> -> memref<128xi32, #tpu.memory_space<vmem>>
          %dma_wait3A_859 = arith.constant 0 : i32
          %dma_wait3A_860 = tpu.memref_slice %arg3[%dma_wait3A_848, %dma_wait3A_859] : memref<2560x128xi32, #tpu.memory_space<hbm>> -> memref<1x128xi32, #tpu.memory_space<hbm>>
          %dma_wait3A_861 = tpu.memref_squeeze %dma_wait3A_860 : memref<1x128xi32, #tpu.memory_space<hbm>> -> memref<128xi32, #tpu.memory_space<hbm>>
          tpu.wait_dma2 semaphore(%arg16 : memref<!tpu.dma_semaphore, #tpu.memory_space<semaphore_mem>>) src(%dma_wait3A_861 : memref<128xi32, #tpu.memory_space<hbm>>) dst(%dma_wait3A_858 : memref<128xi32, #tpu.memory_space<vmem>>)
          %dma_wait3A_862 = arith.constant 0 : i32
          %dma_wait3A_863 = arith.constant 5 : i32
          %dma_wait3A_864 = arith.constant 0 : i32
          %dma_wait3A_865 = tpu.memref_slice %arg8[%dma_wait3A_863, %dma_wait3A_864] : memref<8x128xi32, #tpu.memory_space<vmem>> -> memref<1x128xi32, #tpu.memory_space<vmem>>
          %dma_wait3A_866 = tpu.memref_squeeze %dma_wait3A_865 : memref<1x128xi32, #tpu.memory_space<vmem>> -> memref<128xi32, #tpu.memory_space<vmem>>
          %dma_wait3A_867 = arith.constant 0 : i32
          %dma_wait3A_868 = tpu.memref_slice %arg3[%dma_wait3A_862, %dma_wait3A_867] : memref<2560x128xi32, #tpu.memory_space<hbm>> -> memref<1x128xi32, #tpu.memory_space<hbm>>
          %dma_wait3A_869 = tpu.memref_squeeze %dma_wait3A_868 : memref<1x128xi32, #tpu.memory_space<hbm>> -> memref<128xi32, #tpu.memory_space<hbm>>
          %dma_wait3A_870 = arith.constant 0 : i32
          %dma_wait3A_871 = tpu.memref_slice %arg8[%dma_wait3A_863, %dma_wait3A_870] : memref<8x128xi32, #tpu.memory_space<vmem>> -> memref<1x128xi32, #tpu.memory_space<vmem>>
          %dma_wait3A_872 = tpu.memref_squeeze %dma_wait3A_871 : memref<1x128xi32, #tpu.memory_space<vmem>> -> memref<128xi32, #tpu.memory_space<vmem>>
          %dma_wait3A_873 = arith.constant 0 : i32
          %dma_wait3A_874 = tpu.memref_slice %arg3[%dma_wait3A_862, %dma_wait3A_873] : memref<2560x128xi32, #tpu.memory_space<hbm>> -> memref<1x128xi32, #tpu.memory_space<hbm>>
          %dma_wait3A_875 = tpu.memref_squeeze %dma_wait3A_874 : memref<1x128xi32, #tpu.memory_space<hbm>> -> memref<128xi32, #tpu.memory_space<hbm>>
          tpu.wait_dma2 semaphore(%arg16 : memref<!tpu.dma_semaphore, #tpu.memory_space<semaphore_mem>>) src(%dma_wait3A_875 : memref<128xi32, #tpu.memory_space<hbm>>) dst(%dma_wait3A_872 : memref<128xi32, #tpu.memory_space<vmem>>)
          %dma_start3A_876 = arith.constant 5 : i32
          %dma_start3A_877 = arith.constant 1 : i32
          %dma_start3A_878 = arith.constant 0 : i32
          %dma_start3A_879 = arith.constant 0 : i32
          %dma_start3A_880 = tpu.memref_slice %arg9[%dma_start3A_877, %dma_start3A_878, %dma_start3A_879] : memref<4x128x64xf32, #tpu.memory_space<vmem>> -> memref<1x128x64xf32, #tpu.memory_space<vmem>>
          %dma_start3A_881 = tpu.memref_squeeze %dma_start3A_880 : memref<1x128x64xf32, #tpu.memory_space<vmem>> -> memref<128x64xf32, #tpu.memory_space<vmem>>
          %dma_start3A_882 = arith.constant 0 : i32
          %dma_start3A_883 = tpu.memref_slice %arg7[%dma_start3A_876, %dma_start3A_882] : memref<8x128xi32, #tpu.memory_space<vmem>> -> memref<1x128xi32, #tpu.memory_space<vmem>>
          %dma_start3A_884 = tpu.memref_squeeze %dma_start3A_883 : memref<1x128xi32, #tpu.memory_space<vmem>> -> memref<128xi32, #tpu.memory_space<vmem>>
          %dma_start3A_885 = arith.constant 0 : i32
          %dma_start3A_886 = arith.constant 0 : i32
          %dma_start3A_887 = tpu.memref_slice %arg2[%dma_start3A_885, %dma_start3A_886] : memref<10240x64xf32, #tpu.memory_space<hbm>> -> memref<10240x64xf32, #tpu.memory_space<hbm>>
          tpu.enqueue_indirect_dma source(%dma_start3A_887 : memref<10240x64xf32, #tpu.memory_space<hbm>>) target(%dma_start3A_881 : memref<128x64xf32, #tpu.memory_space<vmem>>) offsets(%dma_start3A_884 : memref<128xi32, #tpu.memory_space<vmem>>) semaphore(%arg20 : memref<!tpu.dma_semaphore, #tpu.memory_space<semaphore_mem>>)
        } else {
        }
        %mul3A_524 = arith.constant 8 : i32
        %mul3A_525 = arith.muli %scan3A_416, %mul3A_524 : i32
        %add3A_526 = arith.constant 2 : i32
        %add3A_527 = arith.addi %mul3A_525, %add3A_526 : i32
        %dma_wait3A_528 = arith.constant 0 : i32
        %dma_wait3A_529 = arith.constant 2 : i32
        %dma_wait3A_530 = arith.constant 0 : i32
        %dma_wait3A_531 = arith.constant 0 : i32
        %dma_wait3A_532 = tpu.memref_slice %arg9[%dma_wait3A_529, %dma_wait3A_530, %dma_wait3A_531] : memref<4x128x64xf32, #tpu.memory_space<vmem>> -> memref<1x128x64xf32, #tpu.memory_space<vmem>>
        %dma_wait3A_533 = tpu.memref_squeeze %dma_wait3A_532 : memref<1x128x64xf32, #tpu.memory_space<vmem>> -> memref<128x64xf32, #tpu.memory_space<vmem>>
        %dma_wait3A_534 = arith.constant 0 : i32
        %dma_wait3A_535 = tpu.memref_slice %arg7[%dma_wait3A_528, %dma_wait3A_534] : memref<8x128xi32, #tpu.memory_space<vmem>> -> memref<1x128xi32, #tpu.memory_space<vmem>>
        %dma_wait3A_536 = tpu.memref_squeeze %dma_wait3A_535 : memref<1x128xi32, #tpu.memory_space<vmem>> -> memref<128xi32, #tpu.memory_space<vmem>>
        %dma_wait3A_537 = arith.constant 0 : i32
        %dma_wait3A_538 = arith.constant 0 : i32
        %dma_wait3A_539 = tpu.memref_slice %arg2[%dma_wait3A_537, %dma_wait3A_538] : memref<10240x64xf32, #tpu.memory_space<hbm>> -> memref<10240x64xf32, #tpu.memory_space<hbm>>
        tpu.wait_indirect_dma semaphore(%arg21 : memref<!tpu.dma_semaphore, #tpu.memory_space<semaphore_mem>>) src(%dma_wait3A_539 : memref<10240x64xf32, #tpu.memory_space<hbm>>) dst(%dma_wait3A_533 : memref<128x64xf32, #tpu.memory_space<vmem>>)
        %dma_start3A_540 = arith.constant 2 : i32
        %dma_start3A_541 = arith.constant 2 : i32
        %dma_start3A_542 = arith.constant 0 : i32
        %dma_start3A_543 = arith.constant 0 : i32
        %dma_start3A_544 = tpu.memref_slice %arg9[%dma_start3A_540, %dma_start3A_542, %dma_start3A_543] : memref<4x128x64xf32, #tpu.memory_space<vmem>> -> memref<1x128x64xf32, #tpu.memory_space<vmem>>
        %dma_start3A_545 = tpu.memref_squeeze %dma_start3A_544 : memref<1x128x64xf32, #tpu.memory_space<vmem>> -> memref<128x64xf32, #tpu.memory_space<vmem>>
        %dma_start3A_546 = arith.constant 0 : i32
        %dma_start3A_547 = tpu.memref_slice %arg8[%dma_start3A_541, %dma_start3A_546] : memref<8x128xi32, #tpu.memory_space<vmem>> -> memref<1x128xi32, #tpu.memory_space<vmem>>
        %dma_start3A_548 = tpu.memref_squeeze %dma_start3A_547 : memref<1x128xi32, #tpu.memory_space<vmem>> -> memref<128xi32, #tpu.memory_space<vmem>>
        %dma_start3A_549 = arith.constant 0 : i32
        %dma_start3A_550 = arith.constant 0 : i32
        %dma_start3A_551 = tpu.memref_slice %arg10[%dma_start3A_549, %dma_start3A_550] : memref<10240x64xf32, #tpu.memory_space<vmem_shared>> -> memref<10240x64xf32, #tpu.memory_space<vmem_shared>>
        tpu.enqueue_indirect_dma source(%dma_start3A_545 : memref<128x64xf32, #tpu.memory_space<vmem>>) target(%dma_start3A_551 : memref<10240x64xf32, #tpu.memory_space<vmem_shared>>) offsets(%dma_start3A_548 : memref<128xi32, #tpu.memory_space<vmem>>) semaphore(%arg25 : memref<!tpu.dma_semaphore, #tpu.memory_space<semaphore_mem>>) {add = true}
        %dma_wait3A_552 = arith.constant 2 : i32
        %dma_wait3A_553 = arith.constant 0 : i32
        %dma_wait3A_554 = arith.constant 0 : i32
        %dma_wait3A_555 = arith.constant 0 : i32
        %dma_wait3A_556 = tpu.memref_slice %arg9[%dma_wait3A_552, %dma_wait3A_554, %dma_wait3A_555] : memref<4x128x64xf32, #tpu.memory_space<vmem>> -> memref<1x128x64xf32, #tpu.memory_space<vmem>>
        %dma_wait3A_557 = tpu.memref_squeeze %dma_wait3A_556 : memref<1x128x64xf32, #tpu.memory_space<vmem>> -> memref<128x64xf32, #tpu.memory_space<vmem>>
        %dma_wait3A_558 = arith.constant 0 : i32
        %dma_wait3A_559 = tpu.memref_slice %arg8[%dma_wait3A_553, %dma_wait3A_558] : memref<8x128xi32, #tpu.memory_space<vmem>> -> memref<1x128xi32, #tpu.memory_space<vmem>>
        %dma_wait3A_560 = tpu.memref_squeeze %dma_wait3A_559 : memref<1x128xi32, #tpu.memory_space<vmem>> -> memref<128xi32, #tpu.memory_space<vmem>>
        %dma_wait3A_561 = arith.constant 0 : i32
        %dma_wait3A_562 = arith.constant 0 : i32
        %dma_wait3A_563 = tpu.memref_slice %arg10[%dma_wait3A_561, %dma_wait3A_562] : memref<10240x64xf32, #tpu.memory_space<vmem_shared>> -> memref<10240x64xf32, #tpu.memory_space<vmem_shared>>
        tpu.wait_indirect_dma semaphore(%arg25 : memref<!tpu.dma_semaphore, #tpu.memory_space<semaphore_mem>>) src(%dma_wait3A_557 : memref<128x64xf32, #tpu.memory_space<vmem>>) dst(%dma_wait3A_563 : memref<10240x64xf32, #tpu.memory_space<vmem_shared>>)
        %add3A_564 = arith.constant 8 : i32
        %add3A_565 = arith.addi %add3A_527, %add3A_564 : i32
        %lt3A_566 = arith.constant 160 : i32
        %lt3A_567 = arith.cmpi slt, %add3A_565, %lt3A_566 : i32
        %convert_element_type3A_568 = arith.extui %lt3A_567 : i1 to i32
        %cond3A_569 = arith.constant 0 : i32
        %cond3A_570 = arith.cmpi ne, %convert_element_type3A_568, %cond3A_569 : i32
        scf.if %cond3A_570 {
          %add3A_848 = arith.constant 8 : i32
          %add3A_849 = arith.addi %add3A_527, %add3A_848 : i32
          %add3A_850 = arith.addi %mul3A_0, %add3A_849 : i32
          %dma_start3A_851 = arith.constant 2 : i32
          %dma_start3A_852 = arith.constant 0 : i32
          %dma_start3A_853 = tpu.memref_slice %arg7[%dma_start3A_851, %dma_start3A_852] : memref<8x128xi32, #tpu.memory_space<vmem>> -> memref<1x128xi32, #tpu.memory_space<vmem>>
          %dma_start3A_854 = tpu.memref_squeeze %dma_start3A_853 : memref<1x128xi32, #tpu.memory_space<vmem>> -> memref<128xi32, #tpu.memory_space<vmem>>
          %dma_start3A_855 = arith.constant 0 : i32
          %dma_start3A_856 = tpu.memref_slice %arg3[%add3A_850, %dma_start3A_855] : memref<2560x128xi32, #tpu.memory_space<hbm>> -> memref<1x128xi32, #tpu.memory_space<hbm>>
          %dma_start3A_857 = tpu.memref_squeeze %dma_start3A_856 : memref<1x128xi32, #tpu.memory_space<hbm>> -> memref<128xi32, #tpu.memory_space<hbm>>
          %dma_start3A_858 = arith.constant 0 : i32
          %dma_start3A_859 = tpu.memref_slice %arg7[%dma_start3A_851, %dma_start3A_858] : memref<8x128xi32, #tpu.memory_space<vmem>> -> memref<1x128xi32, #tpu.memory_space<vmem>>
          %dma_start3A_860 = tpu.memref_squeeze %dma_start3A_859 : memref<1x128xi32, #tpu.memory_space<vmem>> -> memref<128xi32, #tpu.memory_space<vmem>>
          %dma_start3A_861 = arith.constant 0 : i32
          %dma_start3A_862 = tpu.memref_slice %arg3[%add3A_850, %dma_start3A_861] : memref<2560x128xi32, #tpu.memory_space<hbm>> -> memref<1x128xi32, #tpu.memory_space<hbm>>
          %dma_start3A_863 = tpu.memref_squeeze %dma_start3A_862 : memref<1x128xi32, #tpu.memory_space<hbm>> -> memref<128xi32, #tpu.memory_space<hbm>>
          tpu.enqueue_dma source(%dma_start3A_863 : memref<128xi32, #tpu.memory_space<hbm>>) target(%dma_start3A_860 : memref<128xi32, #tpu.memory_space<vmem>>) target_semaphore(%arg13 : memref<!tpu.dma_semaphore, #tpu.memory_space<semaphore_mem>>)
          %add3A_864 = arith.addi %mul3A_0, %add3A_849 : i32
          %dma_start3A_865 = arith.constant 2 : i32
          %dma_start3A_866 = arith.constant 0 : i32
          %dma_start3A_867 = tpu.memref_slice %arg8[%dma_start3A_865, %dma_start3A_866] : memref<8x128xi32, #tpu.memory_space<vmem>> -> memref<1x128xi32, #tpu.memory_space<vmem>>
          %dma_start3A_868 = tpu.memref_squeeze %dma_start3A_867 : memref<1x128xi32, #tpu.memory_space<vmem>> -> memref<128xi32, #tpu.memory_space<vmem>>
          %dma_start3A_869 = arith.constant 0 : i32
          %dma_start3A_870 = tpu.memref_slice %arg4[%add3A_864, %dma_start3A_869] : memref<2560x128xi32, #tpu.memory_space<hbm>> -> memref<1x128xi32, #tpu.memory_space<hbm>>
          %dma_start3A_871 = tpu.memref_squeeze %dma_start3A_870 : memref<1x128xi32, #tpu.memory_space<hbm>> -> memref<128xi32, #tpu.memory_space<hbm>>
          %dma_start3A_872 = arith.constant 0 : i32
          %dma_start3A_873 = tpu.memref_slice %arg8[%dma_start3A_865, %dma_start3A_872] : memref<8x128xi32, #tpu.memory_space<vmem>> -> memref<1x128xi32, #tpu.memory_space<vmem>>
          %dma_start3A_874 = tpu.memref_squeeze %dma_start3A_873 : memref<1x128xi32, #tpu.memory_space<vmem>> -> memref<128xi32, #tpu.memory_space<vmem>>
          %dma_start3A_875 = arith.constant 0 : i32
          %dma_start3A_876 = tpu.memref_slice %arg4[%add3A_864, %dma_start3A_875] : memref<2560x128xi32, #tpu.memory_space<hbm>> -> memref<1x128xi32, #tpu.memory_space<hbm>>
          %dma_start3A_877 = tpu.memref_squeeze %dma_start3A_876 : memref<1x128xi32, #tpu.memory_space<hbm>> -> memref<128xi32, #tpu.memory_space<hbm>>
          tpu.enqueue_dma source(%dma_start3A_877 : memref<128xi32, #tpu.memory_space<hbm>>) target(%dma_start3A_874 : memref<128xi32, #tpu.memory_space<vmem>>) target_semaphore(%arg13 : memref<!tpu.dma_semaphore, #tpu.memory_space<semaphore_mem>>)
        } else {
        }
        %add3A_571 = arith.constant 4 : i32
        %add3A_572 = arith.addi %add3A_527, %add3A_571 : i32
        %lt3A_573 = arith.constant 160 : i32
        %lt3A_574 = arith.cmpi slt, %add3A_572, %lt3A_573 : i32
        %convert_element_type3A_575 = arith.extui %lt3A_574 : i1 to i32
        %cond3A_576 = arith.constant 0 : i32
        %cond3A_577 = arith.cmpi ne, %convert_element_type3A_575, %cond3A_576 : i32
        scf.if %cond3A_577 {
          %dma_wait3A_848 = arith.constant 0 : i32
          %dma_wait3A_849 = arith.constant 6 : i32
          %dma_wait3A_850 = arith.constant 0 : i32
          %dma_wait3A_851 = tpu.memref_slice %arg7[%dma_wait3A_849, %dma_wait3A_850] : memref<8x128xi32, #tpu.memory_space<vmem>> -> memref<1x128xi32, #tpu.memory_space<vmem>>
          %dma_wait3A_852 = tpu.memref_squeeze %dma_wait3A_851 : memref<1x128xi32, #tpu.memory_space<vmem>> -> memref<128xi32, #tpu.memory_space<vmem>>
          %dma_wait3A_853 = arith.constant 0 : i32
          %dma_wait3A_854 = tpu.memref_slice %arg3[%dma_wait3A_848, %dma_wait3A_853] : memref<2560x128xi32, #tpu.memory_space<hbm>> -> memref<1x128xi32, #tpu.memory_space<hbm>>
          %dma_wait3A_855 = tpu.memref_squeeze %dma_wait3A_854 : memref<1x128xi32, #tpu.memory_space<hbm>> -> memref<128xi32, #tpu.memory_space<hbm>>
          %dma_wait3A_856 = arith.constant 0 : i32
          %dma_wait3A_857 = tpu.memref_slice %arg7[%dma_wait3A_849, %dma_wait3A_856] : memref<8x128xi32, #tpu.memory_space<vmem>> -> memref<1x128xi32, #tpu.memory_space<vmem>>
          %dma_wait3A_858 = tpu.memref_squeeze %dma_wait3A_857 : memref<1x128xi32, #tpu.memory_space<vmem>> -> memref<128xi32, #tpu.memory_space<vmem>>
          %dma_wait3A_859 = arith.constant 0 : i32
          %dma_wait3A_860 = tpu.memref_slice %arg3[%dma_wait3A_848, %dma_wait3A_859] : memref<2560x128xi32, #tpu.memory_space<hbm>> -> memref<1x128xi32, #tpu.memory_space<hbm>>
          %dma_wait3A_861 = tpu.memref_squeeze %dma_wait3A_860 : memref<1x128xi32, #tpu.memory_space<hbm>> -> memref<128xi32, #tpu.memory_space<hbm>>
          tpu.wait_dma2 semaphore(%arg17 : memref<!tpu.dma_semaphore, #tpu.memory_space<semaphore_mem>>) src(%dma_wait3A_861 : memref<128xi32, #tpu.memory_space<hbm>>) dst(%dma_wait3A_858 : memref<128xi32, #tpu.memory_space<vmem>>)
          %dma_wait3A_862 = arith.constant 0 : i32
          %dma_wait3A_863 = arith.constant 6 : i32
          %dma_wait3A_864 = arith.constant 0 : i32
          %dma_wait3A_865 = tpu.memref_slice %arg8[%dma_wait3A_863, %dma_wait3A_864] : memref<8x128xi32, #tpu.memory_space<vmem>> -> memref<1x128xi32, #tpu.memory_space<vmem>>
          %dma_wait3A_866 = tpu.memref_squeeze %dma_wait3A_865 : memref<1x128xi32, #tpu.memory_space<vmem>> -> memref<128xi32, #tpu.memory_space<vmem>>
          %dma_wait3A_867 = arith.constant 0 : i32
          %dma_wait3A_868 = tpu.memref_slice %arg3[%dma_wait3A_862, %dma_wait3A_867] : memref<2560x128xi32, #tpu.memory_space<hbm>> -> memref<1x128xi32, #tpu.memory_space<hbm>>
          %dma_wait3A_869 = tpu.memref_squeeze %dma_wait3A_868 : memref<1x128xi32, #tpu.memory_space<hbm>> -> memref<128xi32, #tpu.memory_space<hbm>>
          %dma_wait3A_870 = arith.constant 0 : i32
          %dma_wait3A_871 = tpu.memref_slice %arg8[%dma_wait3A_863, %dma_wait3A_870] : memref<8x128xi32, #tpu.memory_space<vmem>> -> memref<1x128xi32, #tpu.memory_space<vmem>>
          %dma_wait3A_872 = tpu.memref_squeeze %dma_wait3A_871 : memref<1x128xi32, #tpu.memory_space<vmem>> -> memref<128xi32, #tpu.memory_space<vmem>>
          %dma_wait3A_873 = arith.constant 0 : i32
          %dma_wait3A_874 = tpu.memref_slice %arg3[%dma_wait3A_862, %dma_wait3A_873] : memref<2560x128xi32, #tpu.memory_space<hbm>> -> memref<1x128xi32, #tpu.memory_space<hbm>>
          %dma_wait3A_875 = tpu.memref_squeeze %dma_wait3A_874 : memref<1x128xi32, #tpu.memory_space<hbm>> -> memref<128xi32, #tpu.memory_space<hbm>>
          tpu.wait_dma2 semaphore(%arg17 : memref<!tpu.dma_semaphore, #tpu.memory_space<semaphore_mem>>) src(%dma_wait3A_875 : memref<128xi32, #tpu.memory_space<hbm>>) dst(%dma_wait3A_872 : memref<128xi32, #tpu.memory_space<vmem>>)
          %dma_start3A_876 = arith.constant 6 : i32
          %dma_start3A_877 = arith.constant 2 : i32
          %dma_start3A_878 = arith.constant 0 : i32
          %dma_start3A_879 = arith.constant 0 : i32
          %dma_start3A_880 = tpu.memref_slice %arg9[%dma_start3A_877, %dma_start3A_878, %dma_start3A_879] : memref<4x128x64xf32, #tpu.memory_space<vmem>> -> memref<1x128x64xf32, #tpu.memory_space<vmem>>
          %dma_start3A_881 = tpu.memref_squeeze %dma_start3A_880 : memref<1x128x64xf32, #tpu.memory_space<vmem>> -> memref<128x64xf32, #tpu.memory_space<vmem>>
          %dma_start3A_882 = arith.constant 0 : i32
          %dma_start3A_883 = tpu.memref_slice %arg7[%dma_start3A_876, %dma_start3A_882] : memref<8x128xi32, #tpu.memory_space<vmem>> -> memref<1x128xi32, #tpu.memory_space<vmem>>
          %dma_start3A_884 = tpu.memref_squeeze %dma_start3A_883 : memref<1x128xi32, #tpu.memory_space<vmem>> -> memref<128xi32, #tpu.memory_space<vmem>>
          %dma_start3A_885 = arith.constant 0 : i32
          %dma_start3A_886 = arith.constant 0 : i32
          %dma_start3A_887 = tpu.memref_slice %arg2[%dma_start3A_885, %dma_start3A_886] : memref<10240x64xf32, #tpu.memory_space<hbm>> -> memref<10240x64xf32, #tpu.memory_space<hbm>>
          tpu.enqueue_indirect_dma source(%dma_start3A_887 : memref<10240x64xf32, #tpu.memory_space<hbm>>) target(%dma_start3A_881 : memref<128x64xf32, #tpu.memory_space<vmem>>) offsets(%dma_start3A_884 : memref<128xi32, #tpu.memory_space<vmem>>) semaphore(%arg21 : memref<!tpu.dma_semaphore, #tpu.memory_space<semaphore_mem>>)
        } else {
        }
        %mul3A_578 = arith.constant 8 : i32
        %mul3A_579 = arith.muli %scan3A_416, %mul3A_578 : i32
        %add3A_580 = arith.constant 3 : i32
        %add3A_581 = arith.addi %mul3A_579, %add3A_580 : i32
        %dma_wait3A_582 = arith.constant 0 : i32
        %dma_wait3A_583 = arith.constant 3 : i32
        %dma_wait3A_584 = arith.constant 0 : i32
        %dma_wait3A_585 = arith.constant 0 : i32
        %dma_wait3A_586 = tpu.memref_slice %arg9[%dma_wait3A_583, %dma_wait3A_584, %dma_wait3A_585] : memref<4x128x64xf32, #tpu.memory_space<vmem>> -> memref<1x128x64xf32, #tpu.memory_space<vmem>>
        %dma_wait3A_587 = tpu.memref_squeeze %dma_wait3A_586 : memref<1x128x64xf32, #tpu.memory_space<vmem>> -> memref<128x64xf32, #tpu.memory_space<vmem>>
        %dma_wait3A_588 = arith.constant 0 : i32
        %dma_wait3A_589 = tpu.memref_slice %arg7[%dma_wait3A_582, %dma_wait3A_588] : memref<8x128xi32, #tpu.memory_space<vmem>> -> memref<1x128xi32, #tpu.memory_space<vmem>>
        %dma_wait3A_590 = tpu.memref_squeeze %dma_wait3A_589 : memref<1x128xi32, #tpu.memory_space<vmem>> -> memref<128xi32, #tpu.memory_space<vmem>>
        %dma_wait3A_591 = arith.constant 0 : i32
        %dma_wait3A_592 = arith.constant 0 : i32
        %dma_wait3A_593 = tpu.memref_slice %arg2[%dma_wait3A_591, %dma_wait3A_592] : memref<10240x64xf32, #tpu.memory_space<hbm>> -> memref<10240x64xf32, #tpu.memory_space<hbm>>
        tpu.wait_indirect_dma semaphore(%arg22 : memref<!tpu.dma_semaphore, #tpu.memory_space<semaphore_mem>>) src(%dma_wait3A_593 : memref<10240x64xf32, #tpu.memory_space<hbm>>) dst(%dma_wait3A_587 : memref<128x64xf32, #tpu.memory_space<vmem>>)
        %dma_start3A_594 = arith.constant 3 : i32
        %dma_start3A_595 = arith.constant 3 : i32
        %dma_start3A_596 = arith.constant 0 : i32
        %dma_start3A_597 = arith.constant 0 : i32
        %dma_start3A_598 = tpu.memref_slice %arg9[%dma_start3A_594, %dma_start3A_596, %dma_start3A_597] : memref<4x128x64xf32, #tpu.memory_space<vmem>> -> memref<1x128x64xf32, #tpu.memory_space<vmem>>
        %dma_start3A_599 = tpu.memref_squeeze %dma_start3A_598 : memref<1x128x64xf32, #tpu.memory_space<vmem>> -> memref<128x64xf32, #tpu.memory_space<vmem>>
        %dma_start3A_600 = arith.constant 0 : i32
        %dma_start3A_601 = tpu.memref_slice %arg8[%dma_start3A_595, %dma_start3A_600] : memref<8x128xi32, #tpu.memory_space<vmem>> -> memref<1x128xi32, #tpu.memory_space<vmem>>
        %dma_start3A_602 = tpu.memref_squeeze %dma_start3A_601 : memref<1x128xi32, #tpu.memory_space<vmem>> -> memref<128xi32, #tpu.memory_space<vmem>>
        %dma_start3A_603 = arith.constant 0 : i32
        %dma_start3A_604 = arith.constant 0 : i32
        %dma_start3A_605 = tpu.memref_slice %arg10[%dma_start3A_603, %dma_start3A_604] : memref<10240x64xf32, #tpu.memory_space<vmem_shared>> -> memref<10240x64xf32, #tpu.memory_space<vmem_shared>>
        tpu.enqueue_indirect_dma source(%dma_start3A_599 : memref<128x64xf32, #tpu.memory_space<vmem>>) target(%dma_start3A_605 : memref<10240x64xf32, #tpu.memory_space<vmem_shared>>) offsets(%dma_start3A_602 : memref<128xi32, #tpu.memory_space<vmem>>) semaphore(%arg26 : memref<!tpu.dma_semaphore, #tpu.memory_space<semaphore_mem>>) {add = true}
        %dma_wait3A_606 = arith.constant 3 : i32
        %dma_wait3A_607 = arith.constant 0 : i32
        %dma_wait3A_608 = arith.constant 0 : i32
        %dma_wait3A_609 = arith.constant 0 : i32
        %dma_wait3A_610 = tpu.memref_slice %arg9[%dma_wait3A_606, %dma_wait3A_608, %dma_wait3A_609] : memref<4x128x64xf32, #tpu.memory_space<vmem>> -> memref<1x128x64xf32, #tpu.memory_space<vmem>>
        %dma_wait3A_611 = tpu.memref_squeeze %dma_wait3A_610 : memref<1x128x64xf32, #tpu.memory_space<vmem>> -> memref<128x64xf32, #tpu.memory_space<vmem>>
        %dma_wait3A_612 = arith.constant 0 : i32
        %dma_wait3A_613 = tpu.memref_slice %arg8[%dma_wait3A_607, %dma_wait3A_612] : memref<8x128xi32, #tpu.memory_space<vmem>> -> memref<1x128xi32, #tpu.memory_space<vmem>>
        %dma_wait3A_614 = tpu.memref_squeeze %dma_wait3A_613 : memref<1x128xi32, #tpu.memory_space<vmem>> -> memref<128xi32, #tpu.memory_space<vmem>>
        %dma_wait3A_615 = arith.constant 0 : i32
        %dma_wait3A_616 = arith.constant 0 : i32
        %dma_wait3A_617 = tpu.memref_slice %arg10[%dma_wait3A_615, %dma_wait3A_616] : memref<10240x64xf32, #tpu.memory_space<vmem_shared>> -> memref<10240x64xf32, #tpu.memory_space<vmem_shared>>
        tpu.wait_indirect_dma semaphore(%arg26 : memref<!tpu.dma_semaphore, #tpu.memory_space<semaphore_mem>>) src(%dma_wait3A_611 : memref<128x64xf32, #tpu.memory_space<vmem>>) dst(%dma_wait3A_617 : memref<10240x64xf32, #tpu.memory_space<vmem_shared>>)
        %add3A_618 = arith.constant 8 : i32
        %add3A_619 = arith.addi %add3A_581, %add3A_618 : i32
        %lt3A_620 = arith.constant 160 : i32
        %lt3A_621 = arith.cmpi slt, %add3A_619, %lt3A_620 : i32
        %convert_element_type3A_622 = arith.extui %lt3A_621 : i1 to i32
        %cond3A_623 = arith.constant 0 : i32
        %cond3A_624 = arith.cmpi ne, %convert_element_type3A_622, %cond3A_623 : i32
        scf.if %cond3A_624 {
          %add3A_848 = arith.constant 8 : i32
          %add3A_849 = arith.addi %add3A_581, %add3A_848 : i32
          %add3A_850 = arith.addi %mul3A_0, %add3A_849 : i32
          %dma_start3A_851 = arith.constant 3 : i32
          %dma_start3A_852 = arith.constant 0 : i32
          %dma_start3A_853 = tpu.memref_slice %arg7[%dma_start3A_851, %dma_start3A_852] : memref<8x128xi32, #tpu.memory_space<vmem>> -> memref<1x128xi32, #tpu.memory_space<vmem>>
          %dma_start3A_854 = tpu.memref_squeeze %dma_start3A_853 : memref<1x128xi32, #tpu.memory_space<vmem>> -> memref<128xi32, #tpu.memory_space<vmem>>
          %dma_start3A_855 = arith.constant 0 : i32
          %dma_start3A_856 = tpu.memref_slice %arg3[%add3A_850, %dma_start3A_855] : memref<2560x128xi32, #tpu.memory_space<hbm>> -> memref<1x128xi32, #tpu.memory_space<hbm>>
          %dma_start3A_857 = tpu.memref_squeeze %dma_start3A_856 : memref<1x128xi32, #tpu.memory_space<hbm>> -> memref<128xi32, #tpu.memory_space<hbm>>
          %dma_start3A_858 = arith.constant 0 : i32
          %dma_start3A_859 = tpu.memref_slice %arg7[%dma_start3A_851, %dma_start3A_858] : memref<8x128xi32, #tpu.memory_space<vmem>> -> memref<1x128xi32, #tpu.memory_space<vmem>>
          %dma_start3A_860 = tpu.memref_squeeze %dma_start3A_859 : memref<1x128xi32, #tpu.memory_space<vmem>> -> memref<128xi32, #tpu.memory_space<vmem>>
          %dma_start3A_861 = arith.constant 0 : i32
          %dma_start3A_862 = tpu.memref_slice %arg3[%add3A_850, %dma_start3A_861] : memref<2560x128xi32, #tpu.memory_space<hbm>> -> memref<1x128xi32, #tpu.memory_space<hbm>>
          %dma_start3A_863 = tpu.memref_squeeze %dma_start3A_862 : memref<1x128xi32, #tpu.memory_space<hbm>> -> memref<128xi32, #tpu.memory_space<hbm>>
          tpu.enqueue_dma source(%dma_start3A_863 : memref<128xi32, #tpu.memory_space<hbm>>) target(%dma_start3A_860 : memref<128xi32, #tpu.memory_space<vmem>>) target_semaphore(%arg14 : memref<!tpu.dma_semaphore, #tpu.memory_space<semaphore_mem>>)
          %add3A_864 = arith.addi %mul3A_0, %add3A_849 : i32
          %dma_start3A_865 = arith.constant 3 : i32
          %dma_start3A_866 = arith.constant 0 : i32
          %dma_start3A_867 = tpu.memref_slice %arg8[%dma_start3A_865, %dma_start3A_866] : memref<8x128xi32, #tpu.memory_space<vmem>> -> memref<1x128xi32, #tpu.memory_space<vmem>>
          %dma_start3A_868 = tpu.memref_squeeze %dma_start3A_867 : memref<1x128xi32, #tpu.memory_space<vmem>> -> memref<128xi32, #tpu.memory_space<vmem>>
          %dma_start3A_869 = arith.constant 0 : i32
          %dma_start3A_870 = tpu.memref_slice %arg4[%add3A_864, %dma_start3A_869] : memref<2560x128xi32, #tpu.memory_space<hbm>> -> memref<1x128xi32, #tpu.memory_space<hbm>>
          %dma_start3A_871 = tpu.memref_squeeze %dma_start3A_870 : memref<1x128xi32, #tpu.memory_space<hbm>> -> memref<128xi32, #tpu.memory_space<hbm>>
          %dma_start3A_872 = arith.constant 0 : i32
          %dma_start3A_873 = tpu.memref_slice %arg8[%dma_start3A_865, %dma_start3A_872] : memref<8x128xi32, #tpu.memory_space<vmem>> -> memref<1x128xi32, #tpu.memory_space<vmem>>
          %dma_start3A_874 = tpu.memref_squeeze %dma_start3A_873 : memref<1x128xi32, #tpu.memory_space<vmem>> -> memref<128xi32, #tpu.memory_space<vmem>>
          %dma_start3A_875 = arith.constant 0 : i32
          %dma_start3A_876 = tpu.memref_slice %arg4[%add3A_864, %dma_start3A_875] : memref<2560x128xi32, #tpu.memory_space<hbm>> -> memref<1x128xi32, #tpu.memory_space<hbm>>
          %dma_start3A_877 = tpu.memref_squeeze %dma_start3A_876 : memref<1x128xi32, #tpu.memory_space<hbm>> -> memref<128xi32, #tpu.memory_space<hbm>>
          tpu.enqueue_dma source(%dma_start3A_877 : memref<128xi32, #tpu.memory_space<hbm>>) target(%dma_start3A_874 : memref<128xi32, #tpu.memory_space<vmem>>) target_semaphore(%arg14 : memref<!tpu.dma_semaphore, #tpu.memory_space<semaphore_mem>>)
        } else {
        }
        %add3A_625 = arith.constant 4 : i32
        %add3A_626 = arith.addi %add3A_581, %add3A_625 : i32
        %lt3A_627 = arith.constant 160 : i32
        %lt3A_628 = arith.cmpi slt, %add3A_626, %lt3A_627 : i32
        %convert_element_type3A_629 = arith.extui %lt3A_628 : i1 to i32
        %cond3A_630 = arith.constant 0 : i32
        %cond3A_631 = arith.cmpi ne, %convert_element_type3A_629, %cond3A_630 : i32
        scf.if %cond3A_631 {
          %dma_wait3A_848 = arith.constant 0 : i32
          %dma_wait3A_849 = arith.constant 7 : i32
          %dma_wait3A_850 = arith.constant 0 : i32
          %dma_wait3A_851 = tpu.memref_slice %arg7[%dma_wait3A_849, %dma_wait3A_850] : memref<8x128xi32, #tpu.memory_space<vmem>> -> memref<1x128xi32, #tpu.memory_space<vmem>>
          %dma_wait3A_852 = tpu.memref_squeeze %dma_wait3A_851 : memref<1x128xi32, #tpu.memory_space<vmem>> -> memref<128xi32, #tpu.memory_space<vmem>>
          %dma_wait3A_853 = arith.constant 0 : i32
          %dma_wait3A_854 = tpu.memref_slice %arg3[%dma_wait3A_848, %dma_wait3A_853] : memref<2560x128xi32, #tpu.memory_space<hbm>> -> memref<1x128xi32, #tpu.memory_space<hbm>>
          %dma_wait3A_855 = tpu.memref_squeeze %dma_wait3A_854 : memref<1x128xi32, #tpu.memory_space<hbm>> -> memref<128xi32, #tpu.memory_space<hbm>>
          %dma_wait3A_856 = arith.constant 0 : i32
          %dma_wait3A_857 = tpu.memref_slice %arg7[%dma_wait3A_849, %dma_wait3A_856] : memref<8x128xi32, #tpu.memory_space<vmem>> -> memref<1x128xi32, #tpu.memory_space<vmem>>
          %dma_wait3A_858 = tpu.memref_squeeze %dma_wait3A_857 : memref<1x128xi32, #tpu.memory_space<vmem>> -> memref<128xi32, #tpu.memory_space<vmem>>
          %dma_wait3A_859 = arith.constant 0 : i32
          %dma_wait3A_860 = tpu.memref_slice %arg3[%dma_wait3A_848, %dma_wait3A_859] : memref<2560x128xi32, #tpu.memory_space<hbm>> -> memref<1x128xi32, #tpu.memory_space<hbm>>
          %dma_wait3A_861 = tpu.memref_squeeze %dma_wait3A_860 : memref<1x128xi32, #tpu.memory_space<hbm>> -> memref<128xi32, #tpu.memory_space<hbm>>
          tpu.wait_dma2 semaphore(%arg18 : memref<!tpu.dma_semaphore, #tpu.memory_space<semaphore_mem>>) src(%dma_wait3A_861 : memref<128xi32, #tpu.memory_space<hbm>>) dst(%dma_wait3A_858 : memref<128xi32, #tpu.memory_space<vmem>>)
          %dma_wait3A_862 = arith.constant 0 : i32
          %dma_wait3A_863 = arith.constant 7 : i32
          %dma_wait3A_864 = arith.constant 0 : i32
          %dma_wait3A_865 = tpu.memref_slice %arg8[%dma_wait3A_863, %dma_wait3A_864] : memref<8x128xi32, #tpu.memory_space<vmem>> -> memref<1x128xi32, #tpu.memory_space<vmem>>
          %dma_wait3A_866 = tpu.memref_squeeze %dma_wait3A_865 : memref<1x128xi32, #tpu.memory_space<vmem>> -> memref<128xi32, #tpu.memory_space<vmem>>
          %dma_wait3A_867 = arith.constant 0 : i32
          %dma_wait3A_868 = tpu.memref_slice %arg3[%dma_wait3A_862, %dma_wait3A_867] : memref<2560x128xi32, #tpu.memory_space<hbm>> -> memref<1x128xi32, #tpu.memory_space<hbm>>
          %dma_wait3A_869 = tpu.memref_squeeze %dma_wait3A_868 : memref<1x128xi32, #tpu.memory_space<hbm>> -> memref<128xi32, #tpu.memory_space<hbm>>
          %dma_wait3A_870 = arith.constant 0 : i32
          %dma_wait3A_871 = tpu.memref_slice %arg8[%dma_wait3A_863, %dma_wait3A_870] : memref<8x128xi32, #tpu.memory_space<vmem>> -> memref<1x128xi32, #tpu.memory_space<vmem>>
          %dma_wait3A_872 = tpu.memref_squeeze %dma_wait3A_871 : memref<1x128xi32, #tpu.memory_space<vmem>> -> memref<128xi32, #tpu.memory_space<vmem>>
          %dma_wait3A_873 = arith.constant 0 : i32
          %dma_wait3A_874 = tpu.memref_slice %arg3[%dma_wait3A_862, %dma_wait3A_873] : memref<2560x128xi32, #tpu.memory_space<hbm>> -> memref<1x128xi32, #tpu.memory_space<hbm>>
          %dma_wait3A_875 = tpu.memref_squeeze %dma_wait3A_874 : memref<1x128xi32, #tpu.memory_space<hbm>> -> memref<128xi32, #tpu.memory_space<hbm>>
          tpu.wait_dma2 semaphore(%arg18 : memref<!tpu.dma_semaphore, #tpu.memory_space<semaphore_mem>>) src(%dma_wait3A_875 : memref<128xi32, #tpu.memory_space<hbm>>) dst(%dma_wait3A_872 : memref<128xi32, #tpu.memory_space<vmem>>)
          %dma_start3A_876 = arith.constant 7 : i32
          %dma_start3A_877 = arith.constant 3 : i32
          %dma_start3A_878 = arith.constant 0 : i32
          %dma_start3A_879 = arith.constant 0 : i32
          %dma_start3A_880 = tpu.memref_slice %arg9[%dma_start3A_877, %dma_start3A_878, %dma_start3A_879] : memref<4x128x64xf32, #tpu.memory_space<vmem>> -> memref<1x128x64xf32, #tpu.memory_space<vmem>>
          %dma_start3A_881 = tpu.memref_squeeze %dma_start3A_880 : memref<1x128x64xf32, #tpu.memory_space<vmem>> -> memref<128x64xf32, #tpu.memory_space<vmem>>
          %dma_start3A_882 = arith.constant 0 : i32
          %dma_start3A_883 = tpu.memref_slice %arg7[%dma_start3A_876, %dma_start3A_882] : memref<8x128xi32, #tpu.memory_space<vmem>> -> memref<1x128xi32, #tpu.memory_space<vmem>>
          %dma_start3A_884 = tpu.memref_squeeze %dma_start3A_883 : memref<1x128xi32, #tpu.memory_space<vmem>> -> memref<128xi32, #tpu.memory_space<vmem>>
          %dma_start3A_885 = arith.constant 0 : i32
          %dma_start3A_886 = arith.constant 0 : i32
          %dma_start3A_887 = tpu.memref_slice %arg2[%dma_start3A_885, %dma_start3A_886] : memref<10240x64xf32, #tpu.memory_space<hbm>> -> memref<10240x64xf32, #tpu.memory_space<hbm>>
          tpu.enqueue_indirect_dma source(%dma_start3A_887 : memref<10240x64xf32, #tpu.memory_space<hbm>>) target(%dma_start3A_881 : memref<128x64xf32, #tpu.memory_space<vmem>>) offsets(%dma_start3A_884 : memref<128xi32, #tpu.memory_space<vmem>>) semaphore(%arg22 : memref<!tpu.dma_semaphore, #tpu.memory_space<semaphore_mem>>)
        } else {
        }
        %mul3A_632 = arith.constant 8 : i32
        %mul3A_633 = arith.muli %scan3A_416, %mul3A_632 : i32
        %add3A_634 = arith.constant 4 : i32
        %add3A_635 = arith.addi %mul3A_633, %add3A_634 : i32
        %dma_wait3A_636 = arith.constant 0 : i32
        %dma_wait3A_637 = arith.constant 0 : i32
        %dma_wait3A_638 = arith.constant 0 : i32
        %dma_wait3A_639 = arith.constant 0 : i32
        %dma_wait3A_640 = tpu.memref_slice %arg9[%dma_wait3A_637, %dma_wait3A_638, %dma_wait3A_639] : memref<4x128x64xf32, #tpu.memory_space<vmem>> -> memref<1x128x64xf32, #tpu.memory_space<vmem>>
        %dma_wait3A_641 = tpu.memref_squeeze %dma_wait3A_640 : memref<1x128x64xf32, #tpu.memory_space<vmem>> -> memref<128x64xf32, #tpu.memory_space<vmem>>
        %dma_wait3A_642 = arith.constant 0 : i32
        %dma_wait3A_643 = tpu.memref_slice %arg7[%dma_wait3A_636, %dma_wait3A_642] : memref<8x128xi32, #tpu.memory_space<vmem>> -> memref<1x128xi32, #tpu.memory_space<vmem>>
        %dma_wait3A_644 = tpu.memref_squeeze %dma_wait3A_643 : memref<1x128xi32, #tpu.memory_space<vmem>> -> memref<128xi32, #tpu.memory_space<vmem>>
        %dma_wait3A_645 = arith.constant 0 : i32
        %dma_wait3A_646 = arith.constant 0 : i32
        %dma_wait3A_647 = tpu.memref_slice %arg2[%dma_wait3A_645, %dma_wait3A_646] : memref<10240x64xf32, #tpu.memory_space<hbm>> -> memref<10240x64xf32, #tpu.memory_space<hbm>>
        tpu.wait_indirect_dma semaphore(%arg19 : memref<!tpu.dma_semaphore, #tpu.memory_space<semaphore_mem>>) src(%dma_wait3A_647 : memref<10240x64xf32, #tpu.memory_space<hbm>>) dst(%dma_wait3A_641 : memref<128x64xf32, #tpu.memory_space<vmem>>)
        %dma_start3A_648 = arith.constant 0 : i32
        %dma_start3A_649 = arith.constant 4 : i32
        %dma_start3A_650 = arith.constant 0 : i32
        %dma_start3A_651 = arith.constant 0 : i32
        %dma_start3A_652 = tpu.memref_slice %arg9[%dma_start3A_648, %dma_start3A_650, %dma_start3A_651] : memref<4x128x64xf32, #tpu.memory_space<vmem>> -> memref<1x128x64xf32, #tpu.memory_space<vmem>>
        %dma_start3A_653 = tpu.memref_squeeze %dma_start3A_652 : memref<1x128x64xf32, #tpu.memory_space<vmem>> -> memref<128x64xf32, #tpu.memory_space<vmem>>
        %dma_start3A_654 = arith.constant 0 : i32
        %dma_start3A_655 = tpu.memref_slice %arg8[%dma_start3A_649, %dma_start3A_654] : memref<8x128xi32, #tpu.memory_space<vmem>> -> memref<1x128xi32, #tpu.memory_space<vmem>>
        %dma_start3A_656 = tpu.memref_squeeze %dma_start3A_655 : memref<1x128xi32, #tpu.memory_space<vmem>> -> memref<128xi32, #tpu.memory_space<vmem>>
        %dma_start3A_657 = arith.constant 0 : i32
        %dma_start3A_658 = arith.constant 0 : i32
        %dma_start3A_659 = tpu.memref_slice %arg10[%dma_start3A_657, %dma_start3A_658] : memref<10240x64xf32, #tpu.memory_space<vmem_shared>> -> memref<10240x64xf32, #tpu.memory_space<vmem_shared>>
        tpu.enqueue_indirect_dma source(%dma_start3A_653 : memref<128x64xf32, #tpu.memory_space<vmem>>) target(%dma_start3A_659 : memref<10240x64xf32, #tpu.memory_space<vmem_shared>>) offsets(%dma_start3A_656 : memref<128xi32, #tpu.memory_space<vmem>>) semaphore(%arg23 : memref<!tpu.dma_semaphore, #tpu.memory_space<semaphore_mem>>) {add = true}
        %dma_wait3A_660 = arith.constant 0 : i32
        %dma_wait3A_661 = arith.constant 0 : i32
        %dma_wait3A_662 = arith.constant 0 : i32
        %dma_wait3A_663 = arith.constant 0 : i32
        %dma_wait3A_664 = tpu.memref_slice %arg9[%dma_wait3A_660, %dma_wait3A_662, %dma_wait3A_663] : memref<4x128x64xf32, #tpu.memory_space<vmem>> -> memref<1x128x64xf32, #tpu.memory_space<vmem>>
        %dma_wait3A_665 = tpu.memref_squeeze %dma_wait3A_664 : memref<1x128x64xf32, #tpu.memory_space<vmem>> -> memref<128x64xf32, #tpu.memory_space<vmem>>
        %dma_wait3A_666 = arith.constant 0 : i32
        %dma_wait3A_667 = tpu.memref_slice %arg8[%dma_wait3A_661, %dma_wait3A_666] : memref<8x128xi32, #tpu.memory_space<vmem>> -> memref<1x128xi32, #tpu.memory_space<vmem>>
        %dma_wait3A_668 = tpu.memref_squeeze %dma_wait3A_667 : memref<1x128xi32, #tpu.memory_space<vmem>> -> memref<128xi32, #tpu.memory_space<vmem>>
        %dma_wait3A_669 = arith.constant 0 : i32
        %dma_wait3A_670 = arith.constant 0 : i32
        %dma_wait3A_671 = tpu.memref_slice %arg10[%dma_wait3A_669, %dma_wait3A_670] : memref<10240x64xf32, #tpu.memory_space<vmem_shared>> -> memref<10240x64xf32, #tpu.memory_space<vmem_shared>>
        tpu.wait_indirect_dma semaphore(%arg23 : memref<!tpu.dma_semaphore, #tpu.memory_space<semaphore_mem>>) src(%dma_wait3A_665 : memref<128x64xf32, #tpu.memory_space<vmem>>) dst(%dma_wait3A_671 : memref<10240x64xf32, #tpu.memory_space<vmem_shared>>)
        %add3A_672 = arith.constant 8 : i32
        %add3A_673 = arith.addi %add3A_635, %add3A_672 : i32
        %lt3A_674 = arith.constant 160 : i32
        %lt3A_675 = arith.cmpi slt, %add3A_673, %lt3A_674 : i32
        %convert_element_type3A_676 = arith.extui %lt3A_675 : i1 to i32
        %cond3A_677 = arith.constant 0 : i32
        %cond3A_678 = arith.cmpi ne, %convert_element_type3A_676, %cond3A_677 : i32
        scf.if %cond3A_678 {
          %add3A_848 = arith.constant 8 : i32
          %add3A_849 = arith.addi %add3A_635, %add3A_848 : i32
          %add3A_850 = arith.addi %mul3A_0, %add3A_849 : i32
          %dma_start3A_851 = arith.constant 4 : i32
          %dma_start3A_852 = arith.constant 0 : i32
          %dma_start3A_853 = tpu.memref_slice %arg7[%dma_start3A_851, %dma_start3A_852] : memref<8x128xi32, #tpu.memory_space<vmem>> -> memref<1x128xi32, #tpu.memory_space<vmem>>
          %dma_start3A_854 = tpu.memref_squeeze %dma_start3A_853 : memref<1x128xi32, #tpu.memory_space<vmem>> -> memref<128xi32, #tpu.memory_space<vmem>>
          %dma_start3A_855 = arith.constant 0 : i32
          %dma_start3A_856 = tpu.memref_slice %arg3[%add3A_850, %dma_start3A_855] : memref<2560x128xi32, #tpu.memory_space<hbm>> -> memref<1x128xi32, #tpu.memory_space<hbm>>
          %dma_start3A_857 = tpu.memref_squeeze %dma_start3A_856 : memref<1x128xi32, #tpu.memory_space<hbm>> -> memref<128xi32, #tpu.memory_space<hbm>>
          %dma_start3A_858 = arith.constant 0 : i32
          %dma_start3A_859 = tpu.memref_slice %arg7[%dma_start3A_851, %dma_start3A_858] : memref<8x128xi32, #tpu.memory_space<vmem>> -> memref<1x128xi32, #tpu.memory_space<vmem>>
          %dma_start3A_860 = tpu.memref_squeeze %dma_start3A_859 : memref<1x128xi32, #tpu.memory_space<vmem>> -> memref<128xi32, #tpu.memory_space<vmem>>
          %dma_start3A_861 = arith.constant 0 : i32
          %dma_start3A_862 = tpu.memref_slice %arg3[%add3A_850, %dma_start3A_861] : memref<2560x128xi32, #tpu.memory_space<hbm>> -> memref<1x128xi32, #tpu.memory_space<hbm>>
          %dma_start3A_863 = tpu.memref_squeeze %dma_start3A_862 : memref<1x128xi32, #tpu.memory_space<hbm>> -> memref<128xi32, #tpu.memory_space<hbm>>
          tpu.enqueue_dma source(%dma_start3A_863 : memref<128xi32, #tpu.memory_space<hbm>>) target(%dma_start3A_860 : memref<128xi32, #tpu.memory_space<vmem>>) target_semaphore(%arg15 : memref<!tpu.dma_semaphore, #tpu.memory_space<semaphore_mem>>)
          %add3A_864 = arith.addi %mul3A_0, %add3A_849 : i32
          %dma_start3A_865 = arith.constant 4 : i32
          %dma_start3A_866 = arith.constant 0 : i32
          %dma_start3A_867 = tpu.memref_slice %arg8[%dma_start3A_865, %dma_start3A_866] : memref<8x128xi32, #tpu.memory_space<vmem>> -> memref<1x128xi32, #tpu.memory_space<vmem>>
          %dma_start3A_868 = tpu.memref_squeeze %dma_start3A_867 : memref<1x128xi32, #tpu.memory_space<vmem>> -> memref<128xi32, #tpu.memory_space<vmem>>
          %dma_start3A_869 = arith.constant 0 : i32
          %dma_start3A_870 = tpu.memref_slice %arg4[%add3A_864, %dma_start3A_869] : memref<2560x128xi32, #tpu.memory_space<hbm>> -> memref<1x128xi32, #tpu.memory_space<hbm>>
          %dma_start3A_871 = tpu.memref_squeeze %dma_start3A_870 : memref<1x128xi32, #tpu.memory_space<hbm>> -> memref<128xi32, #tpu.memory_space<hbm>>
          %dma_start3A_872 = arith.constant 0 : i32
          %dma_start3A_873 = tpu.memref_slice %arg8[%dma_start3A_865, %dma_start3A_872] : memref<8x128xi32, #tpu.memory_space<vmem>> -> memref<1x128xi32, #tpu.memory_space<vmem>>
          %dma_start3A_874 = tpu.memref_squeeze %dma_start3A_873 : memref<1x128xi32, #tpu.memory_space<vmem>> -> memref<128xi32, #tpu.memory_space<vmem>>
          %dma_start3A_875 = arith.constant 0 : i32
          %dma_start3A_876 = tpu.memref_slice %arg4[%add3A_864, %dma_start3A_875] : memref<2560x128xi32, #tpu.memory_space<hbm>> -> memref<1x128xi32, #tpu.memory_space<hbm>>
          %dma_start3A_877 = tpu.memref_squeeze %dma_start3A_876 : memref<1x128xi32, #tpu.memory_space<hbm>> -> memref<128xi32, #tpu.memory_space<hbm>>
          tpu.enqueue_dma source(%dma_start3A_877 : memref<128xi32, #tpu.memory_space<hbm>>) target(%dma_start3A_874 : memref<128xi32, #tpu.memory_space<vmem>>) target_semaphore(%arg15 : memref<!tpu.dma_semaphore, #tpu.memory_space<semaphore_mem>>)
        } else {
        }
        %add3A_679 = arith.constant 4 : i32
        %add3A_680 = arith.addi %add3A_635, %add3A_679 : i32
        %lt3A_681 = arith.constant 160 : i32
        %lt3A_682 = arith.cmpi slt, %add3A_680, %lt3A_681 : i32
        %convert_element_type3A_683 = arith.extui %lt3A_682 : i1 to i32
        %cond3A_684 = arith.constant 0 : i32
        %cond3A_685 = arith.cmpi ne, %convert_element_type3A_683, %cond3A_684 : i32
        scf.if %cond3A_685 {
          %dma_wait3A_848 = arith.constant 0 : i32
          %dma_wait3A_849 = arith.constant 0 : i32
          %dma_wait3A_850 = arith.constant 0 : i32
          %dma_wait3A_851 = tpu.memref_slice %arg7[%dma_wait3A_849, %dma_wait3A_850] : memref<8x128xi32, #tpu.memory_space<vmem>> -> memref<1x128xi32, #tpu.memory_space<vmem>>
          %dma_wait3A_852 = tpu.memref_squeeze %dma_wait3A_851 : memref<1x128xi32, #tpu.memory_space<vmem>> -> memref<128xi32, #tpu.memory_space<vmem>>
          %dma_wait3A_853 = arith.constant 0 : i32
          %dma_wait3A_854 = tpu.memref_slice %arg3[%dma_wait3A_848, %dma_wait3A_853] : memref<2560x128xi32, #tpu.memory_space<hbm>> -> memref<1x128xi32, #tpu.memory_space<hbm>>
          %dma_wait3A_855 = tpu.memref_squeeze %dma_wait3A_854 : memref<1x128xi32, #tpu.memory_space<hbm>> -> memref<128xi32, #tpu.memory_space<hbm>>
          %dma_wait3A_856 = arith.constant 0 : i32
          %dma_wait3A_857 = tpu.memref_slice %arg7[%dma_wait3A_849, %dma_wait3A_856] : memref<8x128xi32, #tpu.memory_space<vmem>> -> memref<1x128xi32, #tpu.memory_space<vmem>>
          %dma_wait3A_858 = tpu.memref_squeeze %dma_wait3A_857 : memref<1x128xi32, #tpu.memory_space<vmem>> -> memref<128xi32, #tpu.memory_space<vmem>>
          %dma_wait3A_859 = arith.constant 0 : i32
          %dma_wait3A_860 = tpu.memref_slice %arg3[%dma_wait3A_848, %dma_wait3A_859] : memref<2560x128xi32, #tpu.memory_space<hbm>> -> memref<1x128xi32, #tpu.memory_space<hbm>>
          %dma_wait3A_861 = tpu.memref_squeeze %dma_wait3A_860 : memref<1x128xi32, #tpu.memory_space<hbm>> -> memref<128xi32, #tpu.memory_space<hbm>>
          tpu.wait_dma2 semaphore(%arg11 : memref<!tpu.dma_semaphore, #tpu.memory_space<semaphore_mem>>) src(%dma_wait3A_861 : memref<128xi32, #tpu.memory_space<hbm>>) dst(%dma_wait3A_858 : memref<128xi32, #tpu.memory_space<vmem>>)
          %dma_wait3A_862 = arith.constant 0 : i32
          %dma_wait3A_863 = arith.constant 0 : i32
          %dma_wait3A_864 = arith.constant 0 : i32
          %dma_wait3A_865 = tpu.memref_slice %arg8[%dma_wait3A_863, %dma_wait3A_864] : memref<8x128xi32, #tpu.memory_space<vmem>> -> memref<1x128xi32, #tpu.memory_space<vmem>>
          %dma_wait3A_866 = tpu.memref_squeeze %dma_wait3A_865 : memref<1x128xi32, #tpu.memory_space<vmem>> -> memref<128xi32, #tpu.memory_space<vmem>>
          %dma_wait3A_867 = arith.constant 0 : i32
          %dma_wait3A_868 = tpu.memref_slice %arg3[%dma_wait3A_862, %dma_wait3A_867] : memref<2560x128xi32, #tpu.memory_space<hbm>> -> memref<1x128xi32, #tpu.memory_space<hbm>>
          %dma_wait3A_869 = tpu.memref_squeeze %dma_wait3A_868 : memref<1x128xi32, #tpu.memory_space<hbm>> -> memref<128xi32, #tpu.memory_space<hbm>>
          %dma_wait3A_870 = arith.constant 0 : i32
          %dma_wait3A_871 = tpu.memref_slice %arg8[%dma_wait3A_863, %dma_wait3A_870] : memref<8x128xi32, #tpu.memory_space<vmem>> -> memref<1x128xi32, #tpu.memory_space<vmem>>
          %dma_wait3A_872 = tpu.memref_squeeze %dma_wait3A_871 : memref<1x128xi32, #tpu.memory_space<vmem>> -> memref<128xi32, #tpu.memory_space<vmem>>
          %dma_wait3A_873 = arith.constant 0 : i32
          %dma_wait3A_874 = tpu.memref_slice %arg3[%dma_wait3A_862, %dma_wait3A_873] : memref<2560x128xi32, #tpu.memory_space<hbm>> -> memref<1x128xi32, #tpu.memory_space<hbm>>
          %dma_wait3A_875 = tpu.memref_squeeze %dma_wait3A_874 : memref<1x128xi32, #tpu.memory_space<hbm>> -> memref<128xi32, #tpu.memory_space<hbm>>
          tpu.wait_dma2 semaphore(%arg11 : memref<!tpu.dma_semaphore, #tpu.memory_space<semaphore_mem>>) src(%dma_wait3A_875 : memref<128xi32, #tpu.memory_space<hbm>>) dst(%dma_wait3A_872 : memref<128xi32, #tpu.memory_space<vmem>>)
          %dma_start3A_876 = arith.constant 0 : i32
          %dma_start3A_877 = arith.constant 0 : i32
          %dma_start3A_878 = arith.constant 0 : i32
          %dma_start3A_879 = arith.constant 0 : i32
          %dma_start3A_880 = tpu.memref_slice %arg9[%dma_start3A_877, %dma_start3A_878, %dma_start3A_879] : memref<4x128x64xf32, #tpu.memory_space<vmem>> -> memref<1x128x64xf32, #tpu.memory_space<vmem>>
          %dma_start3A_881 = tpu.memref_squeeze %dma_start3A_880 : memref<1x128x64xf32, #tpu.memory_space<vmem>> -> memref<128x64xf32, #tpu.memory_space<vmem>>
          %dma_start3A_882 = arith.constant 0 : i32
          %dma_start3A_883 = tpu.memref_slice %arg7[%dma_start3A_876, %dma_start3A_882] : memref<8x128xi32, #tpu.memory_space<vmem>> -> memref<1x128xi32, #tpu.memory_space<vmem>>
          %dma_start3A_884 = tpu.memref_squeeze %dma_start3A_883 : memref<1x128xi32, #tpu.memory_space<vmem>> -> memref<128xi32, #tpu.memory_space<vmem>>
          %dma_start3A_885 = arith.constant 0 : i32
          %dma_start3A_886 = arith.constant 0 : i32
          %dma_start3A_887 = tpu.memref_slice %arg2[%dma_start3A_885, %dma_start3A_886] : memref<10240x64xf32, #tpu.memory_space<hbm>> -> memref<10240x64xf32, #tpu.memory_space<hbm>>
          tpu.enqueue_indirect_dma source(%dma_start3A_887 : memref<10240x64xf32, #tpu.memory_space<hbm>>) target(%dma_start3A_881 : memref<128x64xf32, #tpu.memory_space<vmem>>) offsets(%dma_start3A_884 : memref<128xi32, #tpu.memory_space<vmem>>) semaphore(%arg19 : memref<!tpu.dma_semaphore, #tpu.memory_space<semaphore_mem>>)
        } else {
        }
        %mul3A_686 = arith.constant 8 : i32
        %mul3A_687 = arith.muli %scan3A_416, %mul3A_686 : i32
        %add3A_688 = arith.constant 5 : i32
        %add3A_689 = arith.addi %mul3A_687, %add3A_688 : i32
        %dma_wait3A_690 = arith.constant 0 : i32
        %dma_wait3A_691 = arith.constant 1 : i32
        %dma_wait3A_692 = arith.constant 0 : i32
        %dma_wait3A_693 = arith.constant 0 : i32
        %dma_wait3A_694 = tpu.memref_slice %arg9[%dma_wait3A_691, %dma_wait3A_692, %dma_wait3A_693] : memref<4x128x64xf32, #tpu.memory_space<vmem>> -> memref<1x128x64xf32, #tpu.memory_space<vmem>>
        %dma_wait3A_695 = tpu.memref_squeeze %dma_wait3A_694 : memref<1x128x64xf32, #tpu.memory_space<vmem>> -> memref<128x64xf32, #tpu.memory_space<vmem>>
        %dma_wait3A_696 = arith.constant 0 : i32
        %dma_wait3A_697 = tpu.memref_slice %arg7[%dma_wait3A_690, %dma_wait3A_696] : memref<8x128xi32, #tpu.memory_space<vmem>> -> memref<1x128xi32, #tpu.memory_space<vmem>>
        %dma_wait3A_698 = tpu.memref_squeeze %dma_wait3A_697 : memref<1x128xi32, #tpu.memory_space<vmem>> -> memref<128xi32, #tpu.memory_space<vmem>>
        %dma_wait3A_699 = arith.constant 0 : i32
        %dma_wait3A_700 = arith.constant 0 : i32
        %dma_wait3A_701 = tpu.memref_slice %arg2[%dma_wait3A_699, %dma_wait3A_700] : memref<10240x64xf32, #tpu.memory_space<hbm>> -> memref<10240x64xf32, #tpu.memory_space<hbm>>
        tpu.wait_indirect_dma semaphore(%arg20 : memref<!tpu.dma_semaphore, #tpu.memory_space<semaphore_mem>>) src(%dma_wait3A_701 : memref<10240x64xf32, #tpu.memory_space<hbm>>) dst(%dma_wait3A_695 : memref<128x64xf32, #tpu.memory_space<vmem>>)
        %dma_start3A_702 = arith.constant 1 : i32
        %dma_start3A_703 = arith.constant 5 : i32
        %dma_start3A_704 = arith.constant 0 : i32
        %dma_start3A_705 = arith.constant 0 : i32
        %dma_start3A_706 = tpu.memref_slice %arg9[%dma_start3A_702, %dma_start3A_704, %dma_start3A_705] : memref<4x128x64xf32, #tpu.memory_space<vmem>> -> memref<1x128x64xf32, #tpu.memory_space<vmem>>
        %dma_start3A_707 = tpu.memref_squeeze %dma_start3A_706 : memref<1x128x64xf32, #tpu.memory_space<vmem>> -> memref<128x64xf32, #tpu.memory_space<vmem>>
        %dma_start3A_708 = arith.constant 0 : i32
        %dma_start3A_709 = tpu.memref_slice %arg8[%dma_start3A_703, %dma_start3A_708] : memref<8x128xi32, #tpu.memory_space<vmem>> -> memref<1x128xi32, #tpu.memory_space<vmem>>
        %dma_start3A_710 = tpu.memref_squeeze %dma_start3A_709 : memref<1x128xi32, #tpu.memory_space<vmem>> -> memref<128xi32, #tpu.memory_space<vmem>>
        %dma_start3A_711 = arith.constant 0 : i32
        %dma_start3A_712 = arith.constant 0 : i32
        %dma_start3A_713 = tpu.memref_slice %arg10[%dma_start3A_711, %dma_start3A_712] : memref<10240x64xf32, #tpu.memory_space<vmem_shared>> -> memref<10240x64xf32, #tpu.memory_space<vmem_shared>>
        tpu.enqueue_indirect_dma source(%dma_start3A_707 : memref<128x64xf32, #tpu.memory_space<vmem>>) target(%dma_start3A_713 : memref<10240x64xf32, #tpu.memory_space<vmem_shared>>) offsets(%dma_start3A_710 : memref<128xi32, #tpu.memory_space<vmem>>) semaphore(%arg24 : memref<!tpu.dma_semaphore, #tpu.memory_space<semaphore_mem>>) {add = true}
        %dma_wait3A_714 = arith.constant 1 : i32
        %dma_wait3A_715 = arith.constant 0 : i32
        %dma_wait3A_716 = arith.constant 0 : i32
        %dma_wait3A_717 = arith.constant 0 : i32
        %dma_wait3A_718 = tpu.memref_slice %arg9[%dma_wait3A_714, %dma_wait3A_716, %dma_wait3A_717] : memref<4x128x64xf32, #tpu.memory_space<vmem>> -> memref<1x128x64xf32, #tpu.memory_space<vmem>>
        %dma_wait3A_719 = tpu.memref_squeeze %dma_wait3A_718 : memref<1x128x64xf32, #tpu.memory_space<vmem>> -> memref<128x64xf32, #tpu.memory_space<vmem>>
        %dma_wait3A_720 = arith.constant 0 : i32
        %dma_wait3A_721 = tpu.memref_slice %arg8[%dma_wait3A_715, %dma_wait3A_720] : memref<8x128xi32, #tpu.memory_space<vmem>> -> memref<1x128xi32, #tpu.memory_space<vmem>>
        %dma_wait3A_722 = tpu.memref_squeeze %dma_wait3A_721 : memref<1x128xi32, #tpu.memory_space<vmem>> -> memref<128xi32, #tpu.memory_space<vmem>>
        %dma_wait3A_723 = arith.constant 0 : i32
        %dma_wait3A_724 = arith.constant 0 : i32
        %dma_wait3A_725 = tpu.memref_slice %arg10[%dma_wait3A_723, %dma_wait3A_724] : memref<10240x64xf32, #tpu.memory_space<vmem_shared>> -> memref<10240x64xf32, #tpu.memory_space<vmem_shared>>
        tpu.wait_indirect_dma semaphore(%arg24 : memref<!tpu.dma_semaphore, #tpu.memory_space<semaphore_mem>>) src(%dma_wait3A_719 : memref<128x64xf32, #tpu.memory_space<vmem>>) dst(%dma_wait3A_725 : memref<10240x64xf32, #tpu.memory_space<vmem_shared>>)
        %add3A_726 = arith.constant 8 : i32
        %add3A_727 = arith.addi %add3A_689, %add3A_726 : i32
        %lt3A_728 = arith.constant 160 : i32
        %lt3A_729 = arith.cmpi slt, %add3A_727, %lt3A_728 : i32
        %convert_element_type3A_730 = arith.extui %lt3A_729 : i1 to i32
        %cond3A_731 = arith.constant 0 : i32
        %cond3A_732 = arith.cmpi ne, %convert_element_type3A_730, %cond3A_731 : i32
        scf.if %cond3A_732 {
          %add3A_848 = arith.constant 8 : i32
          %add3A_849 = arith.addi %add3A_689, %add3A_848 : i32
          %add3A_850 = arith.addi %mul3A_0, %add3A_849 : i32
          %dma_start3A_851 = arith.constant 5 : i32
          %dma_start3A_852 = arith.constant 0 : i32
          %dma_start3A_853 = tpu.memref_slice %arg7[%dma_start3A_851, %dma_start3A_852] : memref<8x128xi32, #tpu.memory_space<vmem>> -> memref<1x128xi32, #tpu.memory_space<vmem>>
          %dma_start3A_854 = tpu.memref_squeeze %dma_start3A_853 : memref<1x128xi32, #tpu.memory_space<vmem>> -> memref<128xi32, #tpu.memory_space<vmem>>
          %dma_start3A_855 = arith.constant 0 : i32
          %dma_start3A_856 = tpu.memref_slice %arg3[%add3A_850, %dma_start3A_855] : memref<2560x128xi32, #tpu.memory_space<hbm>> -> memref<1x128xi32, #tpu.memory_space<hbm>>
          %dma_start3A_857 = tpu.memref_squeeze %dma_start3A_856 : memref<1x128xi32, #tpu.memory_space<hbm>> -> memref<128xi32, #tpu.memory_space<hbm>>
          %dma_start3A_858 = arith.constant 0 : i32
          %dma_start3A_859 = tpu.memref_slice %arg7[%dma_start3A_851, %dma_start3A_858] : memref<8x128xi32, #tpu.memory_space<vmem>> -> memref<1x128xi32, #tpu.memory_space<vmem>>
          %dma_start3A_860 = tpu.memref_squeeze %dma_start3A_859 : memref<1x128xi32, #tpu.memory_space<vmem>> -> memref<128xi32, #tpu.memory_space<vmem>>
          %dma_start3A_861 = arith.constant 0 : i32
          %dma_start3A_862 = tpu.memref_slice %arg3[%add3A_850, %dma_start3A_861] : memref<2560x128xi32, #tpu.memory_space<hbm>> -> memref<1x128xi32, #tpu.memory_space<hbm>>
          %dma_start3A_863 = tpu.memref_squeeze %dma_start3A_862 : memref<1x128xi32, #tpu.memory_space<hbm>> -> memref<128xi32, #tpu.memory_space<hbm>>
          tpu.enqueue_dma source(%dma_start3A_863 : memref<128xi32, #tpu.memory_space<hbm>>) target(%dma_start3A_860 : memref<128xi32, #tpu.memory_space<vmem>>) target_semaphore(%arg16 : memref<!tpu.dma_semaphore, #tpu.memory_space<semaphore_mem>>)
          %add3A_864 = arith.addi %mul3A_0, %add3A_849 : i32
          %dma_start3A_865 = arith.constant 5 : i32
          %dma_start3A_866 = arith.constant 0 : i32
          %dma_start3A_867 = tpu.memref_slice %arg8[%dma_start3A_865, %dma_start3A_866] : memref<8x128xi32, #tpu.memory_space<vmem>> -> memref<1x128xi32, #tpu.memory_space<vmem>>
          %dma_start3A_868 = tpu.memref_squeeze %dma_start3A_867 : memref<1x128xi32, #tpu.memory_space<vmem>> -> memref<128xi32, #tpu.memory_space<vmem>>
          %dma_start3A_869 = arith.constant 0 : i32
          %dma_start3A_870 = tpu.memref_slice %arg4[%add3A_864, %dma_start3A_869] : memref<2560x128xi32, #tpu.memory_space<hbm>> -> memref<1x128xi32, #tpu.memory_space<hbm>>
          %dma_start3A_871 = tpu.memref_squeeze %dma_start3A_870 : memref<1x128xi32, #tpu.memory_space<hbm>> -> memref<128xi32, #tpu.memory_space<hbm>>
          %dma_start3A_872 = arith.constant 0 : i32
          %dma_start3A_873 = tpu.memref_slice %arg8[%dma_start3A_865, %dma_start3A_872] : memref<8x128xi32, #tpu.memory_space<vmem>> -> memref<1x128xi32, #tpu.memory_space<vmem>>
          %dma_start3A_874 = tpu.memref_squeeze %dma_start3A_873 : memref<1x128xi32, #tpu.memory_space<vmem>> -> memref<128xi32, #tpu.memory_space<vmem>>
          %dma_start3A_875 = arith.constant 0 : i32
          %dma_start3A_876 = tpu.memref_slice %arg4[%add3A_864, %dma_start3A_875] : memref<2560x128xi32, #tpu.memory_space<hbm>> -> memref<1x128xi32, #tpu.memory_space<hbm>>
          %dma_start3A_877 = tpu.memref_squeeze %dma_start3A_876 : memref<1x128xi32, #tpu.memory_space<hbm>> -> memref<128xi32, #tpu.memory_space<hbm>>
          tpu.enqueue_dma source(%dma_start3A_877 : memref<128xi32, #tpu.memory_space<hbm>>) target(%dma_start3A_874 : memref<128xi32, #tpu.memory_space<vmem>>) target_semaphore(%arg16 : memref<!tpu.dma_semaphore, #tpu.memory_space<semaphore_mem>>)
        } else {
        }
        %add3A_733 = arith.constant 4 : i32
        %add3A_734 = arith.addi %add3A_689, %add3A_733 : i32
        %lt3A_735 = arith.constant 160 : i32
        %lt3A_736 = arith.cmpi slt, %add3A_734, %lt3A_735 : i32
        %convert_element_type3A_737 = arith.extui %lt3A_736 : i1 to i32
        %cond3A_738 = arith.constant 0 : i32
        %cond3A_739 = arith.cmpi ne, %convert_element_type3A_737, %cond3A_738 : i32
        scf.if %cond3A_739 {
          %dma_wait3A_848 = arith.constant 0 : i32
          %dma_wait3A_849 = arith.constant 1 : i32
          %dma_wait3A_850 = arith.constant 0 : i32
          %dma_wait3A_851 = tpu.memref_slice %arg7[%dma_wait3A_849, %dma_wait3A_850] : memref<8x128xi32, #tpu.memory_space<vmem>> -> memref<1x128xi32, #tpu.memory_space<vmem>>
          %dma_wait3A_852 = tpu.memref_squeeze %dma_wait3A_851 : memref<1x128xi32, #tpu.memory_space<vmem>> -> memref<128xi32, #tpu.memory_space<vmem>>
          %dma_wait3A_853 = arith.constant 0 : i32
          %dma_wait3A_854 = tpu.memref_slice %arg3[%dma_wait3A_848, %dma_wait3A_853] : memref<2560x128xi32, #tpu.memory_space<hbm>> -> memref<1x128xi32, #tpu.memory_space<hbm>>
          %dma_wait3A_855 = tpu.memref_squeeze %dma_wait3A_854 : memref<1x128xi32, #tpu.memory_space<hbm>> -> memref<128xi32, #tpu.memory_space<hbm>>
          %dma_wait3A_856 = arith.constant 0 : i32
          %dma_wait3A_857 = tpu.memref_slice %arg7[%dma_wait3A_849, %dma_wait3A_856] : memref<8x128xi32, #tpu.memory_space<vmem>> -> memref<1x128xi32, #tpu.memory_space<vmem>>
          %dma_wait3A_858 = tpu.memref_squeeze %dma_wait3A_857 : memref<1x128xi32, #tpu.memory_space<vmem>> -> memref<128xi32, #tpu.memory_space<vmem>>
          %dma_wait3A_859 = arith.constant 0 : i32
          %dma_wait3A_860 = tpu.memref_slice %arg3[%dma_wait3A_848, %dma_wait3A_859] : memref<2560x128xi32, #tpu.memory_space<hbm>> -> memref<1x128xi32, #tpu.memory_space<hbm>>
          %dma_wait3A_861 = tpu.memref_squeeze %dma_wait3A_860 : memref<1x128xi32, #tpu.memory_space<hbm>> -> memref<128xi32, #tpu.memory_space<hbm>>
          tpu.wait_dma2 semaphore(%arg12 : memref<!tpu.dma_semaphore, #tpu.memory_space<semaphore_mem>>) src(%dma_wait3A_861 : memref<128xi32, #tpu.memory_space<hbm>>) dst(%dma_wait3A_858 : memref<128xi32, #tpu.memory_space<vmem>>)
          %dma_wait3A_862 = arith.constant 0 : i32
          %dma_wait3A_863 = arith.constant 1 : i32
          %dma_wait3A_864 = arith.constant 0 : i32
          %dma_wait3A_865 = tpu.memref_slice %arg8[%dma_wait3A_863, %dma_wait3A_864] : memref<8x128xi32, #tpu.memory_space<vmem>> -> memref<1x128xi32, #tpu.memory_space<vmem>>
          %dma_wait3A_866 = tpu.memref_squeeze %dma_wait3A_865 : memref<1x128xi32, #tpu.memory_space<vmem>> -> memref<128xi32, #tpu.memory_space<vmem>>
          %dma_wait3A_867 = arith.constant 0 : i32
          %dma_wait3A_868 = tpu.memref_slice %arg3[%dma_wait3A_862, %dma_wait3A_867] : memref<2560x128xi32, #tpu.memory_space<hbm>> -> memref<1x128xi32, #tpu.memory_space<hbm>>
          %dma_wait3A_869 = tpu.memref_squeeze %dma_wait3A_868 : memref<1x128xi32, #tpu.memory_space<hbm>> -> memref<128xi32, #tpu.memory_space<hbm>>
          %dma_wait3A_870 = arith.constant 0 : i32
          %dma_wait3A_871 = tpu.memref_slice %arg8[%dma_wait3A_863, %dma_wait3A_870] : memref<8x128xi32, #tpu.memory_space<vmem>> -> memref<1x128xi32, #tpu.memory_space<vmem>>
          %dma_wait3A_872 = tpu.memref_squeeze %dma_wait3A_871 : memref<1x128xi32, #tpu.memory_space<vmem>> -> memref<128xi32, #tpu.memory_space<vmem>>
          %dma_wait3A_873 = arith.constant 0 : i32
          %dma_wait3A_874 = tpu.memref_slice %arg3[%dma_wait3A_862, %dma_wait3A_873] : memref<2560x128xi32, #tpu.memory_space<hbm>> -> memref<1x128xi32, #tpu.memory_space<hbm>>
          %dma_wait3A_875 = tpu.memref_squeeze %dma_wait3A_874 : memref<1x128xi32, #tpu.memory_space<hbm>> -> memref<128xi32, #tpu.memory_space<hbm>>
          tpu.wait_dma2 semaphore(%arg12 : memref<!tpu.dma_semaphore, #tpu.memory_space<semaphore_mem>>) src(%dma_wait3A_875 : memref<128xi32, #tpu.memory_space<hbm>>) dst(%dma_wait3A_872 : memref<128xi32, #tpu.memory_space<vmem>>)
          %dma_start3A_876 = arith.constant 1 : i32
          %dma_start3A_877 = arith.constant 1 : i32
          %dma_start3A_878 = arith.constant 0 : i32
          %dma_start3A_879 = arith.constant 0 : i32
          %dma_start3A_880 = tpu.memref_slice %arg9[%dma_start3A_877, %dma_start3A_878, %dma_start3A_879] : memref<4x128x64xf32, #tpu.memory_space<vmem>> -> memref<1x128x64xf32, #tpu.memory_space<vmem>>
          %dma_start3A_881 = tpu.memref_squeeze %dma_start3A_880 : memref<1x128x64xf32, #tpu.memory_space<vmem>> -> memref<128x64xf32, #tpu.memory_space<vmem>>
          %dma_start3A_882 = arith.constant 0 : i32
          %dma_start3A_883 = tpu.memref_slice %arg7[%dma_start3A_876, %dma_start3A_882] : memref<8x128xi32, #tpu.memory_space<vmem>> -> memref<1x128xi32, #tpu.memory_space<vmem>>
          %dma_start3A_884 = tpu.memref_squeeze %dma_start3A_883 : memref<1x128xi32, #tpu.memory_space<vmem>> -> memref<128xi32, #tpu.memory_space<vmem>>
          %dma_start3A_885 = arith.constant 0 : i32
          %dma_start3A_886 = arith.constant 0 : i32
          %dma_start3A_887 = tpu.memref_slice %arg2[%dma_start3A_885, %dma_start3A_886] : memref<10240x64xf32, #tpu.memory_space<hbm>> -> memref<10240x64xf32, #tpu.memory_space<hbm>>
          tpu.enqueue_indirect_dma source(%dma_start3A_887 : memref<10240x64xf32, #tpu.memory_space<hbm>>) target(%dma_start3A_881 : memref<128x64xf32, #tpu.memory_space<vmem>>) offsets(%dma_start3A_884 : memref<128xi32, #tpu.memory_space<vmem>>) semaphore(%arg20 : memref<!tpu.dma_semaphore, #tpu.memory_space<semaphore_mem>>)
        } else {
        }
        %mul3A_740 = arith.constant 8 : i32
        %mul3A_741 = arith.muli %scan3A_416, %mul3A_740 : i32
        %add3A_742 = arith.constant 6 : i32
        %add3A_743 = arith.addi %mul3A_741, %add3A_742 : i32
        %dma_wait3A_744 = arith.constant 0 : i32
        %dma_wait3A_745 = arith.constant 2 : i32
        %dma_wait3A_746 = arith.constant 0 : i32
        %dma_wait3A_747 = arith.constant 0 : i32
        %dma_wait3A_748 = tpu.memref_slice %arg9[%dma_wait3A_745, %dma_wait3A_746, %dma_wait3A_747] : memref<4x128x64xf32, #tpu.memory_space<vmem>> -> memref<1x128x64xf32, #tpu.memory_space<vmem>>
        %dma_wait3A_749 = tpu.memref_squeeze %dma_wait3A_748 : memref<1x128x64xf32, #tpu.memory_space<vmem>> -> memref<128x64xf32, #tpu.memory_space<vmem>>
        %dma_wait3A_750 = arith.constant 0 : i32
        %dma_wait3A_751 = tpu.memref_slice %arg7[%dma_wait3A_744, %dma_wait3A_750] : memref<8x128xi32, #tpu.memory_space<vmem>> -> memref<1x128xi32, #tpu.memory_space<vmem>>
        %dma_wait3A_752 = tpu.memref_squeeze %dma_wait3A_751 : memref<1x128xi32, #tpu.memory_space<vmem>> -> memref<128xi32, #tpu.memory_space<vmem>>
        %dma_wait3A_753 = arith.constant 0 : i32
        %dma_wait3A_754 = arith.constant 0 : i32
        %dma_wait3A_755 = tpu.memref_slice %arg2[%dma_wait3A_753, %dma_wait3A_754] : memref<10240x64xf32, #tpu.memory_space<hbm>> -> memref<10240x64xf32, #tpu.memory_space<hbm>>
        tpu.wait_indirect_dma semaphore(%arg21 : memref<!tpu.dma_semaphore, #tpu.memory_space<semaphore_mem>>) src(%dma_wait3A_755 : memref<10240x64xf32, #tpu.memory_space<hbm>>) dst(%dma_wait3A_749 : memref<128x64xf32, #tpu.memory_space<vmem>>)
        %dma_start3A_756 = arith.constant 2 : i32
        %dma_start3A_757 = arith.constant 6 : i32
        %dma_start3A_758 = arith.constant 0 : i32
        %dma_start3A_759 = arith.constant 0 : i32
        %dma_start3A_760 = tpu.memref_slice %arg9[%dma_start3A_756, %dma_start3A_758, %dma_start3A_759] : memref<4x128x64xf32, #tpu.memory_space<vmem>> -> memref<1x128x64xf32, #tpu.memory_space<vmem>>
        %dma_start3A_761 = tpu.memref_squeeze %dma_start3A_760 : memref<1x128x64xf32, #tpu.memory_space<vmem>> -> memref<128x64xf32, #tpu.memory_space<vmem>>
        %dma_start3A_762 = arith.constant 0 : i32
        %dma_start3A_763 = tpu.memref_slice %arg8[%dma_start3A_757, %dma_start3A_762] : memref<8x128xi32, #tpu.memory_space<vmem>> -> memref<1x128xi32, #tpu.memory_space<vmem>>
        %dma_start3A_764 = tpu.memref_squeeze %dma_start3A_763 : memref<1x128xi32, #tpu.memory_space<vmem>> -> memref<128xi32, #tpu.memory_space<vmem>>
        %dma_start3A_765 = arith.constant 0 : i32
        %dma_start3A_766 = arith.constant 0 : i32
        %dma_start3A_767 = tpu.memref_slice %arg10[%dma_start3A_765, %dma_start3A_766] : memref<10240x64xf32, #tpu.memory_space<vmem_shared>> -> memref<10240x64xf32, #tpu.memory_space<vmem_shared>>
        tpu.enqueue_indirect_dma source(%dma_start3A_761 : memref<128x64xf32, #tpu.memory_space<vmem>>) target(%dma_start3A_767 : memref<10240x64xf32, #tpu.memory_space<vmem_shared>>) offsets(%dma_start3A_764 : memref<128xi32, #tpu.memory_space<vmem>>) semaphore(%arg25 : memref<!tpu.dma_semaphore, #tpu.memory_space<semaphore_mem>>) {add = true}
        %dma_wait3A_768 = arith.constant 2 : i32
        %dma_wait3A_769 = arith.constant 0 : i32
        %dma_wait3A_770 = arith.constant 0 : i32
        %dma_wait3A_771 = arith.constant 0 : i32
        %dma_wait3A_772 = tpu.memref_slice %arg9[%dma_wait3A_768, %dma_wait3A_770, %dma_wait3A_771] : memref<4x128x64xf32, #tpu.memory_space<vmem>> -> memref<1x128x64xf32, #tpu.memory_space<vmem>>
        %dma_wait3A_773 = tpu.memref_squeeze %dma_wait3A_772 : memref<1x128x64xf32, #tpu.memory_space<vmem>> -> memref<128x64xf32, #tpu.memory_space<vmem>>
        %dma_wait3A_774 = arith.constant 0 : i32
        %dma_wait3A_775 = tpu.memref_slice %arg8[%dma_wait3A_769, %dma_wait3A_774] : memref<8x128xi32, #tpu.memory_space<vmem>> -> memref<1x128xi32, #tpu.memory_space<vmem>>
        %dma_wait3A_776 = tpu.memref_squeeze %dma_wait3A_775 : memref<1x128xi32, #tpu.memory_space<vmem>> -> memref<128xi32, #tpu.memory_space<vmem>>
        %dma_wait3A_777 = arith.constant 0 : i32
        %dma_wait3A_778 = arith.constant 0 : i32
        %dma_wait3A_779 = tpu.memref_slice %arg10[%dma_wait3A_777, %dma_wait3A_778] : memref<10240x64xf32, #tpu.memory_space<vmem_shared>> -> memref<10240x64xf32, #tpu.memory_space<vmem_shared>>
        tpu.wait_indirect_dma semaphore(%arg25 : memref<!tpu.dma_semaphore, #tpu.memory_space<semaphore_mem>>) src(%dma_wait3A_773 : memref<128x64xf32, #tpu.memory_space<vmem>>) dst(%dma_wait3A_779 : memref<10240x64xf32, #tpu.memory_space<vmem_shared>>)
        %add3A_780 = arith.constant 8 : i32
        %add3A_781 = arith.addi %add3A_743, %add3A_780 : i32
        %lt3A_782 = arith.constant 160 : i32
        %lt3A_783 = arith.cmpi slt, %add3A_781, %lt3A_782 : i32
        %convert_element_type3A_784 = arith.extui %lt3A_783 : i1 to i32
        %cond3A_785 = arith.constant 0 : i32
        %cond3A_786 = arith.cmpi ne, %convert_element_type3A_784, %cond3A_785 : i32
        scf.if %cond3A_786 {
          %add3A_848 = arith.constant 8 : i32
          %add3A_849 = arith.addi %add3A_743, %add3A_848 : i32
          %add3A_850 = arith.addi %mul3A_0, %add3A_849 : i32
          %dma_start3A_851 = arith.constant 6 : i32
          %dma_start3A_852 = arith.constant 0 : i32
          %dma_start3A_853 = tpu.memref_slice %arg7[%dma_start3A_851, %dma_start3A_852] : memref<8x128xi32, #tpu.memory_space<vmem>> -> memref<1x128xi32, #tpu.memory_space<vmem>>
          %dma_start3A_854 = tpu.memref_squeeze %dma_start3A_853 : memref<1x128xi32, #tpu.memory_space<vmem>> -> memref<128xi32, #tpu.memory_space<vmem>>
          %dma_start3A_855 = arith.constant 0 : i32
          %dma_start3A_856 = tpu.memref_slice %arg3[%add3A_850, %dma_start3A_855] : memref<2560x128xi32, #tpu.memory_space<hbm>> -> memref<1x128xi32, #tpu.memory_space<hbm>>
          %dma_start3A_857 = tpu.memref_squeeze %dma_start3A_856 : memref<1x128xi32, #tpu.memory_space<hbm>> -> memref<128xi32, #tpu.memory_space<hbm>>
          %dma_start3A_858 = arith.constant 0 : i32
          %dma_start3A_859 = tpu.memref_slice %arg7[%dma_start3A_851, %dma_start3A_858] : memref<8x128xi32, #tpu.memory_space<vmem>> -> memref<1x128xi32, #tpu.memory_space<vmem>>
          %dma_start3A_860 = tpu.memref_squeeze %dma_start3A_859 : memref<1x128xi32, #tpu.memory_space<vmem>> -> memref<128xi32, #tpu.memory_space<vmem>>
          %dma_start3A_861 = arith.constant 0 : i32
          %dma_start3A_862 = tpu.memref_slice %arg3[%add3A_850, %dma_start3A_861] : memref<2560x128xi32, #tpu.memory_space<hbm>> -> memref<1x128xi32, #tpu.memory_space<hbm>>
          %dma_start3A_863 = tpu.memref_squeeze %dma_start3A_862 : memref<1x128xi32, #tpu.memory_space<hbm>> -> memref<128xi32, #tpu.memory_space<hbm>>
          tpu.enqueue_dma source(%dma_start3A_863 : memref<128xi32, #tpu.memory_space<hbm>>) target(%dma_start3A_860 : memref<128xi32, #tpu.memory_space<vmem>>) target_semaphore(%arg17 : memref<!tpu.dma_semaphore, #tpu.memory_space<semaphore_mem>>)
          %add3A_864 = arith.addi %mul3A_0, %add3A_849 : i32
          %dma_start3A_865 = arith.constant 6 : i32
          %dma_start3A_866 = arith.constant 0 : i32
          %dma_start3A_867 = tpu.memref_slice %arg8[%dma_start3A_865, %dma_start3A_866] : memref<8x128xi32, #tpu.memory_space<vmem>> -> memref<1x128xi32, #tpu.memory_space<vmem>>
          %dma_start3A_868 = tpu.memref_squeeze %dma_start3A_867 : memref<1x128xi32, #tpu.memory_space<vmem>> -> memref<128xi32, #tpu.memory_space<vmem>>
          %dma_start3A_869 = arith.constant 0 : i32
          %dma_start3A_870 = tpu.memref_slice %arg4[%add3A_864, %dma_start3A_869] : memref<2560x128xi32, #tpu.memory_space<hbm>> -> memref<1x128xi32, #tpu.memory_space<hbm>>
          %dma_start3A_871 = tpu.memref_squeeze %dma_start3A_870 : memref<1x128xi32, #tpu.memory_space<hbm>> -> memref<128xi32, #tpu.memory_space<hbm>>
          %dma_start3A_872 = arith.constant 0 : i32
          %dma_start3A_873 = tpu.memref_slice %arg8[%dma_start3A_865, %dma_start3A_872] : memref<8x128xi32, #tpu.memory_space<vmem>> -> memref<1x128xi32, #tpu.memory_space<vmem>>
          %dma_start3A_874 = tpu.memref_squeeze %dma_start3A_873 : memref<1x128xi32, #tpu.memory_space<vmem>> -> memref<128xi32, #tpu.memory_space<vmem>>
          %dma_start3A_875 = arith.constant 0 : i32
          %dma_start3A_876 = tpu.memref_slice %arg4[%add3A_864, %dma_start3A_875] : memref<2560x128xi32, #tpu.memory_space<hbm>> -> memref<1x128xi32, #tpu.memory_space<hbm>>
          %dma_start3A_877 = tpu.memref_squeeze %dma_start3A_876 : memref<1x128xi32, #tpu.memory_space<hbm>> -> memref<128xi32, #tpu.memory_space<hbm>>
          tpu.enqueue_dma source(%dma_start3A_877 : memref<128xi32, #tpu.memory_space<hbm>>) target(%dma_start3A_874 : memref<128xi32, #tpu.memory_space<vmem>>) target_semaphore(%arg17 : memref<!tpu.dma_semaphore, #tpu.memory_space<semaphore_mem>>)
        } else {
        }
        %add3A_787 = arith.constant 4 : i32
        %add3A_788 = arith.addi %add3A_743, %add3A_787 : i32
        %lt3A_789 = arith.constant 160 : i32
        %lt3A_790 = arith.cmpi slt, %add3A_788, %lt3A_789 : i32
        %convert_element_type3A_791 = arith.extui %lt3A_790 : i1 to i32
        %cond3A_792 = arith.constant 0 : i32
        %cond3A_793 = arith.cmpi ne, %convert_element_type3A_791, %cond3A_792 : i32
        scf.if %cond3A_793 {
          %dma_wait3A_848 = arith.constant 0 : i32
          %dma_wait3A_849 = arith.constant 2 : i32
          %dma_wait3A_850 = arith.constant 0 : i32
          %dma_wait3A_851 = tpu.memref_slice %arg7[%dma_wait3A_849, %dma_wait3A_850] : memref<8x128xi32, #tpu.memory_space<vmem>> -> memref<1x128xi32, #tpu.memory_space<vmem>>
          %dma_wait3A_852 = tpu.memref_squeeze %dma_wait3A_851 : memref<1x128xi32, #tpu.memory_space<vmem>> -> memref<128xi32, #tpu.memory_space<vmem>>
          %dma_wait3A_853 = arith.constant 0 : i32
          %dma_wait3A_854 = tpu.memref_slice %arg3[%dma_wait3A_848, %dma_wait3A_853] : memref<2560x128xi32, #tpu.memory_space<hbm>> -> memref<1x128xi32, #tpu.memory_space<hbm>>
          %dma_wait3A_855 = tpu.memref_squeeze %dma_wait3A_854 : memref<1x128xi32, #tpu.memory_space<hbm>> -> memref<128xi32, #tpu.memory_space<hbm>>
          %dma_wait3A_856 = arith.constant 0 : i32
          %dma_wait3A_857 = tpu.memref_slice %arg7[%dma_wait3A_849, %dma_wait3A_856] : memref<8x128xi32, #tpu.memory_space<vmem>> -> memref<1x128xi32, #tpu.memory_space<vmem>>
          %dma_wait3A_858 = tpu.memref_squeeze %dma_wait3A_857 : memref<1x128xi32, #tpu.memory_space<vmem>> -> memref<128xi32, #tpu.memory_space<vmem>>
          %dma_wait3A_859 = arith.constant 0 : i32
          %dma_wait3A_860 = tpu.memref_slice %arg3[%dma_wait3A_848, %dma_wait3A_859] : memref<2560x128xi32, #tpu.memory_space<hbm>> -> memref<1x128xi32, #tpu.memory_space<hbm>>
          %dma_wait3A_861 = tpu.memref_squeeze %dma_wait3A_860 : memref<1x128xi32, #tpu.memory_space<hbm>> -> memref<128xi32, #tpu.memory_space<hbm>>
          tpu.wait_dma2 semaphore(%arg13 : memref<!tpu.dma_semaphore, #tpu.memory_space<semaphore_mem>>) src(%dma_wait3A_861 : memref<128xi32, #tpu.memory_space<hbm>>) dst(%dma_wait3A_858 : memref<128xi32, #tpu.memory_space<vmem>>)
          %dma_wait3A_862 = arith.constant 0 : i32
          %dma_wait3A_863 = arith.constant 2 : i32
          %dma_wait3A_864 = arith.constant 0 : i32
          %dma_wait3A_865 = tpu.memref_slice %arg8[%dma_wait3A_863, %dma_wait3A_864] : memref<8x128xi32, #tpu.memory_space<vmem>> -> memref<1x128xi32, #tpu.memory_space<vmem>>
          %dma_wait3A_866 = tpu.memref_squeeze %dma_wait3A_865 : memref<1x128xi32, #tpu.memory_space<vmem>> -> memref<128xi32, #tpu.memory_space<vmem>>
          %dma_wait3A_867 = arith.constant 0 : i32
          %dma_wait3A_868 = tpu.memref_slice %arg3[%dma_wait3A_862, %dma_wait3A_867] : memref<2560x128xi32, #tpu.memory_space<hbm>> -> memref<1x128xi32, #tpu.memory_space<hbm>>
          %dma_wait3A_869 = tpu.memref_squeeze %dma_wait3A_868 : memref<1x128xi32, #tpu.memory_space<hbm>> -> memref<128xi32, #tpu.memory_space<hbm>>
          %dma_wait3A_870 = arith.constant 0 : i32
          %dma_wait3A_871 = tpu.memref_slice %arg8[%dma_wait3A_863, %dma_wait3A_870] : memref<8x128xi32, #tpu.memory_space<vmem>> -> memref<1x128xi32, #tpu.memory_space<vmem>>
          %dma_wait3A_872 = tpu.memref_squeeze %dma_wait3A_871 : memref<1x128xi32, #tpu.memory_space<vmem>> -> memref<128xi32, #tpu.memory_space<vmem>>
          %dma_wait3A_873 = arith.constant 0 : i32
          %dma_wait3A_874 = tpu.memref_slice %arg3[%dma_wait3A_862, %dma_wait3A_873] : memref<2560x128xi32, #tpu.memory_space<hbm>> -> memref<1x128xi32, #tpu.memory_space<hbm>>
          %dma_wait3A_875 = tpu.memref_squeeze %dma_wait3A_874 : memref<1x128xi32, #tpu.memory_space<hbm>> -> memref<128xi32, #tpu.memory_space<hbm>>
          tpu.wait_dma2 semaphore(%arg13 : memref<!tpu.dma_semaphore, #tpu.memory_space<semaphore_mem>>) src(%dma_wait3A_875 : memref<128xi32, #tpu.memory_space<hbm>>) dst(%dma_wait3A_872 : memref<128xi32, #tpu.memory_space<vmem>>)
          %dma_start3A_876 = arith.constant 2 : i32
          %dma_start3A_877 = arith.constant 2 : i32
          %dma_start3A_878 = arith.constant 0 : i32
          %dma_start3A_879 = arith.constant 0 : i32
          %dma_start3A_880 = tpu.memref_slice %arg9[%dma_start3A_877, %dma_start3A_878, %dma_start3A_879] : memref<4x128x64xf32, #tpu.memory_space<vmem>> -> memref<1x128x64xf32, #tpu.memory_space<vmem>>
          %dma_start3A_881 = tpu.memref_squeeze %dma_start3A_880 : memref<1x128x64xf32, #tpu.memory_space<vmem>> -> memref<128x64xf32, #tpu.memory_space<vmem>>
          %dma_start3A_882 = arith.constant 0 : i32
          %dma_start3A_883 = tpu.memref_slice %arg7[%dma_start3A_876, %dma_start3A_882] : memref<8x128xi32, #tpu.memory_space<vmem>> -> memref<1x128xi32, #tpu.memory_space<vmem>>
          %dma_start3A_884 = tpu.memref_squeeze %dma_start3A_883 : memref<1x128xi32, #tpu.memory_space<vmem>> -> memref<128xi32, #tpu.memory_space<vmem>>
          %dma_start3A_885 = arith.constant 0 : i32
          %dma_start3A_886 = arith.constant 0 : i32
          %dma_start3A_887 = tpu.memref_slice %arg2[%dma_start3A_885, %dma_start3A_886] : memref<10240x64xf32, #tpu.memory_space<hbm>> -> memref<10240x64xf32, #tpu.memory_space<hbm>>
          tpu.enqueue_indirect_dma source(%dma_start3A_887 : memref<10240x64xf32, #tpu.memory_space<hbm>>) target(%dma_start3A_881 : memref<128x64xf32, #tpu.memory_space<vmem>>) offsets(%dma_start3A_884 : memref<128xi32, #tpu.memory_space<vmem>>) semaphore(%arg21 : memref<!tpu.dma_semaphore, #tpu.memory_space<semaphore_mem>>)
        } else {
        }
        %mul3A_794 = arith.constant 8 : i32
        %mul3A_795 = arith.muli %scan3A_416, %mul3A_794 : i32
        %add3A_796 = arith.constant 7 : i32
        %add3A_797 = arith.addi %mul3A_795, %add3A_796 : i32
        %dma_wait3A_798 = arith.constant 0 : i32
        %dma_wait3A_799 = arith.constant 3 : i32
        %dma_wait3A_800 = arith.constant 0 : i32
        %dma_wait3A_801 = arith.constant 0 : i32
        %dma_wait3A_802 = tpu.memref_slice %arg9[%dma_wait3A_799, %dma_wait3A_800, %dma_wait3A_801] : memref<4x128x64xf32, #tpu.memory_space<vmem>> -> memref<1x128x64xf32, #tpu.memory_space<vmem>>
        %dma_wait3A_803 = tpu.memref_squeeze %dma_wait3A_802 : memref<1x128x64xf32, #tpu.memory_space<vmem>> -> memref<128x64xf32, #tpu.memory_space<vmem>>
        %dma_wait3A_804 = arith.constant 0 : i32
        %dma_wait3A_805 = tpu.memref_slice %arg7[%dma_wait3A_798, %dma_wait3A_804] : memref<8x128xi32, #tpu.memory_space<vmem>> -> memref<1x128xi32, #tpu.memory_space<vmem>>
        %dma_wait3A_806 = tpu.memref_squeeze %dma_wait3A_805 : memref<1x128xi32, #tpu.memory_space<vmem>> -> memref<128xi32, #tpu.memory_space<vmem>>
        %dma_wait3A_807 = arith.constant 0 : i32
        %dma_wait3A_808 = arith.constant 0 : i32
        %dma_wait3A_809 = tpu.memref_slice %arg2[%dma_wait3A_807, %dma_wait3A_808] : memref<10240x64xf32, #tpu.memory_space<hbm>> -> memref<10240x64xf32, #tpu.memory_space<hbm>>
        tpu.wait_indirect_dma semaphore(%arg22 : memref<!tpu.dma_semaphore, #tpu.memory_space<semaphore_mem>>) src(%dma_wait3A_809 : memref<10240x64xf32, #tpu.memory_space<hbm>>) dst(%dma_wait3A_803 : memref<128x64xf32, #tpu.memory_space<vmem>>)
        %dma_start3A_810 = arith.constant 3 : i32
        %dma_start3A_811 = arith.constant 7 : i32
        %dma_start3A_812 = arith.constant 0 : i32
        %dma_start3A_813 = arith.constant 0 : i32
        %dma_start3A_814 = tpu.memref_slice %arg9[%dma_start3A_810, %dma_start3A_812, %dma_start3A_813] : memref<4x128x64xf32, #tpu.memory_space<vmem>> -> memref<1x128x64xf32, #tpu.memory_space<vmem>>
        %dma_start3A_815 = tpu.memref_squeeze %dma_start3A_814 : memref<1x128x64xf32, #tpu.memory_space<vmem>> -> memref<128x64xf32, #tpu.memory_space<vmem>>
        %dma_start3A_816 = arith.constant 0 : i32
        %dma_start3A_817 = tpu.memref_slice %arg8[%dma_start3A_811, %dma_start3A_816] : memref<8x128xi32, #tpu.memory_space<vmem>> -> memref<1x128xi32, #tpu.memory_space<vmem>>
        %dma_start3A_818 = tpu.memref_squeeze %dma_start3A_817 : memref<1x128xi32, #tpu.memory_space<vmem>> -> memref<128xi32, #tpu.memory_space<vmem>>
        %dma_start3A_819 = arith.constant 0 : i32
        %dma_start3A_820 = arith.constant 0 : i32
        %dma_start3A_821 = tpu.memref_slice %arg10[%dma_start3A_819, %dma_start3A_820] : memref<10240x64xf32, #tpu.memory_space<vmem_shared>> -> memref<10240x64xf32, #tpu.memory_space<vmem_shared>>
        tpu.enqueue_indirect_dma source(%dma_start3A_815 : memref<128x64xf32, #tpu.memory_space<vmem>>) target(%dma_start3A_821 : memref<10240x64xf32, #tpu.memory_space<vmem_shared>>) offsets(%dma_start3A_818 : memref<128xi32, #tpu.memory_space<vmem>>) semaphore(%arg26 : memref<!tpu.dma_semaphore, #tpu.memory_space<semaphore_mem>>) {add = true}
        %dma_wait3A_822 = arith.constant 3 : i32
        %dma_wait3A_823 = arith.constant 0 : i32
        %dma_wait3A_824 = arith.constant 0 : i32
        %dma_wait3A_825 = arith.constant 0 : i32
        %dma_wait3A_826 = tpu.memref_slice %arg9[%dma_wait3A_822, %dma_wait3A_824, %dma_wait3A_825] : memref<4x128x64xf32, #tpu.memory_space<vmem>> -> memref<1x128x64xf32, #tpu.memory_space<vmem>>
        %dma_wait3A_827 = tpu.memref_squeeze %dma_wait3A_826 : memref<1x128x64xf32, #tpu.memory_space<vmem>> -> memref<128x64xf32, #tpu.memory_space<vmem>>
        %dma_wait3A_828 = arith.constant 0 : i32
        %dma_wait3A_829 = tpu.memref_slice %arg8[%dma_wait3A_823, %dma_wait3A_828] : memref<8x128xi32, #tpu.memory_space<vmem>> -> memref<1x128xi32, #tpu.memory_space<vmem>>
        %dma_wait3A_830 = tpu.memref_squeeze %dma_wait3A_829 : memref<1x128xi32, #tpu.memory_space<vmem>> -> memref<128xi32, #tpu.memory_space<vmem>>
        %dma_wait3A_831 = arith.constant 0 : i32
        %dma_wait3A_832 = arith.constant 0 : i32
        %dma_wait3A_833 = tpu.memref_slice %arg10[%dma_wait3A_831, %dma_wait3A_832] : memref<10240x64xf32, #tpu.memory_space<vmem_shared>> -> memref<10240x64xf32, #tpu.memory_space<vmem_shared>>
        tpu.wait_indirect_dma semaphore(%arg26 : memref<!tpu.dma_semaphore, #tpu.memory_space<semaphore_mem>>) src(%dma_wait3A_827 : memref<128x64xf32, #tpu.memory_space<vmem>>) dst(%dma_wait3A_833 : memref<10240x64xf32, #tpu.memory_space<vmem_shared>>)
        %add3A_834 = arith.constant 8 : i32
        %add3A_835 = arith.addi %add3A_797, %add3A_834 : i32
        %lt3A_836 = arith.constant 160 : i32
        %lt3A_837 = arith.cmpi slt, %add3A_835, %lt3A_836 : i32
        %convert_element_type3A_838 = arith.extui %lt3A_837 : i1 to i32
        %cond3A_839 = arith.constant 0 : i32
        %cond3A_840 = arith.cmpi ne, %convert_element_type3A_838, %cond3A_839 : i32
        scf.if %cond3A_840 {
          %add3A_848 = arith.constant 8 : i32
          %add3A_849 = arith.addi %add3A_797, %add3A_848 : i32
          %add3A_850 = arith.addi %mul3A_0, %add3A_849 : i32
          %dma_start3A_851 = arith.constant 7 : i32
          %dma_start3A_852 = arith.constant 0 : i32
          %dma_start3A_853 = tpu.memref_slice %arg7[%dma_start3A_851, %dma_start3A_852] : memref<8x128xi32, #tpu.memory_space<vmem>> -> memref<1x128xi32, #tpu.memory_space<vmem>>
          %dma_start3A_854 = tpu.memref_squeeze %dma_start3A_853 : memref<1x128xi32, #tpu.memory_space<vmem>> -> memref<128xi32, #tpu.memory_space<vmem>>
          %dma_start3A_855 = arith.constant 0 : i32
          %dma_start3A_856 = tpu.memref_slice %arg3[%add3A_850, %dma_start3A_855] : memref<2560x128xi32, #tpu.memory_space<hbm>> -> memref<1x128xi32, #tpu.memory_space<hbm>>
          %dma_start3A_857 = tpu.memref_squeeze %dma_start3A_856 : memref<1x128xi32, #tpu.memory_space<hbm>> -> memref<128xi32, #tpu.memory_space<hbm>>
          %dma_start3A_858 = arith.constant 0 : i32
          %dma_start3A_859 = tpu.memref_slice %arg7[%dma_start3A_851, %dma_start3A_858] : memref<8x128xi32, #tpu.memory_space<vmem>> -> memref<1x128xi32, #tpu.memory_space<vmem>>
          %dma_start3A_860 = tpu.memref_squeeze %dma_start3A_859 : memref<1x128xi32, #tpu.memory_space<vmem>> -> memref<128xi32, #tpu.memory_space<vmem>>
          %dma_start3A_861 = arith.constant 0 : i32
          %dma_start3A_862 = tpu.memref_slice %arg3[%add3A_850, %dma_start3A_861] : memref<2560x128xi32, #tpu.memory_space<hbm>> -> memref<1x128xi32, #tpu.memory_space<hbm>>
          %dma_start3A_863 = tpu.memref_squeeze %dma_start3A_862 : memref<1x128xi32, #tpu.memory_space<hbm>> -> memref<128xi32, #tpu.memory_space<hbm>>
          tpu.enqueue_dma source(%dma_start3A_863 : memref<128xi32, #tpu.memory_space<hbm>>) target(%dma_start3A_860 : memref<128xi32, #tpu.memory_space<vmem>>) target_semaphore(%arg18 : memref<!tpu.dma_semaphore, #tpu.memory_space<semaphore_mem>>)
          %add3A_864 = arith.addi %mul3A_0, %add3A_849 : i32
          %dma_start3A_865 = arith.constant 7 : i32
          %dma_start3A_866 = arith.constant 0 : i32
          %dma_start3A_867 = tpu.memref_slice %arg8[%dma_start3A_865, %dma_start3A_866] : memref<8x128xi32, #tpu.memory_space<vmem>> -> memref<1x128xi32, #tpu.memory_space<vmem>>
          %dma_start3A_868 = tpu.memref_squeeze %dma_start3A_867 : memref<1x128xi32, #tpu.memory_space<vmem>> -> memref<128xi32, #tpu.memory_space<vmem>>
          %dma_start3A_869 = arith.constant 0 : i32
          %dma_start3A_870 = tpu.memref_slice %arg4[%add3A_864, %dma_start3A_869] : memref<2560x128xi32, #tpu.memory_space<hbm>> -> memref<1x128xi32, #tpu.memory_space<hbm>>
          %dma_start3A_871 = tpu.memref_squeeze %dma_start3A_870 : memref<1x128xi32, #tpu.memory_space<hbm>> -> memref<128xi32, #tpu.memory_space<hbm>>
          %dma_start3A_872 = arith.constant 0 : i32
          %dma_start3A_873 = tpu.memref_slice %arg8[%dma_start3A_865, %dma_start3A_872] : memref<8x128xi32, #tpu.memory_space<vmem>> -> memref<1x128xi32, #tpu.memory_space<vmem>>
          %dma_start3A_874 = tpu.memref_squeeze %dma_start3A_873 : memref<1x128xi32, #tpu.memory_space<vmem>> -> memref<128xi32, #tpu.memory_space<vmem>>
          %dma_start3A_875 = arith.constant 0 : i32
          %dma_start3A_876 = tpu.memref_slice %arg4[%add3A_864, %dma_start3A_875] : memref<2560x128xi32, #tpu.memory_space<hbm>> -> memref<1x128xi32, #tpu.memory_space<hbm>>
          %dma_start3A_877 = tpu.memref_squeeze %dma_start3A_876 : memref<1x128xi32, #tpu.memory_space<hbm>> -> memref<128xi32, #tpu.memory_space<hbm>>
          tpu.enqueue_dma source(%dma_start3A_877 : memref<128xi32, #tpu.memory_space<hbm>>) target(%dma_start3A_874 : memref<128xi32, #tpu.memory_space<vmem>>) target_semaphore(%arg18 : memref<!tpu.dma_semaphore, #tpu.memory_space<semaphore_mem>>)
        } else {
        }
        %add3A_841 = arith.constant 4 : i32
        %add3A_842 = arith.addi %add3A_797, %add3A_841 : i32
        %lt3A_843 = arith.constant 160 : i32
        %lt3A_844 = arith.cmpi slt, %add3A_842, %lt3A_843 : i32
        %convert_element_type3A_845 = arith.extui %lt3A_844 : i1 to i32
        %cond3A_846 = arith.constant 0 : i32
        %cond3A_847 = arith.cmpi ne, %convert_element_type3A_845, %cond3A_846 : i32
        scf.if %cond3A_847 {
          %dma_wait3A_848 = arith.constant 0 : i32
          %dma_wait3A_849 = arith.constant 3 : i32
          %dma_wait3A_850 = arith.constant 0 : i32
          %dma_wait3A_851 = tpu.memref_slice %arg7[%dma_wait3A_849, %dma_wait3A_850] : memref<8x128xi32, #tpu.memory_space<vmem>> -> memref<1x128xi32, #tpu.memory_space<vmem>>
          %dma_wait3A_852 = tpu.memref_squeeze %dma_wait3A_851 : memref<1x128xi32, #tpu.memory_space<vmem>> -> memref<128xi32, #tpu.memory_space<vmem>>
          %dma_wait3A_853 = arith.constant 0 : i32
          %dma_wait3A_854 = tpu.memref_slice %arg3[%dma_wait3A_848, %dma_wait3A_853] : memref<2560x128xi32, #tpu.memory_space<hbm>> -> memref<1x128xi32, #tpu.memory_space<hbm>>
          %dma_wait3A_855 = tpu.memref_squeeze %dma_wait3A_854 : memref<1x128xi32, #tpu.memory_space<hbm>> -> memref<128xi32, #tpu.memory_space<hbm>>
          %dma_wait3A_856 = arith.constant 0 : i32
          %dma_wait3A_857 = tpu.memref_slice %arg7[%dma_wait3A_849, %dma_wait3A_856] : memref<8x128xi32, #tpu.memory_space<vmem>> -> memref<1x128xi32, #tpu.memory_space<vmem>>
          %dma_wait3A_858 = tpu.memref_squeeze %dma_wait3A_857 : memref<1x128xi32, #tpu.memory_space<vmem>> -> memref<128xi32, #tpu.memory_space<vmem>>
          %dma_wait3A_859 = arith.constant 0 : i32
          %dma_wait3A_860 = tpu.memref_slice %arg3[%dma_wait3A_848, %dma_wait3A_859] : memref<2560x128xi32, #tpu.memory_space<hbm>> -> memref<1x128xi32, #tpu.memory_space<hbm>>
          %dma_wait3A_861 = tpu.memref_squeeze %dma_wait3A_860 : memref<1x128xi32, #tpu.memory_space<hbm>> -> memref<128xi32, #tpu.memory_space<hbm>>
          tpu.wait_dma2 semaphore(%arg14 : memref<!tpu.dma_semaphore, #tpu.memory_space<semaphore_mem>>) src(%dma_wait3A_861 : memref<128xi32, #tpu.memory_space<hbm>>) dst(%dma_wait3A_858 : memref<128xi32, #tpu.memory_space<vmem>>)
          %dma_wait3A_862 = arith.constant 0 : i32
          %dma_wait3A_863 = arith.constant 3 : i32
          %dma_wait3A_864 = arith.constant 0 : i32
          %dma_wait3A_865 = tpu.memref_slice %arg8[%dma_wait3A_863, %dma_wait3A_864] : memref<8x128xi32, #tpu.memory_space<vmem>> -> memref<1x128xi32, #tpu.memory_space<vmem>>
          %dma_wait3A_866 = tpu.memref_squeeze %dma_wait3A_865 : memref<1x128xi32, #tpu.memory_space<vmem>> -> memref<128xi32, #tpu.memory_space<vmem>>
          %dma_wait3A_867 = arith.constant 0 : i32
          %dma_wait3A_868 = tpu.memref_slice %arg3[%dma_wait3A_862, %dma_wait3A_867] : memref<2560x128xi32, #tpu.memory_space<hbm>> -> memref<1x128xi32, #tpu.memory_space<hbm>>
          %dma_wait3A_869 = tpu.memref_squeeze %dma_wait3A_868 : memref<1x128xi32, #tpu.memory_space<hbm>> -> memref<128xi32, #tpu.memory_space<hbm>>
          %dma_wait3A_870 = arith.constant 0 : i32
          %dma_wait3A_871 = tpu.memref_slice %arg8[%dma_wait3A_863, %dma_wait3A_870] : memref<8x128xi32, #tpu.memory_space<vmem>> -> memref<1x128xi32, #tpu.memory_space<vmem>>
          %dma_wait3A_872 = tpu.memref_squeeze %dma_wait3A_871 : memref<1x128xi32, #tpu.memory_space<vmem>> -> memref<128xi32, #tpu.memory_space<vmem>>
          %dma_wait3A_873 = arith.constant 0 : i32
          %dma_wait3A_874 = tpu.memref_slice %arg3[%dma_wait3A_862, %dma_wait3A_873] : memref<2560x128xi32, #tpu.memory_space<hbm>> -> memref<1x128xi32, #tpu.memory_space<hbm>>
          %dma_wait3A_875 = tpu.memref_squeeze %dma_wait3A_874 : memref<1x128xi32, #tpu.memory_space<hbm>> -> memref<128xi32, #tpu.memory_space<hbm>>
          tpu.wait_dma2 semaphore(%arg14 : memref<!tpu.dma_semaphore, #tpu.memory_space<semaphore_mem>>) src(%dma_wait3A_875 : memref<128xi32, #tpu.memory_space<hbm>>) dst(%dma_wait3A_872 : memref<128xi32, #tpu.memory_space<vmem>>)
          %dma_start3A_876 = arith.constant 3 : i32
          %dma_start3A_877 = arith.constant 3 : i32
          %dma_start3A_878 = arith.constant 0 : i32
          %dma_start3A_879 = arith.constant 0 : i32
          %dma_start3A_880 = tpu.memref_slice %arg9[%dma_start3A_877, %dma_start3A_878, %dma_start3A_879] : memref<4x128x64xf32, #tpu.memory_space<vmem>> -> memref<1x128x64xf32, #tpu.memory_space<vmem>>
          %dma_start3A_881 = tpu.memref_squeeze %dma_start3A_880 : memref<1x128x64xf32, #tpu.memory_space<vmem>> -> memref<128x64xf32, #tpu.memory_space<vmem>>
          %dma_start3A_882 = arith.constant 0 : i32
          %dma_start3A_883 = tpu.memref_slice %arg7[%dma_start3A_876, %dma_start3A_882] : memref<8x128xi32, #tpu.memory_space<vmem>> -> memref<1x128xi32, #tpu.memory_space<vmem>>
          %dma_start3A_884 = tpu.memref_squeeze %dma_start3A_883 : memref<1x128xi32, #tpu.memory_space<vmem>> -> memref<128xi32, #tpu.memory_space<vmem>>
          %dma_start3A_885 = arith.constant 0 : i32
          %dma_start3A_886 = arith.constant 0 : i32
          %dma_start3A_887 = tpu.memref_slice %arg2[%dma_start3A_885, %dma_start3A_886] : memref<10240x64xf32, #tpu.memory_space<hbm>> -> memref<10240x64xf32, #tpu.memory_space<hbm>>
          tpu.enqueue_indirect_dma source(%dma_start3A_887 : memref<10240x64xf32, #tpu.memory_space<hbm>>) target(%dma_start3A_881 : memref<128x64xf32, #tpu.memory_space<vmem>>) offsets(%dma_start3A_884 : memref<128xi32, #tpu.memory_space<vmem>>) semaphore(%arg22 : memref<!tpu.dma_semaphore, #tpu.memory_space<semaphore_mem>>)
        } else {
        }
      }
      %scan3A_415 = arith.constant 20 : i32
    } else {
    }
    %barrier3A_8 = arith.constant 0 : index
    tpu.barrier barrier_id(%barrier3A_8)
    %eq3A_9 = arith.constant 0 : i32
    %eq3A_10 = arith.cmpi eq, %arg0, %eq3A_9 : i32
    %convert_element_type3A_11 = arith.extui %eq3A_10 : i1 to i32
    %cond3A_12 = arith.constant 0 : i32
    %cond3A_13 = arith.cmpi ne, %convert_element_type3A_11, %cond3A_12 : i32
    scf.if %cond3A_13 {
      %mul3A_14 = arith.constant 640 : i32
      %mul3A_15 = arith.muli %arg1, %mul3A_14 : i32
      %mul3A_16 = arith.constant 640 : i32
      %mul3A_17 = arith.muli %arg1, %mul3A_16 : i32
      "tpu.region"() ({
        %run_scoped3A = tpu.sem_alloc : memref<!tpu.dma_semaphore, #tpu.memory_space<semaphore_mem>>
        %dma_start3A = arith.constant 0 : i32
        %dma_start3A_18 = tpu.memref_slice %arg6[%mul3A_17, %dma_start3A] : memref<10240x64xf32, #tpu.memory_space<hbm>> -> memref<640x64xf32, #tpu.memory_space<hbm>>
        %dma_start3A_19 = arith.constant 0 : i32
        %dma_start3A_20 = tpu.memref_slice %arg10[%mul3A_15, %dma_start3A_19] : memref<10240x64xf32, #tpu.memory_space<vmem_shared>> -> memref<640x64xf32, #tpu.memory_space<vmem_shared>>
        tpu.enqueue_dma source(%dma_start3A_20 : memref<640x64xf32, #tpu.memory_space<vmem_shared>>) target(%dma_start3A_18 : memref<640x64xf32, #tpu.memory_space<hbm>>) target_semaphore(%run_scoped3A : memref<!tpu.dma_semaphore, #tpu.memory_space<semaphore_mem>>)
        %dma_wait3A = arith.constant 0 : i32
        %dma_wait3A_21 = tpu.memref_slice %arg6[%mul3A_17, %dma_wait3A] : memref<10240x64xf32, #tpu.memory_space<hbm>> -> memref<640x64xf32, #tpu.memory_space<hbm>>
        %dma_wait3A_22 = arith.constant 0 : i32
        %dma_wait3A_23 = tpu.memref_slice %arg10[%mul3A_15, %dma_wait3A_22] : memref<10240x64xf32, #tpu.memory_space<vmem_shared>> -> memref<640x64xf32, #tpu.memory_space<vmem_shared>>
        tpu.wait_dma2 semaphore(%run_scoped3A : memref<!tpu.dma_semaphore, #tpu.memory_space<semaphore_mem>>) src(%dma_wait3A_23 : memref<640x64xf32, #tpu.memory_space<vmem_shared>>) dst(%dma_wait3A_21 : memref<640x64xf32, #tpu.memory_space<hbm>>)
        tpu.yield
      }) : () -> ()
    } else {
    }
    return
  }
}

#map = affine_map<(d0, d1) -> (0, 0)>
#map1 = affine_map<(d0, d1) -> (0)>
module attributes {stable_mosaic.version = 14 : i64} {
  func.func @deg_kernel(%arg0: i32, %arg1: i32, %arg2: memref<2560x128xi32, #tpu.memory_space<hbm>>, %arg3: memref<640xf32, #tpu.memory_space<hbm>>, %arg4: memref<128xf32, #tpu.memory_space<hbm>>, %arg5: memref<2x10240xf32, #tpu.memory_space<hbm>>, %arg6: memref<104x128xi32, #tpu.memory_space<vmem>>, %arg7: memref<128xf32, #tpu.memory_space<vmem>>, %arg8: memref<10240xf32, #tpu.memory_space<vmem_shared>>, %arg9: memref<!tpu.dma_semaphore, #tpu.memory_space<semaphore_mem>>) attributes {dimension_semantics = [#tpu.dimension_semantics<core_parallel>, #tpu.dimension_semantics<subcore_parallel>], iteration_bounds = array<i64: 2, 16>, scalar_prefetch = 0 : i64, scratch_operands = 4 : i64, tpu.core_type = #tpu.core_type<sc_vector_subcore>, window_params = [{transform_indices = #map}, {transform_indices = #map1}, {transform_indices = #map1}, {transform_indices = #map}]} {
    %eq3A = arith.constant 0 : i32
    %eq3A_0 = arith.cmpi eq, %arg0, %eq3A : i32
    %jit3A = arith.constant 104 : i32
    %jit3A_1 = arith.constant 56 : i32
    %select_n3A = arith.select %eq3A_0, %jit3A, %jit3A_1 : i32
    %eq3A_2 = arith.constant 0 : i32
    %eq3A_3 = arith.cmpi eq, %arg0, %eq3A_2 : i32
    %mul3A = arith.constant 104 : i32
    %mul3A_4 = arith.muli %arg1, %mul3A : i32
    %mul3A_5 = arith.constant 56 : i32
    %mul3A_6 = arith.muli %arg1, %mul3A_5 : i32
    %add3A = arith.constant 1664 : i32
    %add3A_7 = arith.addi %add3A, %mul3A_6 : i32
    %select_n3A_8 = arith.select %eq3A_3, %mul3A_4, %add3A_7 : i32
    %min3A = arith.constant 2456 : i32
    %min3A_9 = arith.minsi %select_n3A_8, %min3A : i32
    %sub3A = arith.subi %select_n3A_8, %min3A_9 : i32
    "tpu.region"() ({
      %run_scoped3A = tpu.sem_alloc : memref<!tpu.dma_semaphore, #tpu.memory_space<semaphore_mem>>
      tpu.enqueue_dma source(%arg4 : memref<128xf32, #tpu.memory_space<hbm>>) target(%arg7 : memref<128xf32, #tpu.memory_space<vmem>>) target_semaphore(%run_scoped3A : memref<!tpu.dma_semaphore, #tpu.memory_space<semaphore_mem>>)
      tpu.wait_dma2 semaphore(%run_scoped3A : memref<!tpu.dma_semaphore, #tpu.memory_space<semaphore_mem>>) src(%arg4 : memref<128xf32, #tpu.memory_space<hbm>>) dst(%arg7 : memref<128xf32, #tpu.memory_space<vmem>>)
      tpu.yield
    }) : () -> ()
    "tpu.region"() ({
      %run_scoped3A = tpu.sem_alloc : memref<!tpu.dma_semaphore, #tpu.memory_space<semaphore_mem>>
      %dma_start3A = arith.constant 0 : i32
      %dma_start3A_45 = tpu.memref_slice %arg2[%min3A_9, %dma_start3A] : memref<2560x128xi32, #tpu.memory_space<hbm>> -> memref<104x128xi32, #tpu.memory_space<hbm>>
      %dma_start3A_46 = arith.constant 0 : i32
      %dma_start3A_47 = tpu.memref_slice %arg2[%min3A_9, %dma_start3A_46] : memref<2560x128xi32, #tpu.memory_space<hbm>> -> memref<104x128xi32, #tpu.memory_space<hbm>>
      tpu.enqueue_dma source(%dma_start3A_47 : memref<104x128xi32, #tpu.memory_space<hbm>>) target(%arg6 : memref<104x128xi32, #tpu.memory_space<vmem>>) target_semaphore(%run_scoped3A : memref<!tpu.dma_semaphore, #tpu.memory_space<semaphore_mem>>)
      %dma_wait3A = arith.constant 0 : i32
      %dma_wait3A_48 = tpu.memref_slice %arg2[%min3A_9, %dma_wait3A] : memref<2560x128xi32, #tpu.memory_space<hbm>> -> memref<104x128xi32, #tpu.memory_space<hbm>>
      %dma_wait3A_49 = arith.constant 0 : i32
      %dma_wait3A_50 = tpu.memref_slice %arg2[%min3A_9, %dma_wait3A_49] : memref<2560x128xi32, #tpu.memory_space<hbm>> -> memref<104x128xi32, #tpu.memory_space<hbm>>
      tpu.wait_dma2 semaphore(%run_scoped3A : memref<!tpu.dma_semaphore, #tpu.memory_space<semaphore_mem>>) src(%dma_wait3A_50 : memref<104x128xi32, #tpu.memory_space<hbm>>) dst(%arg6 : memref<104x128xi32, #tpu.memory_space<vmem>>)
      tpu.yield
    }) : () -> ()
    %mul3A_10 = arith.constant 640 : i32
    %mul3A_11 = arith.muli %arg1, %mul3A_10 : i32
    "tpu.region"() ({
      %run_scoped3A = tpu.sem_alloc : memref<!tpu.dma_semaphore, #tpu.memory_space<semaphore_mem>>
      %dma_start3A = tpu.memref_slice %arg8[%mul3A_11] : memref<10240xf32, #tpu.memory_space<vmem_shared>> -> memref<640xf32, #tpu.memory_space<vmem_shared>>
      tpu.enqueue_dma source(%arg3 : memref<640xf32, #tpu.memory_space<hbm>>) target(%dma_start3A : memref<640xf32, #tpu.memory_space<vmem_shared>>) target_semaphore(%run_scoped3A : memref<!tpu.dma_semaphore, #tpu.memory_space<semaphore_mem>>)
      %dma_wait3A = tpu.memref_slice %arg8[%mul3A_11] : memref<10240xf32, #tpu.memory_space<vmem_shared>> -> memref<640xf32, #tpu.memory_space<vmem_shared>>
      tpu.wait_dma2 semaphore(%run_scoped3A : memref<!tpu.dma_semaphore, #tpu.memory_space<semaphore_mem>>) src(%arg3 : memref<640xf32, #tpu.memory_space<hbm>>) dst(%dma_wait3A : memref<640xf32, #tpu.memory_space<vmem_shared>>)
      tpu.yield
    }) : () -> ()
    %barrier3A = arith.constant 0 : index
    tpu.barrier barrier_id(%barrier3A)
    %jit3A_12 = arith.constant 8 : i32
    %div3A = arith.divsi %select_n3A, %jit3A_12 : i32
    %sign3A = arith.constant 0 : i32
    %sign3A_13 = arith.cmpi sgt, %select_n3A, %sign3A : i32
    %sign3A_14 = arith.extui %sign3A_13 : i1 to i32
    %sign3A_15 = arith.constant 0 : i32
    %sign3A_16 = arith.cmpi slt, %select_n3A, %sign3A_15 : i32
    %sign3A_17 = arith.extui %sign3A_16 : i1 to i32
    %sign3A_18 = arith.subi %sign3A_14, %sign3A_17 : i32
    %sign3A_19 = arith.constant 0 : i32
    %sign3A_20 = arith.cmpi sgt, %jit3A_12, %sign3A_19 : i32
    %sign3A_21 = arith.extui %sign3A_20 : i1 to i32
    %sign3A_22 = arith.constant 0 : i32
    %sign3A_23 = arith.cmpi slt, %jit3A_12, %sign3A_22 : i32
    %sign3A_24 = arith.extui %sign3A_23 : i1 to i32
    %sign3A_25 = arith.subi %sign3A_21, %sign3A_24 : i32
    %ne3A = arith.cmpi ne, %sign3A_18, %sign3A_25 : i32
    %rem3A = arith.remsi %select_n3A, %jit3A_12 : i32
    %ne3A_26 = arith.constant 0 : i32
    %ne3A_27 = arith.cmpi ne, %rem3A, %ne3A_26 : i32
    %and3A = arith.andi %ne3A, %ne3A_27 : i1
    %sub3A_28 = arith.constant 1 : i32
    %sub3A_29 = arith.subi %div3A, %sub3A_28 : i32
    %select_n3A_30 = arith.select %and3A, %sub3A_29, %div3A : i32
    %while3A = arith.constant 0 : i32
    %while3A_31 = arith.constant 0 : i32
    %while3A_32 = arith.subi %select_n3A_30, %while3A_31 : i32
    %while3A_33 = arith.addi %while3A_31, %while3A_32 : i32
    %while3A_34 = arith.constant 1 : i32
    %while3A_35 = arith.divsi %while3A_32, %while3A_34 : i32
    %while3A_36 = arith.muli %while3A_35, %while3A_34 : i32
    %while3A_37 = arith.addi %while3A_31, %while3A_36 : i32
    %while3A_38 = arith.constant 1 : i32
    scf.for %while3A_45 = %while3A_31 to %while3A_37 step %while3A_38  : i32 {
      %mul3A_46 = arith.constant 8 : i32
      %mul3A_47 = arith.muli %while3A_45, %mul3A_46 : i32
      %add3A_48 = arith.addi %sub3A, %mul3A_47 : i32
      %add3A_49 = arith.constant 0 : i32
      %add3A_50 = arith.addi %add3A_48, %add3A_49 : i32
      %dma_start3A = arith.constant 0 : i32
      %dma_start3A_51 = tpu.memref_slice %arg6[%add3A_50, %dma_start3A] : memref<104x128xi32, #tpu.memory_space<vmem>> -> memref<1x128xi32, #tpu.memory_space<vmem>>
      %dma_start3A_52 = tpu.memref_squeeze %dma_start3A_51 : memref<1x128xi32, #tpu.memory_space<vmem>> -> memref<128xi32, #tpu.memory_space<vmem>>
      %dma_start3A_53 = arith.constant 0 : i32
      %dma_start3A_54 = tpu.memref_slice %arg8[%dma_start3A_53] : memref<10240xf32, #tpu.memory_space<vmem_shared>> -> memref<10240xf32, #tpu.memory_space<vmem_shared>>
      tpu.enqueue_indirect_dma source(%arg7 : memref<128xf32, #tpu.memory_space<vmem>>) target(%dma_start3A_54 : memref<10240xf32, #tpu.memory_space<vmem_shared>>) offsets(%dma_start3A_52 : memref<128xi32, #tpu.memory_space<vmem>>) semaphore(%arg9 : memref<!tpu.dma_semaphore, #tpu.memory_space<semaphore_mem>>) {add = true}
      %mul3A_55 = arith.constant 8 : i32
      %mul3A_56 = arith.muli %while3A_45, %mul3A_55 : i32
      %add3A_57 = arith.addi %sub3A, %mul3A_56 : i32
      %add3A_58 = arith.constant 1 : i32
      %add3A_59 = arith.addi %add3A_57, %add3A_58 : i32
      %dma_start3A_60 = arith.constant 0 : i32
      %dma_start3A_61 = tpu.memref_slice %arg6[%add3A_59, %dma_start3A_60] : memref<104x128xi32, #tpu.memory_space<vmem>> -> memref<1x128xi32, #tpu.memory_space<vmem>>
      %dma_start3A_62 = tpu.memref_squeeze %dma_start3A_61 : memref<1x128xi32, #tpu.memory_space<vmem>> -> memref<128xi32, #tpu.memory_space<vmem>>
      %dma_start3A_63 = arith.constant 0 : i32
      %dma_start3A_64 = tpu.memref_slice %arg8[%dma_start3A_63] : memref<10240xf32, #tpu.memory_space<vmem_shared>> -> memref<10240xf32, #tpu.memory_space<vmem_shared>>
      tpu.enqueue_indirect_dma source(%arg7 : memref<128xf32, #tpu.memory_space<vmem>>) target(%dma_start3A_64 : memref<10240xf32, #tpu.memory_space<vmem_shared>>) offsets(%dma_start3A_62 : memref<128xi32, #tpu.memory_space<vmem>>) semaphore(%arg9 : memref<!tpu.dma_semaphore, #tpu.memory_space<semaphore_mem>>) {add = true}
      %mul3A_65 = arith.constant 8 : i32
      %mul3A_66 = arith.muli %while3A_45, %mul3A_65 : i32
      %add3A_67 = arith.addi %sub3A, %mul3A_66 : i32
      %add3A_68 = arith.constant 2 : i32
      %add3A_69 = arith.addi %add3A_67, %add3A_68 : i32
      %dma_start3A_70 = arith.constant 0 : i32
      %dma_start3A_71 = tpu.memref_slice %arg6[%add3A_69, %dma_start3A_70] : memref<104x128xi32, #tpu.memory_space<vmem>> -> memref<1x128xi32, #tpu.memory_space<vmem>>
      %dma_start3A_72 = tpu.memref_squeeze %dma_start3A_71 : memref<1x128xi32, #tpu.memory_space<vmem>> -> memref<128xi32, #tpu.memory_space<vmem>>
      %dma_start3A_73 = arith.constant 0 : i32
      %dma_start3A_74 = tpu.memref_slice %arg8[%dma_start3A_73] : memref<10240xf32, #tpu.memory_space<vmem_shared>> -> memref<10240xf32, #tpu.memory_space<vmem_shared>>
      tpu.enqueue_indirect_dma source(%arg7 : memref<128xf32, #tpu.memory_space<vmem>>) target(%dma_start3A_74 : memref<10240xf32, #tpu.memory_space<vmem_shared>>) offsets(%dma_start3A_72 : memref<128xi32, #tpu.memory_space<vmem>>) semaphore(%arg9 : memref<!tpu.dma_semaphore, #tpu.memory_space<semaphore_mem>>) {add = true}
      %mul3A_75 = arith.constant 8 : i32
      %mul3A_76 = arith.muli %while3A_45, %mul3A_75 : i32
      %add3A_77 = arith.addi %sub3A, %mul3A_76 : i32
      %add3A_78 = arith.constant 3 : i32
      %add3A_79 = arith.addi %add3A_77, %add3A_78 : i32
      %dma_start3A_80 = arith.constant 0 : i32
      %dma_start3A_81 = tpu.memref_slice %arg6[%add3A_79, %dma_start3A_80] : memref<104x128xi32, #tpu.memory_space<vmem>> -> memref<1x128xi32, #tpu.memory_space<vmem>>
      %dma_start3A_82 = tpu.memref_squeeze %dma_start3A_81 : memref<1x128xi32, #tpu.memory_space<vmem>> -> memref<128xi32, #tpu.memory_space<vmem>>
      %dma_start3A_83 = arith.constant 0 : i32
      %dma_start3A_84 = tpu.memref_slice %arg8[%dma_start3A_83] : memref<10240xf32, #tpu.memory_space<vmem_shared>> -> memref<10240xf32, #tpu.memory_space<vmem_shared>>
      tpu.enqueue_indirect_dma source(%arg7 : memref<128xf32, #tpu.memory_space<vmem>>) target(%dma_start3A_84 : memref<10240xf32, #tpu.memory_space<vmem_shared>>) offsets(%dma_start3A_82 : memref<128xi32, #tpu.memory_space<vmem>>) semaphore(%arg9 : memref<!tpu.dma_semaphore, #tpu.memory_space<semaphore_mem>>) {add = true}
      %mul3A_85 = arith.constant 8 : i32
      %mul3A_86 = arith.muli %while3A_45, %mul3A_85 : i32
      %add3A_87 = arith.addi %sub3A, %mul3A_86 : i32
      %add3A_88 = arith.constant 4 : i32
      %add3A_89 = arith.addi %add3A_87, %add3A_88 : i32
      %dma_start3A_90 = arith.constant 0 : i32
      %dma_start3A_91 = tpu.memref_slice %arg6[%add3A_89, %dma_start3A_90] : memref<104x128xi32, #tpu.memory_space<vmem>> -> memref<1x128xi32, #tpu.memory_space<vmem>>
      %dma_start3A_92 = tpu.memref_squeeze %dma_start3A_91 : memref<1x128xi32, #tpu.memory_space<vmem>> -> memref<128xi32, #tpu.memory_space<vmem>>
      %dma_start3A_93 = arith.constant 0 : i32
      %dma_start3A_94 = tpu.memref_slice %arg8[%dma_start3A_93] : memref<10240xf32, #tpu.memory_space<vmem_shared>> -> memref<10240xf32, #tpu.memory_space<vmem_shared>>
      tpu.enqueue_indirect_dma source(%arg7 : memref<128xf32, #tpu.memory_space<vmem>>) target(%dma_start3A_94 : memref<10240xf32, #tpu.memory_space<vmem_shared>>) offsets(%dma_start3A_92 : memref<128xi32, #tpu.memory_space<vmem>>) semaphore(%arg9 : memref<!tpu.dma_semaphore, #tpu.memory_space<semaphore_mem>>) {add = true}
      %mul3A_95 = arith.constant 8 : i32
      %mul3A_96 = arith.muli %while3A_45, %mul3A_95 : i32
      %add3A_97 = arith.addi %sub3A, %mul3A_96 : i32
      %add3A_98 = arith.constant 5 : i32
      %add3A_99 = arith.addi %add3A_97, %add3A_98 : i32
      %dma_start3A_100 = arith.constant 0 : i32
      %dma_start3A_101 = tpu.memref_slice %arg6[%add3A_99, %dma_start3A_100] : memref<104x128xi32, #tpu.memory_space<vmem>> -> memref<1x128xi32, #tpu.memory_space<vmem>>
      %dma_start3A_102 = tpu.memref_squeeze %dma_start3A_101 : memref<1x128xi32, #tpu.memory_space<vmem>> -> memref<128xi32, #tpu.memory_space<vmem>>
      %dma_start3A_103 = arith.constant 0 : i32
      %dma_start3A_104 = tpu.memref_slice %arg8[%dma_start3A_103] : memref<10240xf32, #tpu.memory_space<vmem_shared>> -> memref<10240xf32, #tpu.memory_space<vmem_shared>>
      tpu.enqueue_indirect_dma source(%arg7 : memref<128xf32, #tpu.memory_space<vmem>>) target(%dma_start3A_104 : memref<10240xf32, #tpu.memory_space<vmem_shared>>) offsets(%dma_start3A_102 : memref<128xi32, #tpu.memory_space<vmem>>) semaphore(%arg9 : memref<!tpu.dma_semaphore, #tpu.memory_space<semaphore_mem>>) {add = true}
      %mul3A_105 = arith.constant 8 : i32
      %mul3A_106 = arith.muli %while3A_45, %mul3A_105 : i32
      %add3A_107 = arith.addi %sub3A, %mul3A_106 : i32
      %add3A_108 = arith.constant 6 : i32
      %add3A_109 = arith.addi %add3A_107, %add3A_108 : i32
      %dma_start3A_110 = arith.constant 0 : i32
      %dma_start3A_111 = tpu.memref_slice %arg6[%add3A_109, %dma_start3A_110] : memref<104x128xi32, #tpu.memory_space<vmem>> -> memref<1x128xi32, #tpu.memory_space<vmem>>
      %dma_start3A_112 = tpu.memref_squeeze %dma_start3A_111 : memref<1x128xi32, #tpu.memory_space<vmem>> -> memref<128xi32, #tpu.memory_space<vmem>>
      %dma_start3A_113 = arith.constant 0 : i32
      %dma_start3A_114 = tpu.memref_slice %arg8[%dma_start3A_113] : memref<10240xf32, #tpu.memory_space<vmem_shared>> -> memref<10240xf32, #tpu.memory_space<vmem_shared>>
      tpu.enqueue_indirect_dma source(%arg7 : memref<128xf32, #tpu.memory_space<vmem>>) target(%dma_start3A_114 : memref<10240xf32, #tpu.memory_space<vmem_shared>>) offsets(%dma_start3A_112 : memref<128xi32, #tpu.memory_space<vmem>>) semaphore(%arg9 : memref<!tpu.dma_semaphore, #tpu.memory_space<semaphore_mem>>) {add = true}
      %mul3A_115 = arith.constant 8 : i32
      %mul3A_116 = arith.muli %while3A_45, %mul3A_115 : i32
      %add3A_117 = arith.addi %sub3A, %mul3A_116 : i32
      %add3A_118 = arith.constant 7 : i32
      %add3A_119 = arith.addi %add3A_117, %add3A_118 : i32
      %dma_start3A_120 = arith.constant 0 : i32
      %dma_start3A_121 = tpu.memref_slice %arg6[%add3A_119, %dma_start3A_120] : memref<104x128xi32, #tpu.memory_space<vmem>> -> memref<1x128xi32, #tpu.memory_space<vmem>>
      %dma_start3A_122 = tpu.memref_squeeze %dma_start3A_121 : memref<1x128xi32, #tpu.memory_space<vmem>> -> memref<128xi32, #tpu.memory_space<vmem>>
      %dma_start3A_123 = arith.constant 0 : i32
      %dma_start3A_124 = tpu.memref_slice %arg8[%dma_start3A_123] : memref<10240xf32, #tpu.memory_space<vmem_shared>> -> memref<10240xf32, #tpu.memory_space<vmem_shared>>
      tpu.enqueue_indirect_dma source(%arg7 : memref<128xf32, #tpu.memory_space<vmem>>) target(%dma_start3A_124 : memref<10240xf32, #tpu.memory_space<vmem_shared>>) offsets(%dma_start3A_122 : memref<128xi32, #tpu.memory_space<vmem>>) semaphore(%arg9 : memref<!tpu.dma_semaphore, #tpu.memory_space<semaphore_mem>>) {add = true}
      %dma_wait3A = arith.constant 0 : i32
      %dma_wait3A_125 = arith.constant 0 : i32
      %dma_wait3A_126 = tpu.memref_slice %arg6[%dma_wait3A, %dma_wait3A_125] : memref<104x128xi32, #tpu.memory_space<vmem>> -> memref<1x128xi32, #tpu.memory_space<vmem>>
      %dma_wait3A_127 = tpu.memref_squeeze %dma_wait3A_126 : memref<1x128xi32, #tpu.memory_space<vmem>> -> memref<128xi32, #tpu.memory_space<vmem>>
      %dma_wait3A_128 = arith.constant 0 : i32
      %dma_wait3A_129 = tpu.memref_slice %arg8[%dma_wait3A_128] : memref<10240xf32, #tpu.memory_space<vmem_shared>> -> memref<10240xf32, #tpu.memory_space<vmem_shared>>
      tpu.wait_indirect_dma semaphore(%arg9 : memref<!tpu.dma_semaphore, #tpu.memory_space<semaphore_mem>>) src(%arg7 : memref<128xf32, #tpu.memory_space<vmem>>) dst(%dma_wait3A_129 : memref<10240xf32, #tpu.memory_space<vmem_shared>>)
      %dma_wait3A_130 = arith.constant 0 : i32
      %dma_wait3A_131 = arith.constant 0 : i32
      %dma_wait3A_132 = tpu.memref_slice %arg6[%dma_wait3A_130, %dma_wait3A_131] : memref<104x128xi32, #tpu.memory_space<vmem>> -> memref<1x128xi32, #tpu.memory_space<vmem>>
      %dma_wait3A_133 = tpu.memref_squeeze %dma_wait3A_132 : memref<1x128xi32, #tpu.memory_space<vmem>> -> memref<128xi32, #tpu.memory_space<vmem>>
      %dma_wait3A_134 = arith.constant 0 : i32
      %dma_wait3A_135 = tpu.memref_slice %arg8[%dma_wait3A_134] : memref<10240xf32, #tpu.memory_space<vmem_shared>> -> memref<10240xf32, #tpu.memory_space<vmem_shared>>
      tpu.wait_indirect_dma semaphore(%arg9 : memref<!tpu.dma_semaphore, #tpu.memory_space<semaphore_mem>>) src(%arg7 : memref<128xf32, #tpu.memory_space<vmem>>) dst(%dma_wait3A_135 : memref<10240xf32, #tpu.memory_space<vmem_shared>>)
      %dma_wait3A_136 = arith.constant 0 : i32
      %dma_wait3A_137 = arith.constant 0 : i32
      %dma_wait3A_138 = tpu.memref_slice %arg6[%dma_wait3A_136, %dma_wait3A_137] : memref<104x128xi32, #tpu.memory_space<vmem>> -> memref<1x128xi32, #tpu.memory_space<vmem>>
      %dma_wait3A_139 = tpu.memref_squeeze %dma_wait3A_138 : memref<1x128xi32, #tpu.memory_space<vmem>> -> memref<128xi32, #tpu.memory_space<vmem>>
      %dma_wait3A_140 = arith.constant 0 : i32
      %dma_wait3A_141 = tpu.memref_slice %arg8[%dma_wait3A_140] : memref<10240xf32, #tpu.memory_space<vmem_shared>> -> memref<10240xf32, #tpu.memory_space<vmem_shared>>
      tpu.wait_indirect_dma semaphore(%arg9 : memref<!tpu.dma_semaphore, #tpu.memory_space<semaphore_mem>>) src(%arg7 : memref<128xf32, #tpu.memory_space<vmem>>) dst(%dma_wait3A_141 : memref<10240xf32, #tpu.memory_space<vmem_shared>>)
      %dma_wait3A_142 = arith.constant 0 : i32
      %dma_wait3A_143 = arith.constant 0 : i32
      %dma_wait3A_144 = tpu.memref_slice %arg6[%dma_wait3A_142, %dma_wait3A_143] : memref<104x128xi32, #tpu.memory_space<vmem>> -> memref<1x128xi32, #tpu.memory_space<vmem>>
      %dma_wait3A_145 = tpu.memref_squeeze %dma_wait3A_144 : memref<1x128xi32, #tpu.memory_space<vmem>> -> memref<128xi32, #tpu.memory_space<vmem>>
      %dma_wait3A_146 = arith.constant 0 : i32
      %dma_wait3A_147 = tpu.memref_slice %arg8[%dma_wait3A_146] : memref<10240xf32, #tpu.memory_space<vmem_shared>> -> memref<10240xf32, #tpu.memory_space<vmem_shared>>
      tpu.wait_indirect_dma semaphore(%arg9 : memref<!tpu.dma_semaphore, #tpu.memory_space<semaphore_mem>>) src(%arg7 : memref<128xf32, #tpu.memory_space<vmem>>) dst(%dma_wait3A_147 : memref<10240xf32, #tpu.memory_space<vmem_shared>>)
      %dma_wait3A_148 = arith.constant 0 : i32
      %dma_wait3A_149 = arith.constant 0 : i32
      %dma_wait3A_150 = tpu.memref_slice %arg6[%dma_wait3A_148, %dma_wait3A_149] : memref<104x128xi32, #tpu.memory_space<vmem>> -> memref<1x128xi32, #tpu.memory_space<vmem>>
      %dma_wait3A_151 = tpu.memref_squeeze %dma_wait3A_150 : memref<1x128xi32, #tpu.memory_space<vmem>> -> memref<128xi32, #tpu.memory_space<vmem>>
      %dma_wait3A_152 = arith.constant 0 : i32
      %dma_wait3A_153 = tpu.memref_slice %arg8[%dma_wait3A_152] : memref<10240xf32, #tpu.memory_space<vmem_shared>> -> memref<10240xf32, #tpu.memory_space<vmem_shared>>
      tpu.wait_indirect_dma semaphore(%arg9 : memref<!tpu.dma_semaphore, #tpu.memory_space<semaphore_mem>>) src(%arg7 : memref<128xf32, #tpu.memory_space<vmem>>) dst(%dma_wait3A_153 : memref<10240xf32, #tpu.memory_space<vmem_shared>>)
      %dma_wait3A_154 = arith.constant 0 : i32
      %dma_wait3A_155 = arith.constant 0 : i32
      %dma_wait3A_156 = tpu.memref_slice %arg6[%dma_wait3A_154, %dma_wait3A_155] : memref<104x128xi32, #tpu.memory_space<vmem>> -> memref<1x128xi32, #tpu.memory_space<vmem>>
      %dma_wait3A_157 = tpu.memref_squeeze %dma_wait3A_156 : memref<1x128xi32, #tpu.memory_space<vmem>> -> memref<128xi32, #tpu.memory_space<vmem>>
      %dma_wait3A_158 = arith.constant 0 : i32
      %dma_wait3A_159 = tpu.memref_slice %arg8[%dma_wait3A_158] : memref<10240xf32, #tpu.memory_space<vmem_shared>> -> memref<10240xf32, #tpu.memory_space<vmem_shared>>
      tpu.wait_indirect_dma semaphore(%arg9 : memref<!tpu.dma_semaphore, #tpu.memory_space<semaphore_mem>>) src(%arg7 : memref<128xf32, #tpu.memory_space<vmem>>) dst(%dma_wait3A_159 : memref<10240xf32, #tpu.memory_space<vmem_shared>>)
      %dma_wait3A_160 = arith.constant 0 : i32
      %dma_wait3A_161 = arith.constant 0 : i32
      %dma_wait3A_162 = tpu.memref_slice %arg6[%dma_wait3A_160, %dma_wait3A_161] : memref<104x128xi32, #tpu.memory_space<vmem>> -> memref<1x128xi32, #tpu.memory_space<vmem>>
      %dma_wait3A_163 = tpu.memref_squeeze %dma_wait3A_162 : memref<1x128xi32, #tpu.memory_space<vmem>> -> memref<128xi32, #tpu.memory_space<vmem>>
      %dma_wait3A_164 = arith.constant 0 : i32
      %dma_wait3A_165 = tpu.memref_slice %arg8[%dma_wait3A_164] : memref<10240xf32, #tpu.memory_space<vmem_shared>> -> memref<10240xf32, #tpu.memory_space<vmem_shared>>
      tpu.wait_indirect_dma semaphore(%arg9 : memref<!tpu.dma_semaphore, #tpu.memory_space<semaphore_mem>>) src(%arg7 : memref<128xf32, #tpu.memory_space<vmem>>) dst(%dma_wait3A_165 : memref<10240xf32, #tpu.memory_space<vmem_shared>>)
      %dma_wait3A_166 = arith.constant 0 : i32
      %dma_wait3A_167 = arith.constant 0 : i32
      %dma_wait3A_168 = tpu.memref_slice %arg6[%dma_wait3A_166, %dma_wait3A_167] : memref<104x128xi32, #tpu.memory_space<vmem>> -> memref<1x128xi32, #tpu.memory_space<vmem>>
      %dma_wait3A_169 = tpu.memref_squeeze %dma_wait3A_168 : memref<1x128xi32, #tpu.memory_space<vmem>> -> memref<128xi32, #tpu.memory_space<vmem>>
      %dma_wait3A_170 = arith.constant 0 : i32
      %dma_wait3A_171 = tpu.memref_slice %arg8[%dma_wait3A_170] : memref<10240xf32, #tpu.memory_space<vmem_shared>> -> memref<10240xf32, #tpu.memory_space<vmem_shared>>
      tpu.wait_indirect_dma semaphore(%arg9 : memref<!tpu.dma_semaphore, #tpu.memory_space<semaphore_mem>>) src(%arg7 : memref<128xf32, #tpu.memory_space<vmem>>) dst(%dma_wait3A_171 : memref<10240xf32, #tpu.memory_space<vmem_shared>>)
    }
    %while3A_39 = arith.constant 1 : i32
    scf.for %while3A_45 = %while3A_37 to %while3A_33 step %while3A_39  : i32 {
      %mul3A_46 = arith.constant 8 : i32
      %mul3A_47 = arith.muli %while3A_45, %mul3A_46 : i32
      %add3A_48 = arith.addi %sub3A, %mul3A_47 : i32
      %add3A_49 = arith.constant 0 : i32
      %add3A_50 = arith.addi %add3A_48, %add3A_49 : i32
      %dma_start3A = arith.constant 0 : i32
      %dma_start3A_51 = tpu.memref_slice %arg6[%add3A_50, %dma_start3A] : memref<104x128xi32, #tpu.memory_space<vmem>> -> memref<1x128xi32, #tpu.memory_space<vmem>>
      %dma_start3A_52 = tpu.memref_squeeze %dma_start3A_51 : memref<1x128xi32, #tpu.memory_space<vmem>> -> memref<128xi32, #tpu.memory_space<vmem>>
      %dma_start3A_53 = arith.constant 0 : i32
      %dma_start3A_54 = tpu.memref_slice %arg8[%dma_start3A_53] : memref<10240xf32, #tpu.memory_space<vmem_shared>> -> memref<10240xf32, #tpu.memory_space<vmem_shared>>
      tpu.enqueue_indirect_dma source(%arg7 : memref<128xf32, #tpu.memory_space<vmem>>) target(%dma_start3A_54 : memref<10240xf32, #tpu.memory_space<vmem_shared>>) offsets(%dma_start3A_52 : memref<128xi32, #tpu.memory_space<vmem>>) semaphore(%arg9 : memref<!tpu.dma_semaphore, #tpu.memory_space<semaphore_mem>>) {add = true}
      %mul3A_55 = arith.constant 8 : i32
      %mul3A_56 = arith.muli %while3A_45, %mul3A_55 : i32
      %add3A_57 = arith.addi %sub3A, %mul3A_56 : i32
      %add3A_58 = arith.constant 1 : i32
      %add3A_59 = arith.addi %add3A_57, %add3A_58 : i32
      %dma_start3A_60 = arith.constant 0 : i32
      %dma_start3A_61 = tpu.memref_slice %arg6[%add3A_59, %dma_start3A_60] : memref<104x128xi32, #tpu.memory_space<vmem>> -> memref<1x128xi32, #tpu.memory_space<vmem>>
      %dma_start3A_62 = tpu.memref_squeeze %dma_start3A_61 : memref<1x128xi32, #tpu.memory_space<vmem>> -> memref<128xi32, #tpu.memory_space<vmem>>
      %dma_start3A_63 = arith.constant 0 : i32
      %dma_start3A_64 = tpu.memref_slice %arg8[%dma_start3A_63] : memref<10240xf32, #tpu.memory_space<vmem_shared>> -> memref<10240xf32, #tpu.memory_space<vmem_shared>>
      tpu.enqueue_indirect_dma source(%arg7 : memref<128xf32, #tpu.memory_space<vmem>>) target(%dma_start3A_64 : memref<10240xf32, #tpu.memory_space<vmem_shared>>) offsets(%dma_start3A_62 : memref<128xi32, #tpu.memory_space<vmem>>) semaphore(%arg9 : memref<!tpu.dma_semaphore, #tpu.memory_space<semaphore_mem>>) {add = true}
      %mul3A_65 = arith.constant 8 : i32
      %mul3A_66 = arith.muli %while3A_45, %mul3A_65 : i32
      %add3A_67 = arith.addi %sub3A, %mul3A_66 : i32
      %add3A_68 = arith.constant 2 : i32
      %add3A_69 = arith.addi %add3A_67, %add3A_68 : i32
      %dma_start3A_70 = arith.constant 0 : i32
      %dma_start3A_71 = tpu.memref_slice %arg6[%add3A_69, %dma_start3A_70] : memref<104x128xi32, #tpu.memory_space<vmem>> -> memref<1x128xi32, #tpu.memory_space<vmem>>
      %dma_start3A_72 = tpu.memref_squeeze %dma_start3A_71 : memref<1x128xi32, #tpu.memory_space<vmem>> -> memref<128xi32, #tpu.memory_space<vmem>>
      %dma_start3A_73 = arith.constant 0 : i32
      %dma_start3A_74 = tpu.memref_slice %arg8[%dma_start3A_73] : memref<10240xf32, #tpu.memory_space<vmem_shared>> -> memref<10240xf32, #tpu.memory_space<vmem_shared>>
      tpu.enqueue_indirect_dma source(%arg7 : memref<128xf32, #tpu.memory_space<vmem>>) target(%dma_start3A_74 : memref<10240xf32, #tpu.memory_space<vmem_shared>>) offsets(%dma_start3A_72 : memref<128xi32, #tpu.memory_space<vmem>>) semaphore(%arg9 : memref<!tpu.dma_semaphore, #tpu.memory_space<semaphore_mem>>) {add = true}
      %mul3A_75 = arith.constant 8 : i32
      %mul3A_76 = arith.muli %while3A_45, %mul3A_75 : i32
      %add3A_77 = arith.addi %sub3A, %mul3A_76 : i32
      %add3A_78 = arith.constant 3 : i32
      %add3A_79 = arith.addi %add3A_77, %add3A_78 : i32
      %dma_start3A_80 = arith.constant 0 : i32
      %dma_start3A_81 = tpu.memref_slice %arg6[%add3A_79, %dma_start3A_80] : memref<104x128xi32, #tpu.memory_space<vmem>> -> memref<1x128xi32, #tpu.memory_space<vmem>>
      %dma_start3A_82 = tpu.memref_squeeze %dma_start3A_81 : memref<1x128xi32, #tpu.memory_space<vmem>> -> memref<128xi32, #tpu.memory_space<vmem>>
      %dma_start3A_83 = arith.constant 0 : i32
      %dma_start3A_84 = tpu.memref_slice %arg8[%dma_start3A_83] : memref<10240xf32, #tpu.memory_space<vmem_shared>> -> memref<10240xf32, #tpu.memory_space<vmem_shared>>
      tpu.enqueue_indirect_dma source(%arg7 : memref<128xf32, #tpu.memory_space<vmem>>) target(%dma_start3A_84 : memref<10240xf32, #tpu.memory_space<vmem_shared>>) offsets(%dma_start3A_82 : memref<128xi32, #tpu.memory_space<vmem>>) semaphore(%arg9 : memref<!tpu.dma_semaphore, #tpu.memory_space<semaphore_mem>>) {add = true}
      %mul3A_85 = arith.constant 8 : i32
      %mul3A_86 = arith.muli %while3A_45, %mul3A_85 : i32
      %add3A_87 = arith.addi %sub3A, %mul3A_86 : i32
      %add3A_88 = arith.constant 4 : i32
      %add3A_89 = arith.addi %add3A_87, %add3A_88 : i32
      %dma_start3A_90 = arith.constant 0 : i32
      %dma_start3A_91 = tpu.memref_slice %arg6[%add3A_89, %dma_start3A_90] : memref<104x128xi32, #tpu.memory_space<vmem>> -> memref<1x128xi32, #tpu.memory_space<vmem>>
      %dma_start3A_92 = tpu.memref_squeeze %dma_start3A_91 : memref<1x128xi32, #tpu.memory_space<vmem>> -> memref<128xi32, #tpu.memory_space<vmem>>
      %dma_start3A_93 = arith.constant 0 : i32
      %dma_start3A_94 = tpu.memref_slice %arg8[%dma_start3A_93] : memref<10240xf32, #tpu.memory_space<vmem_shared>> -> memref<10240xf32, #tpu.memory_space<vmem_shared>>
      tpu.enqueue_indirect_dma source(%arg7 : memref<128xf32, #tpu.memory_space<vmem>>) target(%dma_start3A_94 : memref<10240xf32, #tpu.memory_space<vmem_shared>>) offsets(%dma_start3A_92 : memref<128xi32, #tpu.memory_space<vmem>>) semaphore(%arg9 : memref<!tpu.dma_semaphore, #tpu.memory_space<semaphore_mem>>) {add = true}
      %mul3A_95 = arith.constant 8 : i32
      %mul3A_96 = arith.muli %while3A_45, %mul3A_95 : i32
      %add3A_97 = arith.addi %sub3A, %mul3A_96 : i32
      %add3A_98 = arith.constant 5 : i32
      %add3A_99 = arith.addi %add3A_97, %add3A_98 : i32
      %dma_start3A_100 = arith.constant 0 : i32
      %dma_start3A_101 = tpu.memref_slice %arg6[%add3A_99, %dma_start3A_100] : memref<104x128xi32, #tpu.memory_space<vmem>> -> memref<1x128xi32, #tpu.memory_space<vmem>>
      %dma_start3A_102 = tpu.memref_squeeze %dma_start3A_101 : memref<1x128xi32, #tpu.memory_space<vmem>> -> memref<128xi32, #tpu.memory_space<vmem>>
      %dma_start3A_103 = arith.constant 0 : i32
      %dma_start3A_104 = tpu.memref_slice %arg8[%dma_start3A_103] : memref<10240xf32, #tpu.memory_space<vmem_shared>> -> memref<10240xf32, #tpu.memory_space<vmem_shared>>
      tpu.enqueue_indirect_dma source(%arg7 : memref<128xf32, #tpu.memory_space<vmem>>) target(%dma_start3A_104 : memref<10240xf32, #tpu.memory_space<vmem_shared>>) offsets(%dma_start3A_102 : memref<128xi32, #tpu.memory_space<vmem>>) semaphore(%arg9 : memref<!tpu.dma_semaphore, #tpu.memory_space<semaphore_mem>>) {add = true}
      %mul3A_105 = arith.constant 8 : i32
      %mul3A_106 = arith.muli %while3A_45, %mul3A_105 : i32
      %add3A_107 = arith.addi %sub3A, %mul3A_106 : i32
      %add3A_108 = arith.constant 6 : i32
      %add3A_109 = arith.addi %add3A_107, %add3A_108 : i32
      %dma_start3A_110 = arith.constant 0 : i32
      %dma_start3A_111 = tpu.memref_slice %arg6[%add3A_109, %dma_start3A_110] : memref<104x128xi32, #tpu.memory_space<vmem>> -> memref<1x128xi32, #tpu.memory_space<vmem>>
      %dma_start3A_112 = tpu.memref_squeeze %dma_start3A_111 : memref<1x128xi32, #tpu.memory_space<vmem>> -> memref<128xi32, #tpu.memory_space<vmem>>
      %dma_start3A_113 = arith.constant 0 : i32
      %dma_start3A_114 = tpu.memref_slice %arg8[%dma_start3A_113] : memref<10240xf32, #tpu.memory_space<vmem_shared>> -> memref<10240xf32, #tpu.memory_space<vmem_shared>>
      tpu.enqueue_indirect_dma source(%arg7 : memref<128xf32, #tpu.memory_space<vmem>>) target(%dma_start3A_114 : memref<10240xf32, #tpu.memory_space<vmem_shared>>) offsets(%dma_start3A_112 : memref<128xi32, #tpu.memory_space<vmem>>) semaphore(%arg9 : memref<!tpu.dma_semaphore, #tpu.memory_space<semaphore_mem>>) {add = true}
      %mul3A_115 = arith.constant 8 : i32
      %mul3A_116 = arith.muli %while3A_45, %mul3A_115 : i32
      %add3A_117 = arith.addi %sub3A, %mul3A_116 : i32
      %add3A_118 = arith.constant 7 : i32
      %add3A_119 = arith.addi %add3A_117, %add3A_118 : i32
      %dma_start3A_120 = arith.constant 0 : i32
      %dma_start3A_121 = tpu.memref_slice %arg6[%add3A_119, %dma_start3A_120] : memref<104x128xi32, #tpu.memory_space<vmem>> -> memref<1x128xi32, #tpu.memory_space<vmem>>
      %dma_start3A_122 = tpu.memref_squeeze %dma_start3A_121 : memref<1x128xi32, #tpu.memory_space<vmem>> -> memref<128xi32, #tpu.memory_space<vmem>>
      %dma_start3A_123 = arith.constant 0 : i32
      %dma_start3A_124 = tpu.memref_slice %arg8[%dma_start3A_123] : memref<10240xf32, #tpu.memory_space<vmem_shared>> -> memref<10240xf32, #tpu.memory_space<vmem_shared>>
      tpu.enqueue_indirect_dma source(%arg7 : memref<128xf32, #tpu.memory_space<vmem>>) target(%dma_start3A_124 : memref<10240xf32, #tpu.memory_space<vmem_shared>>) offsets(%dma_start3A_122 : memref<128xi32, #tpu.memory_space<vmem>>) semaphore(%arg9 : memref<!tpu.dma_semaphore, #tpu.memory_space<semaphore_mem>>) {add = true}
      %dma_wait3A = arith.constant 0 : i32
      %dma_wait3A_125 = arith.constant 0 : i32
      %dma_wait3A_126 = tpu.memref_slice %arg6[%dma_wait3A, %dma_wait3A_125] : memref<104x128xi32, #tpu.memory_space<vmem>> -> memref<1x128xi32, #tpu.memory_space<vmem>>
      %dma_wait3A_127 = tpu.memref_squeeze %dma_wait3A_126 : memref<1x128xi32, #tpu.memory_space<vmem>> -> memref<128xi32, #tpu.memory_space<vmem>>
      %dma_wait3A_128 = arith.constant 0 : i32
      %dma_wait3A_129 = tpu.memref_slice %arg8[%dma_wait3A_128] : memref<10240xf32, #tpu.memory_space<vmem_shared>> -> memref<10240xf32, #tpu.memory_space<vmem_shared>>
      tpu.wait_indirect_dma semaphore(%arg9 : memref<!tpu.dma_semaphore, #tpu.memory_space<semaphore_mem>>) src(%arg7 : memref<128xf32, #tpu.memory_space<vmem>>) dst(%dma_wait3A_129 : memref<10240xf32, #tpu.memory_space<vmem_shared>>)
      %dma_wait3A_130 = arith.constant 0 : i32
      %dma_wait3A_131 = arith.constant 0 : i32
      %dma_wait3A_132 = tpu.memref_slice %arg6[%dma_wait3A_130, %dma_wait3A_131] : memref<104x128xi32, #tpu.memory_space<vmem>> -> memref<1x128xi32, #tpu.memory_space<vmem>>
      %dma_wait3A_133 = tpu.memref_squeeze %dma_wait3A_132 : memref<1x128xi32, #tpu.memory_space<vmem>> -> memref<128xi32, #tpu.memory_space<vmem>>
      %dma_wait3A_134 = arith.constant 0 : i32
      %dma_wait3A_135 = tpu.memref_slice %arg8[%dma_wait3A_134] : memref<10240xf32, #tpu.memory_space<vmem_shared>> -> memref<10240xf32, #tpu.memory_space<vmem_shared>>
      tpu.wait_indirect_dma semaphore(%arg9 : memref<!tpu.dma_semaphore, #tpu.memory_space<semaphore_mem>>) src(%arg7 : memref<128xf32, #tpu.memory_space<vmem>>) dst(%dma_wait3A_135 : memref<10240xf32, #tpu.memory_space<vmem_shared>>)
      %dma_wait3A_136 = arith.constant 0 : i32
      %dma_wait3A_137 = arith.constant 0 : i32
      %dma_wait3A_138 = tpu.memref_slice %arg6[%dma_wait3A_136, %dma_wait3A_137] : memref<104x128xi32, #tpu.memory_space<vmem>> -> memref<1x128xi32, #tpu.memory_space<vmem>>
      %dma_wait3A_139 = tpu.memref_squeeze %dma_wait3A_138 : memref<1x128xi32, #tpu.memory_space<vmem>> -> memref<128xi32, #tpu.memory_space<vmem>>
      %dma_wait3A_140 = arith.constant 0 : i32
      %dma_wait3A_141 = tpu.memref_slice %arg8[%dma_wait3A_140] : memref<10240xf32, #tpu.memory_space<vmem_shared>> -> memref<10240xf32, #tpu.memory_space<vmem_shared>>
      tpu.wait_indirect_dma semaphore(%arg9 : memref<!tpu.dma_semaphore, #tpu.memory_space<semaphore_mem>>) src(%arg7 : memref<128xf32, #tpu.memory_space<vmem>>) dst(%dma_wait3A_141 : memref<10240xf32, #tpu.memory_space<vmem_shared>>)
      %dma_wait3A_142 = arith.constant 0 : i32
      %dma_wait3A_143 = arith.constant 0 : i32
      %dma_wait3A_144 = tpu.memref_slice %arg6[%dma_wait3A_142, %dma_wait3A_143] : memref<104x128xi32, #tpu.memory_space<vmem>> -> memref<1x128xi32, #tpu.memory_space<vmem>>
      %dma_wait3A_145 = tpu.memref_squeeze %dma_wait3A_144 : memref<1x128xi32, #tpu.memory_space<vmem>> -> memref<128xi32, #tpu.memory_space<vmem>>
      %dma_wait3A_146 = arith.constant 0 : i32
      %dma_wait3A_147 = tpu.memref_slice %arg8[%dma_wait3A_146] : memref<10240xf32, #tpu.memory_space<vmem_shared>> -> memref<10240xf32, #tpu.memory_space<vmem_shared>>
      tpu.wait_indirect_dma semaphore(%arg9 : memref<!tpu.dma_semaphore, #tpu.memory_space<semaphore_mem>>) src(%arg7 : memref<128xf32, #tpu.memory_space<vmem>>) dst(%dma_wait3A_147 : memref<10240xf32, #tpu.memory_space<vmem_shared>>)
      %dma_wait3A_148 = arith.constant 0 : i32
      %dma_wait3A_149 = arith.constant 0 : i32
      %dma_wait3A_150 = tpu.memref_slice %arg6[%dma_wait3A_148, %dma_wait3A_149] : memref<104x128xi32, #tpu.memory_space<vmem>> -> memref<1x128xi32, #tpu.memory_space<vmem>>
      %dma_wait3A_151 = tpu.memref_squeeze %dma_wait3A_150 : memref<1x128xi32, #tpu.memory_space<vmem>> -> memref<128xi32, #tpu.memory_space<vmem>>
      %dma_wait3A_152 = arith.constant 0 : i32
      %dma_wait3A_153 = tpu.memref_slice %arg8[%dma_wait3A_152] : memref<10240xf32, #tpu.memory_space<vmem_shared>> -> memref<10240xf32, #tpu.memory_space<vmem_shared>>
      tpu.wait_indirect_dma semaphore(%arg9 : memref<!tpu.dma_semaphore, #tpu.memory_space<semaphore_mem>>) src(%arg7 : memref<128xf32, #tpu.memory_space<vmem>>) dst(%dma_wait3A_153 : memref<10240xf32, #tpu.memory_space<vmem_shared>>)
      %dma_wait3A_154 = arith.constant 0 : i32
      %dma_wait3A_155 = arith.constant 0 : i32
      %dma_wait3A_156 = tpu.memref_slice %arg6[%dma_wait3A_154, %dma_wait3A_155] : memref<104x128xi32, #tpu.memory_space<vmem>> -> memref<1x128xi32, #tpu.memory_space<vmem>>
      %dma_wait3A_157 = tpu.memref_squeeze %dma_wait3A_156 : memref<1x128xi32, #tpu.memory_space<vmem>> -> memref<128xi32, #tpu.memory_space<vmem>>
      %dma_wait3A_158 = arith.constant 0 : i32
      %dma_wait3A_159 = tpu.memref_slice %arg8[%dma_wait3A_158] : memref<10240xf32, #tpu.memory_space<vmem_shared>> -> memref<10240xf32, #tpu.memory_space<vmem_shared>>
      tpu.wait_indirect_dma semaphore(%arg9 : memref<!tpu.dma_semaphore, #tpu.memory_space<semaphore_mem>>) src(%arg7 : memref<128xf32, #tpu.memory_space<vmem>>) dst(%dma_wait3A_159 : memref<10240xf32, #tpu.memory_space<vmem_shared>>)
      %dma_wait3A_160 = arith.constant 0 : i32
      %dma_wait3A_161 = arith.constant 0 : i32
      %dma_wait3A_162 = tpu.memref_slice %arg6[%dma_wait3A_160, %dma_wait3A_161] : memref<104x128xi32, #tpu.memory_space<vmem>> -> memref<1x128xi32, #tpu.memory_space<vmem>>
      %dma_wait3A_163 = tpu.memref_squeeze %dma_wait3A_162 : memref<1x128xi32, #tpu.memory_space<vmem>> -> memref<128xi32, #tpu.memory_space<vmem>>
      %dma_wait3A_164 = arith.constant 0 : i32
      %dma_wait3A_165 = tpu.memref_slice %arg8[%dma_wait3A_164] : memref<10240xf32, #tpu.memory_space<vmem_shared>> -> memref<10240xf32, #tpu.memory_space<vmem_shared>>
      tpu.wait_indirect_dma semaphore(%arg9 : memref<!tpu.dma_semaphore, #tpu.memory_space<semaphore_mem>>) src(%arg7 : memref<128xf32, #tpu.memory_space<vmem>>) dst(%dma_wait3A_165 : memref<10240xf32, #tpu.memory_space<vmem_shared>>)
      %dma_wait3A_166 = arith.constant 0 : i32
      %dma_wait3A_167 = arith.constant 0 : i32
      %dma_wait3A_168 = tpu.memref_slice %arg6[%dma_wait3A_166, %dma_wait3A_167] : memref<104x128xi32, #tpu.memory_space<vmem>> -> memref<1x128xi32, #tpu.memory_space<vmem>>
      %dma_wait3A_169 = tpu.memref_squeeze %dma_wait3A_168 : memref<1x128xi32, #tpu.memory_space<vmem>> -> memref<128xi32, #tpu.memory_space<vmem>>
      %dma_wait3A_170 = arith.constant 0 : i32
      %dma_wait3A_171 = tpu.memref_slice %arg8[%dma_wait3A_170] : memref<10240xf32, #tpu.memory_space<vmem_shared>> -> memref<10240xf32, #tpu.memory_space<vmem_shared>>
      tpu.wait_indirect_dma semaphore(%arg9 : memref<!tpu.dma_semaphore, #tpu.memory_space<semaphore_mem>>) src(%arg7 : memref<128xf32, #tpu.memory_space<vmem>>) dst(%dma_wait3A_171 : memref<10240xf32, #tpu.memory_space<vmem_shared>>)
    }
    %barrier3A_40 = arith.constant 0 : index
    tpu.barrier barrier_id(%barrier3A_40)
    %mul3A_41 = arith.constant 640 : i32
    %mul3A_42 = arith.muli %arg1, %mul3A_41 : i32
    %mul3A_43 = arith.constant 640 : i32
    %mul3A_44 = arith.muli %arg1, %mul3A_43 : i32
    "tpu.region"() ({
      %run_scoped3A = tpu.sem_alloc : memref<!tpu.dma_semaphore, #tpu.memory_space<semaphore_mem>>
      %dma_start3A = tpu.memref_slice %arg5[%arg0, %mul3A_44] : memref<2x10240xf32, #tpu.memory_space<hbm>> -> memref<1x640xf32, #tpu.memory_space<hbm>>
      %dma_start3A_45 = tpu.memref_squeeze %dma_start3A : memref<1x640xf32, #tpu.memory_space<hbm>> -> memref<640xf32, #tpu.memory_space<hbm>>
      %dma_start3A_46 = tpu.memref_slice %arg8[%mul3A_42] : memref<10240xf32, #tpu.memory_space<vmem_shared>> -> memref<640xf32, #tpu.memory_space<vmem_shared>>
      tpu.enqueue_dma source(%dma_start3A_46 : memref<640xf32, #tpu.memory_space<vmem_shared>>) target(%dma_start3A_45 : memref<640xf32, #tpu.memory_space<hbm>>) target_semaphore(%run_scoped3A : memref<!tpu.dma_semaphore, #tpu.memory_space<semaphore_mem>>)
      %dma_wait3A = tpu.memref_slice %arg5[%arg0, %mul3A_44] : memref<2x10240xf32, #tpu.memory_space<hbm>> -> memref<1x640xf32, #tpu.memory_space<hbm>>
      %dma_wait3A_47 = tpu.memref_squeeze %dma_wait3A : memref<1x640xf32, #tpu.memory_space<hbm>> -> memref<640xf32, #tpu.memory_space<hbm>>
      %dma_wait3A_48 = tpu.memref_slice %arg8[%mul3A_42] : memref<10240xf32, #tpu.memory_space<vmem_shared>> -> memref<640xf32, #tpu.memory_space<vmem_shared>>
      tpu.wait_dma2 semaphore(%run_scoped3A : memref<!tpu.dma_semaphore, #tpu.memory_space<semaphore_mem>>) src(%dma_wait3A_48 : memref<640xf32, #tpu.memory_space<vmem_shared>>) dst(%dma_wait3A_47 : memref<640xf32, #tpu.memory_space<hbm>>)
      tpu.yield
    }) : () -> ()
    return
  }
}

module attributes {stable_mosaic.version = 14 : i64} {
  func.func @body(%arg0: i32, %arg1: memref<1280x1xf32, #tpu.memory_space<vmem>>, %arg2: memref<1280x128xf32, #tpu.memory_space<vmem>>, %arg3: memref<128x128xf32, #tpu.memory_space<vmem>>, %arg4: memref<1280x128xf32, #tpu.memory_space<vmem>>) attributes {dimension_semantics = [#tpu.dimension_semantics<arbitrary>], iteration_bounds = array<i64: 8>, scalar_prefetch = 0 : i64, scratch_operands = 0 : i64, tpu.core_type = #tpu.core_type<tc>, window_params = [{transform_indices = @transform_0, window_bounds = array<i64: 1280, 1>}, {transform_indices = @transform_1, window_bounds = array<i64: 1280, 128>}, {pipeline_mode = #tpu.pipeline_mode<synchronous>, transform_indices = @transform_2, window_bounds = array<i64: 128, 128>}, {transform_indices = @transform_3, window_bounds = array<i64: 1280, 128>}]} {
    %get3A = arith.constant 0 : index
    %get3A_0 = arith.constant 0 : index
    %get3A_1 = vector.load %arg1[%get3A, %get3A_0] : memref<1280x1xf32, #tpu.memory_space<vmem>>, vector<1280x1xf32>
    %add3A = arith.constant 1.000000e+00 : f32
    %add3A_2 = vector.broadcast %add3A : f32 to vector<1280x1xf32>
    %add3A_3 = arith.addf %get3A_1, %add3A_2 : vector<1280x1xf32>
    %rsqrt3A = math.rsqrt %add3A_3 : vector<1280x1xf32>
    %get3A_4 = arith.constant 0 : index
    %get3A_5 = arith.constant 0 : index
    %get3A_6 = vector.load %arg2[%get3A_4, %get3A_5] : memref<1280x128xf32, #tpu.memory_space<vmem>>, vector<1280x128xf32>
    %get3A_7 = arith.constant 0 : index
    %get3A_8 = arith.constant 0 : index
    %get3A_9 = vector.load %arg3[%get3A_7, %get3A_8] : memref<128x128xf32, #tpu.memory_space<vmem>>, vector<128x128xf32>
    %dot_general3A = arith.constant dense<0.000000e+00> : vector<1280x128xf32>
    %dot_general3A_10 = tpu.matmul %get3A_6, %get3A_9, %dot_general3A {dimension_numbers = #tpu.dot_dimension_numbers<[1], [0], [0], [1], [0, 0, 1, 1], [], []>, transpose_lhs_hint = false} : vector<1280x128xf32>, vector<128x128xf32>, vector<1280x128xf32> -> vector<1280x128xf32>
    %mul3A = vector.broadcast %rsqrt3A : vector<1280x1xf32> to vector<1280x128xf32>
    %mul3A_11 = arith.mulf %mul3A, %dot_general3A_10 : vector<1280x128xf32>
    %swap3A = arith.constant 0 : index
    %swap3A_12 = arith.constant 0 : index
    %swap3A_13 = vector.load %arg4[%swap3A, %swap3A_12] : memref<1280x128xf32, #tpu.memory_space<vmem>>, vector<1280x128xf32>
    tpu.vector_store %arg4[%swap3A, %swap3A_12], %mul3A_11 {strides = array<i32>} : memref<1280x128xf32, #tpu.memory_space<vmem>>, vector<1280x128xf32>,
    return
  }
  func.func @transform_0(%arg0: i32) -> (i32, i32) {
    %c0_i32 = arith.constant 0 : i32
    %c0_i32_0 = arith.constant 0 : i32
    return %arg0, %c0_i32 : i32, i32
  }
  func.func @transform_1(%arg0: i32) -> (i32, i32) {
    %c0_i32 = arith.constant 0 : i32
    %c0_i32_0 = arith.constant 0 : i32
    return %arg0, %c0_i32 : i32, i32
  }
  func.func @transform_2(%arg0: i32) -> (i32, i32) {
    %c0_i32 = arith.constant 0 : i32
    %c0_i32_0 = arith.constant 0 : i32
    %c0_i32_1 = arith.constant 0 : i32
    return %c0_i32, %c0_i32_0 : i32, i32
  }
  func.func @transform_3(%arg0: i32) -> (i32, i32) {
    %c0_i32 = arith.constant 0 : i32
    %c0_i32_0 = arith.constant 0 : i32
    return %arg0, %c0_i32 : i32, i32
  }
}

module attributes {stable_mosaic.version = 14 : i64} {
  func.func @body(%arg0: i32, %arg1: memref<1280x1xf32, #tpu.memory_space<vmem>>, %arg2: memref<1280x128xf32, #tpu.memory_space<vmem>>, %arg3: memref<1280x128xf32, #tpu.memory_space<vmem>>, %arg4: memref<128x64xf32, #tpu.memory_space<vmem>>, %arg5: memref<1x128xf32, #tpu.memory_space<vmem>>, %arg6: memref<1280x64xf32, #tpu.memory_space<vmem>>) attributes {dimension_semantics = [#tpu.dimension_semantics<arbitrary>], iteration_bounds = array<i64: 8>, scalar_prefetch = 0 : i64, scratch_operands = 0 : i64, tpu.core_type = #tpu.core_type<tc>, window_params = [{transform_indices = @transform_0, window_bounds = array<i64: 1280, 1>}, {transform_indices = @transform_1, window_bounds = array<i64: 1280, 128>}, {transform_indices = @transform_2, window_bounds = array<i64: 1280, 128>}, {pipeline_mode = #tpu.pipeline_mode<synchronous>, transform_indices = @transform_3, window_bounds = array<i64: 128, 64>}, {pipeline_mode = #tpu.pipeline_mode<synchronous>, transform_indices = @transform_4, window_bounds = array<i64: 1, 128>}, {transform_indices = @transform_5, window_bounds = array<i64: 1280, 64>}]} {
    %get3A = arith.constant 0 : index
    %get3A_0 = arith.constant 0 : index
    %get3A_1 = vector.load %arg1[%get3A, %get3A_0] : memref<1280x1xf32, #tpu.memory_space<vmem>>, vector<1280x1xf32>
    %add3A = arith.constant 1.000000e+00 : f32
    %add3A_2 = vector.broadcast %add3A : f32 to vector<1280x1xf32>
    %add3A_3 = arith.addf %get3A_1, %add3A_2 : vector<1280x1xf32>
    %rsqrt3A = math.rsqrt %add3A_3 : vector<1280x1xf32>
    %get3A_4 = arith.constant 0 : index
    %get3A_5 = arith.constant 0 : index
    %get3A_6 = vector.load %arg2[%get3A_4, %get3A_5] : memref<1280x128xf32, #tpu.memory_space<vmem>>, vector<1280x128xf32>
    %get3A_7 = arith.constant 0 : index
    %get3A_8 = arith.constant 0 : index
    %get3A_9 = vector.load %arg3[%get3A_7, %get3A_8] : memref<1280x128xf32, #tpu.memory_space<vmem>>, vector<1280x128xf32>
    %add3A_10 = arith.addf %get3A_6, %get3A_9 : vector<1280x128xf32>
    %mul3A = vector.broadcast %rsqrt3A : vector<1280x1xf32> to vector<1280x128xf32>
    %mul3A_11 = arith.mulf %mul3A, %add3A_10 : vector<1280x128xf32>
    %get3A_12 = arith.constant 0 : index
    %get3A_13 = arith.constant 0 : index
    %get3A_14 = vector.load %arg5[%get3A_12, %get3A_13] : memref<1x128xf32, #tpu.memory_space<vmem>>, vector<1x128xf32>
    %add3A_15 = vector.broadcast %get3A_14 : vector<1x128xf32> to vector<1280x128xf32>
    %add3A_16 = arith.addf %mul3A_11, %add3A_15 : vector<1280x128xf32>
    %max3A = arith.constant 0.000000e+00 : f32
    %max3A_17 = vector.broadcast %max3A : f32 to vector<1280x128xf32>
    %max3A_18 = arith.maximumf %add3A_16, %max3A_17 : vector<1280x128xf32>
    %get3A_19 = arith.constant 0 : index
    %get3A_20 = arith.constant 0 : index
    %get3A_21 = vector.load %arg4[%get3A_19, %get3A_20] : memref<128x64xf32, #tpu.memory_space<vmem>>, vector<128x64xf32>
    %dot_general3A = arith.constant dense<0.000000e+00> : vector<1280x64xf32>
    %dot_general3A_22 = tpu.matmul %max3A_18, %get3A_21, %dot_general3A {dimension_numbers = #tpu.dot_dimension_numbers<[1], [0], [0], [1], [0, 0, 1, 1], [], []>, transpose_lhs_hint = false} : vector<1280x128xf32>, vector<128x64xf32>, vector<1280x64xf32> -> vector<1280x64xf32>
    %mul3A_23 = vector.broadcast %rsqrt3A : vector<1280x1xf32> to vector<1280x64xf32>
    %mul3A_24 = arith.mulf %mul3A_23, %dot_general3A_22 : vector<1280x64xf32>
    %swap3A = arith.constant 0 : index
    %swap3A_25 = arith.constant 0 : index
    %swap3A_26 = vector.load %arg6[%swap3A, %swap3A_25] : memref<1280x64xf32, #tpu.memory_space<vmem>>, vector<1280x64xf32>
    tpu.vector_store %arg6[%swap3A, %swap3A_25], %mul3A_24 {strides = array<i32>} : memref<1280x64xf32, #tpu.memory_space<vmem>>, vector<1280x64xf32>,
    return
  }
  func.func @transform_0(%arg0: i32) -> (i32, i32) {
    %c0_i32 = arith.constant 0 : i32
    %c0_i32_0 = arith.constant 0 : i32
    return %arg0, %c0_i32 : i32, i32
  }
  func.func @transform_1(%arg0: i32) -> (i32, i32) {
    %c0_i32 = arith.constant 0 : i32
    %c0_i32_0 = arith.constant 0 : i32
    return %arg0, %c0_i32 : i32, i32
  }
  func.func @transform_2(%arg0: i32) -> (i32, i32) {
    %c0_i32 = arith.constant 0 : i32
    %c0_i32_0 = arith.constant 0 : i32
    return %arg0, %c0_i32 : i32, i32
  }
  func.func @transform_3(%arg0: i32) -> (i32, i32) {
    %c0_i32 = arith.constant 0 : i32
    %c0_i32_0 = arith.constant 0 : i32
    %c0_i32_1 = arith.constant 0 : i32
    return %c0_i32, %c0_i32_0 : i32, i32
  }
  func.func @transform_4(%arg0: i32) -> (i32, i32) {
    %c0_i32 = arith.constant 0 : i32
    %c0_i32_0 = arith.constant 0 : i32
    %c0_i32_1 = arith.constant 0 : i32
    return %c0_i32, %c0_i32_0 : i32, i32
  }
  func.func @transform_5(%arg0: i32) -> (i32, i32) {
    %c0_i32 = arith.constant 0 : i32
    %c0_i32_0 = arith.constant 0 : i32
    return %arg0, %c0_i32 : i32, i32
  }
}

module attributes {stable_mosaic.version = 14 : i64} {
  func.func @body(%arg0: i32, %arg1: memref<1280x1xf32, #tpu.memory_space<vmem>>, %arg2: memref<1280x64xf32, #tpu.memory_space<vmem>>, %arg3: memref<1280x64xf32, #tpu.memory_space<vmem>>, %arg4: memref<1x64xf32, #tpu.memory_space<vmem>>, %arg5: memref<1280x64xf32, #tpu.memory_space<vmem>>) attributes {dimension_semantics = [#tpu.dimension_semantics<arbitrary>], iteration_bounds = array<i64: 8>, scalar_prefetch = 0 : i64, scratch_operands = 0 : i64, tpu.core_type = #tpu.core_type<tc>, window_params = [{transform_indices = @transform_0, window_bounds = array<i64: 1280, 1>}, {transform_indices = @transform_1, window_bounds = array<i64: 1280, 64>}, {transform_indices = @transform_2, window_bounds = array<i64: 1280, 64>}, {pipeline_mode = #tpu.pipeline_mode<synchronous>, transform_indices = @transform_3, window_bounds = array<i64: 1, 64>}, {transform_indices = @transform_4, window_bounds = array<i64: 1280, 64>}]} {
    %get3A = arith.constant 0 : index
    %get3A_0 = arith.constant 0 : index
    %get3A_1 = vector.load %arg1[%get3A, %get3A_0] : memref<1280x1xf32, #tpu.memory_space<vmem>>, vector<1280x1xf32>
    %add3A = arith.constant 1.000000e+00 : f32
    %add3A_2 = vector.broadcast %add3A : f32 to vector<1280x1xf32>
    %add3A_3 = arith.addf %get3A_1, %add3A_2 : vector<1280x1xf32>
    %rsqrt3A = math.rsqrt %add3A_3 : vector<1280x1xf32>
    %get3A_4 = arith.constant 0 : index
    %get3A_5 = arith.constant 0 : index
    %get3A_6 = vector.load %arg2[%get3A_4, %get3A_5] : memref<1280x64xf32, #tpu.memory_space<vmem>>, vector<1280x64xf32>
    %get3A_7 = arith.constant 0 : index
    %get3A_8 = arith.constant 0 : index
    %get3A_9 = vector.load %arg3[%get3A_7, %get3A_8] : memref<1280x64xf32, #tpu.memory_space<vmem>>, vector<1280x64xf32>
    %add3A_10 = arith.addf %get3A_6, %get3A_9 : vector<1280x64xf32>
    %mul3A = vector.broadcast %rsqrt3A : vector<1280x1xf32> to vector<1280x64xf32>
    %mul3A_11 = arith.mulf %mul3A, %add3A_10 : vector<1280x64xf32>
    %get3A_12 = arith.constant 0 : index
    %get3A_13 = arith.constant 0 : index
    %get3A_14 = vector.load %arg4[%get3A_12, %get3A_13] : memref<1x64xf32, #tpu.memory_space<vmem>>, vector<1x64xf32>
    %add3A_15 = vector.broadcast %get3A_14 : vector<1x64xf32> to vector<1280x64xf32>
    %add3A_16 = arith.addf %mul3A_11, %add3A_15 : vector<1280x64xf32>
    %reduce_max3A = arith.constant dense<0xFF800000> : vector<1280xf32>
    %reduce_max3A_17 = vector.multi_reduction <maximumf>, %add3A_16, %reduce_max3A [1] : vector<1280x64xf32> to vector<1280xf32>
    %broadcast_in_dim3A = vector.shape_cast %reduce_max3A_17 : vector<1280xf32> to vector<1280x1xf32>
    %sub3A = vector.broadcast %broadcast_in_dim3A : vector<1280x1xf32> to vector<1280x64xf32>
    %sub3A_18 = arith.subf %add3A_16, %sub3A : vector<1280x64xf32>
    %exp3A = math.exp %sub3A_18 : vector<1280x64xf32>
    %reduce_sum3A = arith.constant dense<0.000000e+00> : vector<1280xf32>
    %reduce_sum3A_19 = vector.multi_reduction <add>, %exp3A, %reduce_sum3A [1] : vector<1280x64xf32> to vector<1280xf32>
    %broadcast_in_dim3A_20 = vector.shape_cast %reduce_sum3A_19 : vector<1280xf32> to vector<1280x1xf32>
    %log3A = math.log %broadcast_in_dim3A_20 : vector<1280x1xf32>
    %add3A_21 = arith.addf %log3A, %broadcast_in_dim3A : vector<1280x1xf32>
    %sub3A_22 = vector.broadcast %add3A_21 : vector<1280x1xf32> to vector<1280x64xf32>
    %sub3A_23 = arith.subf %add3A_16, %sub3A_22 : vector<1280x64xf32>
    %swap3A = arith.constant 0 : index
    %swap3A_24 = arith.constant 0 : index
    %swap3A_25 = vector.load %arg5[%swap3A, %swap3A_24] : memref<1280x64xf32, #tpu.memory_space<vmem>>, vector<1280x64xf32>
    tpu.vector_store %arg5[%swap3A, %swap3A_24], %sub3A_23 {strides = array<i32>} : memref<1280x64xf32, #tpu.memory_space<vmem>>, vector<1280x64xf32>,
    return
  }
  func.func @transform_0(%arg0: i32) -> (i32, i32) {
    %c0_i32 = arith.constant 0 : i32
    %c0_i32_0 = arith.constant 0 : i32
    return %arg0, %c0_i32 : i32, i32
  }
  func.func @transform_1(%arg0: i32) -> (i32, i32) {
    %c0_i32 = arith.constant 0 : i32
    %c0_i32_0 = arith.constant 0 : i32
    return %arg0, %c0_i32 : i32, i32
  }
  func.func @transform_2(%arg0: i32) -> (i32, i32) {
    %c0_i32 = arith.constant 0 : i32
    %c0_i32_0 = arith.constant 0 : i32
    return %arg0, %c0_i32 : i32, i32
  }
  func.func @transform_3(%arg0: i32) -> (i32, i32) {
    %c0_i32 = arith.constant 0 : i32
    %c0_i32_0 = arith.constant 0 : i32
    %c0_i32_1 = arith.constant 0 : i32
    return %c0_i32, %c0_i32_0 : i32, i32
  }
  func.func @transform_4(%arg0: i32) -> (i32, i32) {
    %c0_i32 = arith.constant 0 : i32
    %c0_i32_0 = arith.constant 0 : i32
    return %arg0, %c0_i32 : i32, i32
  }
}

</mosaic_0001>

<sc_bundles>
// kernel: kernel.11.cloned.1.call-start
scs
__scs_entry_jumppad:
0x0: {  	(pc) =	sbr.rel $0x88, $3  }
0x1: {  	(tag) =	ssettag $0x0;
	lr =	simm.s32 $0x1  }
0x2: {  	[smem:$0x3F9B] =	sst lr;
	_ =	strace $0xD0000000  }
0x3: {  	_ = 	snop  }
0x4: {  	_ = 	snop  }
0x5: {  	_ = 	snop  }
0x6: {  	_ = 	snop  }
0x7: {  	_ = 	snop  }
__scs_overlays_trampoline_lowered:
0x8: {  	[smem:$0x3FAA] =	sst s0  }
0x9: {  	[smem:$0x3FAB] =	sst s1  }
0xa: {  	[smem:$0x3FAC] =	sst s2  }
0xb: {  	[smem:$0x3FAD] =	sst s3  }
0xc: {  	[smem:$0x3FAE] =	sst s4  }
0xd: {  	[smem:$0x3FAF] =	sst s5  }
0xe: {  	[smem:$0x3FB0] =	sst s6  }
0xf: {  	[smem:$0x3FB1] =	sst s7  }
0x10: {  	[smem:$0x3FB2] =	sst s8  }
0x11: {  	[smem:$0x3FB3] =	sst s9;
	s0 =	simm.s32 @!p0 $0x0  }
0x12: {  	s1 =	sld [smem:$0x3F99];
	s0 =	simm.s32 @p0 $0x1  }
0x13: {  	[smem:$0x3FB4] =	sst s0;
	s0 =	simm.s32 @!p1 $0x0  }
0x14: {  	s2 =	sld [smem:$0x3F98];
	s0 =	simm.s32 @p1 $0x1  }
0x15: {  	[smem:$0x3FB5] =	sst s0;
	s0 =	simm.s32 @!p2 $0x0  }
0x16: {  	s3 =	sld [smem:$0x3FDB];
	s0 =	simm.s32 @p2 $0x1  }
0x17: {  	s4 =	simm.s32 $0x1BF5;
	[smem:$0x3FB7] =	sst s0  }
0x18: {  	s0 =	sld [smem:$0x3F9A];
	_ =	swait.ge [sflag:s4], $0x0  }
0x19: {  	s7 =	sld [smem:$0x3F9B]  }
0x1a: {  	s8 =	sadd.s32 $0xFFFFE003, lr  }
0x1b: {  	s9 =	sadd.s32 $0xFFFFFEF7, lr;
	s5 =	simm.s32 $0xFFFFFFFF;
	p2 =	slt.u32 s8, $0xFFFFF086  }
0x1c: {  	p1 =	slt.u32 s9, $0xF7A;
	s5 =	simm.s32 @!p2 $0x0  }
0x1d: {  	s5 =	simm.s32 @p1 $0x1;
	p0 =	seq.s32 s7, s2  }
0x1e: {  	s7 =	smul.u32 @!p0 $0xF7A, s2;
	p2 =	seq.s32 @!p0 s5, $0x0  }
0x1f: {  	s9 =	smul.u32 $0xF7A, s1;
	s8 =	simm.s32 @!p0 $0x1BF5;
	p2 =	por !p2, p0  }
0x20: {  	[sflag:s8] =	ssyncset.s32 @!p0 $0xFFFFF086;
	s6 =	sadd.s32 @!p0 s3, s7;
	s7 =	simm.s32 @!p0 $0x108  }
0x21: {  	s3 =	sadd.s32 s3, s9;
	s6 =	sadd.s32 @!p0 $0x88, s6;
	s7 =	simm.s32 @p2 $0x1082  }
0x22: {  	[simem:s7], [sflag:s8] =	dma.local @!p0 [hbm:s6], $0xF7A  }
0x23: {  	s9 =	sor.u32 $0xD0000000, s2;
	s6 =	simm.s32 $0x108;
	_ =	swait.ge @!p0 [sflag:s8], $0x0  }
0x24: {  	s3 =	sadd.s32 $0x88, s3;
	s6 =	simm.s32 @!p1 $0x1082;
	[sflag:s4] =	ssyncset.s32 $0xFFFFF086  }
0x25: {  	[simem:s6], [sflag:s4] =	dma.local [hbm:s3], $0xF7A  }
0x26: {  	[smem:$0x3F9B] =	sst s1;
	(tag) =	ssettag s2;
	_ =	strace s9  }
0x27: {  	s1 =	sld [smem:$0x3FAB]  }
0x28: {  	s2 =	sld [smem:$0x3FAC]  }
0x29: {  	s4 =	sld [smem:$0x3FAE]  }
0x2a: {  	p0 =	seq.s32 s5, $0x0;
	s5 =	sld [smem:$0x3FAF]  }
0x2b: {  	s6 =	sld [smem:$0x3FB0]  }
0x2c: {  	s7 =	sld [smem:$0x3FB1]  }
0x2d: {  	s3 =	simm.s32 $0x108;
	s8 =	sld [smem:$0x3FB2]  }
0x2e: {  	s3 =	simm.s32 @!p0 $0x1082;
	s9 =	sld [smem:$0x3FB3]  }
0x2f: {  	lr =	sadd.s32 s0, s3;
	s0 =	sld [smem:$0x3FAA]  }
0x30: {  	s3 =	sld [smem:$0x3FAD]  }
0x31: {  	[smem:$0x3FB6] =	sst s10  }
0x32: {  	s10 =	sld [smem:$0x3FB4];
	_ =	sdelay $0x3  }
0x33: {  	p0 =	seq.s32 s10, $0x1;
	s10 =	sld [smem:$0x3FB6];
	_ =	sdelay $0x3  }
0x34: {  	[smem:$0x3FB6] =	sst s10  }
0x35: {  	s10 =	sld [smem:$0x3FB5];
	_ =	sdelay $0x3  }
0x36: {  	p1 =	seq.s32 s10, $0x1;
	s10 =	sld [smem:$0x3FB6];
	_ =	sdelay $0x3  }
0x37: {  	[smem:$0x3FB6] =	sst s10  }
0x38: {  	s10 =	sld [smem:$0x3FB7]  }
0x39: {  	_ = 	snop;
	(pc) =	sbr.ind lr, $3  }
0x3a: {  	_ = 	snop  }
0x3b: {  	_ = 	snop  }
0x3c: {  	p2 =	seq.s32 s10, $0x1;
	s10 =	sld [smem:$0x3FB6]  }
0x3d: {  	_ =	shalt  }
0x3e: {  	_ =	shalt  }
0x3f: {  	_ =	shalt  }
0x40: {  	_ =	shalt  }
0x41: {  	_ =	shalt  }
0x42: {  	_ =	shalt  }
0x43: {  	_ =	shalt  }
0x44: {  	_ =	shalt  }
0x45: {  	_ =	shalt  }
0x46: {  	_ =	shalt  }
0x47: {  	_ =	shalt  }
0x48: {  	_ =	shalt  }
0x49: {  	_ =	shalt  }
0x4a: {  	_ =	shalt  }
0x4b: {  	_ =	shalt  }
0x4c: {  	_ =	shalt  }
0x4d: {  	_ =	shalt  }
0x4e: {  	_ =	shalt  }
0x4f: {  	_ =	shalt  }
0x50: {  	_ =	shalt  }
0x51: {  	_ =	shalt  }
0x52: {  	_ =	shalt  }
0x53: {  	_ =	shalt  }
0x54: {  	_ =	shalt  }
0x55: {  	_ =	shalt  }
0x56: {  	_ =	shalt  }
0x57: {  	_ =	shalt  }
0x58: {  	_ =	shalt  }
0x59: {  	_ =	shalt  }
0x5a: {  	_ =	shalt  }
0x5b: {  	_ =	shalt  }
0x5c: {  	_ =	shalt  }
0x5d: {  	_ =	shalt  }
0x5e: {  	_ =	shalt  }
0x5f: {  	_ =	shalt  }
0x60: {  	_ =	shalt  }
0x61: {  	_ =	shalt  }
0x62: {  	_ =	shalt  }
0x63: {  	_ =	shalt  }
0x64: {  	_ =	shalt  }
0x65: {  	_ =	shalt  }
0x66: {  	_ =	shalt  }
0x67: {  	_ =	shalt  }
0x68: {  	_ =	shalt  }
0x69: {  	_ =	shalt  }
0x6a: {  	_ =	shalt  }
0x6b: {  	_ =	shalt  }
0x6c: {  	_ =	shalt  }
0x6d: {  	_ =	shalt  }
0x6e: {  	_ =	shalt  }
0x6f: {  	_ =	shalt  }
0x70: {  	_ =	shalt  }
0x71: {  	_ =	shalt  }
0x72: {  	_ =	shalt  }
0x73: {  	_ =	shalt  }
0x74: {  	_ =	shalt  }
0x75: {  	_ =	shalt  }
0x76: {  	_ =	shalt  }
0x77: {  	_ =	shalt  }
0x78: {  	_ =	shalt  }
0x79: {  	_ =	shalt  }
0x7a: {  	_ =	shalt  }
0x7b: {  	_ =	shalt  }
0x7c: {  	_ =	shalt  }
0x7d: {  	_ =	shalt  }
0x7e: {  	_ =	shalt  }
0x7f: {  	_ =	shalt  }
0x80: {  	_ =	shalt  }
0x81: {  	_ =	shalt  }
0x82: {  	_ =	shalt  }
0x83: {  	_ =	shalt  }
0x84: {  	_ =	shalt  }
0x85: {  	_ =	shalt  }
0x86: {  	_ =	shalt  }
0x87: {  	_ =	shalt  }
.Lfunc_end0:
.L_simem_size_0:
called_computation.1_lowered:
.L_overlay_start_0:
0x88: {  	s2 =	sld [smem:$0x3FD9]  }
0x89: {  	s3 =	sld [smem:$0x3FFE];
	_ =	sdelay $0x1  }
0x8a: {  	s1 =	srdreg.scid  }
0x8b: {  	s0 =	sand.u32 $0x1, s1  }
0x8c: {  	s17 =	sshll.u32 s0, $0xA;
	s2 =	sadd.s32 s3, s2  }
0x8d: {  	s2 =	sadd.s32 s2, s17  }
0x8e: {  	[smem:$0x3FC2] =	sst s2  }
0x8f: {  	_ = 	snop  }
0x90: {  	s2 =	sld [smem:$0x3FD0];
	(tm) =	ssettm $0x1  }
0x91: {  	s18 =	sld [smem:$0x3FFB];
	_ =	sdelay $0x3  }
0x92: {  	_ =	strace s18  }
0x93: {  	s3 =	sld [smem:$0x3FFC];
	_ =	sdelay $0x3  }
0x94: {  	_ =	strace s3  }
0x95: {  	s3 =	sld [smem:$0x3FFD];
	_ =	sdelay $0x3  }
0x96: {  	_ =	strace s3  }
0x97: {  	_ =	strace $0x8FFFFFFF  }
0x98: {  	s19 =	sld [smem:$0x3FDB];
	_ =	sdelay $0x1  }
0x99: {  	s4 =	simm.s32 $_scs_section_size  }
0x9a: {  	s5 =	simm.s32 $_size__tile_overlayer_lowered;
	s6 =	simm.s32 $_tile_overlayer_lowered  }
0x9b: {  	s22 =	simm.s32 $0x1BFF;
	s21 =	sshll.u32 s6, $0x1;
	s3 =	sadd.s32 s4, s19  }
0x9c: {  	s7 =	simm.s32 $0x0;
	s20 =	sshll.u32 s5, $0x1;
	s5 =	sadd.s32 s21, s3  }
0x9d: {  	[timem:s7], [sflag:s22] =	dma.local [hbm:s5], s20  }
0x9e: {  	_ =	swait.ge [sflag:s22], s20  }
0x9f: {  	s4 =	ssub.s32 $0x0, s20;
	[sflag:s22] =	ssyncset.done $0x0  }
0xa0: {  	[sflag:s22] =	ssyncadd.s32 s4;
	_ =	sdelay $0x1  }
0xa1: {  	s23 =	simm.s32 $0x1B8B  }
0xa2: {  	_ =	swait.ge [sflag:s23], $0x1  }
0xa3: {  	[sflag:s23] =	ssyncset.done $0x0  }
0xa4: {  	s25 =	simm.s32 $0x1B8E;
	s24 =	sld [smem:$0x3FFE];
	[sflag:s23] =	ssyncadd.s32 $0xFFFFFFFF  }
0xa5: {  	s26 =	simm.s32 $execute0_lowered;
	[smem:$0x3FD2] =	sst s25  }
0xa6: {  	s5 =	sshll.u32 s26, $0x1;
	_ =	strace $0x80000049;
	[dreg:$0x1] =	wrdreg $0xFFFFFFFF  }
0xa7: {  	s28 =	simm.s32 $_size_execute0_lowered;
	s3 =	sadd.s32 s3, s5;
	[dreg:$0x0] =	wrdreg $0x0  }
0xa8: {  	s5 =	sshll.u32 s28, $0x1;
	[dreg:$0x2] =	wrdreg s3  }
0xa9: {  	[dreg:$0x3] =	wrdreg s5  }
0xaa: {  	[dreg:$0x4] =	wrdreg $0xC0  }
0xab: {  	_ =	task [dreg:s7], $0x5FFFF  }
0xac: {  	[dreg:$0x1] =	wrdreg $0xFFFFFFFF  }
0xad: {  	[dreg:$0x0] =	wrdreg $0x60  }
0xae: {  	[dreg:$0x2] =	wrdreg s24  }
0xaf: {  	[dreg:$0x3] =	wrdreg s2  }
0xb0: {  	[dreg:$0x4] =	wrdreg $0x84000  }
0xb1: {  	[dreg:$0x5] =	wrdreg $0x9  }
0xb2: {  	_ =	task.clear_ibuf [dreg:s7], $0x6FFFF;
	_ =	strace $0x90000049  }
0xb3: {  	s29 =	simm.s32 $0x9;
	_ =	strace $0x8000004B  }
0xb4: {  	_ =	swait.ge [sflag:s29], $0x1  }
0xb5: {  	[sflag:s29] =	ssyncadd.s32 $0xFFFFFFFF  }
0xb6: {  	_ =	strace $0x9000004B  }
0xb7: {  	_ =	sfence  }
0xb8: {  	s30 =	sld [smem:$0x0];
	_ =	sdelay $0x2  }
0xb9: {  	s31 =	sshll.u32 s1, $0xD;
	s1 =	sshrl.u32 s1, $0x2  }
0xba: {  	s3 =	sand.u32 $0x4000, s31;
	s1 =	sadd.s32 s1, s30  }
0xbb: {  	s0 =	sor.u32 s3, s0;
	s1 =	sshll.u32 s1, $0x11  }
0xbc: {  	s0 =	sor.u32 s1, s0  }
0xbd: {  	s0 =	sadd.s32 $0x8F2B, s0  }
0xbe: {  	[sflag:s0] =	ssyncadd.remote.s32 $0x1  }
0xbf: {  	_ =	sfence.sel $0xFFFF  }
0xc0: {  	[dreg:$0x0] =	wrdreg $0xFFFFFFFF;
	(pc) =	sbr.abs _section_cstart, $3  }
0xc1: {  	[dreg:$0x1] =	wrdreg $0xFFFFFFFF  }
0xc2: {  	_ =	task.clear_ibuf [dreg:s7], $0x2FFFF;
	_ =	strace $0x9FFFFFFF  }
0xc3: {  	(tm) =	ssettm $0x7FFFFFFF  }
tec
execute0_lowered:
.L_overlay_start_1:
0x0: {  	(tag) =	ssettag $0x1  }
0x1: {  	s0 =	rddreg [dreg:$0x0]  }
0x2: {  	s2 =	rddreg [dreg:$0x1]  }
0x3: {  	s1 =	rddreg [dreg:$0x2]  }
0x4: {  	s3 =	simm.s32 $0x0;
	s15 =	stileid.u32;
	s5 =	srdreg.scid  }
0x5: {  	s18 =	simm.s32 $0x9;
	s19 =	simm.s32 $0x200;
	s20 =	simm.s32 $0x80  }
0x6: {  	s28 =	simm.s32 $0x1;
	s29 =	simm.s32 $0x400;
	s30 =	simm.s32 $0x2  }
0x7: {  	s31 =	simm.s32 $0x4400;
	[smem:$0x7FF] =	sst s3;
	s9 =	smul.u32 $0x14000, s15  }
0x8: {  	s4 =	sadd.s32 $0x17000, s0;
	s8 =	sadd.s32 $0xD000, s0;
	s7 =	smul.u32 $0x50000, s15  }
0x9: {  	s5 =	sand.u32 $0x1, s5;
	s6 =	sadd.s32 $0x2200, s0;
	s12 =	smul.u32 $0xA00, s15  }
0xa: {  	_ =	strace $0x8000004A;
	[dreg:$0x4] =	wrdreg s6;
	s21 =	ssub.s32 $0x2, s5  }
0xb: {  	p0 =	sne.s32 s5, $0x0;
	s5 =	simm.s32 $0x3;
	s10 =	sshrl.u32 s9, $0x3  }
0xc: {  	s11 =	sshrl.u32 s21, $0x1;
	s23 =	sshrl.u32 s7, $0x2;
	s6 =	sadd.s32 s8, s12  }
0xd: {  	s13 =	sor.u32 $0x10, s12;
	s7 =	sadd.s32 s2, s12;
	s25 =	sor.u32 $0x20, s12  }
0xe: {  	s12 =	sor.u32 $0x30, s12;
	s17 =	sadd.s32 s9, s1;
	s9 =	simm.s32 $0x8  }
0xf: {  	s0 =	sadd.s32 s10, s0;
	s22 =	ssub.s32 s21, s11;
	s14 =	sadd.s32 s8, s13  }
0x10: {  	s24 =	sadd.s32 s23, s1;
	s13 =	sadd.s32 s2, s13;
	[dreg:$0x5] =	wrdreg s14  }
0x11: {  	s26 =	sadd.s32 s8, s25;
	s16 =	sadd.s32 s2, s25;
	[dreg:$0x6] =	wrdreg s13  }
0x12: {  	s8 =	sadd.s32 s8, s12;
	s2 =	sadd.s32 s2, s12;
	[dreg:$0x7] =	wrdreg s26  }
0x13: {  	s25 =	sshll.u32 s15, $0x6;
	s21 =	simm.s32 $0x280;
	[dreg:$0x8] =	wrdreg s16  }
0x14: {  	s23 =	simm.s32 $0x300;
	s10 =	simm.s32 $0x4;
	[dreg:$0x9] =	wrdreg s8  }
0x15: {  	s11 =	simm.s32 $0x0;
	[dreg:$0xa] =	wrdreg s2;
	s0 =	sadd.s32 $0x3F000, s0  }
.Ltmp0:
0x16: {  	s16 =	smax.u32 s22, $0x1;
	s13 =	sor.u32 $0x1C09, s25;
	(pc) =	sbr.rel .LBB2_1-.Ltmp0, $4  }
0x17: {  	s26 =	sshrl.u32 s24, $0x3;
	s22 =	simm.s32 $0x100;
	[dreg:$0xb] =	wrdreg s0  }
0x18: {  	s24 =	simm.s32 $0x180;
	s2 =	simm.s32 $0x7;
	[dreg:$0xd] =	wrdreg s26  }
0x19: {  	s8 =	simm.s32 $0x6;
	s0 =	sshrl.u32 s17, $0x3;
	[dreg:$0xc] =	wrdreg s16  }
0x1a: {  	s26 =	simm.s32 $0x380;
	[dreg:$0xe] =	wrdreg s0;
	s0 =	simm.s32 $0x5  }
.LBB2_6:
0x1b: {  	_ =	swait.ge [sflag:s8], $0x4000  }
0x1c: {  	[sflag:s8] =	ssyncset.done $0x0  }
0x1d: {  	[sflag:s8] =	ssyncadd.s32 $0xFFFFC000  }
0x1e: {  	[spmem:s1] =	stream.indirect.scatter.add.f32 [tilespmem:s31], [sflag:$0x8], $0x80, s26, s20, $0xb8;
	[tilespmem:$0x1C400] =	vst v63  }
0x1f: {  	_ =	swait.ge [sflag:s9], $0x4000  }
0x20: {  	[sflag:s9] =	ssyncset.done $0x0  }
0x21: {  	[sflag:s9] =	ssyncadd.s32 $0xFFFFC000  }
0x22: {  	[bflag:$0x0] =	sbarrier.arrive $0xFFFF  }
0x23: {  	s12 =	rddreg [dreg:$0xb]  }
0x24: {  	s14 =	rddreg [dreg:$0xe]  }
0x25: {  	[hbm:s12], [sflag:s16] =	dma.local [spmem:s14], $0x2800  }
0x26: {  	_ =	swait.ge [sflag:s18], $0x2800  }
0x27: {  	[sflag:s18] =	ssyncset.done $0x0  }
0x28: {  	s13 =	smov.u32 s16;
	s16 =	rddreg [dreg:$0xc];
	[sflag:s18] =	ssyncadd.s32 $0xFFFFD800  }
.LBB2_7:
0x29: {  	s11 =	sadd.s32 $0x1, s11  }
0x2a: {  	p1 =	sne.s32 s11, s16  }
.Ltmp1:
0x2b: {  	_ = 	snop;
	(pc) =	sbr.rel @!p1 .LBB2_8-.Ltmp1, $1  }
0x2c: {  	_ =	sdelay $0x3  }
.LBB2_1:
.Ltmp2:
0x2d: {  	(pc) =	sbr.rel @p0 .LBB2_5-.Ltmp2, $1  }
0x2e: {  	_ =	sdelay $0x3  }
0x2f: {  	s12 =	rddreg [dreg:$0x4]  }
0x30: {  	s14 =	rddreg [dreg:$0xd]  }
0x31: {  	[spmem:s14], [sflag:s13] =	dma.local [hbm:s12], $0x2800  }
0x32: {  	_ =	swait.ge [sflag:s18], $0x2800  }
0x33: {  	[sflag:s18] =	ssyncset.done $0x0  }
0x34: {  	[sflag:s18] =	ssyncadd.s32 $0xFFFFD800  }
0x35: {  	s12 =	simm.s32 $0x0;
	[bflag:$0x0] =	sbarrier.arrive $0xFFFF  }
0x36: {  	[tilespmem:s12], [sflag:$0x1] =	stream.linear.gather [hbm4b:s6+s12], $0x80, $0x38;
	[tilespmem:$0x1C400] =	vst v63  }
0x37: {  	_ = 	snop  }
0x38: {  	[tilespmem:s19], [sflag:$0x1] =	stream.linear.gather [hbm4b:s7+s12], $0x80, $0x38;
	[tilespmem:$0x1C400] =	vst v63  }
0x39: {  	s17 =	rddreg [dreg:$0x5]  }
0x3a: {  	[tilespmem:s20], [sflag:$0x2] =	stream.linear.gather [hbm4b:s17+s12], $0x80, $0x38;
	[tilespmem:$0x1C400] =	vst v63  }
0x3b: {  	s25 =	rddreg [dreg:$0x6]  }
0x3c: {  	[tilespmem:s21], [sflag:$0x2] =	stream.linear.gather [hbm4b:s25+s12], $0x80, $0x38;
	[tilespmem:$0x1C400] =	vst v63  }
0x3d: {  	s14 =	rddreg [dreg:$0x7]  }
0x3e: {  	[tilespmem:s22], [sflag:$0x3] =	stream.linear.gather [hbm4b:s14+s12], $0x80, $0x38;
	[tilespmem:$0x1C400] =	vst v63  }
0x3f: {  	s15 =	rddreg [dreg:$0x8]  }
0x40: {  	[tilespmem:s23], [sflag:$0x3] =	stream.linear.gather [hbm4b:s15+s12], $0x80, $0x38;
	[tilespmem:$0x1C400] =	vst v63  }
0x41: {  	s17 =	rddreg [dreg:$0x9]  }
0x42: {  	[tilespmem:s24], [sflag:$0x4] =	stream.linear.gather [hbm4b:s17+s12], $0x80, $0x38;
	[tilespmem:$0x1C400] =	vst v63  }
0x43: {  	s25 =	rddreg [dreg:$0xa]  }
0x44: {  	[tilespmem:s26], [sflag:$0x4] =	stream.linear.gather [hbm4b:s25+s12], $0x80, $0x38;
	[tilespmem:$0x1C400] =	vst v63  }
0x45: {  	_ =	swait.ge [sflag:s28], $0x80  }
0x46: {  	[sflag:s28] =	ssyncset.done $0x0  }
0x47: {  	[sflag:s28] =	ssyncadd.s32 $0xFFFFFF80  }
0x48: {  	_ =	swait.ge [sflag:s28], $0x80  }
0x49: {  	[sflag:s28] =	ssyncset.done $0x0  }
0x4a: {  	[sflag:s28] =	ssyncadd.s32 $0xFFFFFF80  }
0x4b: {  	[tilespmem:s29], [sflag:$0x5] =	stream.indirect.gather [hbm4b:s4+s20], $0x80, s12, s20, $0xb8;
	[tilespmem:$0x1C400] =	vst v63  }
0x4c: {  	_ =	swait.ge [sflag:s30], $0x80  }
0x4d: {  	[sflag:s30] =	ssyncset.done $0x0  }
0x4e: {  	[sflag:s30] =	ssyncadd.s32 $0xFFFFFF80  }
0x4f: {  	_ =	swait.ge [sflag:s30], $0x80  }
0x50: {  	[sflag:s30] =	ssyncset.done $0x0  }
0x51: {  	s16 =	smov.u32 s13;
	[sflag:s30] =	ssyncadd.s32 $0xFFFFFF80  }
0x52: {  	[tilespmem:s31], [sflag:$0x6] =	stream.indirect.gather [hbm4b:s4+s20], $0x80, s20, s20, $0xb8;
	[tilespmem:$0x1C400] =	vst v63  }
.LBB2_3:
0x53: {  	_ =	swait.ge [sflag:s0], $0x4000  }
0x54: {  	[sflag:s0] =	ssyncset.done $0x0  }
0x55: {  	[sflag:s0] =	ssyncadd.s32 $0xFFFFC000  }
0x56: {  	[spmem:s1] =	stream.indirect.scatter.add.f32 [tilespmem:s29], [sflag:$0x7], $0x80, s19, s20, $0xb8;
	[tilespmem:$0x1C400] =	vst v63  }
0x57: {  	p1 =	seq.s32 s12, $0x9C0;
	_ =	swait.ge [sflag:s2], $0x4000  }
0x58: {  	s13 =	sadd.s32 @!p1 s12, s6;
	[sflag:s2] =	ssyncset.done $0x0  }
0x59: {  	s17 =	simm.s32 @!p1 $0x0;
	s14 =	sadd.s32 @!p1 $0x40, s13;
	[sflag:s2] =	ssyncadd.s32 $0xFFFFC000  }
0x5a: {  	[tilespmem:s17], [sflag:$0x1] =	stream.linear.gather @!p1 [hbm4b:s14+s17], $0x80, $0x38;
	[tilespmem:$0x1C400] =	vst v63  }
0x5b: {  	s14 =	sadd.s32 @!p1 s12, s7  }
0x5c: {  	s15 =	simm.s32 @!p1 $0x200;
	s25 =	sadd.s32 @!p1 $0x40, s14  }
0x5d: {  	[tilespmem:s15], [sflag:$0x1] =	stream.linear.gather @!p1 [hbm4b:s25+s17], $0x80, $0x38;
	[tilespmem:$0x1C400] =	vst v63  }
0x5e: {  	_ =	swait.ge [sflag:s5], $0x80  }
0x5f: {  	[sflag:s5] =	ssyncset.done $0x0  }
0x60: {  	[sflag:s5] =	ssyncadd.s32 $0xFFFFFF80  }
0x61: {  	_ =	swait.ge [sflag:s5], $0x80  }
0x62: {  	[sflag:s5] =	ssyncset.done $0x0  }
0x63: {  	[sflag:s5] =	ssyncadd.s32 $0xFFFFFF80  }
0x64: {  	[tilespmem:s29], [sflag:$0x5] =	stream.indirect.gather [hbm4b:s4+s20], $0x80, s22, s20, $0xb8;
	[tilespmem:$0x1C400] =	vst v63  }
0x65: {  	_ =	swait.ge [sflag:s8], $0x4000  }
0x66: {  	[sflag:s8] =	ssyncset.done $0x0  }
0x67: {  	[sflag:s8] =	ssyncadd.s32 $0xFFFFC000  }
0x68: {  	[spmem:s1] =	stream.indirect.scatter.add.f32 [tilespmem:s31], [sflag:$0x8], $0x80, s21, s20, $0xb8;
	[tilespmem:$0x1C400] =	vst v63  }
0x69: {  	_ =	swait.ge [sflag:s9], $0x4000  }
0x6a: {  	[sflag:s9] =	ssyncset.done $0x0  }
0x6b: {  	s13 =	sadd.s32 @!p1 $0x50, s13;
	s15 =	simm.s32 @!p1 $0x80;
	[sflag:s9] =	ssyncadd.s32 $0xFFFFC000  }
0x6c: {  	[tilespmem:s15], [sflag:$0x2] =	stream.linear.gather @!p1 [hbm4b:s13+s17], $0x80, $0x38;
	[tilespmem:$0x1C400] =	vst v63  }
0x6d: {  	s13 =	sadd.s32 @!p1 $0x50, s14;
	s14 =	simm.s32 @!p1 $0x280  }
0x6e: {  	[tilespmem:s14], [sflag:$0x2] =	stream.linear.gather @!p1 [hbm4b:s13+s17], $0x80, $0x38;
	[tilespmem:$0x1C400] =	vst v63  }
0x6f: {  	_ =	swait.ge [sflag:s10], $0x80  }
0x70: {  	[sflag:s10] =	ssyncset.done $0x0  }
0x71: {  	[sflag:s10] =	ssyncadd.s32 $0xFFFFFF80  }
0x72: {  	_ =	swait.ge [sflag:s10], $0x80  }
0x73: {  	[sflag:s10] =	ssyncset.done $0x0  }
0x74: {  	[sflag:s10] =	ssyncadd.s32 $0xFFFFFF80  }
0x75: {  	[tilespmem:s31], [sflag:$0x6] =	stream.indirect.gather [hbm4b:s4+s20], $0x80, s24, s20, $0xb8;
	[tilespmem:$0x1C400] =	vst v63  }
0x76: {  	_ =	swait.ge [sflag:s0], $0x4000  }
0x77: {  	[sflag:s0] =	ssyncset.done $0x0  }
.Ltmp3:
0x78: {  	[sflag:s0] =	ssyncadd.s32 $0xFFFFC000;
	(pc) =	sbr.rel @p1 .LBB2_6-.Ltmp3, $4  }
0x79: {  	[spmem:s1] =	stream.indirect.scatter.add.f32 [tilespmem:s29], [sflag:$0x7], $0x80, s23, s20, $0xb8;
	[tilespmem:$0x1C400] =	vst v63  }
0x7a: {  	_ =	swait.ge [sflag:s2], $0x4000  }
0x7b: {  	[sflag:s2] =	ssyncset.done $0x0  }
0x7c: {  	[sflag:s2] =	ssyncadd.s32 $0xFFFFC000  }
0x7d: {  	s13 =	sadd.s32 s12, s6  }
0x7e: {  	s17 =	sadd.s32 s12, s7;
	s14 =	sadd.s32 $0x60, s13  }
0x7f: {  	[tilespmem:s22], [sflag:$0x3] =	stream.linear.gather [hbm4b:s14+s3], $0x80, $0x38;
	[tilespmem:$0x1C400] =	vst v63  }
0x80: {  	s15 =	sadd.s32 $0x60, s17  }
0x81: {  	[tilespmem:s23], [sflag:$0x3] =	stream.linear.gather [hbm4b:s15+s3], $0x80, $0x38;
	[tilespmem:$0x1C400] =	vst v63  }
0x82: {  	_ =	swait.ge [sflag:s28], $0x80  }
0x83: {  	[sflag:s28] =	ssyncset.done $0x0  }
0x84: {  	[sflag:s28] =	ssyncadd.s32 $0xFFFFFF80  }
0x85: {  	_ =	swait.ge [sflag:s28], $0x80  }
0x86: {  	[sflag:s28] =	ssyncset.done $0x0  }
0x87: {  	[sflag:s28] =	ssyncadd.s32 $0xFFFFFF80  }
0x88: {  	[tilespmem:s29], [sflag:$0x5] =	stream.indirect.gather [hbm4b:s4+s20], $0x80, s3, s20, $0xb8;
	[tilespmem:$0x1C400] =	vst v63  }
0x89: {  	_ =	swait.ge [sflag:s8], $0x4000  }
0x8a: {  	[sflag:s8] =	ssyncset.done $0x0  }
0x8b: {  	[sflag:s8] =	ssyncadd.s32 $0xFFFFC000  }
0x8c: {  	[spmem:s1] =	stream.indirect.scatter.add.f32 [tilespmem:s31], [sflag:$0x8], $0x80, s26, s20, $0xb8;
	[tilespmem:$0x1C400] =	vst v63  }
0x8d: {  	_ =	swait.ge [sflag:s9], $0x4000  }
0x8e: {  	[sflag:s9] =	ssyncset.done $0x0  }
0x8f: {  	s13 =	sadd.s32 $0x70, s13;
	[sflag:s9] =	ssyncadd.s32 $0xFFFFC000  }
0x90: {  	[tilespmem:s24], [sflag:$0x4] =	stream.linear.gather [hbm4b:s13+s3], $0x80, $0x38;
	[tilespmem:$0x1C400] =	vst v63  }
0x91: {  	s25 =	sadd.s32 $0x70, s17  }
0x92: {  	[tilespmem:s26], [sflag:$0x4] =	stream.linear.gather [hbm4b:s25+s3], $0x80, $0x38;
	[tilespmem:$0x1C400] =	vst v63  }
0x93: {  	_ =	swait.ge [sflag:s30], $0x80  }
0x94: {  	[sflag:s30] =	ssyncset.done $0x0  }
.Ltmp4:
0x95: {  	[sflag:s30] =	ssyncadd.s32 $0xFFFFFF80;
	(pc) =	sbr.rel .LBB2_3-.Ltmp4, $4  }
0x96: {  	_ =	swait.ge [sflag:s30], $0x80  }
0x97: {  	[sflag:s30] =	ssyncset.done $0x0  }
0x98: {  	s12 =	sadd.s32 $0x40, s12;
	[sflag:s30] =	ssyncadd.s32 $0xFFFFFF80  }
0x99: {  	[tilespmem:s31], [sflag:$0x6] =	stream.indirect.gather [hbm4b:s4+s20], $0x80, s20, s20, $0xb8;
	[tilespmem:$0x1C400] =	vst v63  }
.LBB2_5:
.Ltmp5:
0x9a: {  	(pc) =	sbr.rel .LBB2_7-.Ltmp5, $3  }
0x9b: {  	_ = 	snop  }
0x9c: {  	[bflag:$0x0] =	sbarrier.arrive $0xFFFF  }
0x9d: {  	[bflag:$0x0] =	sbarrier.arrive $0xFFFF;
	_ =	sdelay $0x1  }
.LBB2_8:
0x9e: {  	_ =	sfence.sel $0x180000  }
0x9f: {  	[bflag:$0x0] =	sbarrier.arrive $0xFFFF  }
0xa0: {  	_ =	strace $0x9000004A  }
0xa1: {  	s0 =	stileid.u32;
	[bflag:$0x2] =	sbarrier.arrive $0xFFFF  }
0xa2: {  	p0 =	sne.s32 s0, $0x0;
	s0 =	rddreg [dreg:$0x3]  }
0xa3: {  	s0 =	sadd.s32 @!p0 $0x100000, s0  }
0xa4: {  	[sflag:s0] =	ssyncadd.tile.s32 @!p0 $0x1;
	_ =	shalt  }
.Lfunc_end2:
_tile_overlayer_lowered:
.L_overlay_start_2:
0xa5: {  	(tag) =	ssettag $0x2  }
0xa6: {  	s0 =	rddreg [dreg:$0x0];
	s2 =	stileid.u32  }
0xa7: {  	s1 =	rddreg [dreg:$0x1];
	p0 =	sne.s32 s2, $0x0  }
0xa8: {  	s3 =	rddreg [dreg:$0x2];
	[bflag:$0x3] =	sbarrier.arrive $0xFFFF;
	s2 =	simm.s32 @!p0 $0x1C09  }
0xa9: {  	[timem:s3], [sflag:s2] =	dma.local @!p0 [hbm:s0], s1  }
0xaa: {  	s0 =	simm.s32 @!p0 $0x9  }
0xab: {  	_ =	swait.ge @!p0 [sflag:s0], s1  }
0xac: {  	s1 =	ssub.s32 @!p0 $0x0, s1;
	[sflag:s0] =	ssyncset.done @!p0 $0x0  }
0xad: {  	[sflag:s0] =	ssyncadd.s32 @!p0 s1  }
0xae: {  	[bflag:$0x3] =	sbarrier.arrive $0xFFFF  }
0xaf: {  	_ =	shalt  }

// kernel: kernel.14.cloned.1.call-start
scs
__scs_entry_jumppad:
0x0: {  	(pc) =	sbr.rel $0x88, $3  }
0x1: {  	(tag) =	ssettag $0x0;
	lr =	simm.s32 $0x1  }
0x2: {  	[smem:$0x3F9B] =	sst lr;
	_ =	strace $0xD0000000  }
0x3: {  	_ = 	snop  }
0x4: {  	_ = 	snop  }
0x5: {  	_ = 	snop  }
0x6: {  	_ = 	snop  }
0x7: {  	_ = 	snop  }
__scs_overlays_trampoline_lowered:
0x8: {  	[smem:$0x3FAA] =	sst s0  }
0x9: {  	[smem:$0x3FAB] =	sst s1  }
0xa: {  	[smem:$0x3FAC] =	sst s2  }
0xb: {  	[smem:$0x3FAD] =	sst s3  }
0xc: {  	[smem:$0x3FAE] =	sst s4  }
0xd: {  	[smem:$0x3FAF] =	sst s5  }
0xe: {  	[smem:$0x3FB0] =	sst s6  }
0xf: {  	[smem:$0x3FB1] =	sst s7  }
0x10: {  	[smem:$0x3FB2] =	sst s8  }
0x11: {  	[smem:$0x3FB3] =	sst s9;
	s0 =	simm.s32 @!p0 $0x0  }
0x12: {  	s1 =	sld [smem:$0x3F99];
	s0 =	simm.s32 @p0 $0x1  }
0x13: {  	[smem:$0x3FB4] =	sst s0;
	s0 =	simm.s32 @!p1 $0x0  }
0x14: {  	s2 =	sld [smem:$0x3F98];
	s0 =	simm.s32 @p1 $0x1  }
0x15: {  	[smem:$0x3FB5] =	sst s0;
	s0 =	simm.s32 @!p2 $0x0  }
0x16: {  	s3 =	sld [smem:$0x3FDB];
	s0 =	simm.s32 @p2 $0x1  }
0x17: {  	s4 =	simm.s32 $0x1BF5;
	[smem:$0x3FB7] =	sst s0  }
0x18: {  	s0 =	sld [smem:$0x3F9A];
	_ =	swait.ge [sflag:s4], $0x0  }
0x19: {  	s7 =	sld [smem:$0x3F9B]  }
0x1a: {  	s8 =	sadd.s32 $0xFFFFE003, lr  }
0x1b: {  	s9 =	sadd.s32 $0xFFFFFEF7, lr;
	s5 =	simm.s32 $0xFFFFFFFF;
	p2 =	slt.u32 s8, $0xFFFFF086  }
0x1c: {  	p1 =	slt.u32 s9, $0xF7A;
	s5 =	simm.s32 @!p2 $0x0  }
0x1d: {  	s5 =	simm.s32 @p1 $0x1;
	p0 =	seq.s32 s7, s2  }
0x1e: {  	s7 =	smul.u32 @!p0 $0xF7A, s2;
	p2 =	seq.s32 @!p0 s5, $0x0  }
0x1f: {  	s9 =	smul.u32 $0xF7A, s1;
	s8 =	simm.s32 @!p0 $0x1BF5;
	p2 =	por !p2, p0  }
0x20: {  	[sflag:s8] =	ssyncset.s32 @!p0 $0xFFFFF086;
	s6 =	sadd.s32 @!p0 s3, s7;
	s7 =	simm.s32 @!p0 $0x108  }
0x21: {  	s3 =	sadd.s32 s3, s9;
	s6 =	sadd.s32 @!p0 $0x88, s6;
	s7 =	simm.s32 @p2 $0x1082  }
0x22: {  	[simem:s7], [sflag:s8] =	dma.local @!p0 [hbm:s6], $0xF7A  }
0x23: {  	s9 =	sor.u32 $0xD0000000, s2;
	s6 =	simm.s32 $0x108;
	_ =	swait.ge @!p0 [sflag:s8], $0x0  }
0x24: {  	s3 =	sadd.s32 $0x88, s3;
	s6 =	simm.s32 @!p1 $0x1082;
	[sflag:s4] =	ssyncset.s32 $0xFFFFF086  }
0x25: {  	[simem:s6], [sflag:s4] =	dma.local [hbm:s3], $0xF7A  }
0x26: {  	[smem:$0x3F9B] =	sst s1;
	(tag) =	ssettag s2;
	_ =	strace s9  }
0x27: {  	s1 =	sld [smem:$0x3FAB]  }
0x28: {  	s2 =	sld [smem:$0x3FAC]  }
0x29: {  	s4 =	sld [smem:$0x3FAE]  }
0x2a: {  	p0 =	seq.s32 s5, $0x0;
	s5 =	sld [smem:$0x3FAF]  }
0x2b: {  	s6 =	sld [smem:$0x3FB0]  }
0x2c: {  	s7 =	sld [smem:$0x3FB1]  }
0x2d: {  	s3 =	simm.s32 $0x108;
	s8 =	sld [smem:$0x3FB2]  }
0x2e: {  	s3 =	simm.s32 @!p0 $0x1082;
	s9 =	sld [smem:$0x3FB3]  }
0x2f: {  	lr =	sadd.s32 s0, s3;
	s0 =	sld [smem:$0x3FAA]  }
0x30: {  	s3 =	sld [smem:$0x3FAD]  }
0x31: {  	[smem:$0x3FB6] =	sst s10  }
0x32: {  	s10 =	sld [smem:$0x3FB4];
	_ =	sdelay $0x3  }
0x33: {  	p0 =	seq.s32 s10, $0x1;
	s10 =	sld [smem:$0x3FB6];
	_ =	sdelay $0x3  }
0x34: {  	[smem:$0x3FB6] =	sst s10  }
0x35: {  	s10 =	sld [smem:$0x3FB5];
	_ =	sdelay $0x3  }
0x36: {  	p1 =	seq.s32 s10, $0x1;
	s10 =	sld [smem:$0x3FB6];
	_ =	sdelay $0x3  }
0x37: {  	[smem:$0x3FB6] =	sst s10  }
0x38: {  	s10 =	sld [smem:$0x3FB7]  }
0x39: {  	_ = 	snop;
	(pc) =	sbr.ind lr, $3  }
0x3a: {  	_ = 	snop  }
0x3b: {  	_ = 	snop  }
0x3c: {  	p2 =	seq.s32 s10, $0x1;
	s10 =	sld [smem:$0x3FB6]  }
0x3d: {  	_ =	shalt  }
0x3e: {  	_ =	shalt  }
0x3f: {  	_ =	shalt  }
0x40: {  	_ =	shalt  }
0x41: {  	_ =	shalt  }
0x42: {  	_ =	shalt  }
0x43: {  	_ =	shalt  }
0x44: {  	_ =	shalt  }
0x45: {  	_ =	shalt  }
0x46: {  	_ =	shalt  }
0x47: {  	_ =	shalt  }
0x48: {  	_ =	shalt  }
0x49: {  	_ =	shalt  }
0x4a: {  	_ =	shalt  }
0x4b: {  	_ =	shalt  }
0x4c: {  	_ =	shalt  }
0x4d: {  	_ =	shalt  }
0x4e: {  	_ =	shalt  }
0x4f: {  	_ =	shalt  }
0x50: {  	_ =	shalt  }
0x51: {  	_ =	shalt  }
0x52: {  	_ =	shalt  }
0x53: {  	_ =	shalt  }
0x54: {  	_ =	shalt  }
0x55: {  	_ =	shalt  }
0x56: {  	_ =	shalt  }
0x57: {  	_ =	shalt  }
0x58: {  	_ =	shalt  }
0x59: {  	_ =	shalt  }
0x5a: {  	_ =	shalt  }
0x5b: {  	_ =	shalt  }
0x5c: {  	_ =	shalt  }
0x5d: {  	_ =	shalt  }
0x5e: {  	_ =	shalt  }
0x5f: {  	_ =	shalt  }
0x60: {  	_ =	shalt  }
0x61: {  	_ =	shalt  }
0x62: {  	_ =	shalt  }
0x63: {  	_ =	shalt  }
0x64: {  	_ =	shalt  }
0x65: {  	_ =	shalt  }
0x66: {  	_ =	shalt  }
0x67: {  	_ =	shalt  }
0x68: {  	_ =	shalt  }
0x69: {  	_ =	shalt  }
0x6a: {  	_ =	shalt  }
0x6b: {  	_ =	shalt  }
0x6c: {  	_ =	shalt  }
0x6d: {  	_ =	shalt  }
0x6e: {  	_ =	shalt  }
0x6f: {  	_ =	shalt  }
0x70: {  	_ =	shalt  }
0x71: {  	_ =	shalt  }
0x72: {  	_ =	shalt  }
0x73: {  	_ =	shalt  }
0x74: {  	_ =	shalt  }
0x75: {  	_ =	shalt  }
0x76: {  	_ =	shalt  }
0x77: {  	_ =	shalt  }
0x78: {  	_ =	shalt  }
0x79: {  	_ =	shalt  }
0x7a: {  	_ =	shalt  }
0x7b: {  	_ =	shalt  }
0x7c: {  	_ =	shalt  }
0x7d: {  	_ =	shalt  }
0x7e: {  	_ =	shalt  }
0x7f: {  	_ =	shalt  }
0x80: {  	_ =	shalt  }
0x81: {  	_ =	shalt  }
0x82: {  	_ =	shalt  }
0x83: {  	_ =	shalt  }
0x84: {  	_ =	shalt  }
0x85: {  	_ =	shalt  }
0x86: {  	_ =	shalt  }
0x87: {  	_ =	shalt  }
.Lfunc_end0:
.L_simem_size_0:
called_computation.2_lowered:
.L_overlay_start_0:
0x88: {  	s2 =	sld [smem:$0x3FD9]  }
0x89: {  	s3 =	sld [smem:$0x3FFE];
	_ =	sdelay $0x1  }
0x8a: {  	s1 =	srdreg.scid  }
0x8b: {  	s0 =	sand.u32 $0x1, s1  }
0x8c: {  	s17 =	sshll.u32 s0, $0xA;
	s2 =	sadd.s32 s3, s2  }
0x8d: {  	s2 =	sadd.s32 s2, s17  }
0x8e: {  	[smem:$0x3FC2] =	sst s2  }
0x8f: {  	_ = 	snop  }
0x90: {  	s2 =	sld [smem:$0x3FD0];
	(tm) =	ssettm $0x1  }
0x91: {  	s18 =	sld [smem:$0x3FFB];
	_ =	sdelay $0x3  }
0x92: {  	_ =	strace s18  }
0x93: {  	s3 =	sld [smem:$0x3FFC];
	_ =	sdelay $0x3  }
0x94: {  	_ =	strace s3  }
0x95: {  	s3 =	sld [smem:$0x3FFD];
	_ =	sdelay $0x3  }
0x96: {  	_ =	strace s3  }
0x97: {  	_ =	strace $0x8FFFFFFF  }
0x98: {  	s19 =	sld [smem:$0x3FDB];
	_ =	sdelay $0x1  }
0x99: {  	s4 =	simm.s32 $_scs_section_size  }
0x9a: {  	s5 =	simm.s32 $_size__tile_overlayer_lowered;
	s6 =	simm.s32 $_tile_overlayer_lowered  }
0x9b: {  	s22 =	simm.s32 $0x1BFF;
	s21 =	sshll.u32 s6, $0x1;
	s3 =	sadd.s32 s4, s19  }
0x9c: {  	s7 =	simm.s32 $0x0;
	s20 =	sshll.u32 s5, $0x1;
	s5 =	sadd.s32 s21, s3  }
0x9d: {  	[timem:s7], [sflag:s22] =	dma.local [hbm:s5], s20  }
0x9e: {  	_ =	swait.ge [sflag:s22], s20  }
0x9f: {  	s4 =	ssub.s32 $0x0, s20;
	[sflag:s22] =	ssyncset.done $0x0  }
0xa0: {  	[sflag:s22] =	ssyncadd.s32 s4;
	_ =	sdelay $0x1  }
0xa1: {  	s23 =	simm.s32 $0x1B8B  }
0xa2: {  	_ =	swait.ge [sflag:s23], $0x1  }
0xa3: {  	[sflag:s23] =	ssyncset.done $0x0  }
0xa4: {  	s25 =	simm.s32 $0x1B8E;
	s24 =	sld [smem:$0x3FFE];
	[sflag:s23] =	ssyncadd.s32 $0xFFFFFFFF  }
0xa5: {  	s26 =	simm.s32 $execute0_lowered;
	[smem:$0x3FD2] =	sst s25  }
0xa6: {  	s5 =	sshll.u32 s26, $0x1;
	_ =	strace $0x8000004C;
	[dreg:$0x1] =	wrdreg $0xFFFFFFFF  }
0xa7: {  	s28 =	simm.s32 $_size_execute0_lowered;
	s3 =	sadd.s32 s3, s5;
	[dreg:$0x0] =	wrdreg $0x0  }
0xa8: {  	s5 =	sshll.u32 s28, $0x1;
	[dreg:$0x2] =	wrdreg s3  }
0xa9: {  	[dreg:$0x3] =	wrdreg s5  }
0xaa: {  	[dreg:$0x4] =	wrdreg $0xC0  }
0xab: {  	_ =	task [dreg:s7], $0x5FFFF  }
0xac: {  	[dreg:$0x1] =	wrdreg $0xFFFFFFFF  }
0xad: {  	[dreg:$0x0] =	wrdreg $0x60  }
0xae: {  	[dreg:$0x2] =	wrdreg s24  }
0xaf: {  	[dreg:$0x3] =	wrdreg s2  }
0xb0: {  	[dreg:$0x4] =	wrdreg $0x88000  }
0xb1: {  	[dreg:$0x5] =	wrdreg $0x9  }
0xb2: {  	_ =	task.clear_ibuf [dreg:s7], $0x6FFFF;
	_ =	strace $0x9000004C  }
0xb3: {  	s29 =	simm.s32 $0x9;
	_ =	strace $0x8000004E  }
0xb4: {  	_ =	swait.ge [sflag:s29], $0x1  }
0xb5: {  	[sflag:s29] =	ssyncadd.s32 $0xFFFFFFFF  }
0xb6: {  	_ =	strace $0x9000004E  }
0xb7: {  	_ =	sfence  }
0xb8: {  	s30 =	sld [smem:$0x0];
	_ =	sdelay $0x2  }
0xb9: {  	s31 =	sshll.u32 s1, $0xD;
	s1 =	sshrl.u32 s1, $0x2  }
0xba: {  	s3 =	sand.u32 $0x4000, s31;
	s1 =	sadd.s32 s1, s30  }
0xbb: {  	s0 =	sor.u32 s3, s0;
	s1 =	sshll.u32 s1, $0x11  }
0xbc: {  	s0 =	sor.u32 s1, s0  }
0xbd: {  	s0 =	sadd.s32 $0x8F2B, s0  }
0xbe: {  	[sflag:s0] =	ssyncadd.remote.s32 $0x1  }
0xbf: {  	_ =	sfence.sel $0xFFFF  }
0xc0: {  	[dreg:$0x0] =	wrdreg $0xFFFFFFFF;
	(pc) =	sbr.abs _section_cstart, $3  }
0xc1: {  	[dreg:$0x1] =	wrdreg $0xFFFFFFFF  }
0xc2: {  	_ =	task.clear_ibuf [dreg:s7], $0x2FFFF;
	_ =	strace $0x9FFFFFFF  }
0xc3: {  	(tm) =	ssettm $0x7FFFFFFF  }
tec
execute0_lowered:
.L_overlay_start_1:
0x0: {  	(tag) =	ssettag $0x1  }
0x1: {  	s0 =	rddreg [dreg:$0x0]  }
0x2: {  	s1 =	rddreg [dreg:$0x1]  }
0x3: {  	s2 =	rddreg [dreg:$0x2];
	s4 =	srdreg.scid;
	s3 =	simm.s32 $0x0  }
0x4: {  	s11 =	stileid.u32;
	s29 =	simm.s32 $0x80;
	s28 =	simm.s32 $0xB  }
0x5: {  	s30 =	simm.s32 $0xF;
	s31 =	simm.s32 $0x7;
	s7 =	smul.u32 $0xA000, s11  }
0x6: {  	s6 =	sand.u32 $0x1, s4;
	[smem:$0x7FF] =	sst s3;
	s8 =	smul.u32 $0xA00, s11  }
0x7: {  	s9 =	sadd.s32 $0xD000, s0;
	s11 =	smul.u32 $0x28000, s11;
	s3 =	simm.s32 $0x800  }
0x8: {  	s4 =	ssub.s32 $0x2, s6;
	_ =	strace $0x8000004D;
	p0 =	sne.s32 s6, $0x0  }
0x9: {  	s6 =	simm.s32 $0x8;
	s5 =	sshrl.u32 s4, $0x1;
	s25 =	sadd.s32 s9, s8  }
0xa: {  	s26 =	sadd.s32 s1, s8;
	s12 =	sor.u32 $0x10, s8;
	s14 =	sor.u32 $0x30, s8  }
0xb: {  	s16 =	sor.u32 $0x40, s8;
	s18 =	sor.u32 $0x50, s8;
	s20 =	sor.u32 $0x60, s8  }
0xc: {  	s22 =	sshrl.u32 s7, $0x3;
	s23 =	sshrl.u32 s11, $0x2;
	[dreg:$0x17] =	wrdreg s25  }
0xd: {  	s10 =	ssub.s32 s4, s5;
	[dreg:$0x18] =	wrdreg s26;
	s13 =	sadd.s32 s9, s12  }
0xe: {  	s12 =	sadd.s32 s1, s12;
	s4 =	sor.u32 $0x20, s8;
	[dreg:$0x4] =	wrdreg s13  }
0xf: {  	s15 =	sadd.s32 s9, s14;
	s17 =	sadd.s32 s9, s16;
	[dreg:$0x5] =	wrdreg s12  }
0x10: {  	s19 =	sadd.s32 s9, s18;
	s21 =	sadd.s32 s9, s20;
	[dreg:$0x8] =	wrdreg s15  }
0x11: {  	s8 =	sor.u32 $0x70, s8;
	s24 =	sadd.s32 s23, s2;
	[dreg:$0xa] =	wrdreg s17  }
0x12: {  	s25 =	sadd.s32 s7, s2;
	s23 =	simm.s32 $0x5;
	[dreg:$0xc] =	wrdreg s19  }
0x13: {  	s5 =	sadd.s32 s9, s4;
	s12 =	sadd.s32 s1, s4;
	[dreg:$0xe] =	wrdreg s21  }
0x14: {  	s9 =	sadd.s32 s9, s8;
	s7 =	smax.u32 s10, $0x1;
	s26 =	sshrl.u32 s25, $0x3  }
0x15: {  	s17 =	simm.s32 $0x300;
	s15 =	simm.s32 $0x380;
	[dreg:$0x6] =	wrdreg s5  }
0x16: {  	s4 =	simm.s32 $0x2800;
	s13 =	simm.s32 $0x4800;
	[dreg:$0x7] =	wrdreg s12  }
0x17: {  	s21 =	simm.s32 $0x4;
	s25 =	simm.s32 $0xD;
	[dreg:$0x10] =	wrdreg s9  }
0x18: {  	s12 =	sadd.s32 s1, s14;
	[dreg:$0x16] =	wrdreg s26;
	s9 =	simm.s32 $0x11  }
0x19: {  	s14 =	simm.s32 $0x6800;
	s5 =	simm.s32 $0x0;
	[dreg:$0x14] =	wrdreg s7  }
0x1a: {  	[dreg:$0x9] =	wrdreg s12;
	s12 =	sadd.s32 s1, s16;
	s16 =	simm.s32 $0x6  }
0x1b: {  	[dreg:$0xb] =	wrdreg s12;
	s12 =	sadd.s32 s1, s18;
	s18 =	simm.s32 $0x6800  }
0x1c: {  	[dreg:$0xd] =	wrdreg s12;
	s12 =	sadd.s32 s1, s20;
	s1 =	sadd.s32 s1, s8  }
.Ltmp0:
0x1d: {  	s20 =	sadd.s32 $0x17000, s0;
	[dreg:$0xf] =	wrdreg s12;
	(pc) =	sbr.rel .LBB2_1-.Ltmp0, $4  }
0x1e: {  	[dreg:$0x11] =	wrdreg s1;
	s1 =	sadd.s32 s22, s0;
	s0 =	sadd.s32 $0x2200, s0  }
0x1f: {  	s12 =	simm.s32 $0x700;
	[dreg:$0x12] =	wrdreg s0;
	s1 =	sadd.s32 $0x2B000, s1  }
0x20: {  	s0 =	sshrl.u32 s24, $0x3;
	s24 =	simm.s32 $0x9;
	[dreg:$0x13] =	wrdreg s1  }
0x21: {  	[dreg:$0x15] =	wrdreg s0;
	s0 =	simm.s32 $0xC;
	s1 =	simm.s32 $0x10  }
.LBB2_6:
0x22: {  	_ =	swait.ge [sflag:s0], $0x2000  }
0x23: {  	[sflag:s0] =	ssyncset.done $0x0  }
0x24: {  	s7 =	simm.s32 $0x780;
	[sflag:s0] =	ssyncadd.s32 $0xFFFFE000  }
0x25: {  	[spmem:s2] =	stream.indirect.scatter.add.f32 [tilespmem:s18], [sflag:$0x10], $0x40, s7, s29, $0xb8;
	[tilespmem:$0x12800] =	vst v63  }
0x26: {  	_ =	swait.ge [sflag:s1], $0x2000  }
0x27: {  	[sflag:s1] =	ssyncset.done $0x0  }
0x28: {  	[sflag:s1] =	ssyncadd.s32 $0xFFFFE000  }
0x29: {  	[bflag:$0x0] =	sbarrier.arrive $0xFFFF  }
0x2a: {  	s26 =	rddreg [dreg:$0x13]  }
0x2b: {  	s8 =	rddreg [dreg:$0x16]  }
0x2c: {  	s9 =	simm.s32 $0x11;
	s5 =	rddreg [dreg:$0x1a]  }
0x2d: {  	[hbm:s26], [sflag:s5] =	dma.local [spmem:s8], $0x1400  }
0x2e: {  	s17 =	simm.s32 $0x300;
	_ =	swait.ge [sflag:s9], $0x1400  }
0x2f: {  	s15 =	simm.s32 $0x380;
	[sflag:s9] =	ssyncset.done $0x0;
	s7 =	rddreg [dreg:$0x14]  }
0x30: {  	s14 =	simm.s32 $0x6800;
	s5 =	rddreg [dreg:$0x19];
	[sflag:s9] =	ssyncadd.s32 $0xFFFFEC00  }
.LBB2_7:
0x31: {  	s5 =	sadd.s32 $0x1, s5  }
0x32: {  	p1 =	sne.s32 s5, s7  }
.Ltmp1:
0x33: {  	_ = 	snop;
	(pc) =	sbr.rel @!p1 .LBB2_8-.Ltmp1, $1  }
0x34: {  	_ =	sdelay $0x3  }
.LBB2_1:
.Ltmp2:
0x35: {  	(pc) =	sbr.rel @p0 .LBB2_5-.Ltmp2, $1  }
0x36: {  	_ =	sdelay $0x3  }
0x37: {  	[dreg:$0x19] =	wrdreg s5;
	s7 =	stileid.u32  }
0x38: {  	s26 =	rddreg [dreg:$0x12];
	s7 =	sshll.u32 s7, $0x6  }
0x39: {  	s8 =	rddreg [dreg:$0x15];
	s22 =	sor.u32 $0x1C11, s7  }
0x3a: {  	[dreg:$0x1a] =	wrdreg s22  }
0x3b: {  	[spmem:s8], [sflag:s22] =	dma.local [hbm:s26], $0x1400  }
0x3c: {  	_ =	swait.ge [sflag:s9], $0x1400  }
0x3d: {  	[sflag:s9] =	ssyncset.done $0x0  }
0x3e: {  	[sflag:s9] =	ssyncadd.s32 $0xFFFFEC00  }
0x3f: {  	[bflag:$0x0] =	sbarrier.arrive $0xFFFF  }
0x40: {  	s7 =	simm.s32 $0x0;
	s5 =	rddreg [dreg:$0x17]  }
0x41: {  	[tilespmem:s7], [sflag:$0x1] =	stream.linear.gather [hbm4b:s5+s7], $0x80, $0x38;
	[tilespmem:$0x12800] =	vst v63  }
0x42: {  	s10 =	simm.s32 $0x400;
	s19 =	rddreg [dreg:$0x18]  }
0x43: {  	[tilespmem:s10], [sflag:$0x1] =	stream.linear.gather [hbm4b:s19+s7], $0x80, $0x38;
	[tilespmem:$0x12800] =	vst v63  }
0x44: {  	s11 =	rddreg [dreg:$0x4]  }
0x45: {  	[tilespmem:s29], [sflag:$0x2] =	stream.linear.gather [hbm4b:s11+s7], $0x80, $0x38;
	[tilespmem:$0x12800] =	vst v63  }
0x46: {  	s26 =	simm.s32 $0x480;
	s22 =	rddreg [dreg:$0x5]  }
0x47: {  	[tilespmem:s26], [sflag:$0x2] =	stream.linear.gather [hbm4b:s22+s7], $0x80, $0x38;
	[tilespmem:$0x12800] =	vst v63  }
0x48: {  	s9 =	simm.s32 $0x100;
	s10 =	rddreg [dreg:$0x6]  }
0x49: {  	[tilespmem:s9], [sflag:$0x3] =	stream.linear.gather [hbm4b:s10+s7], $0x80, $0x38;
	[tilespmem:$0x12800] =	vst v63  }
0x4a: {  	s11 =	rddreg [dreg:$0x7];
	s10 =	simm.s32 $0x500  }
0x4b: {  	[tilespmem:s10], [sflag:$0x3] =	stream.linear.gather [hbm4b:s11+s7], $0x80, $0x38;
	[tilespmem:$0x12800] =	vst v63  }
0x4c: {  	s22 =	rddreg [dreg:$0x8];
	s10 =	simm.s32 $0x180  }
0x4d: {  	[tilespmem:s10], [sflag:$0x4] =	stream.linear.gather [hbm4b:s22+s7], $0x80, $0x38;
	[tilespmem:$0x12800] =	vst v63  }
0x4e: {  	s26 =	rddreg [dreg:$0x9];
	s11 =	simm.s32 $0x580  }
0x4f: {  	[tilespmem:s11], [sflag:$0x4] =	stream.linear.gather [hbm4b:s26+s7], $0x80, $0x38;
	[tilespmem:$0x12800] =	vst v63  }
0x50: {  	s22 =	rddreg [dreg:$0xa];
	s26 =	simm.s32 $0x200  }
0x51: {  	[tilespmem:s26], [sflag:$0x5] =	stream.linear.gather [hbm4b:s22+s7], $0x80, $0x38;
	[tilespmem:$0x12800] =	vst v63  }
0x52: {  	s22 =	rddreg [dreg:$0xb];
	s26 =	simm.s32 $0x600  }
0x53: {  	[tilespmem:s26], [sflag:$0x5] =	stream.linear.gather [hbm4b:s22+s7], $0x80, $0x38;
	[tilespmem:$0x12800] =	vst v63  }
0x54: {  	s22 =	rddreg [dreg:$0xc];
	s26 =	simm.s32 $0x280  }
0x55: {  	[tilespmem:s26], [sflag:$0x6] =	stream.linear.gather [hbm4b:s22+s7], $0x80, $0x38;
	[tilespmem:$0x12800] =	vst v63  }
0x56: {  	s11 =	rddreg [dreg:$0xd];
	s22 =	simm.s32 $0x680  }
0x57: {  	[tilespmem:s22], [sflag:$0x6] =	stream.linear.gather [hbm4b:s11+s7], $0x80, $0x38;
	[tilespmem:$0x12800] =	vst v63  }
0x58: {  	s26 =	rddreg [dreg:$0xe]  }
0x59: {  	[tilespmem:s17], [sflag:$0x7] =	stream.linear.gather [hbm4b:s26+s7], $0x80, $0x38;
	[tilespmem:$0x12800] =	vst v63  }
0x5a: {  	s11 =	rddreg [dreg:$0xf]  }
0x5b: {  	[tilespmem:s12], [sflag:$0x7] =	stream.linear.gather [hbm4b:s11+s7], $0x80, $0x38;
	[tilespmem:$0x12800] =	vst v63  }
0x5c: {  	s12 =	rddreg [dreg:$0x10]  }
0x5d: {  	[tilespmem:s15], [sflag:$0x8] =	stream.linear.gather [hbm4b:s12+s7], $0x80, $0x38;
	[tilespmem:$0x12800] =	vst v63  }
0x5e: {  	s22 =	rddreg [dreg:$0x11];
	s26 =	simm.s32 $0x780;
	s12 =	simm.s32 $0x1  }
0x5f: {  	[tilespmem:s26], [sflag:$0x8] =	stream.linear.gather [hbm4b:s22+s7], $0x80, $0x38;
	[tilespmem:$0x12800] =	vst v63  }
0x60: {  	_ =	swait.ge [sflag:s12], $0x80  }
0x61: {  	[sflag:s12] =	ssyncset.done $0x0  }
0x62: {  	[sflag:s12] =	ssyncadd.s32 $0xFFFFFF80  }
0x63: {  	_ =	swait.ge [sflag:s12], $0x80  }
0x64: {  	[sflag:s12] =	ssyncset.done $0x0  }
0x65: {  	s22 =	simm.s32 $0x2;
	[sflag:s12] =	ssyncadd.s32 $0xFFFFFF80  }
0x66: {  	[tilespmem:s3], [sflag:$0x9] =	stream.indirect.gather [hbm4b:s20+s29], $0x40, s7, s29, $0xb8;
	[tilespmem:$0x12800] =	vst v63  }
0x67: {  	_ =	swait.ge [sflag:s22], $0x80  }
0x68: {  	[sflag:s22] =	ssyncset.done $0x0  }
0x69: {  	[sflag:s22] =	ssyncadd.s32 $0xFFFFFF80  }
0x6a: {  	_ =	swait.ge [sflag:s22], $0x80  }
0x6b: {  	[sflag:s22] =	ssyncset.done $0x0  }
0x6c: {  	s26 =	simm.s32 $0x3;
	[sflag:s22] =	ssyncadd.s32 $0xFFFFFF80  }
0x6d: {  	[tilespmem:s4], [sflag:$0xA] =	stream.indirect.gather [hbm4b:s20+s29], $0x40, s29, s29, $0xb8;
	[tilespmem:$0x12800] =	vst v63  }
0x6e: {  	_ =	swait.ge [sflag:s26], $0x80  }
0x6f: {  	[sflag:s26] =	ssyncset.done $0x0  }
0x70: {  	[sflag:s26] =	ssyncadd.s32 $0xFFFFFF80  }
0x71: {  	_ =	swait.ge [sflag:s26], $0x80  }
0x72: {  	[sflag:s26] =	ssyncset.done $0x0  }
0x73: {  	[sflag:s26] =	ssyncadd.s32 $0xFFFFFF80  }
0x74: {  	[tilespmem:s13], [sflag:$0xB] =	stream.indirect.gather [hbm4b:s20+s29], $0x40, s9, s29, $0xb8;
	[tilespmem:$0x12800] =	vst v63  }
0x75: {  	_ =	swait.ge [sflag:s21], $0x80  }
0x76: {  	[sflag:s21] =	ssyncset.done $0x0  }
0x77: {  	[sflag:s21] =	ssyncadd.s32 $0xFFFFFF80  }
0x78: {  	_ =	swait.ge [sflag:s21], $0x80  }
0x79: {  	[sflag:s21] =	ssyncset.done $0x0  }
0x7a: {  	s22 =	simm.s32 $0x4800;
	s26 =	simm.s32 $0x700;
	[sflag:s21] =	ssyncadd.s32 $0xFFFFFF80  }
0x7b: {  	[tilespmem:s14], [sflag:$0xC] =	stream.indirect.gather [hbm4b:s20+s29], $0x40, s10, s29, $0xb8;
	[tilespmem:$0x12800] =	vst v63  }
.LBB2_3:
0x7c: {  	_ =	swait.ge [sflag:s24], $0x2000  }
0x7d: {  	[sflag:s24] =	ssyncset.done $0x0  }
0x7e: {  	s8 =	simm.s32 $0x400;
	s14 =	simm.s32 $0x800;
	[sflag:s24] =	ssyncadd.s32 $0xFFFFE000  }
0x7f: {  	[spmem:s2] =	stream.indirect.scatter.add.f32 [tilespmem:s14], [sflag:$0xD], $0x40, s8, s29, $0xb8;
	[tilespmem:$0x12800] =	vst v63  }
0x80: {  	p1 =	seq.s32 s7, $0x980;
	_ =	swait.ge [sflag:s25], $0x2000  }
0x81: {  	s9 =	sadd.s32 @!p1 s7, s5;
	[sflag:s25] =	ssyncset.done $0x0  }
0x82: {  	s10 =	sadd.s32 @!p1 $0x80, s9;
	s8 =	simm.s32 @!p1 $0x0;
	[sflag:s25] =	ssyncadd.s32 $0xFFFFE000  }
0x83: {  	[tilespmem:s8], [sflag:$0x1] =	stream.linear.gather @!p1 [hbm4b:s10+s8], $0x80, $0x38;
	[tilespmem:$0x12800] =	vst v63  }
0x84: {  	s10 =	sadd.s32 @!p1 s7, s19  }
0x85: {  	s12 =	simm.s32 @!p1 $0x400;
	s11 =	sadd.s32 @!p1 $0x80, s10  }
0x86: {  	[tilespmem:s12], [sflag:$0x1] =	stream.linear.gather @!p1 [hbm4b:s11+s8], $0x80, $0x38;
	[tilespmem:$0x12800] =	vst v63  }
0x87: {  	_ =	swait.ge [sflag:s23], $0x80  }
0x88: {  	[sflag:s23] =	ssyncset.done $0x0  }
0x89: {  	[sflag:s23] =	ssyncadd.s32 $0xFFFFFF80  }
0x8a: {  	_ =	swait.ge [sflag:s23], $0x80  }
0x8b: {  	[sflag:s23] =	ssyncset.done $0x0  }
0x8c: {  	s4 =	simm.s32 $0x200;
	s3 =	simm.s32 $0xA;
	[sflag:s23] =	ssyncadd.s32 $0xFFFFFF80  }
0x8d: {  	[tilespmem:s14], [sflag:$0x9] =	stream.indirect.gather [hbm4b:s20+s29], $0x40, s4, s29, $0xb8;
	[tilespmem:$0x12800] =	vst v63  }
0x8e: {  	_ =	swait.ge [sflag:s3], $0x2000  }
0x8f: {  	s12 =	simm.s32 $0x480;
	[sflag:s3] =	ssyncset.done $0x0  }
0x90: {  	s4 =	simm.s32 $0xE;
	[sflag:s3] =	ssyncadd.s32 $0xFFFFE000;
	s3 =	simm.s32 $0x2800  }
0x91: {  	[spmem:s2] =	stream.indirect.scatter.add.f32 [tilespmem:s3], [sflag:$0xE], $0x40, s12, s29, $0xb8;
	[tilespmem:$0x12800] =	vst v63  }
0x92: {  	_ =	swait.ge [sflag:s4], $0x2000  }
0x93: {  	[sflag:s4] =	ssyncset.done $0x0  }
0x94: {  	s11 =	simm.s32 @!p1 $0x80;
	s12 =	sadd.s32 @!p1 $0x90, s9;
	[sflag:s4] =	ssyncadd.s32 $0xFFFFE000  }
0x95: {  	[tilespmem:s11], [sflag:$0x2] =	stream.linear.gather @!p1 [hbm4b:s12+s8], $0x80, $0x38;
	[tilespmem:$0x12800] =	vst v63  }
0x96: {  	s13 =	simm.s32 @!p1 $0x480;
	s12 =	sadd.s32 @!p1 $0x90, s10  }
0x97: {  	[tilespmem:s13], [sflag:$0x2] =	stream.linear.gather @!p1 [hbm4b:s12+s8], $0x80, $0x38;
	[tilespmem:$0x12800] =	vst v63  }
0x98: {  	_ =	swait.ge [sflag:s16], $0x80  }
0x99: {  	[sflag:s16] =	ssyncset.done $0x0  }
0x9a: {  	[sflag:s16] =	ssyncadd.s32 $0xFFFFFF80  }
0x9b: {  	_ =	swait.ge [sflag:s16], $0x80  }
0x9c: {  	[sflag:s16] =	ssyncset.done $0x0  }
0x9d: {  	s13 =	simm.s32 $0x280;
	[sflag:s16] =	ssyncadd.s32 $0xFFFFFF80  }
0x9e: {  	[tilespmem:s3], [sflag:$0xA] =	stream.indirect.gather [hbm4b:s20+s29], $0x40, s13, s29, $0xb8;
	[tilespmem:$0x12800] =	vst v63  }
0x9f: {  	_ =	swait.ge [sflag:s28], $0x2000  }
0xa0: {  	[sflag:s28] =	ssyncset.done $0x0  }
0xa1: {  	s3 =	simm.s32 $0x500;
	[sflag:s28] =	ssyncadd.s32 $0xFFFFE000  }
0xa2: {  	[spmem:s2] =	stream.indirect.scatter.add.f32 [tilespmem:s22], [sflag:$0xF], $0x40, s3, s29, $0xb8;
	[tilespmem:$0x12800] =	vst v63  }
0xa3: {  	_ =	swait.ge [sflag:s30], $0x2000  }
0xa4: {  	[sflag:s30] =	ssyncset.done $0x0  }
0xa5: {  	s12 =	sadd.s32 @!p1 $0xA0, s9;
	s13 =	simm.s32 @!p1 $0x100;
	[sflag:s30] =	ssyncadd.s32 $0xFFFFE000  }
0xa6: {  	[tilespmem:s13], [sflag:$0x3] =	stream.linear.gather @!p1 [hbm4b:s12+s8], $0x80, $0x38;
	[tilespmem:$0x12800] =	vst v63  }
0xa7: {  	s12 =	sadd.s32 @!p1 $0xA0, s10;
	s13 =	simm.s32 @!p1 $0x500  }
0xa8: {  	[tilespmem:s13], [sflag:$0x3] =	stream.linear.gather @!p1 [hbm4b:s12+s8], $0x80, $0x38;
	[tilespmem:$0x12800] =	vst v63  }
0xa9: {  	_ =	swait.ge [sflag:s31], $0x80  }
0xaa: {  	[sflag:s31] =	ssyncset.done $0x0  }
0xab: {  	[sflag:s31] =	ssyncadd.s32 $0xFFFFFF80  }
0xac: {  	_ =	swait.ge [sflag:s31], $0x80  }
0xad: {  	[sflag:s31] =	ssyncset.done $0x0  }
0xae: {  	[sflag:s31] =	ssyncadd.s32 $0xFFFFFF80  }
0xaf: {  	[tilespmem:s22], [sflag:$0xB] =	stream.indirect.gather [hbm4b:s20+s29], $0x40, s17, s29, $0xb8;
	[tilespmem:$0x12800] =	vst v63  }
0xb0: {  	_ =	swait.ge [sflag:s0], $0x2000  }
0xb1: {  	[sflag:s0] =	ssyncset.done $0x0  }
0xb2: {  	s13 =	simm.s32 $0x580;
	s17 =	simm.s32 $0x6800;
	[sflag:s0] =	ssyncadd.s32 $0xFFFFE000  }
0xb3: {  	[spmem:s2] =	stream.indirect.scatter.add.f32 [tilespmem:s17], [sflag:$0x10], $0x40, s13, s29, $0xb8;
	[tilespmem:$0x12800] =	vst v63  }
0xb4: {  	_ =	swait.ge [sflag:s1], $0x2000  }
0xb5: {  	[sflag:s1] =	ssyncset.done $0x0  }
0xb6: {  	s12 =	sadd.s32 @!p1 $0xB0, s9;
	s13 =	simm.s32 @!p1 $0x180;
	[sflag:s1] =	ssyncadd.s32 $0xFFFFE000  }
0xb7: {  	[tilespmem:s13], [sflag:$0x4] =	stream.linear.gather @!p1 [hbm4b:s12+s8], $0x80, $0x38;
	[tilespmem:$0x12800] =	vst v63  }
0xb8: {  	s12 =	sadd.s32 @!p1 $0xB0, s10;
	s13 =	simm.s32 @!p1 $0x580  }
0xb9: {  	[tilespmem:s13], [sflag:$0x4] =	stream.linear.gather @!p1 [hbm4b:s12+s8], $0x80, $0x38;
	[tilespmem:$0x12800] =	vst v63  }
0xba: {  	_ =	swait.ge [sflag:s6], $0x80  }
0xbb: {  	[sflag:s6] =	ssyncset.done $0x0  }
0xbc: {  	[sflag:s6] =	ssyncadd.s32 $0xFFFFFF80  }
0xbd: {  	_ =	swait.ge [sflag:s6], $0x80  }
0xbe: {  	[sflag:s6] =	ssyncset.done $0x0  }
0xbf: {  	[sflag:s6] =	ssyncadd.s32 $0xFFFFFF80  }
0xc0: {  	[tilespmem:s17], [sflag:$0xC] =	stream.indirect.gather [hbm4b:s20+s29], $0x40, s15, s29, $0xb8;
	[tilespmem:$0x12800] =	vst v63  }
0xc1: {  	_ =	swait.ge [sflag:s24], $0x2000  }
0xc2: {  	[sflag:s24] =	ssyncset.done $0x0  }
0xc3: {  	s17 =	simm.s32 $0x600;
	[sflag:s24] =	ssyncadd.s32 $0xFFFFE000  }
0xc4: {  	[spmem:s2] =	stream.indirect.scatter.add.f32 [tilespmem:s14], [sflag:$0xD], $0x40, s17, s29, $0xb8;
	[tilespmem:$0x12800] =	vst v63  }
0xc5: {  	_ =	swait.ge [sflag:s25], $0x2000  }
0xc6: {  	[sflag:s25] =	ssyncset.done $0x0  }
0xc7: {  	s12 =	simm.s32 @p1 $0xA;
	[sflag:s25] =	ssyncadd.s32 $0xFFFFE000  }
0xc8: {  	_ =	swait.ge @p1 [sflag:s12], $0x2000  }
0xc9: {  	s13 =	simm.s32 @p1 $0x680;
	[sflag:s12] =	ssyncset.done @p1 $0x0  }
0xca: {  	s17 =	simm.s32 @p1 $0x2800;
	[sflag:s12] =	ssyncadd.s32 @p1 $0xFFFFE000;
	s12 =	simm.s32 @p1 $0x80  }
0xcb: {  	[spmem:s2] =	stream.indirect.scatter.add.f32 @p1 [tilespmem:s17], [sflag:$0xE], $0x40, s13, s12, $0xb8;
	[tilespmem:$0x12800] =	vst v63  }
0xcc: {  	s12 =	simm.s32 @p1 $0xE  }
0xcd: {  	_ =	swait.ge @p1 [sflag:s12], $0x2000  }
0xce: {  	[sflag:s12] =	ssyncset.done @p1 $0x0  }
0xcf: {  	s13 =	simm.s32 @!p1 $0x200;
	[sflag:s12] =	ssyncadd.s32 @p1 $0xFFFFE000;
	s12 =	sadd.s32 @!p1 $0xC0, s9  }
0xd0: {  	[tilespmem:s13], [sflag:$0x5] =	stream.linear.gather @!p1 [hbm4b:s12+s8], $0x80, $0x38;
	[tilespmem:$0x12800] =	vst v63  }
0xd1: {  	s12 =	sadd.s32 @!p1 $0xC0, s10;
	s13 =	simm.s32 @!p1 $0x600  }
0xd2: {  	[tilespmem:s13], [sflag:$0x5] =	stream.linear.gather @!p1 [hbm4b:s12+s8], $0x80, $0x38;
	[tilespmem:$0x12800] =	vst v63  }
0xd3: {  	s12 =	simm.s32 @!p1 $0x1  }
0xd4: {  	_ =	swait.ge @!p1 [sflag:s12], $0x80  }
0xd5: {  	[sflag:s12] =	ssyncset.done @!p1 $0x0  }
0xd6: {  	[sflag:s12] =	ssyncadd.s32 @!p1 $0xFFFFFF80  }
0xd7: {  	_ =	swait.ge @!p1 [sflag:s12], $0x80  }
0xd8: {  	[sflag:s12] =	ssyncset.done @!p1 $0x0  }
0xd9: {  	[sflag:s12] =	ssyncadd.s32 @!p1 $0xFFFFFF80;
	s12 =	simm.s32 @!p1 $0x800  }
0xda: {  	[tilespmem:s12], [sflag:$0x9] =	stream.indirect.gather @!p1 [hbm4b:s20+s11], $0x40, s8, s11, $0xb8;
	[tilespmem:$0x12800] =	vst v63  }
0xdb: {  	s12 =	simm.s32 @!p1 $0xA  }
0xdc: {  	_ =	swait.ge @!p1 [sflag:s12], $0x2000  }
0xdd: {  	s17 =	simm.s32 @!p1 $0xE;
	[sflag:s12] =	ssyncset.done @!p1 $0x0  }
0xde: {  	s13 =	simm.s32 @!p1 $0x2800;
	[sflag:s12] =	ssyncadd.s32 @!p1 $0xFFFFE000;
	s12 =	simm.s32 @!p1 $0x680  }
0xdf: {  	[spmem:s2] =	stream.indirect.scatter.add.f32 @!p1 [tilespmem:s13], [sflag:$0xE], $0x40, s12, s11, $0xb8;
	[tilespmem:$0x12800] =	vst v63  }
0xe0: {  	_ =	swait.ge @!p1 [sflag:s17], $0x2000  }
0xe1: {  	[sflag:s17] =	ssyncset.done @!p1 $0x0  }
0xe2: {  	s9 =	sadd.s32 @!p1 $0xD0, s9;
	[sflag:s17] =	ssyncadd.s32 @!p1 $0xFFFFE000;
	s17 =	simm.s32 @!p1 $0x280  }
0xe3: {  	[tilespmem:s17], [sflag:$0x6] =	stream.linear.gather @!p1 [hbm4b:s9+s8], $0x80, $0x38;
	[tilespmem:$0x12800] =	vst v63  }
0xe4: {  	s9 =	sadd.s32 @!p1 $0xD0, s10  }
0xe5: {  	[tilespmem:s12], [sflag:$0x6] =	stream.linear.gather @!p1 [hbm4b:s9+s8], $0x80, $0x38;
	[tilespmem:$0x12800] =	vst v63  }
0xe6: {  	s8 =	simm.s32 @!p1 $0x2  }
0xe7: {  	_ =	swait.ge @!p1 [sflag:s8], $0x80  }
0xe8: {  	[sflag:s8] =	ssyncset.done @!p1 $0x0  }
0xe9: {  	[sflag:s8] =	ssyncadd.s32 @!p1 $0xFFFFFF80  }
0xea: {  	_ =	swait.ge @!p1 [sflag:s8], $0x80  }
0xeb: {  	[sflag:s8] =	ssyncset.done @!p1 $0x0  }
0xec: {  	[sflag:s8] =	ssyncadd.s32 @!p1 $0xFFFFFF80  }
0xed: {  	[tilespmem:s13], [sflag:$0xA] =	stream.indirect.gather @!p1 [hbm4b:s20+s11], $0x40, s11, s11, $0xb8;
	[tilespmem:$0x12800] =	vst v63  }
0xee: {  	_ =	swait.ge [sflag:s28], $0x2000  }
0xef: {  	[sflag:s28] =	ssyncset.done $0x0  }
.Ltmp3:
0xf0: {  	[sflag:s28] =	ssyncadd.s32 $0xFFFFE000;
	(pc) =	sbr.rel @p1 .LBB2_6-.Ltmp3, $4  }
0xf1: {  	[spmem:s2] =	stream.indirect.scatter.add.f32 [tilespmem:s22], [sflag:$0xF], $0x40, s26, s29, $0xb8;
	[tilespmem:$0x12800] =	vst v63  }
0xf2: {  	s4 =	simm.s32 $0x2800;
	s3 =	simm.s32 $0x800;
	_ =	swait.ge [sflag:s30], $0x2000  }
0xf3: {  	s15 =	simm.s32 $0x300;
	s14 =	simm.s32 $0x380;
	[sflag:s30] =	ssyncset.done $0x0  }
0xf4: {  	s12 =	simm.s32 $0x700;
	s13 =	simm.s32 $0x4800;
	[sflag:s30] =	ssyncadd.s32 $0xFFFFE000  }
0xf5: {  	s8 =	sadd.s32 s7, s5  }
0xf6: {  	s3 =	simm.s32 $0x0;
	s11 =	sadd.s32 s7, s19;
	s9 =	sadd.s32 $0xE0, s8  }
0xf7: {  	[tilespmem:s15], [sflag:$0x7] =	stream.linear.gather [hbm4b:s9+s3], $0x80, $0x38;
	[tilespmem:$0x12800] =	vst v63  }
0xf8: {  	s4 =	simm.s32 $0x3;
	s10 =	sadd.s32 $0xE0, s11  }
0xf9: {  	[tilespmem:s12], [sflag:$0x7] =	stream.linear.gather [hbm4b:s10+s3], $0x80, $0x38;
	[tilespmem:$0x12800] =	vst v63  }
0xfa: {  	_ =	swait.ge [sflag:s4], $0x80  }
0xfb: {  	[sflag:s4] =	ssyncset.done $0x0  }
0xfc: {  	[sflag:s4] =	ssyncadd.s32 $0xFFFFFF80  }
0xfd: {  	_ =	swait.ge [sflag:s4], $0x80  }
0xfe: {  	[sflag:s4] =	ssyncset.done $0x0  }
0xff: {  	s12 =	simm.s32 $0x100;
	[sflag:s4] =	ssyncadd.s32 $0xFFFFFF80  }
0x100: {  	[tilespmem:s13], [sflag:$0xB] =	stream.indirect.gather [hbm4b:s20+s29], $0x40, s12, s29, $0xb8;
	[tilespmem:$0x12800] =	vst v63  }
0x101: {  	_ =	swait.ge [sflag:s0], $0x2000  }
0x102: {  	[sflag:s0] =	ssyncset.done $0x0  }
0x103: {  	s17 =	simm.s32 $0x6800;
	s15 =	simm.s32 $0x780;
	[sflag:s0] =	ssyncadd.s32 $0xFFFFE000  }
0x104: {  	[spmem:s2] =	stream.indirect.scatter.add.f32 [tilespmem:s17], [sflag:$0x10], $0x40, s15, s29, $0xb8;
	[tilespmem:$0x12800] =	vst v63  }
0x105: {  	_ =	swait.ge [sflag:s1], $0x2000  }
0x106: {  	[sflag:s1] =	ssyncset.done $0x0  }
0x107: {  	s8 =	sadd.s32 $0xF0, s8;
	[sflag:s1] =	ssyncadd.s32 $0xFFFFE000  }
0x108: {  	[tilespmem:s14], [sflag:$0x8] =	stream.linear.gather [hbm4b:s8+s3], $0x80, $0x38;
	[tilespmem:$0x12800] =	vst v63  }
0x109: {  	s22 =	sadd.s32 $0xF0, s11  }
0x10a: {  	[tilespmem:s15], [sflag:$0x8] =	stream.linear.gather [hbm4b:s22+s3], $0x80, $0x38;
	[tilespmem:$0x12800] =	vst v63  }
0x10b: {  	_ =	swait.ge [sflag:s21], $0x80  }
0x10c: {  	[sflag:s21] =	ssyncset.done $0x0  }
0x10d: {  	[sflag:s21] =	ssyncadd.s32 $0xFFFFFF80  }
.Ltmp4:
0x10e: {  	_ =	swait.ge [sflag:s21], $0x80;
	(pc) =	sbr.rel .LBB2_3-.Ltmp4, $4  }
0x10f: {  	s26 =	simm.s32 $0x180;
	[sflag:s21] =	ssyncset.done $0x0  }
0x110: {  	s7 =	sadd.s32 $0x80, s7;
	s15 =	simm.s32 $0x380;
	[sflag:s21] =	ssyncadd.s32 $0xFFFFFF80  }
0x111: {  	[tilespmem:s17], [sflag:$0xC] =	stream.indirect.gather [hbm4b:s20+s29], $0x40, s26, s29, $0xb8;
	[tilespmem:$0x12800] =	vst v63  }
0x112: {  	s22 =	simm.s32 $0x4800;
	s17 =	simm.s32 $0x300;
	s26 =	simm.s32 $0x700  }
.LBB2_5:
.Ltmp5:
0x113: {  	(pc) =	sbr.rel .LBB2_7-.Ltmp5, $3  }
0x114: {  	_ = 	snop  }
0x115: {  	[bflag:$0x0] =	sbarrier.arrive $0xFFFF  }
0x116: {  	[bflag:$0x0] =	sbarrier.arrive $0xFFFF;
	_ =	sdelay $0x1  }
.LBB2_8:
0x117: {  	_ =	sfence.sel $0x180000  }
0x118: {  	[bflag:$0x0] =	sbarrier.arrive $0xFFFF  }
0x119: {  	_ =	strace $0x9000004D  }
0x11a: {  	s0 =	stileid.u32;
	[bflag:$0x2] =	sbarrier.arrive $0xFFFF  }
0x11b: {  	p0 =	sne.s32 s0, $0x0;
	s0 =	rddreg [dreg:$0x3]  }
0x11c: {  	s0 =	sadd.s32 @!p0 $0x100000, s0  }
0x11d: {  	[sflag:s0] =	ssyncadd.tile.s32 @!p0 $0x1;
	_ =	shalt  }
.Lfunc_end2:
_tile_overlayer_lowered:
.L_overlay_start_2:
0x11e: {  	(tag) =	ssettag $0x2  }
0x11f: {  	s0 =	rddreg [dreg:$0x0];
	s2 =	stileid.u32  }
0x120: {  	s1 =	rddreg [dreg:$0x1];
	p0 =	sne.s32 s2, $0x0  }
0x121: {  	s3 =	rddreg [dreg:$0x2];
	[bflag:$0x3] =	sbarrier.arrive $0xFFFF;
	s2 =	simm.s32 @!p0 $0x1C11  }
0x122: {  	[timem:s3], [sflag:s2] =	dma.local @!p0 [hbm:s0], s1  }
0x123: {  	s0 =	simm.s32 @!p0 $0x11  }
0x124: {  	_ =	swait.ge @!p0 [sflag:s0], s1  }
0x125: {  	s1 =	ssub.s32 @!p0 $0x0, s1;
	[sflag:s0] =	ssyncset.done @!p0 $0x0  }
0x126: {  	[sflag:s0] =	ssyncadd.s32 @!p0 s1  }
0x127: {  	[bflag:$0x3] =	sbarrier.arrive $0xFFFF  }
0x128: {  	_ =	shalt  }

// kernel: kernel.8.cloned.1.call-start
scs
__scs_entry_jumppad:
0x0: {  	(pc) =	sbr.rel $0x88, $3  }
0x1: {  	(tag) =	ssettag $0x0;
	lr =	simm.s32 $0x1  }
0x2: {  	[smem:$0x3F9B] =	sst lr;
	_ =	strace $0xD0000000  }
0x3: {  	_ = 	snop  }
0x4: {  	_ = 	snop  }
0x5: {  	_ = 	snop  }
0x6: {  	_ = 	snop  }
0x7: {  	_ = 	snop  }
__scs_overlays_trampoline_lowered:
0x8: {  	[smem:$0x3FAA] =	sst s0  }
0x9: {  	[smem:$0x3FAB] =	sst s1  }
0xa: {  	[smem:$0x3FAC] =	sst s2  }
0xb: {  	[smem:$0x3FAD] =	sst s3  }
0xc: {  	[smem:$0x3FAE] =	sst s4  }
0xd: {  	[smem:$0x3FAF] =	sst s5  }
0xe: {  	[smem:$0x3FB0] =	sst s6  }
0xf: {  	[smem:$0x3FB1] =	sst s7  }
0x10: {  	[smem:$0x3FB2] =	sst s8  }
0x11: {  	[smem:$0x3FB3] =	sst s9;
	s0 =	simm.s32 @!p0 $0x0  }
0x12: {  	s1 =	sld [smem:$0x3F99];
	s0 =	simm.s32 @p0 $0x1  }
0x13: {  	[smem:$0x3FB4] =	sst s0;
	s0 =	simm.s32 @!p1 $0x0  }
0x14: {  	s2 =	sld [smem:$0x3F98];
	s0 =	simm.s32 @p1 $0x1  }
0x15: {  	[smem:$0x3FB5] =	sst s0;
	s0 =	simm.s32 @!p2 $0x0  }
0x16: {  	s3 =	sld [smem:$0x3FDB];
	s0 =	simm.s32 @p2 $0x1  }
0x17: {  	s4 =	simm.s32 $0x1BF5;
	[smem:$0x3FB7] =	sst s0  }
0x18: {  	s0 =	sld [smem:$0x3F9A];
	_ =	swait.ge [sflag:s4], $0x0  }
0x19: {  	s7 =	sld [smem:$0x3F9B]  }
0x1a: {  	s8 =	sadd.s32 $0xFFFFE003, lr  }
0x1b: {  	s9 =	sadd.s32 $0xFFFFFEF7, lr;
	s5 =	simm.s32 $0xFFFFFFFF;
	p2 =	slt.u32 s8, $0xFFFFF086  }
0x1c: {  	p1 =	slt.u32 s9, $0xF7A;
	s5 =	simm.s32 @!p2 $0x0  }
0x1d: {  	s5 =	simm.s32 @p1 $0x1;
	p0 =	seq.s32 s7, s2  }
0x1e: {  	s7 =	smul.u32 @!p0 $0xF7A, s2;
	p2 =	seq.s32 @!p0 s5, $0x0  }
0x1f: {  	s9 =	smul.u32 $0xF7A, s1;
	s8 =	simm.s32 @!p0 $0x1BF5;
	p2 =	por !p2, p0  }
0x20: {  	[sflag:s8] =	ssyncset.s32 @!p0 $0xFFFFF086;
	s6 =	sadd.s32 @!p0 s3, s7;
	s7 =	simm.s32 @!p0 $0x108  }
0x21: {  	s3 =	sadd.s32 s3, s9;
	s6 =	sadd.s32 @!p0 $0x88, s6;
	s7 =	simm.s32 @p2 $0x1082  }
0x22: {  	[simem:s7], [sflag:s8] =	dma.local @!p0 [hbm:s6], $0xF7A  }
0x23: {  	s9 =	sor.u32 $0xD0000000, s2;
	s6 =	simm.s32 $0x108;
	_ =	swait.ge @!p0 [sflag:s8], $0x0  }
0x24: {  	s3 =	sadd.s32 $0x88, s3;
	s6 =	simm.s32 @!p1 $0x1082;
	[sflag:s4] =	ssyncset.s32 $0xFFFFF086  }
0x25: {  	[simem:s6], [sflag:s4] =	dma.local [hbm:s3], $0xF7A  }
0x26: {  	[smem:$0x3F9B] =	sst s1;
	(tag) =	ssettag s2;
	_ =	strace s9  }
0x27: {  	s1 =	sld [smem:$0x3FAB]  }
0x28: {  	s2 =	sld [smem:$0x3FAC]  }
0x29: {  	s4 =	sld [smem:$0x3FAE]  }
0x2a: {  	p0 =	seq.s32 s5, $0x0;
	s5 =	sld [smem:$0x3FAF]  }
0x2b: {  	s6 =	sld [smem:$0x3FB0]  }
0x2c: {  	s7 =	sld [smem:$0x3FB1]  }
0x2d: {  	s3 =	simm.s32 $0x108;
	s8 =	sld [smem:$0x3FB2]  }
0x2e: {  	s3 =	simm.s32 @!p0 $0x1082;
	s9 =	sld [smem:$0x3FB3]  }
0x2f: {  	lr =	sadd.s32 s0, s3;
	s0 =	sld [smem:$0x3FAA]  }
0x30: {  	s3 =	sld [smem:$0x3FAD]  }
0x31: {  	[smem:$0x3FB6] =	sst s10  }
0x32: {  	s10 =	sld [smem:$0x3FB4];
	_ =	sdelay $0x3  }
0x33: {  	p0 =	seq.s32 s10, $0x1;
	s10 =	sld [smem:$0x3FB6];
	_ =	sdelay $0x3  }
0x34: {  	[smem:$0x3FB6] =	sst s10  }
0x35: {  	s10 =	sld [smem:$0x3FB5];
	_ =	sdelay $0x3  }
0x36: {  	p1 =	seq.s32 s10, $0x1;
	s10 =	sld [smem:$0x3FB6];
	_ =	sdelay $0x3  }
0x37: {  	[smem:$0x3FB6] =	sst s10  }
0x38: {  	s10 =	sld [smem:$0x3FB7]  }
0x39: {  	_ = 	snop;
	(pc) =	sbr.ind lr, $3  }
0x3a: {  	_ = 	snop  }
0x3b: {  	_ = 	snop  }
0x3c: {  	p2 =	seq.s32 s10, $0x1;
	s10 =	sld [smem:$0x3FB6]  }
0x3d: {  	_ =	shalt  }
0x3e: {  	_ =	shalt  }
0x3f: {  	_ =	shalt  }
0x40: {  	_ =	shalt  }
0x41: {  	_ =	shalt  }
0x42: {  	_ =	shalt  }
0x43: {  	_ =	shalt  }
0x44: {  	_ =	shalt  }
0x45: {  	_ =	shalt  }
0x46: {  	_ =	shalt  }
0x47: {  	_ =	shalt  }
0x48: {  	_ =	shalt  }
0x49: {  	_ =	shalt  }
0x4a: {  	_ =	shalt  }
0x4b: {  	_ =	shalt  }
0x4c: {  	_ =	shalt  }
0x4d: {  	_ =	shalt  }
0x4e: {  	_ =	shalt  }
0x4f: {  	_ =	shalt  }
0x50: {  	_ =	shalt  }
0x51: {  	_ =	shalt  }
0x52: {  	_ =	shalt  }
0x53: {  	_ =	shalt  }
0x54: {  	_ =	shalt  }
0x55: {  	_ =	shalt  }
0x56: {  	_ =	shalt  }
0x57: {  	_ =	shalt  }
0x58: {  	_ =	shalt  }
0x59: {  	_ =	shalt  }
0x5a: {  	_ =	shalt  }
0x5b: {  	_ =	shalt  }
0x5c: {  	_ =	shalt  }
0x5d: {  	_ =	shalt  }
0x5e: {  	_ =	shalt  }
0x5f: {  	_ =	shalt  }
0x60: {  	_ =	shalt  }
0x61: {  	_ =	shalt  }
0x62: {  	_ =	shalt  }
0x63: {  	_ =	shalt  }
0x64: {  	_ =	shalt  }
0x65: {  	_ =	shalt  }
0x66: {  	_ =	shalt  }
0x67: {  	_ =	shalt  }
0x68: {  	_ =	shalt  }
0x69: {  	_ =	shalt  }
0x6a: {  	_ =	shalt  }
0x6b: {  	_ =	shalt  }
0x6c: {  	_ =	shalt  }
0x6d: {  	_ =	shalt  }
0x6e: {  	_ =	shalt  }
0x6f: {  	_ =	shalt  }
0x70: {  	_ =	shalt  }
0x71: {  	_ =	shalt  }
0x72: {  	_ =	shalt  }
0x73: {  	_ =	shalt  }
0x74: {  	_ =	shalt  }
0x75: {  	_ =	shalt  }
0x76: {  	_ =	shalt  }
0x77: {  	_ =	shalt  }
0x78: {  	_ =	shalt  }
0x79: {  	_ =	shalt  }
0x7a: {  	_ =	shalt  }
0x7b: {  	_ =	shalt  }
0x7c: {  	_ =	shalt  }
0x7d: {  	_ =	shalt  }
0x7e: {  	_ =	shalt  }
0x7f: {  	_ =	shalt  }
0x80: {  	_ =	shalt  }
0x81: {  	_ =	shalt  }
0x82: {  	_ =	shalt  }
0x83: {  	_ =	shalt  }
0x84: {  	_ =	shalt  }
0x85: {  	_ =	shalt  }
0x86: {  	_ =	shalt  }
0x87: {  	_ =	shalt  }
.Lfunc_end0:
.L_simem_size_0:
called_computation_lowered:
.L_overlay_start_0:
0x88: {  	s2 =	sld [smem:$0x3FD9]  }
0x89: {  	s3 =	sld [smem:$0x3FFE];
	_ =	sdelay $0x1  }
0x8a: {  	s1 =	srdreg.scid  }
0x8b: {  	s0 =	sand.u32 $0x1, s1  }
0x8c: {  	s16 =	sshll.u32 s0, $0xA;
	s2 =	sadd.s32 s3, s2  }
0x8d: {  	s2 =	sadd.s32 s2, s16  }
0x8e: {  	[smem:$0x3FC2] =	sst s2  }
0x8f: {  	_ = 	snop  }
0x90: {  	(tm) =	ssettm $0x1  }
0x91: {  	s17 =	sld [smem:$0x3FFB];
	_ =	sdelay $0x3  }
0x92: {  	_ =	strace s17  }
0x93: {  	s2 =	sld [smem:$0x3FFC];
	_ =	sdelay $0x3  }
0x94: {  	_ =	strace s2  }
0x95: {  	s2 =	sld [smem:$0x3FFD];
	_ =	sdelay $0x3  }
0x96: {  	_ =	strace s2  }
0x97: {  	_ =	strace $0x8FFFFFFF  }
0x98: {  	s18 =	sld [smem:$0x3FDB];
	_ =	sdelay $0x1  }
0x99: {  	s19 =	simm.s32 $_scs_section_size  }
0x9a: {  	s4 =	simm.s32 $_size__tile_overlayer_lowered;
	s5 =	simm.s32 $_tile_overlayer_lowered  }
0x9b: {  	s22 =	simm.s32 $0x1BFF;
	s21 =	sshll.u32 s5, $0x1;
	s2 =	sadd.s32 s19, s18  }
0x9c: {  	s6 =	simm.s32 $0x0;
	s20 =	sshll.u32 s4, $0x1;
	s4 =	sadd.s32 s21, s2  }
0x9d: {  	[timem:s6], [sflag:s22] =	dma.local [hbm:s4], s20  }
0x9e: {  	_ =	swait.ge [sflag:s22], s20  }
0x9f: {  	s3 =	ssub.s32 $0x0, s20;
	[sflag:s22] =	ssyncset.done $0x0  }
0xa0: {  	[sflag:s22] =	ssyncadd.s32 s3;
	_ =	sdelay $0x1  }
0xa1: {  	s23 =	simm.s32 $0x1B8B  }
0xa2: {  	_ =	swait.ge [sflag:s23], $0x1  }
0xa3: {  	[sflag:s23] =	ssyncset.done $0x0  }
0xa4: {  	s25 =	simm.s32 $0x1B8E;
	s24 =	sld [smem:$0x3FFE];
	[sflag:s23] =	ssyncadd.s32 $0xFFFFFFFF  }
0xa5: {  	s26 =	simm.s32 $execute0_lowered;
	[smem:$0x3FD2] =	sst s25  }
0xa6: {  	s4 =	sshll.u32 s26, $0x1;
	_ =	strace $0x80000046;
	[dreg:$0x1] =	wrdreg $0xFFFFFFFF  }
0xa7: {  	s28 =	simm.s32 $_size_execute0_lowered;
	s2 =	sadd.s32 s2, s4;
	[dreg:$0x0] =	wrdreg $0x0  }
0xa8: {  	s4 =	sshll.u32 s28, $0x1;
	[dreg:$0x2] =	wrdreg s2  }
0xa9: {  	[dreg:$0x3] =	wrdreg s4  }
0xaa: {  	[dreg:$0x4] =	wrdreg $0xC0  }
0xab: {  	_ =	task [dreg:s6], $0x5FFFF  }
0xac: {  	[dreg:$0x1] =	wrdreg $0xFFFFFFFF  }
0xad: {  	[dreg:$0x0] =	wrdreg $0x60  }
0xae: {  	[dreg:$0x2] =	wrdreg s24  }
0xaf: {  	[dreg:$0x3] =	wrdreg $0x34800  }
0xb0: {  	[dreg:$0x4] =	wrdreg $0x9  }
0xb1: {  	_ =	task.clear_ibuf [dreg:s6], $0x5FFFF;
	_ =	strace $0x90000046  }
0xb2: {  	s29 =	simm.s32 $0x9;
	_ =	strace $0x80000048  }
0xb3: {  	_ =	swait.ge [sflag:s29], $0x1  }
0xb4: {  	[sflag:s29] =	ssyncadd.s32 $0xFFFFFFFF  }
0xb5: {  	_ =	strace $0x90000048  }
0xb6: {  	_ =	sfence  }
0xb7: {  	s30 =	sld [smem:$0x0];
	_ =	sdelay $0x2  }
0xb8: {  	s31 =	sshll.u32 s1, $0xD;
	s1 =	sshrl.u32 s1, $0x2  }
0xb9: {  	s3 =	sand.u32 $0x4000, s31;
	s1 =	sadd.s32 s1, s30  }
0xba: {  	s0 =	sor.u32 s3, s0;
	s1 =	sshll.u32 s1, $0x11  }
0xbb: {  	s0 =	sor.u32 s1, s0  }
0xbc: {  	s0 =	sadd.s32 $0x8F2B, s0  }
0xbd: {  	[sflag:s0] =	ssyncadd.remote.s32 $0x1  }
0xbe: {  	_ =	sfence.sel $0xFFFF  }
0xbf: {  	[dreg:$0x0] =	wrdreg $0xFFFFFFFF;
	(pc) =	sbr.abs _section_cstart, $3  }
0xc0: {  	[dreg:$0x1] =	wrdreg $0xFFFFFFFF  }
0xc1: {  	_ =	task.clear_ibuf [dreg:s6], $0x2FFFF;
	_ =	strace $0x9FFFFFFF  }
0xc2: {  	(tm) =	ssettm $0x7FFFFFFF  }
0xc3: {  	_ =	shalt  }
tec
execute0_lowered:
.L_overlay_start_1:
0x0: {  	(tag) =	ssettag $0x1  }
0x1: {  	s0 =	stileid.u32  }
0x2: {  	s1 =	srdreg.scid;
	s6 =	rddreg [dreg:$0x0];
	s3 =	simm.s32 $0x0  }
0x3: {  	s16 =	simm.s32 $0x80;
	s17 =	simm.s32 $0x1;
	s2 =	smul.u32 $0x38, s0  }
0x4: {  	s18 =	simm.s32 $0x20;
	s5 =	sand.u32 $0x1, s1;
	s1 =	smul.u32 $0x68, s0  }
0x5: {  	s19 =	simm.s32 $0x10;
	s20 =	simm.s32 $0x0;
	s7 =	smul.u32 $0x500, s0  }
0x6: {  	[smem:$0x7FF] =	sst s3;
	s13 =	smul.u32 $0xA00, s0;
	s31 =	sshll.u32 s0, $0x6  }
0x7: {  	p0 =	seq.s32 s5, $0x0;
	s9 =	sshll.u32 s5, $0x7;
	s26 =	ssub.s32 $0x2, s5  }
0x8: {  	s5 =	sadd.s32 $0xC400, s6;
	s10 =	sadd.s32 $0x680, s2;
	s2 =	rddreg [dreg:$0x1]  }
0x9: {  	s7 =	sor.u32 s9, s7;
	s12 =	sshrl.u32 s26, $0x1;
	s28 =	sshrl.u32 s13, $0x2  }
0xa: {  	s13 =	simm.s32 $0x2;
	s10 =	smov.u32 @p0 s1;
	s1 =	rddreg [dreg:$0x2]  }
0xb: {  	_ =	strace $0x80000047;
	s7 =	sshrl.u32 s7, $0x3;
	s9 =	ssub.s32 s26, s12  }
0xc: {  	s15 =	sadd.s32 s28, s2;
	s11 =	smin.u32 s10, $0x998;
	s14 =	sadd.s32 s7, s6  }
0xd: {  	s7 =	simm.s32 $0xD;
	s9 =	smax.u32 s9, $0x1;
	s29 =	sshll.u32 s10, $0x9  }
0xe: {  	s10 =	sshll.u32 s10, $0x7;
	s15 =	sshrl.u32 s15, $0x3;
	s4 =	sshll.u32 s11, $0x4  }
0xf: {  	s7 =	simm.s32 @!p0 $0x7;
	s30 =	sshll.u32 s11, $0x9;
	s11 =	sshll.u32 s11, $0x7  }
0x10: {  	s8 =	sadd.s32 s4, s6;
	s4 =	sadd.s32 $0xC200, s6;
	s12 =	ssub.s32 s29, s30  }
0x11: {  	s10 =	ssub.s32 s10, s11;
	s6 =	sadd.s32 $0x2200, s8;
	s8 =	sadd.s32 $0xC600, s14  }
0x12: {  	s11 =	sshra.s32 s12, $0x2;
	s12 =	simm.s32 $0x3400;
	s14 =	sor.u32 $0x1C02, s31  }
.LBB2_1:
0x13: {  	[tilespmem:s12], [sflag:$0x2] =	stream.linear.gather [hbm4b:s5+s3], $0x80, $0x38;
	[tilespmem:$0x3700] =	vst v63  }
0x14: {  	_ =	swait.ge [sflag:s13], $0x80  }
0x15: {  	[sflag:s13] =	ssyncset.done $0x0  }
0x16: {  	[sflag:s13] =	ssyncadd.s32 $0xFFFFFF80  }
0x17: {  	[tilespmem:s3], [sflag:$0x2] =	stream.linear.gather [hbm4b:s6+s3], $0x3400, $0x38;
	[tilespmem:$0x3700] =	vst v63  }
0x18: {  	_ =	swait.ge [sflag:s13], $0x3400  }
0x19: {  	[sflag:s13] =	ssyncset.done $0x0  }
0x1a: {  	[sflag:s13] =	ssyncadd.s32 $0xFFFFCC00  }
0x1b: {  	[spmem:s15], [sflag:s14] =	dma.local [hbm:s4], $0x50  }
0x1c: {  	_ =	swait.ge [sflag:s13], $0x50  }
0x1d: {  	[sflag:s13] =	ssyncset.done $0x0  }
0x1e: {  	[sflag:s13] =	ssyncadd.s32 $0xFFFFFFB0  }
0x1f: {  	[bflag:$0x0] =	sbarrier.arrive $0xFFFF  }
0x20: {  	[spmem:s2] =	stream.indirect.scatter.add.f32 [tilespmem:s12], [sflag:$0x1], $0x1, s11, s16, $0xb8;
	[tilespmem:$0x3700] =	vst v63  }
0x21: {  	s21 =	sor.u32 $0x80, s10  }
0x22: {  	[spmem:s2] =	stream.indirect.scatter.add.f32 [tilespmem:s12], [sflag:$0x1], $0x1, s21, s16, $0xb8;
	[tilespmem:$0x3700] =	vst v63  }
0x23: {  	s25 =	sor.u32 $0x100, s10  }
0x24: {  	[spmem:s2] =	stream.indirect.scatter.add.f32 [tilespmem:s12], [sflag:$0x1], $0x1, s25, s16, $0xb8;
	[tilespmem:$0x3700] =	vst v63  }
0x25: {  	s26 =	sor.u32 $0x180, s10  }
0x26: {  	[spmem:s2] =	stream.indirect.scatter.add.f32 [tilespmem:s12], [sflag:$0x1], $0x1, s26, s16, $0xb8;
	[tilespmem:$0x3700] =	vst v63  }
0x27: {  	s28 =	sor.u32 $0x200, s10  }
0x28: {  	[spmem:s2] =	stream.indirect.scatter.add.f32 [tilespmem:s12], [sflag:$0x1], $0x1, s28, s16, $0xb8;
	[tilespmem:$0x3700] =	vst v63  }
0x29: {  	s29 =	sor.u32 $0x280, s10  }
0x2a: {  	[spmem:s2] =	stream.indirect.scatter.add.f32 [tilespmem:s12], [sflag:$0x1], $0x1, s29, s16, $0xb8;
	[tilespmem:$0x3700] =	vst v63  }
0x2b: {  	s30 =	sor.u32 $0x300, s10  }
0x2c: {  	[spmem:s2] =	stream.indirect.scatter.add.f32 [tilespmem:s12], [sflag:$0x1], $0x1, s30, s16, $0xb8;
	[tilespmem:$0x3700] =	vst v63  }
0x2d: {  	s31 =	sor.u32 $0x380, s10  }
0x2e: {  	[spmem:s2] =	stream.indirect.scatter.add.f32 [tilespmem:s12], [sflag:$0x1], $0x1, s31, s16, $0xb8;
	[tilespmem:$0x3700] =	vst v63  }
0x2f: {  	_ =	swait.ge [sflag:s17], $0x80  }
0x30: {  	[sflag:s17] =	ssyncset.done $0x0  }
0x31: {  	[sflag:s17] =	ssyncadd.s32 $0xFFFFFF80  }
0x32: {  	_ =	swait.ge [sflag:s17], $0x80  }
0x33: {  	[sflag:s17] =	ssyncset.done $0x0  }
0x34: {  	[sflag:s17] =	ssyncadd.s32 $0xFFFFFF80  }
0x35: {  	_ =	swait.ge [sflag:s17], $0x80  }
0x36: {  	[sflag:s17] =	ssyncset.done $0x0  }
0x37: {  	[sflag:s17] =	ssyncadd.s32 $0xFFFFFF80  }
0x38: {  	_ =	swait.ge [sflag:s17], $0x80  }
0x39: {  	[sflag:s17] =	ssyncset.done $0x0  }
0x3a: {  	[sflag:s17] =	ssyncadd.s32 $0xFFFFFF80  }
0x3b: {  	_ =	swait.ge [sflag:s17], $0x80  }
0x3c: {  	[sflag:s17] =	ssyncset.done $0x0  }
0x3d: {  	[sflag:s17] =	ssyncadd.s32 $0xFFFFFF80  }
0x3e: {  	_ =	swait.ge [sflag:s17], $0x80  }
0x3f: {  	[sflag:s17] =	ssyncset.done $0x0  }
0x40: {  	p0 =	sne.s32 s7, $0x1;
	[sflag:s17] =	ssyncadd.s32 $0xFFFFFF80  }
.Ltmp0:
0x41: {  	_ =	swait.ge [sflag:s17], $0x80;
	(pc) =	sbr.rel @!p0 .LBB2_3-.Ltmp0, $4  }
0x42: {  	[sflag:s17] =	ssyncset.done $0x0  }
0x43: {  	[sflag:s17] =	ssyncadd.s32 $0xFFFFFF80  }
0x44: {  	s22 =	smov.u32 s10;
	_ =	swait.ge [sflag:s17], $0x80  }
0x45: {  	s23 =	smov.u32 s11;
	s21 =	sadd.s32 $0xFFFFFFFF, s7;
	[sflag:s17] =	ssyncset.done $0x0  }
.LBB2_2:
0x46: {  	[sflag:s17] =	ssyncadd.s32 $0xFFFFFF80;
	s22 =	sadd.s32 $0x400, s22;
	s23 =	sadd.s32 $0x400, s23  }
0x47: {  	[spmem:s2] =	stream.indirect.scatter.add.f32 [tilespmem:s12], [sflag:$0x1], $0x1, s23, s16, $0xb8;
	[tilespmem:$0x3700] =	vst v63  }
0x48: {  	p0 =	sne.s32 s21, $0x1;
	s21 =	sadd.s32 $0xFFFFFFFF, s21;
	s24 =	sor.u32 $0x80, s22  }
0x49: {  	[spmem:s2] =	stream.indirect.scatter.add.f32 [tilespmem:s12], [sflag:$0x1], $0x1, s24, s16, $0xb8;
	[tilespmem:$0x3700] =	vst v63  }
0x4a: {  	s24 =	sor.u32 $0x100, s22  }
0x4b: {  	[spmem:s2] =	stream.indirect.scatter.add.f32 [tilespmem:s12], [sflag:$0x1], $0x1, s24, s16, $0xb8;
	[tilespmem:$0x3700] =	vst v63  }
0x4c: {  	s24 =	sor.u32 $0x180, s22  }
0x4d: {  	[spmem:s2] =	stream.indirect.scatter.add.f32 [tilespmem:s12], [sflag:$0x1], $0x1, s24, s16, $0xb8;
	[tilespmem:$0x3700] =	vst v63  }
0x4e: {  	s24 =	sor.u32 $0x200, s22  }
0x4f: {  	[spmem:s2] =	stream.indirect.scatter.add.f32 [tilespmem:s12], [sflag:$0x1], $0x1, s24, s16, $0xb8;
	[tilespmem:$0x3700] =	vst v63  }
0x50: {  	s24 =	sor.u32 $0x280, s22  }
0x51: {  	[spmem:s2] =	stream.indirect.scatter.add.f32 [tilespmem:s12], [sflag:$0x1], $0x1, s24, s16, $0xb8;
	[tilespmem:$0x3700] =	vst v63  }
0x52: {  	s24 =	sor.u32 $0x300, s22  }
0x53: {  	[spmem:s2] =	stream.indirect.scatter.add.f32 [tilespmem:s12], [sflag:$0x1], $0x1, s24, s16, $0xb8;
	[tilespmem:$0x3700] =	vst v63  }
0x54: {  	s24 =	sor.u32 $0x380, s22  }
0x55: {  	[spmem:s2] =	stream.indirect.scatter.add.f32 [tilespmem:s12], [sflag:$0x1], $0x1, s24, s16, $0xb8;
	[tilespmem:$0x3700] =	vst v63  }
0x56: {  	_ =	swait.ge [sflag:s17], $0x80  }
0x57: {  	[sflag:s17] =	ssyncset.done $0x0  }
0x58: {  	[sflag:s17] =	ssyncadd.s32 $0xFFFFFF80  }
0x59: {  	_ =	swait.ge [sflag:s17], $0x80  }
0x5a: {  	[sflag:s17] =	ssyncset.done $0x0  }
0x5b: {  	[sflag:s17] =	ssyncadd.s32 $0xFFFFFF80  }
0x5c: {  	_ =	swait.ge [sflag:s17], $0x80  }
0x5d: {  	[sflag:s17] =	ssyncset.done $0x0  }
0x5e: {  	[sflag:s17] =	ssyncadd.s32 $0xFFFFFF80  }
0x5f: {  	_ =	swait.ge [sflag:s17], $0x80  }
0x60: {  	[sflag:s17] =	ssyncset.done $0x0  }
0x61: {  	[sflag:s17] =	ssyncadd.s32 $0xFFFFFF80  }
0x62: {  	_ =	swait.ge [sflag:s17], $0x80  }
0x63: {  	[sflag:s17] =	ssyncset.done $0x0  }
0x64: {  	[sflag:s17] =	ssyncadd.s32 $0xFFFFFF80  }
0x65: {  	_ =	swait.ge [sflag:s17], $0x80  }
0x66: {  	[sflag:s17] =	ssyncset.done $0x0  }
0x67: {  	[sflag:s17] =	ssyncadd.s32 $0xFFFFFF80  }
.Ltmp1:
0x68: {  	_ =	swait.ge [sflag:s17], $0x80;
	(pc) =	sbr.rel @p0 .LBB2_2-.Ltmp1, $4  }
0x69: {  	[sflag:s17] =	ssyncset.done $0x0  }
0x6a: {  	[sflag:s17] =	ssyncadd.s32 $0xFFFFFF80  }
0x6b: {  	_ =	swait.ge [sflag:s17], $0x80  }
0x6c: {  	[sflag:s17] =	ssyncset.done $0x0  }
.LBB2_3:
0x6d: {  	s20 =	sadd.s32 $0x1, s20  }
0x6e: {  	[sflag:s17] =	ssyncadd.s32 $0xFFFFFF80;
	p0 =	sne.s32 s20, s9  }
.Ltmp2:
0x6f: {  	[bflag:$0x0] =	sbarrier.arrive $0xFFFF;
	(pc) =	sbr.rel @p0 .LBB2_1-.Ltmp2, $4  }
0x70: {  	[hbm:s8@s18], [sflag:s14] =	dma.strided [spmem:s15@s19], $0x50, s17, $0x10   }
0x71: {  	_ =	swait.ge [sflag:s13], $0x50  }
0x72: {  	[sflag:s13] =	ssyncset.done $0x0  }
0x73: {  	[sflag:s13] =	ssyncadd.s32 $0xFFFFFFB0  }
0x74: {  	_ =	sfence.sel $0x180000  }
0x75: {  	[bflag:$0x0] =	sbarrier.arrive $0xFFFF  }
0x76: {  	p0 =	sne.s32 s0, $0x0;
	_ =	strace $0x90000047  }
0x77: {  	s0 =	sadd.s32 @!p0 $0x100000, s1;
	[bflag:$0x2] =	sbarrier.arrive $0xFFFF  }
0x78: {  	[sflag:s0] =	ssyncadd.tile.s32 @!p0 $0x1;
	_ =	shalt  }
.Lfunc_end2:
_tile_overlayer_lowered:
.L_overlay_start_2:
0x79: {  	(tag) =	ssettag $0x2  }
0x7a: {  	s0 =	rddreg [dreg:$0x0];
	s2 =	stileid.u32  }
0x7b: {  	s1 =	rddreg [dreg:$0x1];
	p0 =	sne.s32 s2, $0x0  }
0x7c: {  	s3 =	rddreg [dreg:$0x2];
	[bflag:$0x3] =	sbarrier.arrive $0xFFFF;
	s2 =	simm.s32 @!p0 $0x1C02  }
0x7d: {  	[timem:s3], [sflag:s2] =	dma.local @!p0 [hbm:s0], s1  }
0x7e: {  	s0 =	simm.s32 @!p0 $0x2  }
0x7f: {  	_ =	swait.ge @!p0 [sflag:s0], s1  }
0x80: {  	s1 =	ssub.s32 @!p0 $0x0, s1;
	[sflag:s0] =	ssyncset.done @!p0 $0x0  }
0x81: {  	[sflag:s0] =	ssyncadd.s32 @!p0 s1  }
0x82: {  	[bflag:$0x3] =	sbarrier.arrive $0xFFFF  }
0x83: {  	_ =	shalt  }

</sc_bundles>
